<compile_context>
chip_gen: v7x
topology: tpu7x:2x2x1
jax: 0.10.2.dev20260603
libtpu: 0.0.44.dev20260713+nightly
codegen_flags: <defaults>
</compile_context>

<pallas_src>
import functools

import jax
import jax.numpy as jnp
from jax import lax
from jax.experimental import pallas as pl
from jax.experimental.pallas import tpu as pltpu
from jax.experimental.pallas import tpu_sc as plsc

N = 10000
E = 320000
CH = 128
NHEAD1 = 8
ROWW = 136
DEN0 = 128

NTILES = 32
K = 64
ET = E + N
NBUF = 2
CHUNKS = ((-(-ET // (NTILES * K)) + NBUF - 1) // NBUF) * NBUF
PER_TILE = CHUNKS * K
EPAD = PER_TILE * NTILES
NP_ = ((N + 1 + 127) // 128) * 128
RPT = NP_ // 16

_NBLK = 10
_BLK = N // _NBLK



def _pre_body(x_ref, w_ref, asg_ref, adg_ref, h_ref, es_ref, ed_ref):
    h = jnp.dot(x_ref[...], w_ref[...], preferred_element_type=jnp.float32,
                precision=lax.Precision.HIGHEST)
    h_ref[...] = h
    es_ref[...] = jnp.dot(h, asg_ref[...], preferred_element_type=jnp.float32,
                          precision=lax.Precision.HIGHEST)
    ed_ref[...] = jnp.dot(h, adg_ref[...], preferred_element_type=jnp.float32,
                          precision=lax.Precision.HIGHEST)


def _tc_pre(x, w, asg, adg):
    return pl.pallas_call(
        _pre_body,
        grid=(_NBLK,),
        in_specs=[
            pl.BlockSpec((_BLK, CH), lambda i: (i, 0)),
            pl.BlockSpec((CH, CH), lambda i: (0, 0)),
            pl.BlockSpec((CH, 16), lambda i: (0, 0)),
            pl.BlockSpec((CH, 16), lambda i: (0, 0)),
        ],
        out_specs=[
            pl.BlockSpec((_BLK, CH), lambda i: (i, 0)),
            pl.BlockSpec((_BLK, 16), lambda i: (i, 0)),
            pl.BlockSpec((_BLK, 16), lambda i: (i, 0)),
        ],
        out_shape=[
            jax.ShapeDtypeStruct((N, CH), jnp.float32),
            jax.ShapeDtypeStruct((N, 16), jnp.float32),
            jax.ShapeDtypeStruct((N, 16), jnp.float32),
        ],
    )(x, w, asg, adg)


def _mid_body(p_ref, q_ref, b_ref, w2_ref, asg_ref, adg_ref,
              h2_ref, es_ref, ed_ref):
    acc = p_ref[0] + p_ref[1]
    num = acc[:, :CH]
    den = jnp.dot(acc, q_ref[...], preferred_element_type=jnp.float32,
                  precision=lax.Precision.HIGHEST)
    out1 = num / (den + 1e-16) + b_ref[...]
    h1 = jnp.maximum(out1, 0.0)
    h2 = jnp.dot(h1, w2_ref[...], preferred_element_type=jnp.float32,
                 precision=lax.Precision.HIGHEST)
    h2_ref[...] = h2
    es_ref[...] = jnp.dot(h2, asg_ref[...], preferred_element_type=jnp.float32,
                          precision=lax.Precision.HIGHEST)
    ed_ref[...] = jnp.dot(h2, adg_ref[...], preferred_element_type=jnp.float32,
                          precision=lax.Precision.HIGHEST)


def _tc_mid(p, q, b, w2, asg, adg):
    return pl.pallas_call(
        _mid_body,
        grid=(_NBLK,),
        in_specs=[
            pl.BlockSpec((2, _BLK, ROWW), lambda i: (0, i, 0)),
            pl.BlockSpec((ROWW, CH), lambda i: (0, 0)),
            pl.BlockSpec((1, CH), lambda i: (0, 0)),
            pl.BlockSpec((CH, CH), lambda i: (0, 0)),
            pl.BlockSpec((CH, 16), lambda i: (0, 0)),
            pl.BlockSpec((CH, 16), lambda i: (0, 0)),
        ],
        out_specs=[
            pl.BlockSpec((_BLK, CH), lambda i: (i, 0)),
            pl.BlockSpec((_BLK, 16), lambda i: (i, 0)),
            pl.BlockSpec((_BLK, 16), lambda i: (i, 0)),
        ],
        out_shape=[
            jax.ShapeDtypeStruct((N, CH), jnp.float32),
            jax.ShapeDtypeStruct((N, 16), jnp.float32),
            jax.ShapeDtypeStruct((N, 16), jnp.float32),
        ],
    )(p, q, b, w2, asg, adg)


def _post_body(p_ref, q_ref, b_ref, o_ref):
    acc = p_ref[0] + p_ref[1]
    num = acc[:, :CH]
    den = jnp.dot(acc, q_ref[...], preferred_element_type=jnp.float32,
                  precision=lax.Precision.HIGHEST)
    o_ref[...] = num / (den + 1e-16) + b_ref[...]


def _tc_post(p, q, b):
    return pl.pallas_call(
        _post_body,
        grid=(_NBLK,),
        in_specs=[
            pl.BlockSpec((2, _BLK, ROWW), lambda i: (0, i, 0)),
            pl.BlockSpec((ROWW, CH), lambda i: (0, 0)),
            pl.BlockSpec((1, CH), lambda i: (0, 0)),
        ],
        out_specs=pl.BlockSpec((_BLK, CH), lambda i: (i, 0)),
        out_shape=jax.ShapeDtypeStruct((N, CH), jnp.float32),
    )(p, q, b)



def _make_edge_pass(heads):
    mesh = plsc.VectorSubcoreMesh(core_axis_name="c", subcore_axis_name="s")

    @functools.partial(
        pl.kernel,
        out_type=jax.ShapeDtypeStruct((2, NP_, ROWW), jnp.float32),
        mesh=mesh,
        compiler_params=pltpu.CompilerParams(
            use_tc_tiling_on_sc=False, needs_layout_passes=False),
        scratch_types=[
            pltpu.VMEM_SHARED((NP_, ROWW), jnp.float32),
            [pltpu.VMEM((K,), jnp.int32) for _ in range(NBUF)],
            [pltpu.VMEM((K,), jnp.int32) for _ in range(NBUF)],
            [pltpu.VMEM((K,), jnp.int32) for _ in range(NBUF)],
            [pltpu.VMEM((K, CH), jnp.float32) for _ in range(NBUF)],
            [pltpu.VMEM((K, 16), jnp.float32) for _ in range(NBUF)],
            [pltpu.VMEM((K, 16), jnp.float32) for _ in range(NBUF)],
            [pltpu.VMEM((K, ROWW), jnp.float32) for _ in range(NBUF)],
            [pltpu.SemaphoreType.DMA for _ in range(NBUF)],
            [pltpu.SemaphoreType.DMA for _ in range(NBUF)],
            [pltpu.SemaphoreType.DMA for _ in range(NBUF)],
            [pltpu.SemaphoreType.DMA for _ in range(NBUF)],
        ],
    )
    def edge_pass(h_hbm, es_hbm, ed_hbm, src_hbm, dst_hbm, z_hbm, out_hbm,
                  acc, src_v, dst_v, sdst, h_rows, es_rows, ed_rows, msg,
                  sem_i, sem_h, sem_e, sem_d):
        cid = lax.axis_index("c")
        sid = lax.axis_index("s")
        wid = sid * 2 + cid

        pltpu.sync_copy(z_hbm, acc.at[pl.ds(sid * RPT, RPT)])
        plsc.subcore_barrier()

        e_base = wid * PER_TILE

        def idx_descs(b, i):
            e0 = e_base + i * K
            return (pltpu.make_async_copy(src_hbm.at[pl.ds(e0, K)],
                                          src_v[b], sem_i[b]),
                    pltpu.make_async_copy(dst_hbm.at[pl.ds(e0, K)],
                                          dst_v[b], sem_i[b]))

        def issue_idx(b, i):
            for d in idx_descs(b, i):
                d.start()

        def issue_gathers(b, i):
            for d in idx_descs(b, i):
                d.wait()
            pltpu.async_copy(h_hbm.at[src_v[b]], h_rows[b], sem_h[b])
            pltpu.async_copy(es_hbm.at[src_v[b]], es_rows[b], sem_e[b])
            pltpu.async_copy(ed_hbm.at[dst_v[b]], ed_rows[b], sem_d[b])

        def consume_pre(b, i):
            pltpu.make_async_copy(
                es_hbm.at[src_v[b]], es_rows[b], sem_e[b]).wait()
            pltpu.make_async_copy(
                ed_hbm.at[dst_v[b]], ed_rows[b], sem_d[b]).wait()
            pltpu.make_async_copy(
                h_hbm.at[src_v[b]], h_rows[b], sem_h[b]).wait()

            for j in range(K // 16):
                sdst[b][pl.ds(j * 16, 16)] = dst_v[b][pl.ds(j * 16, 16)]

        def consume_main(b, i):
            mb = msg[b]
            eb = es_rows[b]
            db = ed_rows[b]
            hb = h_rows[b]
            iv = lax.iota(jnp.int32, 16)
            for g in range(K // 16):
                kidx = iv + g * 16
                for hd in range(heads):
                    col = jnp.full((16,), hd, jnp.int32)
                    s = (plsc.load_gather(eb, [kidx, col])
                         + plsc.load_gather(db, [kidx, col]))
                    s = jnp.where(s > 0, s, 0.2 * s)
                    w = jnp.exp(s)
                    plsc.store_scatter(
                        mb, [kidx, jnp.full((16,), DEN0 + hd, jnp.int32)], w)

            @plsc.parallel_loop(0, K, step=1, unroll=16)
            def edge_body(k):
                wv = mb[k, pl.ds(DEN0 - 8, 16)]
                for hd in range(8):
                    ws = wv[8 + (hd % heads)]
                    mb[k, pl.ds(hd * 16, 16)] = ws * hb[k, pl.ds(hd * 16, 16)]

            pltpu.sync_copy(mb, acc.at[sdst[b]], add=True)

        issue_idx(0, 0)
        issue_gathers(0, 0)
        issue_idx(1, 1)

        def chunk_body(i2, carry):
            for b in range(NBUF):
                i = i2 * NBUF + b
                nb = (b + 1) % NBUF

                consume_pre(b, i)

                @pl.when(i + 1 < CHUNKS)
                def _():
                    issue_gathers(nb, i + 1)

                @pl.when(i + 2 < CHUNKS)
                def _():
                    issue_idx(b, i + 2)

                consume_main(b, i)
            return carry

        lax.fori_loop(0, CHUNKS // NBUF, chunk_body, 0)

        plsc.subcore_barrier()
        pltpu.sync_copy(acc.at[pl.ds(sid * RPT, RPT)],
                        out_hbm.at[cid, pl.ds(sid * RPT, RPT)])

    return edge_pass


_edge_pass8 = _make_edge_pass(NHEAD1)
_edge_pass1 = _make_edge_pass(1)



def kernel(x, edge_index, W1, a_src1, a_dst1, b1, W2, a_src2, a_dst2, b2):
    f32 = jnp.float32
    cols = jnp.arange(CH)
    grp = cols // 16

    asg1 = jnp.zeros((CH, 16), f32).at[cols, grp].set(a_src1.reshape(CH))
    adg1 = jnp.zeros((CH, 16), f32).at[cols, grp].set(a_dst1.reshape(CH))
    asg2 = jnp.zeros((CH, 16), f32).at[:, 0].set(a_src2[0])
    adg2 = jnp.zeros((CH, 16), f32).at[:, 0].set(a_dst2[0])

    q1 = jnp.zeros((ROWW, CH), f32).at[DEN0 + grp, cols].set(1.0)
    q2 = jnp.zeros((ROWW, CH), f32).at[DEN0, cols].set(1.0)

    loop = jnp.arange(N, dtype=jnp.int32)
    npad = EPAD - ET
    src = jnp.concatenate([edge_index[0], loop,
                           jnp.zeros((npad,), jnp.int32)])
    dst = jnp.concatenate([edge_index[1], loop,
                           jnp.full((npad,), N, jnp.int32)])
    zrows = jnp.zeros((RPT, ROWW), f32)
    padrows = jnp.zeros((NP_ - N, 16), f32)

    h1, es1, ed1 = _tc_pre(x, W1, asg1, adg1)
    ed1p = jnp.concatenate([ed1, padrows])
    p1 = _edge_pass8(h1, es1, ed1p, src, dst, zrows)

    h2, es2, ed2 = _tc_mid(p1, q1, b1.reshape(1, CH), W2, asg2, adg2)
    ed2p = jnp.concatenate([ed2, padrows])
    p2 = _edge_pass1(h2, es2, ed2p, src, dst, zrows)

    return _tc_post(p2, q2, b2.reshape(1, CH))

# --- scband reference (transcript-rebuilt; emitter-appended) ---
"""Pipeline reference for scband-gat-9990093931281 (READ-ONLY COPY).

The authoritative reference and input builder live on the scoring server;
editing this copy changes nothing except your own understanding.
"""

import jax, jax.numpy as jnp
import numpy as np

N = 10000
E = 320000
IN_CH = 128
HID = 16
HEADS = 8
OUT_CH = 128


def _gat_conv(x, src, dst, W, a_src, a_dst, b, heads, ch, concat, num_nodes):
    h = (x @ W).reshape(num_nodes, heads, ch)
    alpha_s = jnp.sum(h * a_src[None], axis=-1)
    alpha_d = jnp.sum(h * a_dst[None], axis=-1)
    e = alpha_s[src] + alpha_d[dst]
    e = jnp.where(e > 0, e, 0.2 * e)
    emax = jax.lax.stop_gradient(jax.ops.segment_max(e, dst, num_segments=num_nodes))
    ee = jnp.exp(e - emax[dst])
    denom = jax.ops.segment_sum(ee, dst, num_segments=num_nodes)
    alpha = ee / (denom[dst] + 1e-16)
    msg = h[src] * alpha[:, :, None]
    out = jax.ops.segment_sum(msg, dst, num_segments=num_nodes)
    if concat:
        out = out.reshape(num_nodes, heads * ch)
    else:
        out = out.mean(axis=1)
    return out + b


def setup_inputs(seed: int = 0):
    key = jax.random.key(seed)
    ks = jax.random.split(key, 10)
    x = jax.random.normal(ks[0], (N, IN_CH), dtype=jnp.float32)
    edge_index = jax.random.randint(ks[1], (2, E), 0, N, dtype=jnp.int32)
    W1 = jax.random.normal(ks[2], (IN_CH, HEADS * HID), dtype=jnp.float32) * 0.1
    a_src1 = jax.random.normal(ks[3], (HEADS, HID), dtype=jnp.float32) * 0.1
    a_dst1 = jax.random.normal(ks[4], (HEADS, HID), dtype=jnp.float32) * 0.1
    b1 = jnp.zeros((HEADS * HID,), dtype=jnp.float32)
    W2 = jax.random.normal(ks[5], (HEADS * HID, OUT_CH), dtype=jnp.float32) * 0.1
    a_src2 = jax.random.normal(ks[6], (1, OUT_CH), dtype=jnp.float32) * 0.1
    a_dst2 = jax.random.normal(ks[7], (1, OUT_CH), dtype=jnp.float32) * 0.1
    b2 = jnp.zeros((OUT_CH,), dtype=jnp.float32)
    return {"x": x, "edge_index": edge_index, "W1": W1, "a_src1": a_src1, "a_dst1": a_dst1, "b1": b1, "W2": W2, "a_src2": a_src2, "a_dst2": a_dst2, "b2": b2}


def reference(x, edge_index, W1, a_src1, a_dst1, b1, W2, a_src2, a_dst2, b2):
    num_nodes = x.shape[0]
    loop = jnp.arange(num_nodes, dtype=edge_index.dtype)
    src = jnp.concatenate([edge_index[0], loop])
    dst = jnp.concatenate([edge_index[1], loop])
    h = _gat_conv(x, src, dst, W1, a_src1, a_dst1, b1, HEADS, HID, True, num_nodes)
    h = jax.nn.relu(h)
    out = _gat_conv(h, src, dst, W2, a_src2, a_dst2, b2, 1, OUT_CH, False, num_nodes)
    return out

if __name__ == "__main__":
    import jax
    _d = setup_inputs()
    print(jax.jit(kernel)(*tuple(_d.values())))

</pallas_src>

<mosaic_0001>
#map = affine_map<(d0, d1) -> (0, 0)>
#map1 = affine_map<(d0, d1) -> (0)>
#map2 = affine_map<(d0, d1) -> (0, 0, 0)>
module attributes {stable_mosaic.version = 14 : i64} {
  func.func @edge_pass(%arg0: i32, %arg1: i32, %arg2: memref<10000x128xf32, #tpu.memory_space<hbm>>, %arg3: memref<10000x16xf32, #tpu.memory_space<hbm>>, %arg4: memref<10112x16xf32, #tpu.memory_space<hbm>>, %arg5: memref<331776xi32, #tpu.memory_space<hbm>>, %arg6: memref<331776xi32, #tpu.memory_space<hbm>>, %arg7: memref<632x136xf32, #tpu.memory_space<hbm>>, %arg8: memref<2x10112x136xf32, #tpu.memory_space<hbm>>, %arg9: memref<10112x136xf32, #tpu.memory_space<vmem_shared>>, %arg10: memref<64xi32, #tpu.memory_space<vmem>>, %arg11: memref<64xi32, #tpu.memory_space<vmem>>, %arg12: memref<64xi32, #tpu.memory_space<vmem>>, %arg13: memref<64xi32, #tpu.memory_space<vmem>>, %arg14: memref<64xi32, #tpu.memory_space<vmem>>, %arg15: memref<64xi32, #tpu.memory_space<vmem>>, %arg16: memref<64x128xf32, #tpu.memory_space<vmem>>, %arg17: memref<64x128xf32, #tpu.memory_space<vmem>>, %arg18: memref<64x16xf32, #tpu.memory_space<vmem>>, %arg19: memref<64x16xf32, #tpu.memory_space<vmem>>, %arg20: memref<64x16xf32, #tpu.memory_space<vmem>>, %arg21: memref<64x16xf32, #tpu.memory_space<vmem>>, %arg22: memref<64x136xf32, #tpu.memory_space<vmem>>, %arg23: memref<64x136xf32, #tpu.memory_space<vmem>>, %arg24: memref<!tpu.dma_semaphore, #tpu.memory_space<semaphore_mem>>, %arg25: memref<!tpu.dma_semaphore, #tpu.memory_space<semaphore_mem>>, %arg26: memref<!tpu.dma_semaphore, #tpu.memory_space<semaphore_mem>>, %arg27: memref<!tpu.dma_semaphore, #tpu.memory_space<semaphore_mem>>, %arg28: memref<!tpu.dma_semaphore, #tpu.memory_space<semaphore_mem>>, %arg29: memref<!tpu.dma_semaphore, #tpu.memory_space<semaphore_mem>>, %arg30: memref<!tpu.dma_semaphore, #tpu.memory_space<semaphore_mem>>, %arg31: memref<!tpu.dma_semaphore, #tpu.memory_space<semaphore_mem>>) attributes {dimension_semantics = [#tpu.dimension_semantics<core_parallel>, #tpu.dimension_semantics<subcore_parallel>], iteration_bounds = array<i64: 2, 16>, scalar_prefetch = 0 : i64, scratch_operands = 23 : i64, tpu.core_type = #tpu.core_type<sc_vector_subcore>, window_params = [{transform_indices = #map}, {transform_indices = #map}, {transform_indices = #map}, {transform_indices = #map1}, {transform_indices = #map1}, {transform_indices = #map}, {transform_indices = #map2}]} {
    %mul3A = arith.constant 2 : i32
    %mul3A_0 = arith.muli %arg1, %mul3A : i32
    %add3A = arith.addi %mul3A_0, %arg0 : i32
    %mul3A_1 = arith.constant 632 : i32
    %mul3A_2 = arith.muli %arg1, %mul3A_1 : i32
    "tpu.region"() ({
      %run_scoped3A = tpu.sem_alloc : memref<!tpu.dma_semaphore, #tpu.memory_space<semaphore_mem>>
      %dma_start3A_40 = arith.constant 0 : i32
      %dma_start3A_41 = tpu.memref_slice %arg9[%mul3A_2, %dma_start3A_40] : memref<10112x136xf32, #tpu.memory_space<vmem_shared>> -> memref<632x136xf32, #tpu.memory_space<vmem_shared>>
      tpu.enqueue_dma source(%arg7 : memref<632x136xf32, #tpu.memory_space<hbm>>) target(%dma_start3A_41 : memref<632x136xf32, #tpu.memory_space<vmem_shared>>) target_semaphore(%run_scoped3A : memref<!tpu.dma_semaphore, #tpu.memory_space<semaphore_mem>>)
      %dma_wait3A_42 = arith.constant 0 : i32
      %dma_wait3A_43 = tpu.memref_slice %arg9[%mul3A_2, %dma_wait3A_42] : memref<10112x136xf32, #tpu.memory_space<vmem_shared>> -> memref<632x136xf32, #tpu.memory_space<vmem_shared>>
      tpu.wait_dma2 semaphore(%run_scoped3A : memref<!tpu.dma_semaphore, #tpu.memory_space<semaphore_mem>>) src(%arg7 : memref<632x136xf32, #tpu.memory_space<hbm>>) dst(%dma_wait3A_43 : memref<632x136xf32, #tpu.memory_space<vmem_shared>>)
      tpu.yield
    }) : () -> ()
    %barrier3A = arith.constant 0 : index
    tpu.barrier barrier_id(%barrier3A)
    %mul3A_3 = arith.constant 10368 : i32
    %mul3A_4 = arith.muli %add3A, %mul3A_3 : i32
    %add3A_5 = arith.constant 0 : i32
    %add3A_6 = arith.addi %mul3A_4, %add3A_5 : i32
    %dma_start3A = tpu.memref_slice %arg5[%add3A_6] : memref<331776xi32, #tpu.memory_space<hbm>> -> memref<64xi32, #tpu.memory_space<hbm>>
    %dma_start3A_7 = tpu.memref_slice %arg5[%add3A_6] : memref<331776xi32, #tpu.memory_space<hbm>> -> memref<64xi32, #tpu.memory_space<hbm>>
    tpu.enqueue_dma source(%dma_start3A_7 : memref<64xi32, #tpu.memory_space<hbm>>) target(%arg10 : memref<64xi32, #tpu.memory_space<vmem>>) target_semaphore(%arg24 : memref<!tpu.dma_semaphore, #tpu.memory_space<semaphore_mem>>)
    %dma_start3A_8 = tpu.memref_slice %arg6[%add3A_6] : memref<331776xi32, #tpu.memory_space<hbm>> -> memref<64xi32, #tpu.memory_space<hbm>>
    %dma_start3A_9 = tpu.memref_slice %arg6[%add3A_6] : memref<331776xi32, #tpu.memory_space<hbm>> -> memref<64xi32, #tpu.memory_space<hbm>>
    tpu.enqueue_dma source(%dma_start3A_9 : memref<64xi32, #tpu.memory_space<hbm>>) target(%arg12 : memref<64xi32, #tpu.memory_space<vmem>>) target_semaphore(%arg24 : memref<!tpu.dma_semaphore, #tpu.memory_space<semaphore_mem>>)
    %add3A_10 = arith.constant 0 : i32
    %add3A_11 = arith.addi %mul3A_4, %add3A_10 : i32
    %dma_wait3A = tpu.memref_slice %arg5[%add3A_11] : memref<331776xi32, #tpu.memory_space<hbm>> -> memref<64xi32, #tpu.memory_space<hbm>>
    %dma_wait3A_12 = tpu.memref_slice %arg5[%add3A_11] : memref<331776xi32, #tpu.memory_space<hbm>> -> memref<64xi32, #tpu.memory_space<hbm>>
    tpu.wait_dma2 semaphore(%arg24 : memref<!tpu.dma_semaphore, #tpu.memory_space<semaphore_mem>>) src(%dma_wait3A_12 : memref<64xi32, #tpu.memory_space<hbm>>) dst(%arg10 : memref<64xi32, #tpu.memory_space<vmem>>)
    %dma_wait3A_13 = tpu.memref_slice %arg6[%add3A_11] : memref<331776xi32, #tpu.memory_space<hbm>> -> memref<64xi32, #tpu.memory_space<hbm>>
    %dma_wait3A_14 = tpu.memref_slice %arg6[%add3A_11] : memref<331776xi32, #tpu.memory_space<hbm>> -> memref<64xi32, #tpu.memory_space<hbm>>
    tpu.wait_dma2 semaphore(%arg24 : memref<!tpu.dma_semaphore, #tpu.memory_space<semaphore_mem>>) src(%dma_wait3A_14 : memref<64xi32, #tpu.memory_space<hbm>>) dst(%arg12 : memref<64xi32, #tpu.memory_space<vmem>>)
    %dma_start3A_15 = arith.constant 0 : i32
    %dma_start3A_16 = arith.constant 0 : i32
    %dma_start3A_17 = tpu.memref_slice %arg2[%dma_start3A_15, %dma_start3A_16] : memref<10000x128xf32, #tpu.memory_space<hbm>> -> memref<10000x128xf32, #tpu.memory_space<hbm>>
    tpu.enqueue_indirect_dma source(%dma_start3A_17 : memref<10000x128xf32, #tpu.memory_space<hbm>>) target(%arg16 : memref<64x128xf32, #tpu.memory_space<vmem>>) offsets(%arg10 : memref<64xi32, #tpu.memory_space<vmem>>) semaphore(%arg26 : memref<!tpu.dma_semaphore, #tpu.memory_space<semaphore_mem>>)
    %dma_start3A_18 = arith.constant 0 : i32
    %dma_start3A_19 = arith.constant 0 : i32
    %dma_start3A_20 = tpu.memref_slice %arg3[%dma_start3A_18, %dma_start3A_19] : memref<10000x16xf32, #tpu.memory_space<hbm>> -> memref<10000x16xf32, #tpu.memory_space<hbm>>
    tpu.enqueue_indirect_dma source(%dma_start3A_20 : memref<10000x16xf32, #tpu.memory_space<hbm>>) target(%arg18 : memref<64x16xf32, #tpu.memory_space<vmem>>) offsets(%arg10 : memref<64xi32, #tpu.memory_space<vmem>>) semaphore(%arg28 : memref<!tpu.dma_semaphore, #tpu.memory_space<semaphore_mem>>)
    %dma_start3A_21 = arith.constant 0 : i32
    %dma_start3A_22 = arith.constant 0 : i32
    %dma_start3A_23 = tpu.memref_slice %arg4[%dma_start3A_21, %dma_start3A_22] : memref<10112x16xf32, #tpu.memory_space<hbm>> -> memref<10112x16xf32, #tpu.memory_space<hbm>>
    tpu.enqueue_indirect_dma source(%dma_start3A_23 : memref<10112x16xf32, #tpu.memory_space<hbm>>) target(%arg20 : memref<64x16xf32, #tpu.memory_space<vmem>>) offsets(%arg12 : memref<64xi32, #tpu.memory_space<vmem>>) semaphore(%arg30 : memref<!tpu.dma_semaphore, #tpu.memory_space<semaphore_mem>>)
    %add3A_24 = arith.constant 64 : i32
    %add3A_25 = arith.addi %mul3A_4, %add3A_24 : i32
    %dma_start3A_26 = tpu.memref_slice %arg5[%add3A_25] : memref<331776xi32, #tpu.memory_space<hbm>> -> memref<64xi32, #tpu.memory_space<hbm>>
    %dma_start3A_27 = tpu.memref_slice %arg5[%add3A_25] : memref<331776xi32, #tpu.memory_space<hbm>> -> memref<64xi32, #tpu.memory_space<hbm>>
    tpu.enqueue_dma source(%dma_start3A_27 : memref<64xi32, #tpu.memory_space<hbm>>) target(%arg11 : memref<64xi32, #tpu.memory_space<vmem>>) target_semaphore(%arg25 : memref<!tpu.dma_semaphore, #tpu.memory_space<semaphore_mem>>)
    %dma_start3A_28 = tpu.memref_slice %arg6[%add3A_25] : memref<331776xi32, #tpu.memory_space<hbm>> -> memref<64xi32, #tpu.memory_space<hbm>>
    %dma_start3A_29 = tpu.memref_slice %arg6[%add3A_25] : memref<331776xi32, #tpu.memory_space<hbm>> -> memref<64xi32, #tpu.memory_space<hbm>>
    tpu.enqueue_dma source(%dma_start3A_29 : memref<64xi32, #tpu.memory_space<hbm>>) target(%arg13 : memref<64xi32, #tpu.memory_space<vmem>>) target_semaphore(%arg25 : memref<!tpu.dma_semaphore, #tpu.memory_space<semaphore_mem>>)
    %scan3A = arith.constant 0 : i32
    %scan3A_30 = arith.constant 0 : i32
    %scan3A_31 = arith.constant 81 : i32
    %scan3A_32 = arith.addi %scan3A_30, %scan3A_31 : i32
    %scan3A_33 = arith.constant 1 : i32
    scf.for %scan3A_40 = %scan3A_30 to %scan3A_32 step %scan3A_33  : i32 {
      %mul3A_41 = arith.constant 2 : i32
      %mul3A_42 = arith.muli %scan3A_40, %mul3A_41 : i32
      %add3A_43 = arith.constant 0 : i32
      %add3A_44 = arith.addi %mul3A_42, %add3A_43 : i32
      %dma_wait3A_45 = arith.constant 0 : i32
      %dma_wait3A_46 = arith.constant 0 : i32
      %dma_wait3A_47 = tpu.memref_slice %arg3[%dma_wait3A_45, %dma_wait3A_46] : memref<10000x16xf32, #tpu.memory_space<hbm>> -> memref<10000x16xf32, #tpu.memory_space<hbm>>
      tpu.wait_indirect_dma semaphore(%arg28 : memref<!tpu.dma_semaphore, #tpu.memory_space<semaphore_mem>>) src(%dma_wait3A_47 : memref<10000x16xf32, #tpu.memory_space<hbm>>) dst(%arg18 : memref<64x16xf32, #tpu.memory_space<vmem>>)
      %dma_wait3A_48 = arith.constant 0 : i32
      %dma_wait3A_49 = arith.constant 0 : i32
      %dma_wait3A_50 = tpu.memref_slice %arg4[%dma_wait3A_48, %dma_wait3A_49] : memref<10112x16xf32, #tpu.memory_space<hbm>> -> memref<10112x16xf32, #tpu.memory_space<hbm>>
      tpu.wait_indirect_dma semaphore(%arg30 : memref<!tpu.dma_semaphore, #tpu.memory_space<semaphore_mem>>) src(%dma_wait3A_50 : memref<10112x16xf32, #tpu.memory_space<hbm>>) dst(%arg20 : memref<64x16xf32, #tpu.memory_space<vmem>>)
      %dma_wait3A_51 = arith.constant 0 : i32
      %dma_wait3A_52 = arith.constant 0 : i32
      %dma_wait3A_53 = tpu.memref_slice %arg2[%dma_wait3A_51, %dma_wait3A_52] : memref<10000x128xf32, #tpu.memory_space<hbm>> -> memref<10000x128xf32, #tpu.memory_space<hbm>>
      tpu.wait_indirect_dma semaphore(%arg26 : memref<!tpu.dma_semaphore, #tpu.memory_space<semaphore_mem>>) src(%dma_wait3A_53 : memref<10000x128xf32, #tpu.memory_space<hbm>>) dst(%arg16 : memref<64x128xf32, #tpu.memory_space<vmem>>)
      %get3A = arith.constant 0 : index
      %get3A_54 = tpu.vector_load %arg12[%get3A] {strides = array<i32>} : memref<64xi32, #tpu.memory_space<vmem>>, vector<16xi32>,
      %swap3A = arith.constant 0 : index
      %swap3A_55 = tpu.vector_load %arg14[%swap3A] {strides = array<i32>} : memref<64xi32, #tpu.memory_space<vmem>>, vector<16xi32>,
      tpu.vector_store %arg14[%swap3A], %get3A_54 {strides = array<i32>} : memref<64xi32, #tpu.memory_space<vmem>>, vector<16xi32>,
      %get3A_56 = arith.constant 16 : index
      %get3A_57 = tpu.vector_load %arg12[%get3A_56] {strides = array<i32>} : memref<64xi32, #tpu.memory_space<vmem>>, vector<16xi32>,
      %swap3A_58 = arith.constant 16 : index
      %swap3A_59 = tpu.vector_load %arg14[%swap3A_58] {strides = array<i32>} : memref<64xi32, #tpu.memory_space<vmem>>, vector<16xi32>,
      tpu.vector_store %arg14[%swap3A_58], %get3A_57 {strides = array<i32>} : memref<64xi32, #tpu.memory_space<vmem>>, vector<16xi32>,
      %get3A_60 = arith.constant 32 : index
      %get3A_61 = tpu.vector_load %arg12[%get3A_60] {strides = array<i32>} : memref<64xi32, #tpu.memory_space<vmem>>, vector<16xi32>,
      %swap3A_62 = arith.constant 32 : index
      %swap3A_63 = tpu.vector_load %arg14[%swap3A_62] {strides = array<i32>} : memref<64xi32, #tpu.memory_space<vmem>>, vector<16xi32>,
      tpu.vector_store %arg14[%swap3A_62], %get3A_61 {strides = array<i32>} : memref<64xi32, #tpu.memory_space<vmem>>, vector<16xi32>,
      %get3A_64 = arith.constant 48 : index
      %get3A_65 = tpu.vector_load %arg12[%get3A_64] {strides = array<i32>} : memref<64xi32, #tpu.memory_space<vmem>>, vector<16xi32>,
      %swap3A_66 = arith.constant 48 : index
      %swap3A_67 = tpu.vector_load %arg14[%swap3A_66] {strides = array<i32>} : memref<64xi32, #tpu.memory_space<vmem>>, vector<16xi32>,
      tpu.vector_store %arg14[%swap3A_66], %get3A_65 {strides = array<i32>} : memref<64xi32, #tpu.memory_space<vmem>>, vector<16xi32>,
      %add3A_68 = arith.constant 1 : i32
      %add3A_69 = arith.addi %add3A_44, %add3A_68 : i32
      %lt3A = arith.constant 162 : i32
      %lt3A_70 = arith.cmpi slt, %add3A_69, %lt3A : i32
      %convert_element_type3A = arith.extui %lt3A_70 : i1 to i32
      %cond3A = arith.constant 0 : i32
      %cond3A_71 = arith.cmpi ne, %convert_element_type3A, %cond3A : i32
      scf.if %cond3A_71 {
        %add3A_1107 = arith.constant 1 : i32
        %add3A_1108 = arith.addi %add3A_44, %add3A_1107 : i32
        %mul3A_1109 = arith.constant 64 : i32
        %mul3A_1110 = arith.muli %add3A_1108, %mul3A_1109 : i32
        %add3A_1111 = arith.addi %mul3A_4, %mul3A_1110 : i32
        %dma_wait3A_1112 = tpu.memref_slice %arg5[%add3A_1111] : memref<331776xi32, #tpu.memory_space<hbm>> -> memref<64xi32, #tpu.memory_space<hbm>>
        %dma_wait3A_1113 = tpu.memref_slice %arg5[%add3A_1111] : memref<331776xi32, #tpu.memory_space<hbm>> -> memref<64xi32, #tpu.memory_space<hbm>>
        tpu.wait_dma2 semaphore(%arg25 : memref<!tpu.dma_semaphore, #tpu.memory_space<semaphore_mem>>) src(%dma_wait3A_1113 : memref<64xi32, #tpu.memory_space<hbm>>) dst(%arg11 : memref<64xi32, #tpu.memory_space<vmem>>)
        %dma_wait3A_1114 = tpu.memref_slice %arg6[%add3A_1111] : memref<331776xi32, #tpu.memory_space<hbm>> -> memref<64xi32, #tpu.memory_space<hbm>>
        %dma_wait3A_1115 = tpu.memref_slice %arg6[%add3A_1111] : memref<331776xi32, #tpu.memory_space<hbm>> -> memref<64xi32, #tpu.memory_space<hbm>>
        tpu.wait_dma2 semaphore(%arg25 : memref<!tpu.dma_semaphore, #tpu.memory_space<semaphore_mem>>) src(%dma_wait3A_1115 : memref<64xi32, #tpu.memory_space<hbm>>) dst(%arg13 : memref<64xi32, #tpu.memory_space<vmem>>)
        %dma_start3A_1116 = arith.constant 0 : i32
        %dma_start3A_1117 = arith.constant 0 : i32
        %dma_start3A_1118 = tpu.memref_slice %arg2[%dma_start3A_1116, %dma_start3A_1117] : memref<10000x128xf32, #tpu.memory_space<hbm>> -> memref<10000x128xf32, #tpu.memory_space<hbm>>
        tpu.enqueue_indirect_dma source(%dma_start3A_1118 : memref<10000x128xf32, #tpu.memory_space<hbm>>) target(%arg17 : memref<64x128xf32, #tpu.memory_space<vmem>>) offsets(%arg11 : memref<64xi32, #tpu.memory_space<vmem>>) semaphore(%arg27 : memref<!tpu.dma_semaphore, #tpu.memory_space<semaphore_mem>>)
        %dma_start3A_1119 = arith.constant 0 : i32
        %dma_start3A_1120 = arith.constant 0 : i32
        %dma_start3A_1121 = tpu.memref_slice %arg3[%dma_start3A_1119, %dma_start3A_1120] : memref<10000x16xf32, #tpu.memory_space<hbm>> -> memref<10000x16xf32, #tpu.memory_space<hbm>>
        tpu.enqueue_indirect_dma source(%dma_start3A_1121 : memref<10000x16xf32, #tpu.memory_space<hbm>>) target(%arg19 : memref<64x16xf32, #tpu.memory_space<vmem>>) offsets(%arg11 : memref<64xi32, #tpu.memory_space<vmem>>) semaphore(%arg29 : memref<!tpu.dma_semaphore, #tpu.memory_space<semaphore_mem>>)
        %dma_start3A_1122 = arith.constant 0 : i32
        %dma_start3A_1123 = arith.constant 0 : i32
        %dma_start3A_1124 = tpu.memref_slice %arg4[%dma_start3A_1122, %dma_start3A_1123] : memref<10112x16xf32, #tpu.memory_space<hbm>> -> memref<10112x16xf32, #tpu.memory_space<hbm>>
        tpu.enqueue_indirect_dma source(%dma_start3A_1124 : memref<10112x16xf32, #tpu.memory_space<hbm>>) target(%arg21 : memref<64x16xf32, #tpu.memory_space<vmem>>) offsets(%arg13 : memref<64xi32, #tpu.memory_space<vmem>>) semaphore(%arg31 : memref<!tpu.dma_semaphore, #tpu.memory_space<semaphore_mem>>)
      } else {
      }
      %add3A_72 = arith.constant 2 : i32
      %add3A_73 = arith.addi %add3A_44, %add3A_72 : i32
      %lt3A_74 = arith.constant 162 : i32
      %lt3A_75 = arith.cmpi slt, %add3A_73, %lt3A_74 : i32
      %convert_element_type3A_76 = arith.extui %lt3A_75 : i1 to i32
      %cond3A_77 = arith.constant 0 : i32
      %cond3A_78 = arith.cmpi ne, %convert_element_type3A_76, %cond3A_77 : i32
      scf.if %cond3A_78 {
        %add3A_1107 = arith.constant 2 : i32
        %add3A_1108 = arith.addi %add3A_44, %add3A_1107 : i32
        %mul3A_1109 = arith.constant 64 : i32
        %mul3A_1110 = arith.muli %add3A_1108, %mul3A_1109 : i32
        %add3A_1111 = arith.addi %mul3A_4, %mul3A_1110 : i32
        %dma_start3A_1112 = tpu.memref_slice %arg5[%add3A_1111] : memref<331776xi32, #tpu.memory_space<hbm>> -> memref<64xi32, #tpu.memory_space<hbm>>
        %dma_start3A_1113 = tpu.memref_slice %arg5[%add3A_1111] : memref<331776xi32, #tpu.memory_space<hbm>> -> memref<64xi32, #tpu.memory_space<hbm>>
        tpu.enqueue_dma source(%dma_start3A_1113 : memref<64xi32, #tpu.memory_space<hbm>>) target(%arg10 : memref<64xi32, #tpu.memory_space<vmem>>) target_semaphore(%arg24 : memref<!tpu.dma_semaphore, #tpu.memory_space<semaphore_mem>>)
        %dma_start3A_1114 = tpu.memref_slice %arg6[%add3A_1111] : memref<331776xi32, #tpu.memory_space<hbm>> -> memref<64xi32, #tpu.memory_space<hbm>>
        %dma_start3A_1115 = tpu.memref_slice %arg6[%add3A_1111] : memref<331776xi32, #tpu.memory_space<hbm>> -> memref<64xi32, #tpu.memory_space<hbm>>
        tpu.enqueue_dma source(%dma_start3A_1115 : memref<64xi32, #tpu.memory_space<hbm>>) target(%arg12 : memref<64xi32, #tpu.memory_space<vmem>>) target_semaphore(%arg24 : memref<!tpu.dma_semaphore, #tpu.memory_space<semaphore_mem>>)
      } else {
      }
      %iota3A = tpu.iota {dimensions = array<i32: 0>} : vector<16xi32>
      %add3A_79 = arith.constant 0 : i32
      %add3A_80 = vector.broadcast %add3A_79 : i32 to vector<16xi32>
      %add3A_81 = arith.addi %iota3A, %add3A_80 : vector<16xi32>
      %broadcast_in_dim3A = arith.constant 0 : i32
      %broadcast_in_dim3A_82 = vector.broadcast %broadcast_in_dim3A : i32 to vector<16xi32>
      %gather3A = tpu.vector_load_idx %arg18[%add3A_81, %broadcast_in_dim3A_82] : memref<64x16xf32, #tpu.memory_space<vmem>>[vector<16xi32>, vector<16xi32>], vector<16xf32>,
      %gather3A_83 = tpu.vector_load_idx %arg20[%add3A_81, %broadcast_in_dim3A_82] : memref<64x16xf32, #tpu.memory_space<vmem>>[vector<16xi32>, vector<16xi32>], vector<16xf32>,
      %add3A_84 = arith.addf %gather3A, %gather3A_83 : vector<16xf32>
      %gt3A = arith.constant 0.000000e+00 : f32
      %gt3A_85 = vector.broadcast %gt3A : f32 to vector<16xf32>
      %gt3A_86 = arith.cmpf ogt, %add3A_84, %gt3A_85 : vector<16xf32>
      %mul3A_87 = arith.constant 2.000000e-01 : f32
      %mul3A_88 = vector.broadcast %mul3A_87 : f32 to vector<16xf32>
      %mul3A_89 = arith.mulf %mul3A_88, %add3A_84 : vector<16xf32>
      %select_n3A = arith.select %gt3A_86, %add3A_84, %mul3A_89 : vector<16xi1>, vector<16xf32>
      %exp3A = math.exp %select_n3A : vector<16xf32>
      %broadcast_in_dim3A_90 = arith.constant 128 : i32
      %broadcast_in_dim3A_91 = vector.broadcast %broadcast_in_dim3A_90 : i32 to vector<16xi32>
      tpu.vector_store_idx %arg22[%add3A_81, %broadcast_in_dim3A_91], %exp3A : memref<64x136xf32, #tpu.memory_space<vmem>>[vector<16xi32>, vector<16xi32>], vector<16xf32>,
      %broadcast_in_dim3A_92 = arith.constant 1 : i32
      %broadcast_in_dim3A_93 = vector.broadcast %broadcast_in_dim3A_92 : i32 to vector<16xi32>
      %gather3A_94 = tpu.vector_load_idx %arg18[%add3A_81, %broadcast_in_dim3A_93] : memref<64x16xf32, #tpu.memory_space<vmem>>[vector<16xi32>, vector<16xi32>], vector<16xf32>,
      %gather3A_95 = tpu.vector_load_idx %arg20[%add3A_81, %broadcast_in_dim3A_93] : memref<64x16xf32, #tpu.memory_space<vmem>>[vector<16xi32>, vector<16xi32>], vector<16xf32>,
      %add3A_96 = arith.addf %gather3A_94, %gather3A_95 : vector<16xf32>
      %gt3A_97 = arith.constant 0.000000e+00 : f32
      %gt3A_98 = vector.broadcast %gt3A_97 : f32 to vector<16xf32>
      %gt3A_99 = arith.cmpf ogt, %add3A_96, %gt3A_98 : vector<16xf32>
      %mul3A_100 = arith.constant 2.000000e-01 : f32
      %mul3A_101 = vector.broadcast %mul3A_100 : f32 to vector<16xf32>
      %mul3A_102 = arith.mulf %mul3A_101, %add3A_96 : vector<16xf32>
      %select_n3A_103 = arith.select %gt3A_99, %add3A_96, %mul3A_102 : vector<16xi1>, vector<16xf32>
      %exp3A_104 = math.exp %select_n3A_103 : vector<16xf32>
      %broadcast_in_dim3A_105 = arith.constant 129 : i32
      %broadcast_in_dim3A_106 = vector.broadcast %broadcast_in_dim3A_105 : i32 to vector<16xi32>
      tpu.vector_store_idx %arg22[%add3A_81, %broadcast_in_dim3A_106], %exp3A_104 : memref<64x136xf32, #tpu.memory_space<vmem>>[vector<16xi32>, vector<16xi32>], vector<16xf32>,
      %broadcast_in_dim3A_107 = arith.constant 2 : i32
      %broadcast_in_dim3A_108 = vector.broadcast %broadcast_in_dim3A_107 : i32 to vector<16xi32>
      %gather3A_109 = tpu.vector_load_idx %arg18[%add3A_81, %broadcast_in_dim3A_108] : memref<64x16xf32, #tpu.memory_space<vmem>>[vector<16xi32>, vector<16xi32>], vector<16xf32>,
      %gather3A_110 = tpu.vector_load_idx %arg20[%add3A_81, %broadcast_in_dim3A_108] : memref<64x16xf32, #tpu.memory_space<vmem>>[vector<16xi32>, vector<16xi32>], vector<16xf32>,
      %add3A_111 = arith.addf %gather3A_109, %gather3A_110 : vector<16xf32>
      %gt3A_112 = arith.constant 0.000000e+00 : f32
      %gt3A_113 = vector.broadcast %gt3A_112 : f32 to vector<16xf32>
      %gt3A_114 = arith.cmpf ogt, %add3A_111, %gt3A_113 : vector<16xf32>
      %mul3A_115 = arith.constant 2.000000e-01 : f32
      %mul3A_116 = vector.broadcast %mul3A_115 : f32 to vector<16xf32>
      %mul3A_117 = arith.mulf %mul3A_116, %add3A_111 : vector<16xf32>
      %select_n3A_118 = arith.select %gt3A_114, %add3A_111, %mul3A_117 : vector<16xi1>, vector<16xf32>
      %exp3A_119 = math.exp %select_n3A_118 : vector<16xf32>
      %broadcast_in_dim3A_120 = arith.constant 130 : i32
      %broadcast_in_dim3A_121 = vector.broadcast %broadcast_in_dim3A_120 : i32 to vector<16xi32>
      tpu.vector_store_idx %arg22[%add3A_81, %broadcast_in_dim3A_121], %exp3A_119 : memref<64x136xf32, #tpu.memory_space<vmem>>[vector<16xi32>, vector<16xi32>], vector<16xf32>,
      %broadcast_in_dim3A_122 = arith.constant 3 : i32
      %broadcast_in_dim3A_123 = vector.broadcast %broadcast_in_dim3A_122 : i32 to vector<16xi32>
      %gather3A_124 = tpu.vector_load_idx %arg18[%add3A_81, %broadcast_in_dim3A_123] : memref<64x16xf32, #tpu.memory_space<vmem>>[vector<16xi32>, vector<16xi32>], vector<16xf32>,
      %gather3A_125 = tpu.vector_load_idx %arg20[%add3A_81, %broadcast_in_dim3A_123] : memref<64x16xf32, #tpu.memory_space<vmem>>[vector<16xi32>, vector<16xi32>], vector<16xf32>,
      %add3A_126 = arith.addf %gather3A_124, %gather3A_125 : vector<16xf32>
      %gt3A_127 = arith.constant 0.000000e+00 : f32
      %gt3A_128 = vector.broadcast %gt3A_127 : f32 to vector<16xf32>
      %gt3A_129 = arith.cmpf ogt, %add3A_126, %gt3A_128 : vector<16xf32>
      %mul3A_130 = arith.constant 2.000000e-01 : f32
      %mul3A_131 = vector.broadcast %mul3A_130 : f32 to vector<16xf32>
      %mul3A_132 = arith.mulf %mul3A_131, %add3A_126 : vector<16xf32>
      %select_n3A_133 = arith.select %gt3A_129, %add3A_126, %mul3A_132 : vector<16xi1>, vector<16xf32>
      %exp3A_134 = math.exp %select_n3A_133 : vector<16xf32>
      %broadcast_in_dim3A_135 = arith.constant 131 : i32
      %broadcast_in_dim3A_136 = vector.broadcast %broadcast_in_dim3A_135 : i32 to vector<16xi32>
      tpu.vector_store_idx %arg22[%add3A_81, %broadcast_in_dim3A_136], %exp3A_134 : memref<64x136xf32, #tpu.memory_space<vmem>>[vector<16xi32>, vector<16xi32>], vector<16xf32>,
      %broadcast_in_dim3A_137 = arith.constant 4 : i32
      %broadcast_in_dim3A_138 = vector.broadcast %broadcast_in_dim3A_137 : i32 to vector<16xi32>
      %gather3A_139 = tpu.vector_load_idx %arg18[%add3A_81, %broadcast_in_dim3A_138] : memref<64x16xf32, #tpu.memory_space<vmem>>[vector<16xi32>, vector<16xi32>], vector<16xf32>,
      %gather3A_140 = tpu.vector_load_idx %arg20[%add3A_81, %broadcast_in_dim3A_138] : memref<64x16xf32, #tpu.memory_space<vmem>>[vector<16xi32>, vector<16xi32>], vector<16xf32>,
      %add3A_141 = arith.addf %gather3A_139, %gather3A_140 : vector<16xf32>
      %gt3A_142 = arith.constant 0.000000e+00 : f32
      %gt3A_143 = vector.broadcast %gt3A_142 : f32 to vector<16xf32>
      %gt3A_144 = arith.cmpf ogt, %add3A_141, %gt3A_143 : vector<16xf32>
      %mul3A_145 = arith.constant 2.000000e-01 : f32
      %mul3A_146 = vector.broadcast %mul3A_145 : f32 to vector<16xf32>
      %mul3A_147 = arith.mulf %mul3A_146, %add3A_141 : vector<16xf32>
      %select_n3A_148 = arith.select %gt3A_144, %add3A_141, %mul3A_147 : vector<16xi1>, vector<16xf32>
      %exp3A_149 = math.exp %select_n3A_148 : vector<16xf32>
      %broadcast_in_dim3A_150 = arith.constant 132 : i32
      %broadcast_in_dim3A_151 = vector.broadcast %broadcast_in_dim3A_150 : i32 to vector<16xi32>
      tpu.vector_store_idx %arg22[%add3A_81, %broadcast_in_dim3A_151], %exp3A_149 : memref<64x136xf32, #tpu.memory_space<vmem>>[vector<16xi32>, vector<16xi32>], vector<16xf32>,
      %broadcast_in_dim3A_152 = arith.constant 5 : i32
      %broadcast_in_dim3A_153 = vector.broadcast %broadcast_in_dim3A_152 : i32 to vector<16xi32>
      %gather3A_154 = tpu.vector_load_idx %arg18[%add3A_81, %broadcast_in_dim3A_153] : memref<64x16xf32, #tpu.memory_space<vmem>>[vector<16xi32>, vector<16xi32>], vector<16xf32>,
      %gather3A_155 = tpu.vector_load_idx %arg20[%add3A_81, %broadcast_in_dim3A_153] : memref<64x16xf32, #tpu.memory_space<vmem>>[vector<16xi32>, vector<16xi32>], vector<16xf32>,
      %add3A_156 = arith.addf %gather3A_154, %gather3A_155 : vector<16xf32>
      %gt3A_157 = arith.constant 0.000000e+00 : f32
      %gt3A_158 = vector.broadcast %gt3A_157 : f32 to vector<16xf32>
      %gt3A_159 = arith.cmpf ogt, %add3A_156, %gt3A_158 : vector<16xf32>
      %mul3A_160 = arith.constant 2.000000e-01 : f32
      %mul3A_161 = vector.broadcast %mul3A_160 : f32 to vector<16xf32>
      %mul3A_162 = arith.mulf %mul3A_161, %add3A_156 : vector<16xf32>
      %select_n3A_163 = arith.select %gt3A_159, %add3A_156, %mul3A_162 : vector<16xi1>, vector<16xf32>
      %exp3A_164 = math.exp %select_n3A_163 : vector<16xf32>
      %broadcast_in_dim3A_165 = arith.constant 133 : i32
      %broadcast_in_dim3A_166 = vector.broadcast %broadcast_in_dim3A_165 : i32 to vector<16xi32>
      tpu.vector_store_idx %arg22[%add3A_81, %broadcast_in_dim3A_166], %exp3A_164 : memref<64x136xf32, #tpu.memory_space<vmem>>[vector<16xi32>, vector<16xi32>], vector<16xf32>,
      %broadcast_in_dim3A_167 = arith.constant 6 : i32
      %broadcast_in_dim3A_168 = vector.broadcast %broadcast_in_dim3A_167 : i32 to vector<16xi32>
      %gather3A_169 = tpu.vector_load_idx %arg18[%add3A_81, %broadcast_in_dim3A_168] : memref<64x16xf32, #tpu.memory_space<vmem>>[vector<16xi32>, vector<16xi32>], vector<16xf32>,
      %gather3A_170 = tpu.vector_load_idx %arg20[%add3A_81, %broadcast_in_dim3A_168] : memref<64x16xf32, #tpu.memory_space<vmem>>[vector<16xi32>, vector<16xi32>], vector<16xf32>,
      %add3A_171 = arith.addf %gather3A_169, %gather3A_170 : vector<16xf32>
      %gt3A_172 = arith.constant 0.000000e+00 : f32
      %gt3A_173 = vector.broadcast %gt3A_172 : f32 to vector<16xf32>
      %gt3A_174 = arith.cmpf ogt, %add3A_171, %gt3A_173 : vector<16xf32>
      %mul3A_175 = arith.constant 2.000000e-01 : f32
      %mul3A_176 = vector.broadcast %mul3A_175 : f32 to vector<16xf32>
      %mul3A_177 = arith.mulf %mul3A_176, %add3A_171 : vector<16xf32>
      %select_n3A_178 = arith.select %gt3A_174, %add3A_171, %mul3A_177 : vector<16xi1>, vector<16xf32>
      %exp3A_179 = math.exp %select_n3A_178 : vector<16xf32>
      %broadcast_in_dim3A_180 = arith.constant 134 : i32
      %broadcast_in_dim3A_181 = vector.broadcast %broadcast_in_dim3A_180 : i32 to vector<16xi32>
      tpu.vector_store_idx %arg22[%add3A_81, %broadcast_in_dim3A_181], %exp3A_179 : memref<64x136xf32, #tpu.memory_space<vmem>>[vector<16xi32>, vector<16xi32>], vector<16xf32>,
      %broadcast_in_dim3A_182 = arith.constant 7 : i32
      %broadcast_in_dim3A_183 = vector.broadcast %broadcast_in_dim3A_182 : i32 to vector<16xi32>
      %gather3A_184 = tpu.vector_load_idx %arg18[%add3A_81, %broadcast_in_dim3A_183] : memref<64x16xf32, #tpu.memory_space<vmem>>[vector<16xi32>, vector<16xi32>], vector<16xf32>,
      %gather3A_185 = tpu.vector_load_idx %arg20[%add3A_81, %broadcast_in_dim3A_183] : memref<64x16xf32, #tpu.memory_space<vmem>>[vector<16xi32>, vector<16xi32>], vector<16xf32>,
      %add3A_186 = arith.addf %gather3A_184, %gather3A_185 : vector<16xf32>
      %gt3A_187 = arith.constant 0.000000e+00 : f32
      %gt3A_188 = vector.broadcast %gt3A_187 : f32 to vector<16xf32>
      %gt3A_189 = arith.cmpf ogt, %add3A_186, %gt3A_188 : vector<16xf32>
      %mul3A_190 = arith.constant 2.000000e-01 : f32
      %mul3A_191 = vector.broadcast %mul3A_190 : f32 to vector<16xf32>
      %mul3A_192 = arith.mulf %mul3A_191, %add3A_186 : vector<16xf32>
      %select_n3A_193 = arith.select %gt3A_189, %add3A_186, %mul3A_192 : vector<16xi1>, vector<16xf32>
      %exp3A_194 = math.exp %select_n3A_193 : vector<16xf32>
      %broadcast_in_dim3A_195 = arith.constant 135 : i32
      %broadcast_in_dim3A_196 = vector.broadcast %broadcast_in_dim3A_195 : i32 to vector<16xi32>
      tpu.vector_store_idx %arg22[%add3A_81, %broadcast_in_dim3A_196], %exp3A_194 : memref<64x136xf32, #tpu.memory_space<vmem>>[vector<16xi32>, vector<16xi32>], vector<16xf32>,
      %add3A_197 = arith.constant 16 : i32
      %add3A_198 = vector.broadcast %add3A_197 : i32 to vector<16xi32>
      %add3A_199 = arith.addi %iota3A, %add3A_198 : vector<16xi32>
      %broadcast_in_dim3A_200 = arith.constant 0 : i32
      %broadcast_in_dim3A_201 = vector.broadcast %broadcast_in_dim3A_200 : i32 to vector<16xi32>
      %gather3A_202 = tpu.vector_load_idx %arg18[%add3A_199, %broadcast_in_dim3A_201] : memref<64x16xf32, #tpu.memory_space<vmem>>[vector<16xi32>, vector<16xi32>], vector<16xf32>,
      %gather3A_203 = tpu.vector_load_idx %arg20[%add3A_199, %broadcast_in_dim3A_201] : memref<64x16xf32, #tpu.memory_space<vmem>>[vector<16xi32>, vector<16xi32>], vector<16xf32>,
      %add3A_204 = arith.addf %gather3A_202, %gather3A_203 : vector<16xf32>
      %gt3A_205 = arith.constant 0.000000e+00 : f32
      %gt3A_206 = vector.broadcast %gt3A_205 : f32 to vector<16xf32>
      %gt3A_207 = arith.cmpf ogt, %add3A_204, %gt3A_206 : vector<16xf32>
      %mul3A_208 = arith.constant 2.000000e-01 : f32
      %mul3A_209 = vector.broadcast %mul3A_208 : f32 to vector<16xf32>
      %mul3A_210 = arith.mulf %mul3A_209, %add3A_204 : vector<16xf32>
      %select_n3A_211 = arith.select %gt3A_207, %add3A_204, %mul3A_210 : vector<16xi1>, vector<16xf32>
      %exp3A_212 = math.exp %select_n3A_211 : vector<16xf32>
      %broadcast_in_dim3A_213 = arith.constant 128 : i32
      %broadcast_in_dim3A_214 = vector.broadcast %broadcast_in_dim3A_213 : i32 to vector<16xi32>
      tpu.vector_store_idx %arg22[%add3A_199, %broadcast_in_dim3A_214], %exp3A_212 : memref<64x136xf32, #tpu.memory_space<vmem>>[vector<16xi32>, vector<16xi32>], vector<16xf32>,
      %broadcast_in_dim3A_215 = arith.constant 1 : i32
      %broadcast_in_dim3A_216 = vector.broadcast %broadcast_in_dim3A_215 : i32 to vector<16xi32>
      %gather3A_217 = tpu.vector_load_idx %arg18[%add3A_199, %broadcast_in_dim3A_216] : memref<64x16xf32, #tpu.memory_space<vmem>>[vector<16xi32>, vector<16xi32>], vector<16xf32>,
      %gather3A_218 = tpu.vector_load_idx %arg20[%add3A_199, %broadcast_in_dim3A_216] : memref<64x16xf32, #tpu.memory_space<vmem>>[vector<16xi32>, vector<16xi32>], vector<16xf32>,
      %add3A_219 = arith.addf %gather3A_217, %gather3A_218 : vector<16xf32>
      %gt3A_220 = arith.constant 0.000000e+00 : f32
      %gt3A_221 = vector.broadcast %gt3A_220 : f32 to vector<16xf32>
      %gt3A_222 = arith.cmpf ogt, %add3A_219, %gt3A_221 : vector<16xf32>
      %mul3A_223 = arith.constant 2.000000e-01 : f32
      %mul3A_224 = vector.broadcast %mul3A_223 : f32 to vector<16xf32>
      %mul3A_225 = arith.mulf %mul3A_224, %add3A_219 : vector<16xf32>
      %select_n3A_226 = arith.select %gt3A_222, %add3A_219, %mul3A_225 : vector<16xi1>, vector<16xf32>
      %exp3A_227 = math.exp %select_n3A_226 : vector<16xf32>
      %broadcast_in_dim3A_228 = arith.constant 129 : i32
      %broadcast_in_dim3A_229 = vector.broadcast %broadcast_in_dim3A_228 : i32 to vector<16xi32>
      tpu.vector_store_idx %arg22[%add3A_199, %broadcast_in_dim3A_229], %exp3A_227 : memref<64x136xf32, #tpu.memory_space<vmem>>[vector<16xi32>, vector<16xi32>], vector<16xf32>,
      %broadcast_in_dim3A_230 = arith.constant 2 : i32
      %broadcast_in_dim3A_231 = vector.broadcast %broadcast_in_dim3A_230 : i32 to vector<16xi32>
      %gather3A_232 = tpu.vector_load_idx %arg18[%add3A_199, %broadcast_in_dim3A_231] : memref<64x16xf32, #tpu.memory_space<vmem>>[vector<16xi32>, vector<16xi32>], vector<16xf32>,
      %gather3A_233 = tpu.vector_load_idx %arg20[%add3A_199, %broadcast_in_dim3A_231] : memref<64x16xf32, #tpu.memory_space<vmem>>[vector<16xi32>, vector<16xi32>], vector<16xf32>,
      %add3A_234 = arith.addf %gather3A_232, %gather3A_233 : vector<16xf32>
      %gt3A_235 = arith.constant 0.000000e+00 : f32
      %gt3A_236 = vector.broadcast %gt3A_235 : f32 to vector<16xf32>
      %gt3A_237 = arith.cmpf ogt, %add3A_234, %gt3A_236 : vector<16xf32>
      %mul3A_238 = arith.constant 2.000000e-01 : f32
      %mul3A_239 = vector.broadcast %mul3A_238 : f32 to vector<16xf32>
      %mul3A_240 = arith.mulf %mul3A_239, %add3A_234 : vector<16xf32>
      %select_n3A_241 = arith.select %gt3A_237, %add3A_234, %mul3A_240 : vector<16xi1>, vector<16xf32>
      %exp3A_242 = math.exp %select_n3A_241 : vector<16xf32>
      %broadcast_in_dim3A_243 = arith.constant 130 : i32
      %broadcast_in_dim3A_244 = vector.broadcast %broadcast_in_dim3A_243 : i32 to vector<16xi32>
      tpu.vector_store_idx %arg22[%add3A_199, %broadcast_in_dim3A_244], %exp3A_242 : memref<64x136xf32, #tpu.memory_space<vmem>>[vector<16xi32>, vector<16xi32>], vector<16xf32>,
      %broadcast_in_dim3A_245 = arith.constant 3 : i32
      %broadcast_in_dim3A_246 = vector.broadcast %broadcast_in_dim3A_245 : i32 to vector<16xi32>
      %gather3A_247 = tpu.vector_load_idx %arg18[%add3A_199, %broadcast_in_dim3A_246] : memref<64x16xf32, #tpu.memory_space<vmem>>[vector<16xi32>, vector<16xi32>], vector<16xf32>,
      %gather3A_248 = tpu.vector_load_idx %arg20[%add3A_199, %broadcast_in_dim3A_246] : memref<64x16xf32, #tpu.memory_space<vmem>>[vector<16xi32>, vector<16xi32>], vector<16xf32>,
      %add3A_249 = arith.addf %gather3A_247, %gather3A_248 : vector<16xf32>
      %gt3A_250 = arith.constant 0.000000e+00 : f32
      %gt3A_251 = vector.broadcast %gt3A_250 : f32 to vector<16xf32>
      %gt3A_252 = arith.cmpf ogt, %add3A_249, %gt3A_251 : vector<16xf32>
      %mul3A_253 = arith.constant 2.000000e-01 : f32
      %mul3A_254 = vector.broadcast %mul3A_253 : f32 to vector<16xf32>
      %mul3A_255 = arith.mulf %mul3A_254, %add3A_249 : vector<16xf32>
      %select_n3A_256 = arith.select %gt3A_252, %add3A_249, %mul3A_255 : vector<16xi1>, vector<16xf32>
      %exp3A_257 = math.exp %select_n3A_256 : vector<16xf32>
      %broadcast_in_dim3A_258 = arith.constant 131 : i32
      %broadcast_in_dim3A_259 = vector.broadcast %broadcast_in_dim3A_258 : i32 to vector<16xi32>
      tpu.vector_store_idx %arg22[%add3A_199, %broadcast_in_dim3A_259], %exp3A_257 : memref<64x136xf32, #tpu.memory_space<vmem>>[vector<16xi32>, vector<16xi32>], vector<16xf32>,
      %broadcast_in_dim3A_260 = arith.constant 4 : i32
      %broadcast_in_dim3A_261 = vector.broadcast %broadcast_in_dim3A_260 : i32 to vector<16xi32>
      %gather3A_262 = tpu.vector_load_idx %arg18[%add3A_199, %broadcast_in_dim3A_261] : memref<64x16xf32, #tpu.memory_space<vmem>>[vector<16xi32>, vector<16xi32>], vector<16xf32>,
      %gather3A_263 = tpu.vector_load_idx %arg20[%add3A_199, %broadcast_in_dim3A_261] : memref<64x16xf32, #tpu.memory_space<vmem>>[vector<16xi32>, vector<16xi32>], vector<16xf32>,
      %add3A_264 = arith.addf %gather3A_262, %gather3A_263 : vector<16xf32>
      %gt3A_265 = arith.constant 0.000000e+00 : f32
      %gt3A_266 = vector.broadcast %gt3A_265 : f32 to vector<16xf32>
      %gt3A_267 = arith.cmpf ogt, %add3A_264, %gt3A_266 : vector<16xf32>
      %mul3A_268 = arith.constant 2.000000e-01 : f32
      %mul3A_269 = vector.broadcast %mul3A_268 : f32 to vector<16xf32>
      %mul3A_270 = arith.mulf %mul3A_269, %add3A_264 : vector<16xf32>
      %select_n3A_271 = arith.select %gt3A_267, %add3A_264, %mul3A_270 : vector<16xi1>, vector<16xf32>
      %exp3A_272 = math.exp %select_n3A_271 : vector<16xf32>
      %broadcast_in_dim3A_273 = arith.constant 132 : i32
      %broadcast_in_dim3A_274 = vector.broadcast %broadcast_in_dim3A_273 : i32 to vector<16xi32>
      tpu.vector_store_idx %arg22[%add3A_199, %broadcast_in_dim3A_274], %exp3A_272 : memref<64x136xf32, #tpu.memory_space<vmem>>[vector<16xi32>, vector<16xi32>], vector<16xf32>,
      %broadcast_in_dim3A_275 = arith.constant 5 : i32
      %broadcast_in_dim3A_276 = vector.broadcast %broadcast_in_dim3A_275 : i32 to vector<16xi32>
      %gather3A_277 = tpu.vector_load_idx %arg18[%add3A_199, %broadcast_in_dim3A_276] : memref<64x16xf32, #tpu.memory_space<vmem>>[vector<16xi32>, vector<16xi32>], vector<16xf32>,
      %gather3A_278 = tpu.vector_load_idx %arg20[%add3A_199, %broadcast_in_dim3A_276] : memref<64x16xf32, #tpu.memory_space<vmem>>[vector<16xi32>, vector<16xi32>], vector<16xf32>,
      %add3A_279 = arith.addf %gather3A_277, %gather3A_278 : vector<16xf32>
      %gt3A_280 = arith.constant 0.000000e+00 : f32
      %gt3A_281 = vector.broadcast %gt3A_280 : f32 to vector<16xf32>
      %gt3A_282 = arith.cmpf ogt, %add3A_279, %gt3A_281 : vector<16xf32>
      %mul3A_283 = arith.constant 2.000000e-01 : f32
      %mul3A_284 = vector.broadcast %mul3A_283 : f32 to vector<16xf32>
      %mul3A_285 = arith.mulf %mul3A_284, %add3A_279 : vector<16xf32>
      %select_n3A_286 = arith.select %gt3A_282, %add3A_279, %mul3A_285 : vector<16xi1>, vector<16xf32>
      %exp3A_287 = math.exp %select_n3A_286 : vector<16xf32>
      %broadcast_in_dim3A_288 = arith.constant 133 : i32
      %broadcast_in_dim3A_289 = vector.broadcast %broadcast_in_dim3A_288 : i32 to vector<16xi32>
      tpu.vector_store_idx %arg22[%add3A_199, %broadcast_in_dim3A_289], %exp3A_287 : memref<64x136xf32, #tpu.memory_space<vmem>>[vector<16xi32>, vector<16xi32>], vector<16xf32>,
      %broadcast_in_dim3A_290 = arith.constant 6 : i32
      %broadcast_in_dim3A_291 = vector.broadcast %broadcast_in_dim3A_290 : i32 to vector<16xi32>
      %gather3A_292 = tpu.vector_load_idx %arg18[%add3A_199, %broadcast_in_dim3A_291] : memref<64x16xf32, #tpu.memory_space<vmem>>[vector<16xi32>, vector<16xi32>], vector<16xf32>,
      %gather3A_293 = tpu.vector_load_idx %arg20[%add3A_199, %broadcast_in_dim3A_291] : memref<64x16xf32, #tpu.memory_space<vmem>>[vector<16xi32>, vector<16xi32>], vector<16xf32>,
      %add3A_294 = arith.addf %gather3A_292, %gather3A_293 : vector<16xf32>
      %gt3A_295 = arith.constant 0.000000e+00 : f32
      %gt3A_296 = vector.broadcast %gt3A_295 : f32 to vector<16xf32>
      %gt3A_297 = arith.cmpf ogt, %add3A_294, %gt3A_296 : vector<16xf32>
      %mul3A_298 = arith.constant 2.000000e-01 : f32
      %mul3A_299 = vector.broadcast %mul3A_298 : f32 to vector<16xf32>
      %mul3A_300 = arith.mulf %mul3A_299, %add3A_294 : vector<16xf32>
      %select_n3A_301 = arith.select %gt3A_297, %add3A_294, %mul3A_300 : vector<16xi1>, vector<16xf32>
      %exp3A_302 = math.exp %select_n3A_301 : vector<16xf32>
      %broadcast_in_dim3A_303 = arith.constant 134 : i32
      %broadcast_in_dim3A_304 = vector.broadcast %broadcast_in_dim3A_303 : i32 to vector<16xi32>
      tpu.vector_store_idx %arg22[%add3A_199, %broadcast_in_dim3A_304], %exp3A_302 : memref<64x136xf32, #tpu.memory_space<vmem>>[vector<16xi32>, vector<16xi32>], vector<16xf32>,
      %broadcast_in_dim3A_305 = arith.constant 7 : i32
      %broadcast_in_dim3A_306 = vector.broadcast %broadcast_in_dim3A_305 : i32 to vector<16xi32>
      %gather3A_307 = tpu.vector_load_idx %arg18[%add3A_199, %broadcast_in_dim3A_306] : memref<64x16xf32, #tpu.memory_space<vmem>>[vector<16xi32>, vector<16xi32>], vector<16xf32>,
      %gather3A_308 = tpu.vector_load_idx %arg20[%add3A_199, %broadcast_in_dim3A_306] : memref<64x16xf32, #tpu.memory_space<vmem>>[vector<16xi32>, vector<16xi32>], vector<16xf32>,
      %add3A_309 = arith.addf %gather3A_307, %gather3A_308 : vector<16xf32>
      %gt3A_310 = arith.constant 0.000000e+00 : f32
      %gt3A_311 = vector.broadcast %gt3A_310 : f32 to vector<16xf32>
      %gt3A_312 = arith.cmpf ogt, %add3A_309, %gt3A_311 : vector<16xf32>
      %mul3A_313 = arith.constant 2.000000e-01 : f32
      %mul3A_314 = vector.broadcast %mul3A_313 : f32 to vector<16xf32>
      %mul3A_315 = arith.mulf %mul3A_314, %add3A_309 : vector<16xf32>
      %select_n3A_316 = arith.select %gt3A_312, %add3A_309, %mul3A_315 : vector<16xi1>, vector<16xf32>
      %exp3A_317 = math.exp %select_n3A_316 : vector<16xf32>
      %broadcast_in_dim3A_318 = arith.constant 135 : i32
      %broadcast_in_dim3A_319 = vector.broadcast %broadcast_in_dim3A_318 : i32 to vector<16xi32>
      tpu.vector_store_idx %arg22[%add3A_199, %broadcast_in_dim3A_319], %exp3A_317 : memref<64x136xf32, #tpu.memory_space<vmem>>[vector<16xi32>, vector<16xi32>], vector<16xf32>,
      %add3A_320 = arith.constant 32 : i32
      %add3A_321 = vector.broadcast %add3A_320 : i32 to vector<16xi32>
      %add3A_322 = arith.addi %iota3A, %add3A_321 : vector<16xi32>
      %broadcast_in_dim3A_323 = arith.constant 0 : i32
      %broadcast_in_dim3A_324 = vector.broadcast %broadcast_in_dim3A_323 : i32 to vector<16xi32>
      %gather3A_325 = tpu.vector_load_idx %arg18[%add3A_322, %broadcast_in_dim3A_324] : memref<64x16xf32, #tpu.memory_space<vmem>>[vector<16xi32>, vector<16xi32>], vector<16xf32>,
      %gather3A_326 = tpu.vector_load_idx %arg20[%add3A_322, %broadcast_in_dim3A_324] : memref<64x16xf32, #tpu.memory_space<vmem>>[vector<16xi32>, vector<16xi32>], vector<16xf32>,
      %add3A_327 = arith.addf %gather3A_325, %gather3A_326 : vector<16xf32>
      %gt3A_328 = arith.constant 0.000000e+00 : f32
      %gt3A_329 = vector.broadcast %gt3A_328 : f32 to vector<16xf32>
      %gt3A_330 = arith.cmpf ogt, %add3A_327, %gt3A_329 : vector<16xf32>
      %mul3A_331 = arith.constant 2.000000e-01 : f32
      %mul3A_332 = vector.broadcast %mul3A_331 : f32 to vector<16xf32>
      %mul3A_333 = arith.mulf %mul3A_332, %add3A_327 : vector<16xf32>
      %select_n3A_334 = arith.select %gt3A_330, %add3A_327, %mul3A_333 : vector<16xi1>, vector<16xf32>
      %exp3A_335 = math.exp %select_n3A_334 : vector<16xf32>
      %broadcast_in_dim3A_336 = arith.constant 128 : i32
      %broadcast_in_dim3A_337 = vector.broadcast %broadcast_in_dim3A_336 : i32 to vector<16xi32>
      tpu.vector_store_idx %arg22[%add3A_322, %broadcast_in_dim3A_337], %exp3A_335 : memref<64x136xf32, #tpu.memory_space<vmem>>[vector<16xi32>, vector<16xi32>], vector<16xf32>,
      %broadcast_in_dim3A_338 = arith.constant 1 : i32
      %broadcast_in_dim3A_339 = vector.broadcast %broadcast_in_dim3A_338 : i32 to vector<16xi32>
      %gather3A_340 = tpu.vector_load_idx %arg18[%add3A_322, %broadcast_in_dim3A_339] : memref<64x16xf32, #tpu.memory_space<vmem>>[vector<16xi32>, vector<16xi32>], vector<16xf32>,
      %gather3A_341 = tpu.vector_load_idx %arg20[%add3A_322, %broadcast_in_dim3A_339] : memref<64x16xf32, #tpu.memory_space<vmem>>[vector<16xi32>, vector<16xi32>], vector<16xf32>,
      %add3A_342 = arith.addf %gather3A_340, %gather3A_341 : vector<16xf32>
      %gt3A_343 = arith.constant 0.000000e+00 : f32
      %gt3A_344 = vector.broadcast %gt3A_343 : f32 to vector<16xf32>
      %gt3A_345 = arith.cmpf ogt, %add3A_342, %gt3A_344 : vector<16xf32>
      %mul3A_346 = arith.constant 2.000000e-01 : f32
      %mul3A_347 = vector.broadcast %mul3A_346 : f32 to vector<16xf32>
      %mul3A_348 = arith.mulf %mul3A_347, %add3A_342 : vector<16xf32>
      %select_n3A_349 = arith.select %gt3A_345, %add3A_342, %mul3A_348 : vector<16xi1>, vector<16xf32>
      %exp3A_350 = math.exp %select_n3A_349 : vector<16xf32>
      %broadcast_in_dim3A_351 = arith.constant 129 : i32
      %broadcast_in_dim3A_352 = vector.broadcast %broadcast_in_dim3A_351 : i32 to vector<16xi32>
      tpu.vector_store_idx %arg22[%add3A_322, %broadcast_in_dim3A_352], %exp3A_350 : memref<64x136xf32, #tpu.memory_space<vmem>>[vector<16xi32>, vector<16xi32>], vector<16xf32>,
      %broadcast_in_dim3A_353 = arith.constant 2 : i32
      %broadcast_in_dim3A_354 = vector.broadcast %broadcast_in_dim3A_353 : i32 to vector<16xi32>
      %gather3A_355 = tpu.vector_load_idx %arg18[%add3A_322, %broadcast_in_dim3A_354] : memref<64x16xf32, #tpu.memory_space<vmem>>[vector<16xi32>, vector<16xi32>], vector<16xf32>,
      %gather3A_356 = tpu.vector_load_idx %arg20[%add3A_322, %broadcast_in_dim3A_354] : memref<64x16xf32, #tpu.memory_space<vmem>>[vector<16xi32>, vector<16xi32>], vector<16xf32>,
      %add3A_357 = arith.addf %gather3A_355, %gather3A_356 : vector<16xf32>
      %gt3A_358 = arith.constant 0.000000e+00 : f32
      %gt3A_359 = vector.broadcast %gt3A_358 : f32 to vector<16xf32>
      %gt3A_360 = arith.cmpf ogt, %add3A_357, %gt3A_359 : vector<16xf32>
      %mul3A_361 = arith.constant 2.000000e-01 : f32
      %mul3A_362 = vector.broadcast %mul3A_361 : f32 to vector<16xf32>
      %mul3A_363 = arith.mulf %mul3A_362, %add3A_357 : vector<16xf32>
      %select_n3A_364 = arith.select %gt3A_360, %add3A_357, %mul3A_363 : vector<16xi1>, vector<16xf32>
      %exp3A_365 = math.exp %select_n3A_364 : vector<16xf32>
      %broadcast_in_dim3A_366 = arith.constant 130 : i32
      %broadcast_in_dim3A_367 = vector.broadcast %broadcast_in_dim3A_366 : i32 to vector<16xi32>
      tpu.vector_store_idx %arg22[%add3A_322, %broadcast_in_dim3A_367], %exp3A_365 : memref<64x136xf32, #tpu.memory_space<vmem>>[vector<16xi32>, vector<16xi32>], vector<16xf32>,
      %broadcast_in_dim3A_368 = arith.constant 3 : i32
      %broadcast_in_dim3A_369 = vector.broadcast %broadcast_in_dim3A_368 : i32 to vector<16xi32>
      %gather3A_370 = tpu.vector_load_idx %arg18[%add3A_322, %broadcast_in_dim3A_369] : memref<64x16xf32, #tpu.memory_space<vmem>>[vector<16xi32>, vector<16xi32>], vector<16xf32>,
      %gather3A_371 = tpu.vector_load_idx %arg20[%add3A_322, %broadcast_in_dim3A_369] : memref<64x16xf32, #tpu.memory_space<vmem>>[vector<16xi32>, vector<16xi32>], vector<16xf32>,
      %add3A_372 = arith.addf %gather3A_370, %gather3A_371 : vector<16xf32>
      %gt3A_373 = arith.constant 0.000000e+00 : f32
      %gt3A_374 = vector.broadcast %gt3A_373 : f32 to vector<16xf32>
      %gt3A_375 = arith.cmpf ogt, %add3A_372, %gt3A_374 : vector<16xf32>
      %mul3A_376 = arith.constant 2.000000e-01 : f32
      %mul3A_377 = vector.broadcast %mul3A_376 : f32 to vector<16xf32>
      %mul3A_378 = arith.mulf %mul3A_377, %add3A_372 : vector<16xf32>
      %select_n3A_379 = arith.select %gt3A_375, %add3A_372, %mul3A_378 : vector<16xi1>, vector<16xf32>
      %exp3A_380 = math.exp %select_n3A_379 : vector<16xf32>
      %broadcast_in_dim3A_381 = arith.constant 131 : i32
      %broadcast_in_dim3A_382 = vector.broadcast %broadcast_in_dim3A_381 : i32 to vector<16xi32>
      tpu.vector_store_idx %arg22[%add3A_322, %broadcast_in_dim3A_382], %exp3A_380 : memref<64x136xf32, #tpu.memory_space<vmem>>[vector<16xi32>, vector<16xi32>], vector<16xf32>,
      %broadcast_in_dim3A_383 = arith.constant 4 : i32
      %broadcast_in_dim3A_384 = vector.broadcast %broadcast_in_dim3A_383 : i32 to vector<16xi32>
      %gather3A_385 = tpu.vector_load_idx %arg18[%add3A_322, %broadcast_in_dim3A_384] : memref<64x16xf32, #tpu.memory_space<vmem>>[vector<16xi32>, vector<16xi32>], vector<16xf32>,
      %gather3A_386 = tpu.vector_load_idx %arg20[%add3A_322, %broadcast_in_dim3A_384] : memref<64x16xf32, #tpu.memory_space<vmem>>[vector<16xi32>, vector<16xi32>], vector<16xf32>,
      %add3A_387 = arith.addf %gather3A_385, %gather3A_386 : vector<16xf32>
      %gt3A_388 = arith.constant 0.000000e+00 : f32
      %gt3A_389 = vector.broadcast %gt3A_388 : f32 to vector<16xf32>
      %gt3A_390 = arith.cmpf ogt, %add3A_387, %gt3A_389 : vector<16xf32>
      %mul3A_391 = arith.constant 2.000000e-01 : f32
      %mul3A_392 = vector.broadcast %mul3A_391 : f32 to vector<16xf32>
      %mul3A_393 = arith.mulf %mul3A_392, %add3A_387 : vector<16xf32>
      %select_n3A_394 = arith.select %gt3A_390, %add3A_387, %mul3A_393 : vector<16xi1>, vector<16xf32>
      %exp3A_395 = math.exp %select_n3A_394 : vector<16xf32>
      %broadcast_in_dim3A_396 = arith.constant 132 : i32
      %broadcast_in_dim3A_397 = vector.broadcast %broadcast_in_dim3A_396 : i32 to vector<16xi32>
      tpu.vector_store_idx %arg22[%add3A_322, %broadcast_in_dim3A_397], %exp3A_395 : memref<64x136xf32, #tpu.memory_space<vmem>>[vector<16xi32>, vector<16xi32>], vector<16xf32>,
      %broadcast_in_dim3A_398 = arith.constant 5 : i32
      %broadcast_in_dim3A_399 = vector.broadcast %broadcast_in_dim3A_398 : i32 to vector<16xi32>
      %gather3A_400 = tpu.vector_load_idx %arg18[%add3A_322, %broadcast_in_dim3A_399] : memref<64x16xf32, #tpu.memory_space<vmem>>[vector<16xi32>, vector<16xi32>], vector<16xf32>,
      %gather3A_401 = tpu.vector_load_idx %arg20[%add3A_322, %broadcast_in_dim3A_399] : memref<64x16xf32, #tpu.memory_space<vmem>>[vector<16xi32>, vector<16xi32>], vector<16xf32>,
      %add3A_402 = arith.addf %gather3A_400, %gather3A_401 : vector<16xf32>
      %gt3A_403 = arith.constant 0.000000e+00 : f32
      %gt3A_404 = vector.broadcast %gt3A_403 : f32 to vector<16xf32>
      %gt3A_405 = arith.cmpf ogt, %add3A_402, %gt3A_404 : vector<16xf32>
      %mul3A_406 = arith.constant 2.000000e-01 : f32
      %mul3A_407 = vector.broadcast %mul3A_406 : f32 to vector<16xf32>
      %mul3A_408 = arith.mulf %mul3A_407, %add3A_402 : vector<16xf32>
      %select_n3A_409 = arith.select %gt3A_405, %add3A_402, %mul3A_408 : vector<16xi1>, vector<16xf32>
      %exp3A_410 = math.exp %select_n3A_409 : vector<16xf32>
      %broadcast_in_dim3A_411 = arith.constant 133 : i32
      %broadcast_in_dim3A_412 = vector.broadcast %broadcast_in_dim3A_411 : i32 to vector<16xi32>
      tpu.vector_store_idx %arg22[%add3A_322, %broadcast_in_dim3A_412], %exp3A_410 : memref<64x136xf32, #tpu.memory_space<vmem>>[vector<16xi32>, vector<16xi32>], vector<16xf32>,
      %broadcast_in_dim3A_413 = arith.constant 6 : i32
      %broadcast_in_dim3A_414 = vector.broadcast %broadcast_in_dim3A_413 : i32 to vector<16xi32>
      %gather3A_415 = tpu.vector_load_idx %arg18[%add3A_322, %broadcast_in_dim3A_414] : memref<64x16xf32, #tpu.memory_space<vmem>>[vector<16xi32>, vector<16xi32>], vector<16xf32>,
      %gather3A_416 = tpu.vector_load_idx %arg20[%add3A_322, %broadcast_in_dim3A_414] : memref<64x16xf32, #tpu.memory_space<vmem>>[vector<16xi32>, vector<16xi32>], vector<16xf32>,
      %add3A_417 = arith.addf %gather3A_415, %gather3A_416 : vector<16xf32>
      %gt3A_418 = arith.constant 0.000000e+00 : f32
      %gt3A_419 = vector.broadcast %gt3A_418 : f32 to vector<16xf32>
      %gt3A_420 = arith.cmpf ogt, %add3A_417, %gt3A_419 : vector<16xf32>
      %mul3A_421 = arith.constant 2.000000e-01 : f32
      %mul3A_422 = vector.broadcast %mul3A_421 : f32 to vector<16xf32>
      %mul3A_423 = arith.mulf %mul3A_422, %add3A_417 : vector<16xf32>
      %select_n3A_424 = arith.select %gt3A_420, %add3A_417, %mul3A_423 : vector<16xi1>, vector<16xf32>
      %exp3A_425 = math.exp %select_n3A_424 : vector<16xf32>
      %broadcast_in_dim3A_426 = arith.constant 134 : i32
      %broadcast_in_dim3A_427 = vector.broadcast %broadcast_in_dim3A_426 : i32 to vector<16xi32>
      tpu.vector_store_idx %arg22[%add3A_322, %broadcast_in_dim3A_427], %exp3A_425 : memref<64x136xf32, #tpu.memory_space<vmem>>[vector<16xi32>, vector<16xi32>], vector<16xf32>,
      %broadcast_in_dim3A_428 = arith.constant 7 : i32
      %broadcast_in_dim3A_429 = vector.broadcast %broadcast_in_dim3A_428 : i32 to vector<16xi32>
      %gather3A_430 = tpu.vector_load_idx %arg18[%add3A_322, %broadcast_in_dim3A_429] : memref<64x16xf32, #tpu.memory_space<vmem>>[vector<16xi32>, vector<16xi32>], vector<16xf32>,
      %gather3A_431 = tpu.vector_load_idx %arg20[%add3A_322, %broadcast_in_dim3A_429] : memref<64x16xf32, #tpu.memory_space<vmem>>[vector<16xi32>, vector<16xi32>], vector<16xf32>,
      %add3A_432 = arith.addf %gather3A_430, %gather3A_431 : vector<16xf32>
      %gt3A_433 = arith.constant 0.000000e+00 : f32
      %gt3A_434 = vector.broadcast %gt3A_433 : f32 to vector<16xf32>
      %gt3A_435 = arith.cmpf ogt, %add3A_432, %gt3A_434 : vector<16xf32>
      %mul3A_436 = arith.constant 2.000000e-01 : f32
      %mul3A_437 = vector.broadcast %mul3A_436 : f32 to vector<16xf32>
      %mul3A_438 = arith.mulf %mul3A_437, %add3A_432 : vector<16xf32>
      %select_n3A_439 = arith.select %gt3A_435, %add3A_432, %mul3A_438 : vector<16xi1>, vector<16xf32>
      %exp3A_440 = math.exp %select_n3A_439 : vector<16xf32>
      %broadcast_in_dim3A_441 = arith.constant 135 : i32
      %broadcast_in_dim3A_442 = vector.broadcast %broadcast_in_dim3A_441 : i32 to vector<16xi32>
      tpu.vector_store_idx %arg22[%add3A_322, %broadcast_in_dim3A_442], %exp3A_440 : memref<64x136xf32, #tpu.memory_space<vmem>>[vector<16xi32>, vector<16xi32>], vector<16xf32>,
      %add3A_443 = arith.constant 48 : i32
      %add3A_444 = vector.broadcast %add3A_443 : i32 to vector<16xi32>
      %add3A_445 = arith.addi %iota3A, %add3A_444 : vector<16xi32>
      %broadcast_in_dim3A_446 = arith.constant 0 : i32
      %broadcast_in_dim3A_447 = vector.broadcast %broadcast_in_dim3A_446 : i32 to vector<16xi32>
      %gather3A_448 = tpu.vector_load_idx %arg18[%add3A_445, %broadcast_in_dim3A_447] : memref<64x16xf32, #tpu.memory_space<vmem>>[vector<16xi32>, vector<16xi32>], vector<16xf32>,
      %gather3A_449 = tpu.vector_load_idx %arg20[%add3A_445, %broadcast_in_dim3A_447] : memref<64x16xf32, #tpu.memory_space<vmem>>[vector<16xi32>, vector<16xi32>], vector<16xf32>,
      %add3A_450 = arith.addf %gather3A_448, %gather3A_449 : vector<16xf32>
      %gt3A_451 = arith.constant 0.000000e+00 : f32
      %gt3A_452 = vector.broadcast %gt3A_451 : f32 to vector<16xf32>
      %gt3A_453 = arith.cmpf ogt, %add3A_450, %gt3A_452 : vector<16xf32>
      %mul3A_454 = arith.constant 2.000000e-01 : f32
      %mul3A_455 = vector.broadcast %mul3A_454 : f32 to vector<16xf32>
      %mul3A_456 = arith.mulf %mul3A_455, %add3A_450 : vector<16xf32>
      %select_n3A_457 = arith.select %gt3A_453, %add3A_450, %mul3A_456 : vector<16xi1>, vector<16xf32>
      %exp3A_458 = math.exp %select_n3A_457 : vector<16xf32>
      %broadcast_in_dim3A_459 = arith.constant 128 : i32
      %broadcast_in_dim3A_460 = vector.broadcast %broadcast_in_dim3A_459 : i32 to vector<16xi32>
      tpu.vector_store_idx %arg22[%add3A_445, %broadcast_in_dim3A_460], %exp3A_458 : memref<64x136xf32, #tpu.memory_space<vmem>>[vector<16xi32>, vector<16xi32>], vector<16xf32>,
      %broadcast_in_dim3A_461 = arith.constant 1 : i32
      %broadcast_in_dim3A_462 = vector.broadcast %broadcast_in_dim3A_461 : i32 to vector<16xi32>
      %gather3A_463 = tpu.vector_load_idx %arg18[%add3A_445, %broadcast_in_dim3A_462] : memref<64x16xf32, #tpu.memory_space<vmem>>[vector<16xi32>, vector<16xi32>], vector<16xf32>,
      %gather3A_464 = tpu.vector_load_idx %arg20[%add3A_445, %broadcast_in_dim3A_462] : memref<64x16xf32, #tpu.memory_space<vmem>>[vector<16xi32>, vector<16xi32>], vector<16xf32>,
      %add3A_465 = arith.addf %gather3A_463, %gather3A_464 : vector<16xf32>
      %gt3A_466 = arith.constant 0.000000e+00 : f32
      %gt3A_467 = vector.broadcast %gt3A_466 : f32 to vector<16xf32>
      %gt3A_468 = arith.cmpf ogt, %add3A_465, %gt3A_467 : vector<16xf32>
      %mul3A_469 = arith.constant 2.000000e-01 : f32
      %mul3A_470 = vector.broadcast %mul3A_469 : f32 to vector<16xf32>
      %mul3A_471 = arith.mulf %mul3A_470, %add3A_465 : vector<16xf32>
      %select_n3A_472 = arith.select %gt3A_468, %add3A_465, %mul3A_471 : vector<16xi1>, vector<16xf32>
      %exp3A_473 = math.exp %select_n3A_472 : vector<16xf32>
      %broadcast_in_dim3A_474 = arith.constant 129 : i32
      %broadcast_in_dim3A_475 = vector.broadcast %broadcast_in_dim3A_474 : i32 to vector<16xi32>
      tpu.vector_store_idx %arg22[%add3A_445, %broadcast_in_dim3A_475], %exp3A_473 : memref<64x136xf32, #tpu.memory_space<vmem>>[vector<16xi32>, vector<16xi32>], vector<16xf32>,
      %broadcast_in_dim3A_476 = arith.constant 2 : i32
      %broadcast_in_dim3A_477 = vector.broadcast %broadcast_in_dim3A_476 : i32 to vector<16xi32>
      %gather3A_478 = tpu.vector_load_idx %arg18[%add3A_445, %broadcast_in_dim3A_477] : memref<64x16xf32, #tpu.memory_space<vmem>>[vector<16xi32>, vector<16xi32>], vector<16xf32>,
      %gather3A_479 = tpu.vector_load_idx %arg20[%add3A_445, %broadcast_in_dim3A_477] : memref<64x16xf32, #tpu.memory_space<vmem>>[vector<16xi32>, vector<16xi32>], vector<16xf32>,
      %add3A_480 = arith.addf %gather3A_478, %gather3A_479 : vector<16xf32>
      %gt3A_481 = arith.constant 0.000000e+00 : f32
      %gt3A_482 = vector.broadcast %gt3A_481 : f32 to vector<16xf32>
      %gt3A_483 = arith.cmpf ogt, %add3A_480, %gt3A_482 : vector<16xf32>
      %mul3A_484 = arith.constant 2.000000e-01 : f32
      %mul3A_485 = vector.broadcast %mul3A_484 : f32 to vector<16xf32>
      %mul3A_486 = arith.mulf %mul3A_485, %add3A_480 : vector<16xf32>
      %select_n3A_487 = arith.select %gt3A_483, %add3A_480, %mul3A_486 : vector<16xi1>, vector<16xf32>
      %exp3A_488 = math.exp %select_n3A_487 : vector<16xf32>
      %broadcast_in_dim3A_489 = arith.constant 130 : i32
      %broadcast_in_dim3A_490 = vector.broadcast %broadcast_in_dim3A_489 : i32 to vector<16xi32>
      tpu.vector_store_idx %arg22[%add3A_445, %broadcast_in_dim3A_490], %exp3A_488 : memref<64x136xf32, #tpu.memory_space<vmem>>[vector<16xi32>, vector<16xi32>], vector<16xf32>,
      %broadcast_in_dim3A_491 = arith.constant 3 : i32
      %broadcast_in_dim3A_492 = vector.broadcast %broadcast_in_dim3A_491 : i32 to vector<16xi32>
      %gather3A_493 = tpu.vector_load_idx %arg18[%add3A_445, %broadcast_in_dim3A_492] : memref<64x16xf32, #tpu.memory_space<vmem>>[vector<16xi32>, vector<16xi32>], vector<16xf32>,
      %gather3A_494 = tpu.vector_load_idx %arg20[%add3A_445, %broadcast_in_dim3A_492] : memref<64x16xf32, #tpu.memory_space<vmem>>[vector<16xi32>, vector<16xi32>], vector<16xf32>,
      %add3A_495 = arith.addf %gather3A_493, %gather3A_494 : vector<16xf32>
      %gt3A_496 = arith.constant 0.000000e+00 : f32
      %gt3A_497 = vector.broadcast %gt3A_496 : f32 to vector<16xf32>
      %gt3A_498 = arith.cmpf ogt, %add3A_495, %gt3A_497 : vector<16xf32>
      %mul3A_499 = arith.constant 2.000000e-01 : f32
      %mul3A_500 = vector.broadcast %mul3A_499 : f32 to vector<16xf32>
      %mul3A_501 = arith.mulf %mul3A_500, %add3A_495 : vector<16xf32>
      %select_n3A_502 = arith.select %gt3A_498, %add3A_495, %mul3A_501 : vector<16xi1>, vector<16xf32>
      %exp3A_503 = math.exp %select_n3A_502 : vector<16xf32>
      %broadcast_in_dim3A_504 = arith.constant 131 : i32
      %broadcast_in_dim3A_505 = vector.broadcast %broadcast_in_dim3A_504 : i32 to vector<16xi32>
      tpu.vector_store_idx %arg22[%add3A_445, %broadcast_in_dim3A_505], %exp3A_503 : memref<64x136xf32, #tpu.memory_space<vmem>>[vector<16xi32>, vector<16xi32>], vector<16xf32>,
      %broadcast_in_dim3A_506 = arith.constant 4 : i32
      %broadcast_in_dim3A_507 = vector.broadcast %broadcast_in_dim3A_506 : i32 to vector<16xi32>
      %gather3A_508 = tpu.vector_load_idx %arg18[%add3A_445, %broadcast_in_dim3A_507] : memref<64x16xf32, #tpu.memory_space<vmem>>[vector<16xi32>, vector<16xi32>], vector<16xf32>,
      %gather3A_509 = tpu.vector_load_idx %arg20[%add3A_445, %broadcast_in_dim3A_507] : memref<64x16xf32, #tpu.memory_space<vmem>>[vector<16xi32>, vector<16xi32>], vector<16xf32>,
      %add3A_510 = arith.addf %gather3A_508, %gather3A_509 : vector<16xf32>
      %gt3A_511 = arith.constant 0.000000e+00 : f32
      %gt3A_512 = vector.broadcast %gt3A_511 : f32 to vector<16xf32>
      %gt3A_513 = arith.cmpf ogt, %add3A_510, %gt3A_512 : vector<16xf32>
      %mul3A_514 = arith.constant 2.000000e-01 : f32
      %mul3A_515 = vector.broadcast %mul3A_514 : f32 to vector<16xf32>
      %mul3A_516 = arith.mulf %mul3A_515, %add3A_510 : vector<16xf32>
      %select_n3A_517 = arith.select %gt3A_513, %add3A_510, %mul3A_516 : vector<16xi1>, vector<16xf32>
      %exp3A_518 = math.exp %select_n3A_517 : vector<16xf32>
      %broadcast_in_dim3A_519 = arith.constant 132 : i32
      %broadcast_in_dim3A_520 = vector.broadcast %broadcast_in_dim3A_519 : i32 to vector<16xi32>
      tpu.vector_store_idx %arg22[%add3A_445, %broadcast_in_dim3A_520], %exp3A_518 : memref<64x136xf32, #tpu.memory_space<vmem>>[vector<16xi32>, vector<16xi32>], vector<16xf32>,
      %broadcast_in_dim3A_521 = arith.constant 5 : i32
      %broadcast_in_dim3A_522 = vector.broadcast %broadcast_in_dim3A_521 : i32 to vector<16xi32>
      %gather3A_523 = tpu.vector_load_idx %arg18[%add3A_445, %broadcast_in_dim3A_522] : memref<64x16xf32, #tpu.memory_space<vmem>>[vector<16xi32>, vector<16xi32>], vector<16xf32>,
      %gather3A_524 = tpu.vector_load_idx %arg20[%add3A_445, %broadcast_in_dim3A_522] : memref<64x16xf32, #tpu.memory_space<vmem>>[vector<16xi32>, vector<16xi32>], vector<16xf32>,
      %add3A_525 = arith.addf %gather3A_523, %gather3A_524 : vector<16xf32>
      %gt3A_526 = arith.constant 0.000000e+00 : f32
      %gt3A_527 = vector.broadcast %gt3A_526 : f32 to vector<16xf32>
      %gt3A_528 = arith.cmpf ogt, %add3A_525, %gt3A_527 : vector<16xf32>
      %mul3A_529 = arith.constant 2.000000e-01 : f32
      %mul3A_530 = vector.broadcast %mul3A_529 : f32 to vector<16xf32>
      %mul3A_531 = arith.mulf %mul3A_530, %add3A_525 : vector<16xf32>
      %select_n3A_532 = arith.select %gt3A_528, %add3A_525, %mul3A_531 : vector<16xi1>, vector<16xf32>
      %exp3A_533 = math.exp %select_n3A_532 : vector<16xf32>
      %broadcast_in_dim3A_534 = arith.constant 133 : i32
      %broadcast_in_dim3A_535 = vector.broadcast %broadcast_in_dim3A_534 : i32 to vector<16xi32>
      tpu.vector_store_idx %arg22[%add3A_445, %broadcast_in_dim3A_535], %exp3A_533 : memref<64x136xf32, #tpu.memory_space<vmem>>[vector<16xi32>, vector<16xi32>], vector<16xf32>,
      %broadcast_in_dim3A_536 = arith.constant 6 : i32
      %broadcast_in_dim3A_537 = vector.broadcast %broadcast_in_dim3A_536 : i32 to vector<16xi32>
      %gather3A_538 = tpu.vector_load_idx %arg18[%add3A_445, %broadcast_in_dim3A_537] : memref<64x16xf32, #tpu.memory_space<vmem>>[vector<16xi32>, vector<16xi32>], vector<16xf32>,
      %gather3A_539 = tpu.vector_load_idx %arg20[%add3A_445, %broadcast_in_dim3A_537] : memref<64x16xf32, #tpu.memory_space<vmem>>[vector<16xi32>, vector<16xi32>], vector<16xf32>,
      %add3A_540 = arith.addf %gather3A_538, %gather3A_539 : vector<16xf32>
      %gt3A_541 = arith.constant 0.000000e+00 : f32
      %gt3A_542 = vector.broadcast %gt3A_541 : f32 to vector<16xf32>
      %gt3A_543 = arith.cmpf ogt, %add3A_540, %gt3A_542 : vector<16xf32>
      %mul3A_544 = arith.constant 2.000000e-01 : f32
      %mul3A_545 = vector.broadcast %mul3A_544 : f32 to vector<16xf32>
      %mul3A_546 = arith.mulf %mul3A_545, %add3A_540 : vector<16xf32>
      %select_n3A_547 = arith.select %gt3A_543, %add3A_540, %mul3A_546 : vector<16xi1>, vector<16xf32>
      %exp3A_548 = math.exp %select_n3A_547 : vector<16xf32>
      %broadcast_in_dim3A_549 = arith.constant 134 : i32
      %broadcast_in_dim3A_550 = vector.broadcast %broadcast_in_dim3A_549 : i32 to vector<16xi32>
      tpu.vector_store_idx %arg22[%add3A_445, %broadcast_in_dim3A_550], %exp3A_548 : memref<64x136xf32, #tpu.memory_space<vmem>>[vector<16xi32>, vector<16xi32>], vector<16xf32>,
      %broadcast_in_dim3A_551 = arith.constant 7 : i32
      %broadcast_in_dim3A_552 = vector.broadcast %broadcast_in_dim3A_551 : i32 to vector<16xi32>
      %gather3A_553 = tpu.vector_load_idx %arg18[%add3A_445, %broadcast_in_dim3A_552] : memref<64x16xf32, #tpu.memory_space<vmem>>[vector<16xi32>, vector<16xi32>], vector<16xf32>,
      %gather3A_554 = tpu.vector_load_idx %arg20[%add3A_445, %broadcast_in_dim3A_552] : memref<64x16xf32, #tpu.memory_space<vmem>>[vector<16xi32>, vector<16xi32>], vector<16xf32>,
      %add3A_555 = arith.addf %gather3A_553, %gather3A_554 : vector<16xf32>
      %gt3A_556 = arith.constant 0.000000e+00 : f32
      %gt3A_557 = vector.broadcast %gt3A_556 : f32 to vector<16xf32>
      %gt3A_558 = arith.cmpf ogt, %add3A_555, %gt3A_557 : vector<16xf32>
      %mul3A_559 = arith.constant 2.000000e-01 : f32
      %mul3A_560 = vector.broadcast %mul3A_559 : f32 to vector<16xf32>
      %mul3A_561 = arith.mulf %mul3A_560, %add3A_555 : vector<16xf32>
      %select_n3A_562 = arith.select %gt3A_558, %add3A_555, %mul3A_561 : vector<16xi1>, vector<16xf32>
      %exp3A_563 = math.exp %select_n3A_562 : vector<16xf32>
      %broadcast_in_dim3A_564 = arith.constant 135 : i32
      %broadcast_in_dim3A_565 = vector.broadcast %broadcast_in_dim3A_564 : i32 to vector<16xi32>
      tpu.vector_store_idx %arg22[%add3A_445, %broadcast_in_dim3A_565], %exp3A_563 : memref<64x136xf32, #tpu.memory_space<vmem>>[vector<16xi32>, vector<16xi32>], vector<16xf32>,
      %parallel_loop3A = arith.constant 0 : i32
      %parallel_loop3A_566 = arith.constant 64 : i32
      %parallel_loop3A_567 = arith.constant 1 : i32
      scf.for %parallel_loop3A_1107 = %parallel_loop3A to %parallel_loop3A_566 step %parallel_loop3A_567  : i32 {
        %parallel_loop3A_1108 = arith.index_cast %parallel_loop3A_1107 : i32 to index
        %parallel_loop3A_1109 = arith.constant 120 : index
        %parallel_loop3A_1110 = tpu.vector_load %arg22[%parallel_loop3A_1108, %parallel_loop3A_1109] {strides = array<i32>} : memref<64x136xf32, #tpu.memory_space<vmem>>, vector<16xf32>,
        %parallel_loop3A_1111 = vector.extract_strided_slice %parallel_loop3A_1110 {offsets = [8], sizes = [1], strides = [1]} : vector<16xf32> to vector<1xf32>
        %parallel_loop3A_1112 = vector.extract %parallel_loop3A_1111[0] : f32 from vector<1xf32>
        %parallel_loop3A_1113 = arith.index_cast %parallel_loop3A_1107 : i32 to index
        %parallel_loop3A_1114 = arith.constant 0 : index
        %parallel_loop3A_1115 = tpu.vector_load %arg16[%parallel_loop3A_1113, %parallel_loop3A_1114] {strides = array<i32>} : memref<64x128xf32, #tpu.memory_space<vmem>>, vector<16xf32>,
        %parallel_loop3A_1116 = vector.broadcast %parallel_loop3A_1112 : f32 to vector<16xf32>
        %parallel_loop3A_1117 = arith.mulf %parallel_loop3A_1116, %parallel_loop3A_1115 : vector<16xf32>
        %parallel_loop3A_1118 = arith.index_cast %parallel_loop3A_1107 : i32 to index
        %parallel_loop3A_1119 = arith.constant 0 : index
        %parallel_loop3A_1120 = tpu.vector_load %arg22[%parallel_loop3A_1118, %parallel_loop3A_1119] {strides = array<i32>} : memref<64x136xf32, #tpu.memory_space<vmem>>, vector<16xf32>,
        tpu.vector_store %arg22[%parallel_loop3A_1118, %parallel_loop3A_1119], %parallel_loop3A_1117 {strides = array<i32>} : memref<64x136xf32, #tpu.memory_space<vmem>>, vector<16xf32>,
        %parallel_loop3A_1121 = vector.extract_strided_slice %parallel_loop3A_1110 {offsets = [9], sizes = [1], strides = [1]} : vector<16xf32> to vector<1xf32>
        %parallel_loop3A_1122 = vector.extract %parallel_loop3A_1121[0] : f32 from vector<1xf32>
        %parallel_loop3A_1123 = arith.index_cast %parallel_loop3A_1107 : i32 to index
        %parallel_loop3A_1124 = arith.constant 16 : index
        %parallel_loop3A_1125 = tpu.vector_load %arg16[%parallel_loop3A_1123, %parallel_loop3A_1124] {strides = array<i32>} : memref<64x128xf32, #tpu.memory_space<vmem>>, vector<16xf32>,
        %parallel_loop3A_1126 = vector.broadcast %parallel_loop3A_1122 : f32 to vector<16xf32>
        %parallel_loop3A_1127 = arith.mulf %parallel_loop3A_1126, %parallel_loop3A_1125 : vector<16xf32>
        %parallel_loop3A_1128 = arith.index_cast %parallel_loop3A_1107 : i32 to index
        %parallel_loop3A_1129 = arith.constant 16 : index
        %parallel_loop3A_1130 = tpu.vector_load %arg22[%parallel_loop3A_1128, %parallel_loop3A_1129] {strides = array<i32>} : memref<64x136xf32, #tpu.memory_space<vmem>>, vector<16xf32>,
        tpu.vector_store %arg22[%parallel_loop3A_1128, %parallel_loop3A_1129], %parallel_loop3A_1127 {strides = array<i32>} : memref<64x136xf32, #tpu.memory_space<vmem>>, vector<16xf32>,
        %parallel_loop3A_1131 = vector.extract_strided_slice %parallel_loop3A_1110 {offsets = [10], sizes = [1], strides = [1]} : vector<16xf32> to vector<1xf32>
        %parallel_loop3A_1132 = vector.extract %parallel_loop3A_1131[0] : f32 from vector<1xf32>
        %parallel_loop3A_1133 = arith.index_cast %parallel_loop3A_1107 : i32 to index
        %parallel_loop3A_1134 = arith.constant 32 : index
        %parallel_loop3A_1135 = tpu.vector_load %arg16[%parallel_loop3A_1133, %parallel_loop3A_1134] {strides = array<i32>} : memref<64x128xf32, #tpu.memory_space<vmem>>, vector<16xf32>,
        %parallel_loop3A_1136 = vector.broadcast %parallel_loop3A_1132 : f32 to vector<16xf32>
        %parallel_loop3A_1137 = arith.mulf %parallel_loop3A_1136, %parallel_loop3A_1135 : vector<16xf32>
        %parallel_loop3A_1138 = arith.index_cast %parallel_loop3A_1107 : i32 to index
        %parallel_loop3A_1139 = arith.constant 32 : index
        %parallel_loop3A_1140 = tpu.vector_load %arg22[%parallel_loop3A_1138, %parallel_loop3A_1139] {strides = array<i32>} : memref<64x136xf32, #tpu.memory_space<vmem>>, vector<16xf32>,
        tpu.vector_store %arg22[%parallel_loop3A_1138, %parallel_loop3A_1139], %parallel_loop3A_1137 {strides = array<i32>} : memref<64x136xf32, #tpu.memory_space<vmem>>, vector<16xf32>,
        %parallel_loop3A_1141 = vector.extract_strided_slice %parallel_loop3A_1110 {offsets = [11], sizes = [1], strides = [1]} : vector<16xf32> to vector<1xf32>
        %parallel_loop3A_1142 = vector.extract %parallel_loop3A_1141[0] : f32 from vector<1xf32>
        %parallel_loop3A_1143 = arith.index_cast %parallel_loop3A_1107 : i32 to index
        %parallel_loop3A_1144 = arith.constant 48 : index
        %parallel_loop3A_1145 = tpu.vector_load %arg16[%parallel_loop3A_1143, %parallel_loop3A_1144] {strides = array<i32>} : memref<64x128xf32, #tpu.memory_space<vmem>>, vector<16xf32>,
        %parallel_loop3A_1146 = vector.broadcast %parallel_loop3A_1142 : f32 to vector<16xf32>
        %parallel_loop3A_1147 = arith.mulf %parallel_loop3A_1146, %parallel_loop3A_1145 : vector<16xf32>
        %parallel_loop3A_1148 = arith.index_cast %parallel_loop3A_1107 : i32 to index
        %parallel_loop3A_1149 = arith.constant 48 : index
        %parallel_loop3A_1150 = tpu.vector_load %arg22[%parallel_loop3A_1148, %parallel_loop3A_1149] {strides = array<i32>} : memref<64x136xf32, #tpu.memory_space<vmem>>, vector<16xf32>,
        tpu.vector_store %arg22[%parallel_loop3A_1148, %parallel_loop3A_1149], %parallel_loop3A_1147 {strides = array<i32>} : memref<64x136xf32, #tpu.memory_space<vmem>>, vector<16xf32>,
        %parallel_loop3A_1151 = vector.extract_strided_slice %parallel_loop3A_1110 {offsets = [12], sizes = [1], strides = [1]} : vector<16xf32> to vector<1xf32>
        %parallel_loop3A_1152 = vector.extract %parallel_loop3A_1151[0] : f32 from vector<1xf32>
        %parallel_loop3A_1153 = arith.index_cast %parallel_loop3A_1107 : i32 to index
        %parallel_loop3A_1154 = arith.constant 64 : index
        %parallel_loop3A_1155 = tpu.vector_load %arg16[%parallel_loop3A_1153, %parallel_loop3A_1154] {strides = array<i32>} : memref<64x128xf32, #tpu.memory_space<vmem>>, vector<16xf32>,
        %parallel_loop3A_1156 = vector.broadcast %parallel_loop3A_1152 : f32 to vector<16xf32>
        %parallel_loop3A_1157 = arith.mulf %parallel_loop3A_1156, %parallel_loop3A_1155 : vector<16xf32>
        %parallel_loop3A_1158 = arith.index_cast %parallel_loop3A_1107 : i32 to index
        %parallel_loop3A_1159 = arith.constant 64 : index
        %parallel_loop3A_1160 = tpu.vector_load %arg22[%parallel_loop3A_1158, %parallel_loop3A_1159] {strides = array<i32>} : memref<64x136xf32, #tpu.memory_space<vmem>>, vector<16xf32>,
        tpu.vector_store %arg22[%parallel_loop3A_1158, %parallel_loop3A_1159], %parallel_loop3A_1157 {strides = array<i32>} : memref<64x136xf32, #tpu.memory_space<vmem>>, vector<16xf32>,
        %parallel_loop3A_1161 = vector.extract_strided_slice %parallel_loop3A_1110 {offsets = [13], sizes = [1], strides = [1]} : vector<16xf32> to vector<1xf32>
        %parallel_loop3A_1162 = vector.extract %parallel_loop3A_1161[0] : f32 from vector<1xf32>
        %parallel_loop3A_1163 = arith.index_cast %parallel_loop3A_1107 : i32 to index
        %parallel_loop3A_1164 = arith.constant 80 : index
        %parallel_loop3A_1165 = tpu.vector_load %arg16[%parallel_loop3A_1163, %parallel_loop3A_1164] {strides = array<i32>} : memref<64x128xf32, #tpu.memory_space<vmem>>, vector<16xf32>,
        %parallel_loop3A_1166 = vector.broadcast %parallel_loop3A_1162 : f32 to vector<16xf32>
        %parallel_loop3A_1167 = arith.mulf %parallel_loop3A_1166, %parallel_loop3A_1165 : vector<16xf32>
        %parallel_loop3A_1168 = arith.index_cast %parallel_loop3A_1107 : i32 to index
        %parallel_loop3A_1169 = arith.constant 80 : index
        %parallel_loop3A_1170 = tpu.vector_load %arg22[%parallel_loop3A_1168, %parallel_loop3A_1169] {strides = array<i32>} : memref<64x136xf32, #tpu.memory_space<vmem>>, vector<16xf32>,
        tpu.vector_store %arg22[%parallel_loop3A_1168, %parallel_loop3A_1169], %parallel_loop3A_1167 {strides = array<i32>} : memref<64x136xf32, #tpu.memory_space<vmem>>, vector<16xf32>,
        %parallel_loop3A_1171 = vector.extract_strided_slice %parallel_loop3A_1110 {offsets = [14], sizes = [1], strides = [1]} : vector<16xf32> to vector<1xf32>
        %parallel_loop3A_1172 = vector.extract %parallel_loop3A_1171[0] : f32 from vector<1xf32>
        %parallel_loop3A_1173 = arith.index_cast %parallel_loop3A_1107 : i32 to index
        %parallel_loop3A_1174 = arith.constant 96 : index
        %parallel_loop3A_1175 = tpu.vector_load %arg16[%parallel_loop3A_1173, %parallel_loop3A_1174] {strides = array<i32>} : memref<64x128xf32, #tpu.memory_space<vmem>>, vector<16xf32>,
        %parallel_loop3A_1176 = vector.broadcast %parallel_loop3A_1172 : f32 to vector<16xf32>
        %parallel_loop3A_1177 = arith.mulf %parallel_loop3A_1176, %parallel_loop3A_1175 : vector<16xf32>
        %parallel_loop3A_1178 = arith.index_cast %parallel_loop3A_1107 : i32 to index
        %parallel_loop3A_1179 = arith.constant 96 : index
        %parallel_loop3A_1180 = tpu.vector_load %arg22[%parallel_loop3A_1178, %parallel_loop3A_1179] {strides = array<i32>} : memref<64x136xf32, #tpu.memory_space<vmem>>, vector<16xf32>,
        tpu.vector_store %arg22[%parallel_loop3A_1178, %parallel_loop3A_1179], %parallel_loop3A_1177 {strides = array<i32>} : memref<64x136xf32, #tpu.memory_space<vmem>>, vector<16xf32>,
        %parallel_loop3A_1181 = vector.extract_strided_slice %parallel_loop3A_1110 {offsets = [15], sizes = [1], strides = [1]} : vector<16xf32> to vector<1xf32>
        %parallel_loop3A_1182 = vector.extract %parallel_loop3A_1181[0] : f32 from vector<1xf32>
        %parallel_loop3A_1183 = arith.index_cast %parallel_loop3A_1107 : i32 to index
        %parallel_loop3A_1184 = arith.constant 112 : index
        %parallel_loop3A_1185 = tpu.vector_load %arg16[%parallel_loop3A_1183, %parallel_loop3A_1184] {strides = array<i32>} : memref<64x128xf32, #tpu.memory_space<vmem>>, vector<16xf32>,
        %parallel_loop3A_1186 = vector.broadcast %parallel_loop3A_1182 : f32 to vector<16xf32>
        %parallel_loop3A_1187 = arith.mulf %parallel_loop3A_1186, %parallel_loop3A_1185 : vector<16xf32>
        %parallel_loop3A_1188 = arith.index_cast %parallel_loop3A_1107 : i32 to index
        %parallel_loop3A_1189 = arith.constant 112 : index
        %parallel_loop3A_1190 = tpu.vector_load %arg22[%parallel_loop3A_1188, %parallel_loop3A_1189] {strides = array<i32>} : memref<64x136xf32, #tpu.memory_space<vmem>>, vector<16xf32>,
        tpu.vector_store %arg22[%parallel_loop3A_1188, %parallel_loop3A_1189], %parallel_loop3A_1187 {strides = array<i32>} : memref<64x136xf32, #tpu.memory_space<vmem>>, vector<16xf32>,
      } {sc.loop_unroll_factor = 16 : i64, sc.parallel_access}
      "tpu.region"() ({
        %run_scoped3A = tpu.sem_alloc : memref<!tpu.dma_semaphore, #tpu.memory_space<semaphore_mem>>
        %dma_start3A_1107 = arith.constant 0 : i32
        %dma_start3A_1108 = arith.constant 0 : i32
        %dma_start3A_1109 = tpu.memref_slice %arg9[%dma_start3A_1107, %dma_start3A_1108] : memref<10112x136xf32, #tpu.memory_space<vmem_shared>> -> memref<10112x136xf32, #tpu.memory_space<vmem_shared>>
        tpu.enqueue_indirect_dma source(%arg22 : memref<64x136xf32, #tpu.memory_space<vmem>>) target(%dma_start3A_1109 : memref<10112x136xf32, #tpu.memory_space<vmem_shared>>) offsets(%arg14 : memref<64xi32, #tpu.memory_space<vmem>>) semaphore(%run_scoped3A : memref<!tpu.dma_semaphore, #tpu.memory_space<semaphore_mem>>) {add = true}
        %dma_wait3A_1110 = arith.constant 0 : i32
        %dma_wait3A_1111 = arith.constant 0 : i32
        %dma_wait3A_1112 = tpu.memref_slice %arg9[%dma_wait3A_1110, %dma_wait3A_1111] : memref<10112x136xf32, #tpu.memory_space<vmem_shared>> -> memref<10112x136xf32, #tpu.memory_space<vmem_shared>>
        tpu.wait_indirect_dma semaphore(%run_scoped3A : memref<!tpu.dma_semaphore, #tpu.memory_space<semaphore_mem>>) src(%arg22 : memref<64x136xf32, #tpu.memory_space<vmem>>) dst(%dma_wait3A_1112 : memref<10112x136xf32, #tpu.memory_space<vmem_shared>>)
        tpu.yield
      }) : () -> ()
      %mul3A_568 = arith.constant 2 : i32
      %mul3A_569 = arith.muli %scan3A_40, %mul3A_568 : i32
      %add3A_570 = arith.constant 1 : i32
      %add3A_571 = arith.addi %mul3A_569, %add3A_570 : i32
      %dma_wait3A_572 = arith.constant 0 : i32
      %dma_wait3A_573 = arith.constant 0 : i32
      %dma_wait3A_574 = tpu.memref_slice %arg3[%dma_wait3A_572, %dma_wait3A_573] : memref<10000x16xf32, #tpu.memory_space<hbm>> -> memref<10000x16xf32, #tpu.memory_space<hbm>>
      tpu.wait_indirect_dma semaphore(%arg29 : memref<!tpu.dma_semaphore, #tpu.memory_space<semaphore_mem>>) src(%dma_wait3A_574 : memref<10000x16xf32, #tpu.memory_space<hbm>>) dst(%arg19 : memref<64x16xf32, #tpu.memory_space<vmem>>)
      %dma_wait3A_575 = arith.constant 0 : i32
      %dma_wait3A_576 = arith.constant 0 : i32
      %dma_wait3A_577 = tpu.memref_slice %arg4[%dma_wait3A_575, %dma_wait3A_576] : memref<10112x16xf32, #tpu.memory_space<hbm>> -> memref<10112x16xf32, #tpu.memory_space<hbm>>
      tpu.wait_indirect_dma semaphore(%arg31 : memref<!tpu.dma_semaphore, #tpu.memory_space<semaphore_mem>>) src(%dma_wait3A_577 : memref<10112x16xf32, #tpu.memory_space<hbm>>) dst(%arg21 : memref<64x16xf32, #tpu.memory_space<vmem>>)
      %dma_wait3A_578 = arith.constant 0 : i32
      %dma_wait3A_579 = arith.constant 0 : i32
      %dma_wait3A_580 = tpu.memref_slice %arg2[%dma_wait3A_578, %dma_wait3A_579] : memref<10000x128xf32, #tpu.memory_space<hbm>> -> memref<10000x128xf32, #tpu.memory_space<hbm>>
      tpu.wait_indirect_dma semaphore(%arg27 : memref<!tpu.dma_semaphore, #tpu.memory_space<semaphore_mem>>) src(%dma_wait3A_580 : memref<10000x128xf32, #tpu.memory_space<hbm>>) dst(%arg17 : memref<64x128xf32, #tpu.memory_space<vmem>>)
      %get3A_581 = arith.constant 0 : index
      %get3A_582 = tpu.vector_load %arg13[%get3A_581] {strides = array<i32>} : memref<64xi32, #tpu.memory_space<vmem>>, vector<16xi32>,
      %swap3A_583 = arith.constant 0 : index
      %swap3A_584 = tpu.vector_load %arg15[%swap3A_583] {strides = array<i32>} : memref<64xi32, #tpu.memory_space<vmem>>, vector<16xi32>,
      tpu.vector_store %arg15[%swap3A_583], %get3A_582 {strides = array<i32>} : memref<64xi32, #tpu.memory_space<vmem>>, vector<16xi32>,
      %get3A_585 = arith.constant 16 : index
      %get3A_586 = tpu.vector_load %arg13[%get3A_585] {strides = array<i32>} : memref<64xi32, #tpu.memory_space<vmem>>, vector<16xi32>,
      %swap3A_587 = arith.constant 16 : index
      %swap3A_588 = tpu.vector_load %arg15[%swap3A_587] {strides = array<i32>} : memref<64xi32, #tpu.memory_space<vmem>>, vector<16xi32>,
      tpu.vector_store %arg15[%swap3A_587], %get3A_586 {strides = array<i32>} : memref<64xi32, #tpu.memory_space<vmem>>, vector<16xi32>,
      %get3A_589 = arith.constant 32 : index
      %get3A_590 = tpu.vector_load %arg13[%get3A_589] {strides = array<i32>} : memref<64xi32, #tpu.memory_space<vmem>>, vector<16xi32>,
      %swap3A_591 = arith.constant 32 : index
      %swap3A_592 = tpu.vector_load %arg15[%swap3A_591] {strides = array<i32>} : memref<64xi32, #tpu.memory_space<vmem>>, vector<16xi32>,
      tpu.vector_store %arg15[%swap3A_591], %get3A_590 {strides = array<i32>} : memref<64xi32, #tpu.memory_space<vmem>>, vector<16xi32>,
      %get3A_593 = arith.constant 48 : index
      %get3A_594 = tpu.vector_load %arg13[%get3A_593] {strides = array<i32>} : memref<64xi32, #tpu.memory_space<vmem>>, vector<16xi32>,
      %swap3A_595 = arith.constant 48 : index
      %swap3A_596 = tpu.vector_load %arg15[%swap3A_595] {strides = array<i32>} : memref<64xi32, #tpu.memory_space<vmem>>, vector<16xi32>,
      tpu.vector_store %arg15[%swap3A_595], %get3A_594 {strides = array<i32>} : memref<64xi32, #tpu.memory_space<vmem>>, vector<16xi32>,
      %add3A_597 = arith.constant 1 : i32
      %add3A_598 = arith.addi %add3A_571, %add3A_597 : i32
      %lt3A_599 = arith.constant 162 : i32
      %lt3A_600 = arith.cmpi slt, %add3A_598, %lt3A_599 : i32
      %convert_element_type3A_601 = arith.extui %lt3A_600 : i1 to i32
      %cond3A_602 = arith.constant 0 : i32
      %cond3A_603 = arith.cmpi ne, %convert_element_type3A_601, %cond3A_602 : i32
      scf.if %cond3A_603 {
        %add3A_1107 = arith.constant 1 : i32
        %add3A_1108 = arith.addi %add3A_571, %add3A_1107 : i32
        %mul3A_1109 = arith.constant 64 : i32
        %mul3A_1110 = arith.muli %add3A_1108, %mul3A_1109 : i32
        %add3A_1111 = arith.addi %mul3A_4, %mul3A_1110 : i32
        %dma_wait3A_1112 = tpu.memref_slice %arg5[%add3A_1111] : memref<331776xi32, #tpu.memory_space<hbm>> -> memref<64xi32, #tpu.memory_space<hbm>>
        %dma_wait3A_1113 = tpu.memref_slice %arg5[%add3A_1111] : memref<331776xi32, #tpu.memory_space<hbm>> -> memref<64xi32, #tpu.memory_space<hbm>>
        tpu.wait_dma2 semaphore(%arg24 : memref<!tpu.dma_semaphore, #tpu.memory_space<semaphore_mem>>) src(%dma_wait3A_1113 : memref<64xi32, #tpu.memory_space<hbm>>) dst(%arg10 : memref<64xi32, #tpu.memory_space<vmem>>)
        %dma_wait3A_1114 = tpu.memref_slice %arg6[%add3A_1111] : memref<331776xi32, #tpu.memory_space<hbm>> -> memref<64xi32, #tpu.memory_space<hbm>>
        %dma_wait3A_1115 = tpu.memref_slice %arg6[%add3A_1111] : memref<331776xi32, #tpu.memory_space<hbm>> -> memref<64xi32, #tpu.memory_space<hbm>>
        tpu.wait_dma2 semaphore(%arg24 : memref<!tpu.dma_semaphore, #tpu.memory_space<semaphore_mem>>) src(%dma_wait3A_1115 : memref<64xi32, #tpu.memory_space<hbm>>) dst(%arg12 : memref<64xi32, #tpu.memory_space<vmem>>)
        %dma_start3A_1116 = arith.constant 0 : i32
        %dma_start3A_1117 = arith.constant 0 : i32
        %dma_start3A_1118 = tpu.memref_slice %arg2[%dma_start3A_1116, %dma_start3A_1117] : memref<10000x128xf32, #tpu.memory_space<hbm>> -> memref<10000x128xf32, #tpu.memory_space<hbm>>
        tpu.enqueue_indirect_dma source(%dma_start3A_1118 : memref<10000x128xf32, #tpu.memory_space<hbm>>) target(%arg16 : memref<64x128xf32, #tpu.memory_space<vmem>>) offsets(%arg10 : memref<64xi32, #tpu.memory_space<vmem>>) semaphore(%arg26 : memref<!tpu.dma_semaphore, #tpu.memory_space<semaphore_mem>>)
        %dma_start3A_1119 = arith.constant 0 : i32
        %dma_start3A_1120 = arith.constant 0 : i32
        %dma_start3A_1121 = tpu.memref_slice %arg3[%dma_start3A_1119, %dma_start3A_1120] : memref<10000x16xf32, #tpu.memory_space<hbm>> -> memref<10000x16xf32, #tpu.memory_space<hbm>>
        tpu.enqueue_indirect_dma source(%dma_start3A_1121 : memref<10000x16xf32, #tpu.memory_space<hbm>>) target(%arg18 : memref<64x16xf32, #tpu.memory_space<vmem>>) offsets(%arg10 : memref<64xi32, #tpu.memory_space<vmem>>) semaphore(%arg28 : memref<!tpu.dma_semaphore, #tpu.memory_space<semaphore_mem>>)
        %dma_start3A_1122 = arith.constant 0 : i32
        %dma_start3A_1123 = arith.constant 0 : i32
        %dma_start3A_1124 = tpu.memref_slice %arg4[%dma_start3A_1122, %dma_start3A_1123] : memref<10112x16xf32, #tpu.memory_space<hbm>> -> memref<10112x16xf32, #tpu.memory_space<hbm>>
        tpu.enqueue_indirect_dma source(%dma_start3A_1124 : memref<10112x16xf32, #tpu.memory_space<hbm>>) target(%arg20 : memref<64x16xf32, #tpu.memory_space<vmem>>) offsets(%arg12 : memref<64xi32, #tpu.memory_space<vmem>>) semaphore(%arg30 : memref<!tpu.dma_semaphore, #tpu.memory_space<semaphore_mem>>)
      } else {
      }
      %add3A_604 = arith.constant 2 : i32
      %add3A_605 = arith.addi %add3A_571, %add3A_604 : i32
      %lt3A_606 = arith.constant 162 : i32
      %lt3A_607 = arith.cmpi slt, %add3A_605, %lt3A_606 : i32
      %convert_element_type3A_608 = arith.extui %lt3A_607 : i1 to i32
      %cond3A_609 = arith.constant 0 : i32
      %cond3A_610 = arith.cmpi ne, %convert_element_type3A_608, %cond3A_609 : i32
      scf.if %cond3A_610 {
        %add3A_1107 = arith.constant 2 : i32
        %add3A_1108 = arith.addi %add3A_571, %add3A_1107 : i32
        %mul3A_1109 = arith.constant 64 : i32
        %mul3A_1110 = arith.muli %add3A_1108, %mul3A_1109 : i32
        %add3A_1111 = arith.addi %mul3A_4, %mul3A_1110 : i32
        %dma_start3A_1112 = tpu.memref_slice %arg5[%add3A_1111] : memref<331776xi32, #tpu.memory_space<hbm>> -> memref<64xi32, #tpu.memory_space<hbm>>
        %dma_start3A_1113 = tpu.memref_slice %arg5[%add3A_1111] : memref<331776xi32, #tpu.memory_space<hbm>> -> memref<64xi32, #tpu.memory_space<hbm>>
        tpu.enqueue_dma source(%dma_start3A_1113 : memref<64xi32, #tpu.memory_space<hbm>>) target(%arg11 : memref<64xi32, #tpu.memory_space<vmem>>) target_semaphore(%arg25 : memref<!tpu.dma_semaphore, #tpu.memory_space<semaphore_mem>>)
        %dma_start3A_1114 = tpu.memref_slice %arg6[%add3A_1111] : memref<331776xi32, #tpu.memory_space<hbm>> -> memref<64xi32, #tpu.memory_space<hbm>>
        %dma_start3A_1115 = tpu.memref_slice %arg6[%add3A_1111] : memref<331776xi32, #tpu.memory_space<hbm>> -> memref<64xi32, #tpu.memory_space<hbm>>
        tpu.enqueue_dma source(%dma_start3A_1115 : memref<64xi32, #tpu.memory_space<hbm>>) target(%arg13 : memref<64xi32, #tpu.memory_space<vmem>>) target_semaphore(%arg25 : memref<!tpu.dma_semaphore, #tpu.memory_space<semaphore_mem>>)
      } else {
      }
      %iota3A_611 = tpu.iota {dimensions = array<i32: 0>} : vector<16xi32>
      %add3A_612 = arith.constant 0 : i32
      %add3A_613 = vector.broadcast %add3A_612 : i32 to vector<16xi32>
      %add3A_614 = arith.addi %iota3A_611, %add3A_613 : vector<16xi32>
      %broadcast_in_dim3A_615 = arith.constant 0 : i32
      %broadcast_in_dim3A_616 = vector.broadcast %broadcast_in_dim3A_615 : i32 to vector<16xi32>
      %gather3A_617 = tpu.vector_load_idx %arg19[%add3A_614, %broadcast_in_dim3A_616] : memref<64x16xf32, #tpu.memory_space<vmem>>[vector<16xi32>, vector<16xi32>], vector<16xf32>,
      %gather3A_618 = tpu.vector_load_idx %arg21[%add3A_614, %broadcast_in_dim3A_616] : memref<64x16xf32, #tpu.memory_space<vmem>>[vector<16xi32>, vector<16xi32>], vector<16xf32>,
      %add3A_619 = arith.addf %gather3A_617, %gather3A_618 : vector<16xf32>
      %gt3A_620 = arith.constant 0.000000e+00 : f32
      %gt3A_621 = vector.broadcast %gt3A_620 : f32 to vector<16xf32>
      %gt3A_622 = arith.cmpf ogt, %add3A_619, %gt3A_621 : vector<16xf32>
      %mul3A_623 = arith.constant 2.000000e-01 : f32
      %mul3A_624 = vector.broadcast %mul3A_623 : f32 to vector<16xf32>
      %mul3A_625 = arith.mulf %mul3A_624, %add3A_619 : vector<16xf32>
      %select_n3A_626 = arith.select %gt3A_622, %add3A_619, %mul3A_625 : vector<16xi1>, vector<16xf32>
      %exp3A_627 = math.exp %select_n3A_626 : vector<16xf32>
      %broadcast_in_dim3A_628 = arith.constant 128 : i32
      %broadcast_in_dim3A_629 = vector.broadcast %broadcast_in_dim3A_628 : i32 to vector<16xi32>
      tpu.vector_store_idx %arg23[%add3A_614, %broadcast_in_dim3A_629], %exp3A_627 : memref<64x136xf32, #tpu.memory_space<vmem>>[vector<16xi32>, vector<16xi32>], vector<16xf32>,
      %broadcast_in_dim3A_630 = arith.constant 1 : i32
      %broadcast_in_dim3A_631 = vector.broadcast %broadcast_in_dim3A_630 : i32 to vector<16xi32>
      %gather3A_632 = tpu.vector_load_idx %arg19[%add3A_614, %broadcast_in_dim3A_631] : memref<64x16xf32, #tpu.memory_space<vmem>>[vector<16xi32>, vector<16xi32>], vector<16xf32>,
      %gather3A_633 = tpu.vector_load_idx %arg21[%add3A_614, %broadcast_in_dim3A_631] : memref<64x16xf32, #tpu.memory_space<vmem>>[vector<16xi32>, vector<16xi32>], vector<16xf32>,
      %add3A_634 = arith.addf %gather3A_632, %gather3A_633 : vector<16xf32>
      %gt3A_635 = arith.constant 0.000000e+00 : f32
      %gt3A_636 = vector.broadcast %gt3A_635 : f32 to vector<16xf32>
      %gt3A_637 = arith.cmpf ogt, %add3A_634, %gt3A_636 : vector<16xf32>
      %mul3A_638 = arith.constant 2.000000e-01 : f32
      %mul3A_639 = vector.broadcast %mul3A_638 : f32 to vector<16xf32>
      %mul3A_640 = arith.mulf %mul3A_639, %add3A_634 : vector<16xf32>
      %select_n3A_641 = arith.select %gt3A_637, %add3A_634, %mul3A_640 : vector<16xi1>, vector<16xf32>
      %exp3A_642 = math.exp %select_n3A_641 : vector<16xf32>
      %broadcast_in_dim3A_643 = arith.constant 129 : i32
      %broadcast_in_dim3A_644 = vector.broadcast %broadcast_in_dim3A_643 : i32 to vector<16xi32>
      tpu.vector_store_idx %arg23[%add3A_614, %broadcast_in_dim3A_644], %exp3A_642 : memref<64x136xf32, #tpu.memory_space<vmem>>[vector<16xi32>, vector<16xi32>], vector<16xf32>,
      %broadcast_in_dim3A_645 = arith.constant 2 : i32
      %broadcast_in_dim3A_646 = vector.broadcast %broadcast_in_dim3A_645 : i32 to vector<16xi32>
      %gather3A_647 = tpu.vector_load_idx %arg19[%add3A_614, %broadcast_in_dim3A_646] : memref<64x16xf32, #tpu.memory_space<vmem>>[vector<16xi32>, vector<16xi32>], vector<16xf32>,
      %gather3A_648 = tpu.vector_load_idx %arg21[%add3A_614, %broadcast_in_dim3A_646] : memref<64x16xf32, #tpu.memory_space<vmem>>[vector<16xi32>, vector<16xi32>], vector<16xf32>,
      %add3A_649 = arith.addf %gather3A_647, %gather3A_648 : vector<16xf32>
      %gt3A_650 = arith.constant 0.000000e+00 : f32
      %gt3A_651 = vector.broadcast %gt3A_650 : f32 to vector<16xf32>
      %gt3A_652 = arith.cmpf ogt, %add3A_649, %gt3A_651 : vector<16xf32>
      %mul3A_653 = arith.constant 2.000000e-01 : f32
      %mul3A_654 = vector.broadcast %mul3A_653 : f32 to vector<16xf32>
      %mul3A_655 = arith.mulf %mul3A_654, %add3A_649 : vector<16xf32>
      %select_n3A_656 = arith.select %gt3A_652, %add3A_649, %mul3A_655 : vector<16xi1>, vector<16xf32>
      %exp3A_657 = math.exp %select_n3A_656 : vector<16xf32>
      %broadcast_in_dim3A_658 = arith.constant 130 : i32
      %broadcast_in_dim3A_659 = vector.broadcast %broadcast_in_dim3A_658 : i32 to vector<16xi32>
      tpu.vector_store_idx %arg23[%add3A_614, %broadcast_in_dim3A_659], %exp3A_657 : memref<64x136xf32, #tpu.memory_space<vmem>>[vector<16xi32>, vector<16xi32>], vector<16xf32>,
      %broadcast_in_dim3A_660 = arith.constant 3 : i32
      %broadcast_in_dim3A_661 = vector.broadcast %broadcast_in_dim3A_660 : i32 to vector<16xi32>
      %gather3A_662 = tpu.vector_load_idx %arg19[%add3A_614, %broadcast_in_dim3A_661] : memref<64x16xf32, #tpu.memory_space<vmem>>[vector<16xi32>, vector<16xi32>], vector<16xf32>,
      %gather3A_663 = tpu.vector_load_idx %arg21[%add3A_614, %broadcast_in_dim3A_661] : memref<64x16xf32, #tpu.memory_space<vmem>>[vector<16xi32>, vector<16xi32>], vector<16xf32>,
      %add3A_664 = arith.addf %gather3A_662, %gather3A_663 : vector<16xf32>
      %gt3A_665 = arith.constant 0.000000e+00 : f32
      %gt3A_666 = vector.broadcast %gt3A_665 : f32 to vector<16xf32>
      %gt3A_667 = arith.cmpf ogt, %add3A_664, %gt3A_666 : vector<16xf32>
      %mul3A_668 = arith.constant 2.000000e-01 : f32
      %mul3A_669 = vector.broadcast %mul3A_668 : f32 to vector<16xf32>
      %mul3A_670 = arith.mulf %mul3A_669, %add3A_664 : vector<16xf32>
      %select_n3A_671 = arith.select %gt3A_667, %add3A_664, %mul3A_670 : vector<16xi1>, vector<16xf32>
      %exp3A_672 = math.exp %select_n3A_671 : vector<16xf32>
      %broadcast_in_dim3A_673 = arith.constant 131 : i32
      %broadcast_in_dim3A_674 = vector.broadcast %broadcast_in_dim3A_673 : i32 to vector<16xi32>
      tpu.vector_store_idx %arg23[%add3A_614, %broadcast_in_dim3A_674], %exp3A_672 : memref<64x136xf32, #tpu.memory_space<vmem>>[vector<16xi32>, vector<16xi32>], vector<16xf32>,
      %broadcast_in_dim3A_675 = arith.constant 4 : i32
      %broadcast_in_dim3A_676 = vector.broadcast %broadcast_in_dim3A_675 : i32 to vector<16xi32>
      %gather3A_677 = tpu.vector_load_idx %arg19[%add3A_614, %broadcast_in_dim3A_676] : memref<64x16xf32, #tpu.memory_space<vmem>>[vector<16xi32>, vector<16xi32>], vector<16xf32>,
      %gather3A_678 = tpu.vector_load_idx %arg21[%add3A_614, %broadcast_in_dim3A_676] : memref<64x16xf32, #tpu.memory_space<vmem>>[vector<16xi32>, vector<16xi32>], vector<16xf32>,
      %add3A_679 = arith.addf %gather3A_677, %gather3A_678 : vector<16xf32>
      %gt3A_680 = arith.constant 0.000000e+00 : f32
      %gt3A_681 = vector.broadcast %gt3A_680 : f32 to vector<16xf32>
      %gt3A_682 = arith.cmpf ogt, %add3A_679, %gt3A_681 : vector<16xf32>
      %mul3A_683 = arith.constant 2.000000e-01 : f32
      %mul3A_684 = vector.broadcast %mul3A_683 : f32 to vector<16xf32>
      %mul3A_685 = arith.mulf %mul3A_684, %add3A_679 : vector<16xf32>
      %select_n3A_686 = arith.select %gt3A_682, %add3A_679, %mul3A_685 : vector<16xi1>, vector<16xf32>
      %exp3A_687 = math.exp %select_n3A_686 : vector<16xf32>
      %broadcast_in_dim3A_688 = arith.constant 132 : i32
      %broadcast_in_dim3A_689 = vector.broadcast %broadcast_in_dim3A_688 : i32 to vector<16xi32>
      tpu.vector_store_idx %arg23[%add3A_614, %broadcast_in_dim3A_689], %exp3A_687 : memref<64x136xf32, #tpu.memory_space<vmem>>[vector<16xi32>, vector<16xi32>], vector<16xf32>,
      %broadcast_in_dim3A_690 = arith.constant 5 : i32
      %broadcast_in_dim3A_691 = vector.broadcast %broadcast_in_dim3A_690 : i32 to vector<16xi32>
      %gather3A_692 = tpu.vector_load_idx %arg19[%add3A_614, %broadcast_in_dim3A_691] : memref<64x16xf32, #tpu.memory_space<vmem>>[vector<16xi32>, vector<16xi32>], vector<16xf32>,
      %gather3A_693 = tpu.vector_load_idx %arg21[%add3A_614, %broadcast_in_dim3A_691] : memref<64x16xf32, #tpu.memory_space<vmem>>[vector<16xi32>, vector<16xi32>], vector<16xf32>,
      %add3A_694 = arith.addf %gather3A_692, %gather3A_693 : vector<16xf32>
      %gt3A_695 = arith.constant 0.000000e+00 : f32
      %gt3A_696 = vector.broadcast %gt3A_695 : f32 to vector<16xf32>
      %gt3A_697 = arith.cmpf ogt, %add3A_694, %gt3A_696 : vector<16xf32>
      %mul3A_698 = arith.constant 2.000000e-01 : f32
      %mul3A_699 = vector.broadcast %mul3A_698 : f32 to vector<16xf32>
      %mul3A_700 = arith.mulf %mul3A_699, %add3A_694 : vector<16xf32>
      %select_n3A_701 = arith.select %gt3A_697, %add3A_694, %mul3A_700 : vector<16xi1>, vector<16xf32>
      %exp3A_702 = math.exp %select_n3A_701 : vector<16xf32>
      %broadcast_in_dim3A_703 = arith.constant 133 : i32
      %broadcast_in_dim3A_704 = vector.broadcast %broadcast_in_dim3A_703 : i32 to vector<16xi32>
      tpu.vector_store_idx %arg23[%add3A_614, %broadcast_in_dim3A_704], %exp3A_702 : memref<64x136xf32, #tpu.memory_space<vmem>>[vector<16xi32>, vector<16xi32>], vector<16xf32>,
      %broadcast_in_dim3A_705 = arith.constant 6 : i32
      %broadcast_in_dim3A_706 = vector.broadcast %broadcast_in_dim3A_705 : i32 to vector<16xi32>
      %gather3A_707 = tpu.vector_load_idx %arg19[%add3A_614, %broadcast_in_dim3A_706] : memref<64x16xf32, #tpu.memory_space<vmem>>[vector<16xi32>, vector<16xi32>], vector<16xf32>,
      %gather3A_708 = tpu.vector_load_idx %arg21[%add3A_614, %broadcast_in_dim3A_706] : memref<64x16xf32, #tpu.memory_space<vmem>>[vector<16xi32>, vector<16xi32>], vector<16xf32>,
      %add3A_709 = arith.addf %gather3A_707, %gather3A_708 : vector<16xf32>
      %gt3A_710 = arith.constant 0.000000e+00 : f32
      %gt3A_711 = vector.broadcast %gt3A_710 : f32 to vector<16xf32>
      %gt3A_712 = arith.cmpf ogt, %add3A_709, %gt3A_711 : vector<16xf32>
      %mul3A_713 = arith.constant 2.000000e-01 : f32
      %mul3A_714 = vector.broadcast %mul3A_713 : f32 to vector<16xf32>
      %mul3A_715 = arith.mulf %mul3A_714, %add3A_709 : vector<16xf32>
      %select_n3A_716 = arith.select %gt3A_712, %add3A_709, %mul3A_715 : vector<16xi1>, vector<16xf32>
      %exp3A_717 = math.exp %select_n3A_716 : vector<16xf32>
      %broadcast_in_dim3A_718 = arith.constant 134 : i32
      %broadcast_in_dim3A_719 = vector.broadcast %broadcast_in_dim3A_718 : i32 to vector<16xi32>
      tpu.vector_store_idx %arg23[%add3A_614, %broadcast_in_dim3A_719], %exp3A_717 : memref<64x136xf32, #tpu.memory_space<vmem>>[vector<16xi32>, vector<16xi32>], vector<16xf32>,
      %broadcast_in_dim3A_720 = arith.constant 7 : i32
      %broadcast_in_dim3A_721 = vector.broadcast %broadcast_in_dim3A_720 : i32 to vector<16xi32>
      %gather3A_722 = tpu.vector_load_idx %arg19[%add3A_614, %broadcast_in_dim3A_721] : memref<64x16xf32, #tpu.memory_space<vmem>>[vector<16xi32>, vector<16xi32>], vector<16xf32>,
      %gather3A_723 = tpu.vector_load_idx %arg21[%add3A_614, %broadcast_in_dim3A_721] : memref<64x16xf32, #tpu.memory_space<vmem>>[vector<16xi32>, vector<16xi32>], vector<16xf32>,
      %add3A_724 = arith.addf %gather3A_722, %gather3A_723 : vector<16xf32>
      %gt3A_725 = arith.constant 0.000000e+00 : f32
      %gt3A_726 = vector.broadcast %gt3A_725 : f32 to vector<16xf32>
      %gt3A_727 = arith.cmpf ogt, %add3A_724, %gt3A_726 : vector<16xf32>
      %mul3A_728 = arith.constant 2.000000e-01 : f32
      %mul3A_729 = vector.broadcast %mul3A_728 : f32 to vector<16xf32>
      %mul3A_730 = arith.mulf %mul3A_729, %add3A_724 : vector<16xf32>
      %select_n3A_731 = arith.select %gt3A_727, %add3A_724, %mul3A_730 : vector<16xi1>, vector<16xf32>
      %exp3A_732 = math.exp %select_n3A_731 : vector<16xf32>
      %broadcast_in_dim3A_733 = arith.constant 135 : i32
      %broadcast_in_dim3A_734 = vector.broadcast %broadcast_in_dim3A_733 : i32 to vector<16xi32>
      tpu.vector_store_idx %arg23[%add3A_614, %broadcast_in_dim3A_734], %exp3A_732 : memref<64x136xf32, #tpu.memory_space<vmem>>[vector<16xi32>, vector<16xi32>], vector<16xf32>,
      %add3A_735 = arith.constant 16 : i32
      %add3A_736 = vector.broadcast %add3A_735 : i32 to vector<16xi32>
      %add3A_737 = arith.addi %iota3A_611, %add3A_736 : vector<16xi32>
      %broadcast_in_dim3A_738 = arith.constant 0 : i32
      %broadcast_in_dim3A_739 = vector.broadcast %broadcast_in_dim3A_738 : i32 to vector<16xi32>
      %gather3A_740 = tpu.vector_load_idx %arg19[%add3A_737, %broadcast_in_dim3A_739] : memref<64x16xf32, #tpu.memory_space<vmem>>[vector<16xi32>, vector<16xi32>], vector<16xf32>,
      %gather3A_741 = tpu.vector_load_idx %arg21[%add3A_737, %broadcast_in_dim3A_739] : memref<64x16xf32, #tpu.memory_space<vmem>>[vector<16xi32>, vector<16xi32>], vector<16xf32>,
      %add3A_742 = arith.addf %gather3A_740, %gather3A_741 : vector<16xf32>
      %gt3A_743 = arith.constant 0.000000e+00 : f32
      %gt3A_744 = vector.broadcast %gt3A_743 : f32 to vector<16xf32>
      %gt3A_745 = arith.cmpf ogt, %add3A_742, %gt3A_744 : vector<16xf32>
      %mul3A_746 = arith.constant 2.000000e-01 : f32
      %mul3A_747 = vector.broadcast %mul3A_746 : f32 to vector<16xf32>
      %mul3A_748 = arith.mulf %mul3A_747, %add3A_742 : vector<16xf32>
      %select_n3A_749 = arith.select %gt3A_745, %add3A_742, %mul3A_748 : vector<16xi1>, vector<16xf32>
      %exp3A_750 = math.exp %select_n3A_749 : vector<16xf32>
      %broadcast_in_dim3A_751 = arith.constant 128 : i32
      %broadcast_in_dim3A_752 = vector.broadcast %broadcast_in_dim3A_751 : i32 to vector<16xi32>
      tpu.vector_store_idx %arg23[%add3A_737, %broadcast_in_dim3A_752], %exp3A_750 : memref<64x136xf32, #tpu.memory_space<vmem>>[vector<16xi32>, vector<16xi32>], vector<16xf32>,
      %broadcast_in_dim3A_753 = arith.constant 1 : i32
      %broadcast_in_dim3A_754 = vector.broadcast %broadcast_in_dim3A_753 : i32 to vector<16xi32>
      %gather3A_755 = tpu.vector_load_idx %arg19[%add3A_737, %broadcast_in_dim3A_754] : memref<64x16xf32, #tpu.memory_space<vmem>>[vector<16xi32>, vector<16xi32>], vector<16xf32>,
      %gather3A_756 = tpu.vector_load_idx %arg21[%add3A_737, %broadcast_in_dim3A_754] : memref<64x16xf32, #tpu.memory_space<vmem>>[vector<16xi32>, vector<16xi32>], vector<16xf32>,
      %add3A_757 = arith.addf %gather3A_755, %gather3A_756 : vector<16xf32>
      %gt3A_758 = arith.constant 0.000000e+00 : f32
      %gt3A_759 = vector.broadcast %gt3A_758 : f32 to vector<16xf32>
      %gt3A_760 = arith.cmpf ogt, %add3A_757, %gt3A_759 : vector<16xf32>
      %mul3A_761 = arith.constant 2.000000e-01 : f32
      %mul3A_762 = vector.broadcast %mul3A_761 : f32 to vector<16xf32>
      %mul3A_763 = arith.mulf %mul3A_762, %add3A_757 : vector<16xf32>
      %select_n3A_764 = arith.select %gt3A_760, %add3A_757, %mul3A_763 : vector<16xi1>, vector<16xf32>
      %exp3A_765 = math.exp %select_n3A_764 : vector<16xf32>
      %broadcast_in_dim3A_766 = arith.constant 129 : i32
      %broadcast_in_dim3A_767 = vector.broadcast %broadcast_in_dim3A_766 : i32 to vector<16xi32>
      tpu.vector_store_idx %arg23[%add3A_737, %broadcast_in_dim3A_767], %exp3A_765 : memref<64x136xf32, #tpu.memory_space<vmem>>[vector<16xi32>, vector<16xi32>], vector<16xf32>,
      %broadcast_in_dim3A_768 = arith.constant 2 : i32
      %broadcast_in_dim3A_769 = vector.broadcast %broadcast_in_dim3A_768 : i32 to vector<16xi32>
      %gather3A_770 = tpu.vector_load_idx %arg19[%add3A_737, %broadcast_in_dim3A_769] : memref<64x16xf32, #tpu.memory_space<vmem>>[vector<16xi32>, vector<16xi32>], vector<16xf32>,
      %gather3A_771 = tpu.vector_load_idx %arg21[%add3A_737, %broadcast_in_dim3A_769] : memref<64x16xf32, #tpu.memory_space<vmem>>[vector<16xi32>, vector<16xi32>], vector<16xf32>,
      %add3A_772 = arith.addf %gather3A_770, %gather3A_771 : vector<16xf32>
      %gt3A_773 = arith.constant 0.000000e+00 : f32
      %gt3A_774 = vector.broadcast %gt3A_773 : f32 to vector<16xf32>
      %gt3A_775 = arith.cmpf ogt, %add3A_772, %gt3A_774 : vector<16xf32>
      %mul3A_776 = arith.constant 2.000000e-01 : f32
      %mul3A_777 = vector.broadcast %mul3A_776 : f32 to vector<16xf32>
      %mul3A_778 = arith.mulf %mul3A_777, %add3A_772 : vector<16xf32>
      %select_n3A_779 = arith.select %gt3A_775, %add3A_772, %mul3A_778 : vector<16xi1>, vector<16xf32>
      %exp3A_780 = math.exp %select_n3A_779 : vector<16xf32>
      %broadcast_in_dim3A_781 = arith.constant 130 : i32
      %broadcast_in_dim3A_782 = vector.broadcast %broadcast_in_dim3A_781 : i32 to vector<16xi32>
      tpu.vector_store_idx %arg23[%add3A_737, %broadcast_in_dim3A_782], %exp3A_780 : memref<64x136xf32, #tpu.memory_space<vmem>>[vector<16xi32>, vector<16xi32>], vector<16xf32>,
      %broadcast_in_dim3A_783 = arith.constant 3 : i32
      %broadcast_in_dim3A_784 = vector.broadcast %broadcast_in_dim3A_783 : i32 to vector<16xi32>
      %gather3A_785 = tpu.vector_load_idx %arg19[%add3A_737, %broadcast_in_dim3A_784] : memref<64x16xf32, #tpu.memory_space<vmem>>[vector<16xi32>, vector<16xi32>], vector<16xf32>,
      %gather3A_786 = tpu.vector_load_idx %arg21[%add3A_737, %broadcast_in_dim3A_784] : memref<64x16xf32, #tpu.memory_space<vmem>>[vector<16xi32>, vector<16xi32>], vector<16xf32>,
      %add3A_787 = arith.addf %gather3A_785, %gather3A_786 : vector<16xf32>
      %gt3A_788 = arith.constant 0.000000e+00 : f32
      %gt3A_789 = vector.broadcast %gt3A_788 : f32 to vector<16xf32>
      %gt3A_790 = arith.cmpf ogt, %add3A_787, %gt3A_789 : vector<16xf32>
      %mul3A_791 = arith.constant 2.000000e-01 : f32
      %mul3A_792 = vector.broadcast %mul3A_791 : f32 to vector<16xf32>
      %mul3A_793 = arith.mulf %mul3A_792, %add3A_787 : vector<16xf32>
      %select_n3A_794 = arith.select %gt3A_790, %add3A_787, %mul3A_793 : vector<16xi1>, vector<16xf32>
      %exp3A_795 = math.exp %select_n3A_794 : vector<16xf32>
      %broadcast_in_dim3A_796 = arith.constant 131 : i32
      %broadcast_in_dim3A_797 = vector.broadcast %broadcast_in_dim3A_796 : i32 to vector<16xi32>
      tpu.vector_store_idx %arg23[%add3A_737, %broadcast_in_dim3A_797], %exp3A_795 : memref<64x136xf32, #tpu.memory_space<vmem>>[vector<16xi32>, vector<16xi32>], vector<16xf32>,
      %broadcast_in_dim3A_798 = arith.constant 4 : i32
      %broadcast_in_dim3A_799 = vector.broadcast %broadcast_in_dim3A_798 : i32 to vector<16xi32>
      %gather3A_800 = tpu.vector_load_idx %arg19[%add3A_737, %broadcast_in_dim3A_799] : memref<64x16xf32, #tpu.memory_space<vmem>>[vector<16xi32>, vector<16xi32>], vector<16xf32>,
      %gather3A_801 = tpu.vector_load_idx %arg21[%add3A_737, %broadcast_in_dim3A_799] : memref<64x16xf32, #tpu.memory_space<vmem>>[vector<16xi32>, vector<16xi32>], vector<16xf32>,
      %add3A_802 = arith.addf %gather3A_800, %gather3A_801 : vector<16xf32>
      %gt3A_803 = arith.constant 0.000000e+00 : f32
      %gt3A_804 = vector.broadcast %gt3A_803 : f32 to vector<16xf32>
      %gt3A_805 = arith.cmpf ogt, %add3A_802, %gt3A_804 : vector<16xf32>
      %mul3A_806 = arith.constant 2.000000e-01 : f32
      %mul3A_807 = vector.broadcast %mul3A_806 : f32 to vector<16xf32>
      %mul3A_808 = arith.mulf %mul3A_807, %add3A_802 : vector<16xf32>
      %select_n3A_809 = arith.select %gt3A_805, %add3A_802, %mul3A_808 : vector<16xi1>, vector<16xf32>
      %exp3A_810 = math.exp %select_n3A_809 : vector<16xf32>
      %broadcast_in_dim3A_811 = arith.constant 132 : i32
      %broadcast_in_dim3A_812 = vector.broadcast %broadcast_in_dim3A_811 : i32 to vector<16xi32>
      tpu.vector_store_idx %arg23[%add3A_737, %broadcast_in_dim3A_812], %exp3A_810 : memref<64x136xf32, #tpu.memory_space<vmem>>[vector<16xi32>, vector<16xi32>], vector<16xf32>,
      %broadcast_in_dim3A_813 = arith.constant 5 : i32
      %broadcast_in_dim3A_814 = vector.broadcast %broadcast_in_dim3A_813 : i32 to vector<16xi32>
      %gather3A_815 = tpu.vector_load_idx %arg19[%add3A_737, %broadcast_in_dim3A_814] : memref<64x16xf32, #tpu.memory_space<vmem>>[vector<16xi32>, vector<16xi32>], vector<16xf32>,
      %gather3A_816 = tpu.vector_load_idx %arg21[%add3A_737, %broadcast_in_dim3A_814] : memref<64x16xf32, #tpu.memory_space<vmem>>[vector<16xi32>, vector<16xi32>], vector<16xf32>,
      %add3A_817 = arith.addf %gather3A_815, %gather3A_816 : vector<16xf32>
      %gt3A_818 = arith.constant 0.000000e+00 : f32
      %gt3A_819 = vector.broadcast %gt3A_818 : f32 to vector<16xf32>
      %gt3A_820 = arith.cmpf ogt, %add3A_817, %gt3A_819 : vector<16xf32>
      %mul3A_821 = arith.constant 2.000000e-01 : f32
      %mul3A_822 = vector.broadcast %mul3A_821 : f32 to vector<16xf32>
      %mul3A_823 = arith.mulf %mul3A_822, %add3A_817 : vector<16xf32>
      %select_n3A_824 = arith.select %gt3A_820, %add3A_817, %mul3A_823 : vector<16xi1>, vector<16xf32>
      %exp3A_825 = math.exp %select_n3A_824 : vector<16xf32>
      %broadcast_in_dim3A_826 = arith.constant 133 : i32
      %broadcast_in_dim3A_827 = vector.broadcast %broadcast_in_dim3A_826 : i32 to vector<16xi32>
      tpu.vector_store_idx %arg23[%add3A_737, %broadcast_in_dim3A_827], %exp3A_825 : memref<64x136xf32, #tpu.memory_space<vmem>>[vector<16xi32>, vector<16xi32>], vector<16xf32>,
      %broadcast_in_dim3A_828 = arith.constant 6 : i32
      %broadcast_in_dim3A_829 = vector.broadcast %broadcast_in_dim3A_828 : i32 to vector<16xi32>
      %gather3A_830 = tpu.vector_load_idx %arg19[%add3A_737, %broadcast_in_dim3A_829] : memref<64x16xf32, #tpu.memory_space<vmem>>[vector<16xi32>, vector<16xi32>], vector<16xf32>,
      %gather3A_831 = tpu.vector_load_idx %arg21[%add3A_737, %broadcast_in_dim3A_829] : memref<64x16xf32, #tpu.memory_space<vmem>>[vector<16xi32>, vector<16xi32>], vector<16xf32>,
      %add3A_832 = arith.addf %gather3A_830, %gather3A_831 : vector<16xf32>
      %gt3A_833 = arith.constant 0.000000e+00 : f32
      %gt3A_834 = vector.broadcast %gt3A_833 : f32 to vector<16xf32>
      %gt3A_835 = arith.cmpf ogt, %add3A_832, %gt3A_834 : vector<16xf32>
      %mul3A_836 = arith.constant 2.000000e-01 : f32
      %mul3A_837 = vector.broadcast %mul3A_836 : f32 to vector<16xf32>
      %mul3A_838 = arith.mulf %mul3A_837, %add3A_832 : vector<16xf32>
      %select_n3A_839 = arith.select %gt3A_835, %add3A_832, %mul3A_838 : vector<16xi1>, vector<16xf32>
      %exp3A_840 = math.exp %select_n3A_839 : vector<16xf32>
      %broadcast_in_dim3A_841 = arith.constant 134 : i32
      %broadcast_in_dim3A_842 = vector.broadcast %broadcast_in_dim3A_841 : i32 to vector<16xi32>
      tpu.vector_store_idx %arg23[%add3A_737, %broadcast_in_dim3A_842], %exp3A_840 : memref<64x136xf32, #tpu.memory_space<vmem>>[vector<16xi32>, vector<16xi32>], vector<16xf32>,
      %broadcast_in_dim3A_843 = arith.constant 7 : i32
      %broadcast_in_dim3A_844 = vector.broadcast %broadcast_in_dim3A_843 : i32 to vector<16xi32>
      %gather3A_845 = tpu.vector_load_idx %arg19[%add3A_737, %broadcast_in_dim3A_844] : memref<64x16xf32, #tpu.memory_space<vmem>>[vector<16xi32>, vector<16xi32>], vector<16xf32>,
      %gather3A_846 = tpu.vector_load_idx %arg21[%add3A_737, %broadcast_in_dim3A_844] : memref<64x16xf32, #tpu.memory_space<vmem>>[vector<16xi32>, vector<16xi32>], vector<16xf32>,
      %add3A_847 = arith.addf %gather3A_845, %gather3A_846 : vector<16xf32>
      %gt3A_848 = arith.constant 0.000000e+00 : f32
      %gt3A_849 = vector.broadcast %gt3A_848 : f32 to vector<16xf32>
      %gt3A_850 = arith.cmpf ogt, %add3A_847, %gt3A_849 : vector<16xf32>
      %mul3A_851 = arith.constant 2.000000e-01 : f32
      %mul3A_852 = vector.broadcast %mul3A_851 : f32 to vector<16xf32>
      %mul3A_853 = arith.mulf %mul3A_852, %add3A_847 : vector<16xf32>
      %select_n3A_854 = arith.select %gt3A_850, %add3A_847, %mul3A_853 : vector<16xi1>, vector<16xf32>
      %exp3A_855 = math.exp %select_n3A_854 : vector<16xf32>
      %broadcast_in_dim3A_856 = arith.constant 135 : i32
      %broadcast_in_dim3A_857 = vector.broadcast %broadcast_in_dim3A_856 : i32 to vector<16xi32>
      tpu.vector_store_idx %arg23[%add3A_737, %broadcast_in_dim3A_857], %exp3A_855 : memref<64x136xf32, #tpu.memory_space<vmem>>[vector<16xi32>, vector<16xi32>], vector<16xf32>,
      %add3A_858 = arith.constant 32 : i32
      %add3A_859 = vector.broadcast %add3A_858 : i32 to vector<16xi32>
      %add3A_860 = arith.addi %iota3A_611, %add3A_859 : vector<16xi32>
      %broadcast_in_dim3A_861 = arith.constant 0 : i32
      %broadcast_in_dim3A_862 = vector.broadcast %broadcast_in_dim3A_861 : i32 to vector<16xi32>
      %gather3A_863 = tpu.vector_load_idx %arg19[%add3A_860, %broadcast_in_dim3A_862] : memref<64x16xf32, #tpu.memory_space<vmem>>[vector<16xi32>, vector<16xi32>], vector<16xf32>,
      %gather3A_864 = tpu.vector_load_idx %arg21[%add3A_860, %broadcast_in_dim3A_862] : memref<64x16xf32, #tpu.memory_space<vmem>>[vector<16xi32>, vector<16xi32>], vector<16xf32>,
      %add3A_865 = arith.addf %gather3A_863, %gather3A_864 : vector<16xf32>
      %gt3A_866 = arith.constant 0.000000e+00 : f32
      %gt3A_867 = vector.broadcast %gt3A_866 : f32 to vector<16xf32>
      %gt3A_868 = arith.cmpf ogt, %add3A_865, %gt3A_867 : vector<16xf32>
      %mul3A_869 = arith.constant 2.000000e-01 : f32
      %mul3A_870 = vector.broadcast %mul3A_869 : f32 to vector<16xf32>
      %mul3A_871 = arith.mulf %mul3A_870, %add3A_865 : vector<16xf32>
      %select_n3A_872 = arith.select %gt3A_868, %add3A_865, %mul3A_871 : vector<16xi1>, vector<16xf32>
      %exp3A_873 = math.exp %select_n3A_872 : vector<16xf32>
      %broadcast_in_dim3A_874 = arith.constant 128 : i32
      %broadcast_in_dim3A_875 = vector.broadcast %broadcast_in_dim3A_874 : i32 to vector<16xi32>
      tpu.vector_store_idx %arg23[%add3A_860, %broadcast_in_dim3A_875], %exp3A_873 : memref<64x136xf32, #tpu.memory_space<vmem>>[vector<16xi32>, vector<16xi32>], vector<16xf32>,
      %broadcast_in_dim3A_876 = arith.constant 1 : i32
      %broadcast_in_dim3A_877 = vector.broadcast %broadcast_in_dim3A_876 : i32 to vector<16xi32>
      %gather3A_878 = tpu.vector_load_idx %arg19[%add3A_860, %broadcast_in_dim3A_877] : memref<64x16xf32, #tpu.memory_space<vmem>>[vector<16xi32>, vector<16xi32>], vector<16xf32>,
      %gather3A_879 = tpu.vector_load_idx %arg21[%add3A_860, %broadcast_in_dim3A_877] : memref<64x16xf32, #tpu.memory_space<vmem>>[vector<16xi32>, vector<16xi32>], vector<16xf32>,
      %add3A_880 = arith.addf %gather3A_878, %gather3A_879 : vector<16xf32>
      %gt3A_881 = arith.constant 0.000000e+00 : f32
      %gt3A_882 = vector.broadcast %gt3A_881 : f32 to vector<16xf32>
      %gt3A_883 = arith.cmpf ogt, %add3A_880, %gt3A_882 : vector<16xf32>
      %mul3A_884 = arith.constant 2.000000e-01 : f32
      %mul3A_885 = vector.broadcast %mul3A_884 : f32 to vector<16xf32>
      %mul3A_886 = arith.mulf %mul3A_885, %add3A_880 : vector<16xf32>
      %select_n3A_887 = arith.select %gt3A_883, %add3A_880, %mul3A_886 : vector<16xi1>, vector<16xf32>
      %exp3A_888 = math.exp %select_n3A_887 : vector<16xf32>
      %broadcast_in_dim3A_889 = arith.constant 129 : i32
      %broadcast_in_dim3A_890 = vector.broadcast %broadcast_in_dim3A_889 : i32 to vector<16xi32>
      tpu.vector_store_idx %arg23[%add3A_860, %broadcast_in_dim3A_890], %exp3A_888 : memref<64x136xf32, #tpu.memory_space<vmem>>[vector<16xi32>, vector<16xi32>], vector<16xf32>,
      %broadcast_in_dim3A_891 = arith.constant 2 : i32
      %broadcast_in_dim3A_892 = vector.broadcast %broadcast_in_dim3A_891 : i32 to vector<16xi32>
      %gather3A_893 = tpu.vector_load_idx %arg19[%add3A_860, %broadcast_in_dim3A_892] : memref<64x16xf32, #tpu.memory_space<vmem>>[vector<16xi32>, vector<16xi32>], vector<16xf32>,
      %gather3A_894 = tpu.vector_load_idx %arg21[%add3A_860, %broadcast_in_dim3A_892] : memref<64x16xf32, #tpu.memory_space<vmem>>[vector<16xi32>, vector<16xi32>], vector<16xf32>,
      %add3A_895 = arith.addf %gather3A_893, %gather3A_894 : vector<16xf32>
      %gt3A_896 = arith.constant 0.000000e+00 : f32
      %gt3A_897 = vector.broadcast %gt3A_896 : f32 to vector<16xf32>
      %gt3A_898 = arith.cmpf ogt, %add3A_895, %gt3A_897 : vector<16xf32>
      %mul3A_899 = arith.constant 2.000000e-01 : f32
      %mul3A_900 = vector.broadcast %mul3A_899 : f32 to vector<16xf32>
      %mul3A_901 = arith.mulf %mul3A_900, %add3A_895 : vector<16xf32>
      %select_n3A_902 = arith.select %gt3A_898, %add3A_895, %mul3A_901 : vector<16xi1>, vector<16xf32>
      %exp3A_903 = math.exp %select_n3A_902 : vector<16xf32>
      %broadcast_in_dim3A_904 = arith.constant 130 : i32
      %broadcast_in_dim3A_905 = vector.broadcast %broadcast_in_dim3A_904 : i32 to vector<16xi32>
      tpu.vector_store_idx %arg23[%add3A_860, %broadcast_in_dim3A_905], %exp3A_903 : memref<64x136xf32, #tpu.memory_space<vmem>>[vector<16xi32>, vector<16xi32>], vector<16xf32>,
      %broadcast_in_dim3A_906 = arith.constant 3 : i32
      %broadcast_in_dim3A_907 = vector.broadcast %broadcast_in_dim3A_906 : i32 to vector<16xi32>
      %gather3A_908 = tpu.vector_load_idx %arg19[%add3A_860, %broadcast_in_dim3A_907] : memref<64x16xf32, #tpu.memory_space<vmem>>[vector<16xi32>, vector<16xi32>], vector<16xf32>,
      %gather3A_909 = tpu.vector_load_idx %arg21[%add3A_860, %broadcast_in_dim3A_907] : memref<64x16xf32, #tpu.memory_space<vmem>>[vector<16xi32>, vector<16xi32>], vector<16xf32>,
      %add3A_910 = arith.addf %gather3A_908, %gather3A_909 : vector<16xf32>
      %gt3A_911 = arith.constant 0.000000e+00 : f32
      %gt3A_912 = vector.broadcast %gt3A_911 : f32 to vector<16xf32>
      %gt3A_913 = arith.cmpf ogt, %add3A_910, %gt3A_912 : vector<16xf32>
      %mul3A_914 = arith.constant 2.000000e-01 : f32
      %mul3A_915 = vector.broadcast %mul3A_914 : f32 to vector<16xf32>
      %mul3A_916 = arith.mulf %mul3A_915, %add3A_910 : vector<16xf32>
      %select_n3A_917 = arith.select %gt3A_913, %add3A_910, %mul3A_916 : vector<16xi1>, vector<16xf32>
      %exp3A_918 = math.exp %select_n3A_917 : vector<16xf32>
      %broadcast_in_dim3A_919 = arith.constant 131 : i32
      %broadcast_in_dim3A_920 = vector.broadcast %broadcast_in_dim3A_919 : i32 to vector<16xi32>
      tpu.vector_store_idx %arg23[%add3A_860, %broadcast_in_dim3A_920], %exp3A_918 : memref<64x136xf32, #tpu.memory_space<vmem>>[vector<16xi32>, vector<16xi32>], vector<16xf32>,
      %broadcast_in_dim3A_921 = arith.constant 4 : i32
      %broadcast_in_dim3A_922 = vector.broadcast %broadcast_in_dim3A_921 : i32 to vector<16xi32>
      %gather3A_923 = tpu.vector_load_idx %arg19[%add3A_860, %broadcast_in_dim3A_922] : memref<64x16xf32, #tpu.memory_space<vmem>>[vector<16xi32>, vector<16xi32>], vector<16xf32>,
      %gather3A_924 = tpu.vector_load_idx %arg21[%add3A_860, %broadcast_in_dim3A_922] : memref<64x16xf32, #tpu.memory_space<vmem>>[vector<16xi32>, vector<16xi32>], vector<16xf32>,
      %add3A_925 = arith.addf %gather3A_923, %gather3A_924 : vector<16xf32>
      %gt3A_926 = arith.constant 0.000000e+00 : f32
      %gt3A_927 = vector.broadcast %gt3A_926 : f32 to vector<16xf32>
      %gt3A_928 = arith.cmpf ogt, %add3A_925, %gt3A_927 : vector<16xf32>
      %mul3A_929 = arith.constant 2.000000e-01 : f32
      %mul3A_930 = vector.broadcast %mul3A_929 : f32 to vector<16xf32>
      %mul3A_931 = arith.mulf %mul3A_930, %add3A_925 : vector<16xf32>
      %select_n3A_932 = arith.select %gt3A_928, %add3A_925, %mul3A_931 : vector<16xi1>, vector<16xf32>
      %exp3A_933 = math.exp %select_n3A_932 : vector<16xf32>
      %broadcast_in_dim3A_934 = arith.constant 132 : i32
      %broadcast_in_dim3A_935 = vector.broadcast %broadcast_in_dim3A_934 : i32 to vector<16xi32>
      tpu.vector_store_idx %arg23[%add3A_860, %broadcast_in_dim3A_935], %exp3A_933 : memref<64x136xf32, #tpu.memory_space<vmem>>[vector<16xi32>, vector<16xi32>], vector<16xf32>,
      %broadcast_in_dim3A_936 = arith.constant 5 : i32
      %broadcast_in_dim3A_937 = vector.broadcast %broadcast_in_dim3A_936 : i32 to vector<16xi32>
      %gather3A_938 = tpu.vector_load_idx %arg19[%add3A_860, %broadcast_in_dim3A_937] : memref<64x16xf32, #tpu.memory_space<vmem>>[vector<16xi32>, vector<16xi32>], vector<16xf32>,
      %gather3A_939 = tpu.vector_load_idx %arg21[%add3A_860, %broadcast_in_dim3A_937] : memref<64x16xf32, #tpu.memory_space<vmem>>[vector<16xi32>, vector<16xi32>], vector<16xf32>,
      %add3A_940 = arith.addf %gather3A_938, %gather3A_939 : vector<16xf32>
      %gt3A_941 = arith.constant 0.000000e+00 : f32
      %gt3A_942 = vector.broadcast %gt3A_941 : f32 to vector<16xf32>
      %gt3A_943 = arith.cmpf ogt, %add3A_940, %gt3A_942 : vector<16xf32>
      %mul3A_944 = arith.constant 2.000000e-01 : f32
      %mul3A_945 = vector.broadcast %mul3A_944 : f32 to vector<16xf32>
      %mul3A_946 = arith.mulf %mul3A_945, %add3A_940 : vector<16xf32>
      %select_n3A_947 = arith.select %gt3A_943, %add3A_940, %mul3A_946 : vector<16xi1>, vector<16xf32>
      %exp3A_948 = math.exp %select_n3A_947 : vector<16xf32>
      %broadcast_in_dim3A_949 = arith.constant 133 : i32
      %broadcast_in_dim3A_950 = vector.broadcast %broadcast_in_dim3A_949 : i32 to vector<16xi32>
      tpu.vector_store_idx %arg23[%add3A_860, %broadcast_in_dim3A_950], %exp3A_948 : memref<64x136xf32, #tpu.memory_space<vmem>>[vector<16xi32>, vector<16xi32>], vector<16xf32>,
      %broadcast_in_dim3A_951 = arith.constant 6 : i32
      %broadcast_in_dim3A_952 = vector.broadcast %broadcast_in_dim3A_951 : i32 to vector<16xi32>
      %gather3A_953 = tpu.vector_load_idx %arg19[%add3A_860, %broadcast_in_dim3A_952] : memref<64x16xf32, #tpu.memory_space<vmem>>[vector<16xi32>, vector<16xi32>], vector<16xf32>,
      %gather3A_954 = tpu.vector_load_idx %arg21[%add3A_860, %broadcast_in_dim3A_952] : memref<64x16xf32, #tpu.memory_space<vmem>>[vector<16xi32>, vector<16xi32>], vector<16xf32>,
      %add3A_955 = arith.addf %gather3A_953, %gather3A_954 : vector<16xf32>
      %gt3A_956 = arith.constant 0.000000e+00 : f32
      %gt3A_957 = vector.broadcast %gt3A_956 : f32 to vector<16xf32>
      %gt3A_958 = arith.cmpf ogt, %add3A_955, %gt3A_957 : vector<16xf32>
      %mul3A_959 = arith.constant 2.000000e-01 : f32
      %mul3A_960 = vector.broadcast %mul3A_959 : f32 to vector<16xf32>
      %mul3A_961 = arith.mulf %mul3A_960, %add3A_955 : vector<16xf32>
      %select_n3A_962 = arith.select %gt3A_958, %add3A_955, %mul3A_961 : vector<16xi1>, vector<16xf32>
      %exp3A_963 = math.exp %select_n3A_962 : vector<16xf32>
      %broadcast_in_dim3A_964 = arith.constant 134 : i32
      %broadcast_in_dim3A_965 = vector.broadcast %broadcast_in_dim3A_964 : i32 to vector<16xi32>
      tpu.vector_store_idx %arg23[%add3A_860, %broadcast_in_dim3A_965], %exp3A_963 : memref<64x136xf32, #tpu.memory_space<vmem>>[vector<16xi32>, vector<16xi32>], vector<16xf32>,
      %broadcast_in_dim3A_966 = arith.constant 7 : i32
      %broadcast_in_dim3A_967 = vector.broadcast %broadcast_in_dim3A_966 : i32 to vector<16xi32>
      %gather3A_968 = tpu.vector_load_idx %arg19[%add3A_860, %broadcast_in_dim3A_967] : memref<64x16xf32, #tpu.memory_space<vmem>>[vector<16xi32>, vector<16xi32>], vector<16xf32>,
      %gather3A_969 = tpu.vector_load_idx %arg21[%add3A_860, %broadcast_in_dim3A_967] : memref<64x16xf32, #tpu.memory_space<vmem>>[vector<16xi32>, vector<16xi32>], vector<16xf32>,
      %add3A_970 = arith.addf %gather3A_968, %gather3A_969 : vector<16xf32>
      %gt3A_971 = arith.constant 0.000000e+00 : f32
      %gt3A_972 = vector.broadcast %gt3A_971 : f32 to vector<16xf32>
      %gt3A_973 = arith.cmpf ogt, %add3A_970, %gt3A_972 : vector<16xf32>
      %mul3A_974 = arith.constant 2.000000e-01 : f32
      %mul3A_975 = vector.broadcast %mul3A_974 : f32 to vector<16xf32>
      %mul3A_976 = arith.mulf %mul3A_975, %add3A_970 : vector<16xf32>
      %select_n3A_977 = arith.select %gt3A_973, %add3A_970, %mul3A_976 : vector<16xi1>, vector<16xf32>
      %exp3A_978 = math.exp %select_n3A_977 : vector<16xf32>
      %broadcast_in_dim3A_979 = arith.constant 135 : i32
      %broadcast_in_dim3A_980 = vector.broadcast %broadcast_in_dim3A_979 : i32 to vector<16xi32>
      tpu.vector_store_idx %arg23[%add3A_860, %broadcast_in_dim3A_980], %exp3A_978 : memref<64x136xf32, #tpu.memory_space<vmem>>[vector<16xi32>, vector<16xi32>], vector<16xf32>,
      %add3A_981 = arith.constant 48 : i32
      %add3A_982 = vector.broadcast %add3A_981 : i32 to vector<16xi32>
      %add3A_983 = arith.addi %iota3A_611, %add3A_982 : vector<16xi32>
      %broadcast_in_dim3A_984 = arith.constant 0 : i32
      %broadcast_in_dim3A_985 = vector.broadcast %broadcast_in_dim3A_984 : i32 to vector<16xi32>
      %gather3A_986 = tpu.vector_load_idx %arg19[%add3A_983, %broadcast_in_dim3A_985] : memref<64x16xf32, #tpu.memory_space<vmem>>[vector<16xi32>, vector<16xi32>], vector<16xf32>,
      %gather3A_987 = tpu.vector_load_idx %arg21[%add3A_983, %broadcast_in_dim3A_985] : memref<64x16xf32, #tpu.memory_space<vmem>>[vector<16xi32>, vector<16xi32>], vector<16xf32>,
      %add3A_988 = arith.addf %gather3A_986, %gather3A_987 : vector<16xf32>
      %gt3A_989 = arith.constant 0.000000e+00 : f32
      %gt3A_990 = vector.broadcast %gt3A_989 : f32 to vector<16xf32>
      %gt3A_991 = arith.cmpf ogt, %add3A_988, %gt3A_990 : vector<16xf32>
      %mul3A_992 = arith.constant 2.000000e-01 : f32
      %mul3A_993 = vector.broadcast %mul3A_992 : f32 to vector<16xf32>
      %mul3A_994 = arith.mulf %mul3A_993, %add3A_988 : vector<16xf32>
      %select_n3A_995 = arith.select %gt3A_991, %add3A_988, %mul3A_994 : vector<16xi1>, vector<16xf32>
      %exp3A_996 = math.exp %select_n3A_995 : vector<16xf32>
      %broadcast_in_dim3A_997 = arith.constant 128 : i32
      %broadcast_in_dim3A_998 = vector.broadcast %broadcast_in_dim3A_997 : i32 to vector<16xi32>
      tpu.vector_store_idx %arg23[%add3A_983, %broadcast_in_dim3A_998], %exp3A_996 : memref<64x136xf32, #tpu.memory_space<vmem>>[vector<16xi32>, vector<16xi32>], vector<16xf32>,
      %broadcast_in_dim3A_999 = arith.constant 1 : i32
      %broadcast_in_dim3A_1000 = vector.broadcast %broadcast_in_dim3A_999 : i32 to vector<16xi32>
      %gather3A_1001 = tpu.vector_load_idx %arg19[%add3A_983, %broadcast_in_dim3A_1000] : memref<64x16xf32, #tpu.memory_space<vmem>>[vector<16xi32>, vector<16xi32>], vector<16xf32>,
      %gather3A_1002 = tpu.vector_load_idx %arg21[%add3A_983, %broadcast_in_dim3A_1000] : memref<64x16xf32, #tpu.memory_space<vmem>>[vector<16xi32>, vector<16xi32>], vector<16xf32>,
      %add3A_1003 = arith.addf %gather3A_1001, %gather3A_1002 : vector<16xf32>
      %gt3A_1004 = arith.constant 0.000000e+00 : f32
      %gt3A_1005 = vector.broadcast %gt3A_1004 : f32 to vector<16xf32>
      %gt3A_1006 = arith.cmpf ogt, %add3A_1003, %gt3A_1005 : vector<16xf32>
      %mul3A_1007 = arith.constant 2.000000e-01 : f32
      %mul3A_1008 = vector.broadcast %mul3A_1007 : f32 to vector<16xf32>
      %mul3A_1009 = arith.mulf %mul3A_1008, %add3A_1003 : vector<16xf32>
      %select_n3A_1010 = arith.select %gt3A_1006, %add3A_1003, %mul3A_1009 : vector<16xi1>, vector<16xf32>
      %exp3A_1011 = math.exp %select_n3A_1010 : vector<16xf32>
      %broadcast_in_dim3A_1012 = arith.constant 129 : i32
      %broadcast_in_dim3A_1013 = vector.broadcast %broadcast_in_dim3A_1012 : i32 to vector<16xi32>
      tpu.vector_store_idx %arg23[%add3A_983, %broadcast_in_dim3A_1013], %exp3A_1011 : memref<64x136xf32, #tpu.memory_space<vmem>>[vector<16xi32>, vector<16xi32>], vector<16xf32>,
      %broadcast_in_dim3A_1014 = arith.constant 2 : i32
      %broadcast_in_dim3A_1015 = vector.broadcast %broadcast_in_dim3A_1014 : i32 to vector<16xi32>
      %gather3A_1016 = tpu.vector_load_idx %arg19[%add3A_983, %broadcast_in_dim3A_1015] : memref<64x16xf32, #tpu.memory_space<vmem>>[vector<16xi32>, vector<16xi32>], vector<16xf32>,
      %gather3A_1017 = tpu.vector_load_idx %arg21[%add3A_983, %broadcast_in_dim3A_1015] : memref<64x16xf32, #tpu.memory_space<vmem>>[vector<16xi32>, vector<16xi32>], vector<16xf32>,
      %add3A_1018 = arith.addf %gather3A_1016, %gather3A_1017 : vector<16xf32>
      %gt3A_1019 = arith.constant 0.000000e+00 : f32
      %gt3A_1020 = vector.broadcast %gt3A_1019 : f32 to vector<16xf32>
      %gt3A_1021 = arith.cmpf ogt, %add3A_1018, %gt3A_1020 : vector<16xf32>
      %mul3A_1022 = arith.constant 2.000000e-01 : f32
      %mul3A_1023 = vector.broadcast %mul3A_1022 : f32 to vector<16xf32>
      %mul3A_1024 = arith.mulf %mul3A_1023, %add3A_1018 : vector<16xf32>
      %select_n3A_1025 = arith.select %gt3A_1021, %add3A_1018, %mul3A_1024 : vector<16xi1>, vector<16xf32>
      %exp3A_1026 = math.exp %select_n3A_1025 : vector<16xf32>
      %broadcast_in_dim3A_1027 = arith.constant 130 : i32
      %broadcast_in_dim3A_1028 = vector.broadcast %broadcast_in_dim3A_1027 : i32 to vector<16xi32>
      tpu.vector_store_idx %arg23[%add3A_983, %broadcast_in_dim3A_1028], %exp3A_1026 : memref<64x136xf32, #tpu.memory_space<vmem>>[vector<16xi32>, vector<16xi32>], vector<16xf32>,
      %broadcast_in_dim3A_1029 = arith.constant 3 : i32
      %broadcast_in_dim3A_1030 = vector.broadcast %broadcast_in_dim3A_1029 : i32 to vector<16xi32>
      %gather3A_1031 = tpu.vector_load_idx %arg19[%add3A_983, %broadcast_in_dim3A_1030] : memref<64x16xf32, #tpu.memory_space<vmem>>[vector<16xi32>, vector<16xi32>], vector<16xf32>,
      %gather3A_1032 = tpu.vector_load_idx %arg21[%add3A_983, %broadcast_in_dim3A_1030] : memref<64x16xf32, #tpu.memory_space<vmem>>[vector<16xi32>, vector<16xi32>], vector<16xf32>,
      %add3A_1033 = arith.addf %gather3A_1031, %gather3A_1032 : vector<16xf32>
      %gt3A_1034 = arith.constant 0.000000e+00 : f32
      %gt3A_1035 = vector.broadcast %gt3A_1034 : f32 to vector<16xf32>
      %gt3A_1036 = arith.cmpf ogt, %add3A_1033, %gt3A_1035 : vector<16xf32>
      %mul3A_1037 = arith.constant 2.000000e-01 : f32
      %mul3A_1038 = vector.broadcast %mul3A_1037 : f32 to vector<16xf32>
      %mul3A_1039 = arith.mulf %mul3A_1038, %add3A_1033 : vector<16xf32>
      %select_n3A_1040 = arith.select %gt3A_1036, %add3A_1033, %mul3A_1039 : vector<16xi1>, vector<16xf32>
      %exp3A_1041 = math.exp %select_n3A_1040 : vector<16xf32>
      %broadcast_in_dim3A_1042 = arith.constant 131 : i32
      %broadcast_in_dim3A_1043 = vector.broadcast %broadcast_in_dim3A_1042 : i32 to vector<16xi32>
      tpu.vector_store_idx %arg23[%add3A_983, %broadcast_in_dim3A_1043], %exp3A_1041 : memref<64x136xf32, #tpu.memory_space<vmem>>[vector<16xi32>, vector<16xi32>], vector<16xf32>,
      %broadcast_in_dim3A_1044 = arith.constant 4 : i32
      %broadcast_in_dim3A_1045 = vector.broadcast %broadcast_in_dim3A_1044 : i32 to vector<16xi32>
      %gather3A_1046 = tpu.vector_load_idx %arg19[%add3A_983, %broadcast_in_dim3A_1045] : memref<64x16xf32, #tpu.memory_space<vmem>>[vector<16xi32>, vector<16xi32>], vector<16xf32>,
      %gather3A_1047 = tpu.vector_load_idx %arg21[%add3A_983, %broadcast_in_dim3A_1045] : memref<64x16xf32, #tpu.memory_space<vmem>>[vector<16xi32>, vector<16xi32>], vector<16xf32>,
      %add3A_1048 = arith.addf %gather3A_1046, %gather3A_1047 : vector<16xf32>
      %gt3A_1049 = arith.constant 0.000000e+00 : f32
      %gt3A_1050 = vector.broadcast %gt3A_1049 : f32 to vector<16xf32>
      %gt3A_1051 = arith.cmpf ogt, %add3A_1048, %gt3A_1050 : vector<16xf32>
      %mul3A_1052 = arith.constant 2.000000e-01 : f32
      %mul3A_1053 = vector.broadcast %mul3A_1052 : f32 to vector<16xf32>
      %mul3A_1054 = arith.mulf %mul3A_1053, %add3A_1048 : vector<16xf32>
      %select_n3A_1055 = arith.select %gt3A_1051, %add3A_1048, %mul3A_1054 : vector<16xi1>, vector<16xf32>
      %exp3A_1056 = math.exp %select_n3A_1055 : vector<16xf32>
      %broadcast_in_dim3A_1057 = arith.constant 132 : i32
      %broadcast_in_dim3A_1058 = vector.broadcast %broadcast_in_dim3A_1057 : i32 to vector<16xi32>
      tpu.vector_store_idx %arg23[%add3A_983, %broadcast_in_dim3A_1058], %exp3A_1056 : memref<64x136xf32, #tpu.memory_space<vmem>>[vector<16xi32>, vector<16xi32>], vector<16xf32>,
      %broadcast_in_dim3A_1059 = arith.constant 5 : i32
      %broadcast_in_dim3A_1060 = vector.broadcast %broadcast_in_dim3A_1059 : i32 to vector<16xi32>
      %gather3A_1061 = tpu.vector_load_idx %arg19[%add3A_983, %broadcast_in_dim3A_1060] : memref<64x16xf32, #tpu.memory_space<vmem>>[vector<16xi32>, vector<16xi32>], vector<16xf32>,
      %gather3A_1062 = tpu.vector_load_idx %arg21[%add3A_983, %broadcast_in_dim3A_1060] : memref<64x16xf32, #tpu.memory_space<vmem>>[vector<16xi32>, vector<16xi32>], vector<16xf32>,
      %add3A_1063 = arith.addf %gather3A_1061, %gather3A_1062 : vector<16xf32>
      %gt3A_1064 = arith.constant 0.000000e+00 : f32
      %gt3A_1065 = vector.broadcast %gt3A_1064 : f32 to vector<16xf32>
      %gt3A_1066 = arith.cmpf ogt, %add3A_1063, %gt3A_1065 : vector<16xf32>
      %mul3A_1067 = arith.constant 2.000000e-01 : f32
      %mul3A_1068 = vector.broadcast %mul3A_1067 : f32 to vector<16xf32>
      %mul3A_1069 = arith.mulf %mul3A_1068, %add3A_1063 : vector<16xf32>
      %select_n3A_1070 = arith.select %gt3A_1066, %add3A_1063, %mul3A_1069 : vector<16xi1>, vector<16xf32>
      %exp3A_1071 = math.exp %select_n3A_1070 : vector<16xf32>
      %broadcast_in_dim3A_1072 = arith.constant 133 : i32
      %broadcast_in_dim3A_1073 = vector.broadcast %broadcast_in_dim3A_1072 : i32 to vector<16xi32>
      tpu.vector_store_idx %arg23[%add3A_983, %broadcast_in_dim3A_1073], %exp3A_1071 : memref<64x136xf32, #tpu.memory_space<vmem>>[vector<16xi32>, vector<16xi32>], vector<16xf32>,
      %broadcast_in_dim3A_1074 = arith.constant 6 : i32
      %broadcast_in_dim3A_1075 = vector.broadcast %broadcast_in_dim3A_1074 : i32 to vector<16xi32>
      %gather3A_1076 = tpu.vector_load_idx %arg19[%add3A_983, %broadcast_in_dim3A_1075] : memref<64x16xf32, #tpu.memory_space<vmem>>[vector<16xi32>, vector<16xi32>], vector<16xf32>,
      %gather3A_1077 = tpu.vector_load_idx %arg21[%add3A_983, %broadcast_in_dim3A_1075] : memref<64x16xf32, #tpu.memory_space<vmem>>[vector<16xi32>, vector<16xi32>], vector<16xf32>,
      %add3A_1078 = arith.addf %gather3A_1076, %gather3A_1077 : vector<16xf32>
      %gt3A_1079 = arith.constant 0.000000e+00 : f32
      %gt3A_1080 = vector.broadcast %gt3A_1079 : f32 to vector<16xf32>
      %gt3A_1081 = arith.cmpf ogt, %add3A_1078, %gt3A_1080 : vector<16xf32>
      %mul3A_1082 = arith.constant 2.000000e-01 : f32
      %mul3A_1083 = vector.broadcast %mul3A_1082 : f32 to vector<16xf32>
      %mul3A_1084 = arith.mulf %mul3A_1083, %add3A_1078 : vector<16xf32>
      %select_n3A_1085 = arith.select %gt3A_1081, %add3A_1078, %mul3A_1084 : vector<16xi1>, vector<16xf32>
      %exp3A_1086 = math.exp %select_n3A_1085 : vector<16xf32>
      %broadcast_in_dim3A_1087 = arith.constant 134 : i32
      %broadcast_in_dim3A_1088 = vector.broadcast %broadcast_in_dim3A_1087 : i32 to vector<16xi32>
      tpu.vector_store_idx %arg23[%add3A_983, %broadcast_in_dim3A_1088], %exp3A_1086 : memref<64x136xf32, #tpu.memory_space<vmem>>[vector<16xi32>, vector<16xi32>], vector<16xf32>,
      %broadcast_in_dim3A_1089 = arith.constant 7 : i32
      %broadcast_in_dim3A_1090 = vector.broadcast %broadcast_in_dim3A_1089 : i32 to vector<16xi32>
      %gather3A_1091 = tpu.vector_load_idx %arg19[%add3A_983, %broadcast_in_dim3A_1090] : memref<64x16xf32, #tpu.memory_space<vmem>>[vector<16xi32>, vector<16xi32>], vector<16xf32>,
      %gather3A_1092 = tpu.vector_load_idx %arg21[%add3A_983, %broadcast_in_dim3A_1090] : memref<64x16xf32, #tpu.memory_space<vmem>>[vector<16xi32>, vector<16xi32>], vector<16xf32>,
      %add3A_1093 = arith.addf %gather3A_1091, %gather3A_1092 : vector<16xf32>
      %gt3A_1094 = arith.constant 0.000000e+00 : f32
      %gt3A_1095 = vector.broadcast %gt3A_1094 : f32 to vector<16xf32>
      %gt3A_1096 = arith.cmpf ogt, %add3A_1093, %gt3A_1095 : vector<16xf32>
      %mul3A_1097 = arith.constant 2.000000e-01 : f32
      %mul3A_1098 = vector.broadcast %mul3A_1097 : f32 to vector<16xf32>
      %mul3A_1099 = arith.mulf %mul3A_1098, %add3A_1093 : vector<16xf32>
      %select_n3A_1100 = arith.select %gt3A_1096, %add3A_1093, %mul3A_1099 : vector<16xi1>, vector<16xf32>
      %exp3A_1101 = math.exp %select_n3A_1100 : vector<16xf32>
      %broadcast_in_dim3A_1102 = arith.constant 135 : i32
      %broadcast_in_dim3A_1103 = vector.broadcast %broadcast_in_dim3A_1102 : i32 to vector<16xi32>
      tpu.vector_store_idx %arg23[%add3A_983, %broadcast_in_dim3A_1103], %exp3A_1101 : memref<64x136xf32, #tpu.memory_space<vmem>>[vector<16xi32>, vector<16xi32>], vector<16xf32>,
      %parallel_loop3A_1104 = arith.constant 0 : i32
      %parallel_loop3A_1105 = arith.constant 64 : i32
      %parallel_loop3A_1106 = arith.constant 1 : i32
      scf.for %parallel_loop3A_1107 = %parallel_loop3A_1104 to %parallel_loop3A_1105 step %parallel_loop3A_1106  : i32 {
        %parallel_loop3A_1108 = arith.index_cast %parallel_loop3A_1107 : i32 to index
        %parallel_loop3A_1109 = arith.constant 120 : index
        %parallel_loop3A_1110 = tpu.vector_load %arg23[%parallel_loop3A_1108, %parallel_loop3A_1109] {strides = array<i32>} : memref<64x136xf32, #tpu.memory_space<vmem>>, vector<16xf32>,
        %parallel_loop3A_1111 = vector.extract_strided_slice %parallel_loop3A_1110 {offsets = [8], sizes = [1], strides = [1]} : vector<16xf32> to vector<1xf32>
        %parallel_loop3A_1112 = vector.extract %parallel_loop3A_1111[0] : f32 from vector<1xf32>
        %parallel_loop3A_1113 = arith.index_cast %parallel_loop3A_1107 : i32 to index
        %parallel_loop3A_1114 = arith.constant 0 : index
        %parallel_loop3A_1115 = tpu.vector_load %arg17[%parallel_loop3A_1113, %parallel_loop3A_1114] {strides = array<i32>} : memref<64x128xf32, #tpu.memory_space<vmem>>, vector<16xf32>,
        %parallel_loop3A_1116 = vector.broadcast %parallel_loop3A_1112 : f32 to vector<16xf32>
        %parallel_loop3A_1117 = arith.mulf %parallel_loop3A_1116, %parallel_loop3A_1115 : vector<16xf32>
        %parallel_loop3A_1118 = arith.index_cast %parallel_loop3A_1107 : i32 to index
        %parallel_loop3A_1119 = arith.constant 0 : index
        %parallel_loop3A_1120 = tpu.vector_load %arg23[%parallel_loop3A_1118, %parallel_loop3A_1119] {strides = array<i32>} : memref<64x136xf32, #tpu.memory_space<vmem>>, vector<16xf32>,
        tpu.vector_store %arg23[%parallel_loop3A_1118, %parallel_loop3A_1119], %parallel_loop3A_1117 {strides = array<i32>} : memref<64x136xf32, #tpu.memory_space<vmem>>, vector<16xf32>,
        %parallel_loop3A_1121 = vector.extract_strided_slice %parallel_loop3A_1110 {offsets = [9], sizes = [1], strides = [1]} : vector<16xf32> to vector<1xf32>
        %parallel_loop3A_1122 = vector.extract %parallel_loop3A_1121[0] : f32 from vector<1xf32>
        %parallel_loop3A_1123 = arith.index_cast %parallel_loop3A_1107 : i32 to index
        %parallel_loop3A_1124 = arith.constant 16 : index
        %parallel_loop3A_1125 = tpu.vector_load %arg17[%parallel_loop3A_1123, %parallel_loop3A_1124] {strides = array<i32>} : memref<64x128xf32, #tpu.memory_space<vmem>>, vector<16xf32>,
        %parallel_loop3A_1126 = vector.broadcast %parallel_loop3A_1122 : f32 to vector<16xf32>
        %parallel_loop3A_1127 = arith.mulf %parallel_loop3A_1126, %parallel_loop3A_1125 : vector<16xf32>
        %parallel_loop3A_1128 = arith.index_cast %parallel_loop3A_1107 : i32 to index
        %parallel_loop3A_1129 = arith.constant 16 : index
        %parallel_loop3A_1130 = tpu.vector_load %arg23[%parallel_loop3A_1128, %parallel_loop3A_1129] {strides = array<i32>} : memref<64x136xf32, #tpu.memory_space<vmem>>, vector<16xf32>,
        tpu.vector_store %arg23[%parallel_loop3A_1128, %parallel_loop3A_1129], %parallel_loop3A_1127 {strides = array<i32>} : memref<64x136xf32, #tpu.memory_space<vmem>>, vector<16xf32>,
        %parallel_loop3A_1131 = vector.extract_strided_slice %parallel_loop3A_1110 {offsets = [10], sizes = [1], strides = [1]} : vector<16xf32> to vector<1xf32>
        %parallel_loop3A_1132 = vector.extract %parallel_loop3A_1131[0] : f32 from vector<1xf32>
        %parallel_loop3A_1133 = arith.index_cast %parallel_loop3A_1107 : i32 to index
        %parallel_loop3A_1134 = arith.constant 32 : index
        %parallel_loop3A_1135 = tpu.vector_load %arg17[%parallel_loop3A_1133, %parallel_loop3A_1134] {strides = array<i32>} : memref<64x128xf32, #tpu.memory_space<vmem>>, vector<16xf32>,
        %parallel_loop3A_1136 = vector.broadcast %parallel_loop3A_1132 : f32 to vector<16xf32>
        %parallel_loop3A_1137 = arith.mulf %parallel_loop3A_1136, %parallel_loop3A_1135 : vector<16xf32>
        %parallel_loop3A_1138 = arith.index_cast %parallel_loop3A_1107 : i32 to index
        %parallel_loop3A_1139 = arith.constant 32 : index
        %parallel_loop3A_1140 = tpu.vector_load %arg23[%parallel_loop3A_1138, %parallel_loop3A_1139] {strides = array<i32>} : memref<64x136xf32, #tpu.memory_space<vmem>>, vector<16xf32>,
        tpu.vector_store %arg23[%parallel_loop3A_1138, %parallel_loop3A_1139], %parallel_loop3A_1137 {strides = array<i32>} : memref<64x136xf32, #tpu.memory_space<vmem>>, vector<16xf32>,
        %parallel_loop3A_1141 = vector.extract_strided_slice %parallel_loop3A_1110 {offsets = [11], sizes = [1], strides = [1]} : vector<16xf32> to vector<1xf32>
        %parallel_loop3A_1142 = vector.extract %parallel_loop3A_1141[0] : f32 from vector<1xf32>
        %parallel_loop3A_1143 = arith.index_cast %parallel_loop3A_1107 : i32 to index
        %parallel_loop3A_1144 = arith.constant 48 : index
        %parallel_loop3A_1145 = tpu.vector_load %arg17[%parallel_loop3A_1143, %parallel_loop3A_1144] {strides = array<i32>} : memref<64x128xf32, #tpu.memory_space<vmem>>, vector<16xf32>,
        %parallel_loop3A_1146 = vector.broadcast %parallel_loop3A_1142 : f32 to vector<16xf32>
        %parallel_loop3A_1147 = arith.mulf %parallel_loop3A_1146, %parallel_loop3A_1145 : vector<16xf32>
        %parallel_loop3A_1148 = arith.index_cast %parallel_loop3A_1107 : i32 to index
        %parallel_loop3A_1149 = arith.constant 48 : index
        %parallel_loop3A_1150 = tpu.vector_load %arg23[%parallel_loop3A_1148, %parallel_loop3A_1149] {strides = array<i32>} : memref<64x136xf32, #tpu.memory_space<vmem>>, vector<16xf32>,
        tpu.vector_store %arg23[%parallel_loop3A_1148, %parallel_loop3A_1149], %parallel_loop3A_1147 {strides = array<i32>} : memref<64x136xf32, #tpu.memory_space<vmem>>, vector<16xf32>,
        %parallel_loop3A_1151 = vector.extract_strided_slice %parallel_loop3A_1110 {offsets = [12], sizes = [1], strides = [1]} : vector<16xf32> to vector<1xf32>
        %parallel_loop3A_1152 = vector.extract %parallel_loop3A_1151[0] : f32 from vector<1xf32>
        %parallel_loop3A_1153 = arith.index_cast %parallel_loop3A_1107 : i32 to index
        %parallel_loop3A_1154 = arith.constant 64 : index
        %parallel_loop3A_1155 = tpu.vector_load %arg17[%parallel_loop3A_1153, %parallel_loop3A_1154] {strides = array<i32>} : memref<64x128xf32, #tpu.memory_space<vmem>>, vector<16xf32>,
        %parallel_loop3A_1156 = vector.broadcast %parallel_loop3A_1152 : f32 to vector<16xf32>
        %parallel_loop3A_1157 = arith.mulf %parallel_loop3A_1156, %parallel_loop3A_1155 : vector<16xf32>
        %parallel_loop3A_1158 = arith.index_cast %parallel_loop3A_1107 : i32 to index
        %parallel_loop3A_1159 = arith.constant 64 : index
        %parallel_loop3A_1160 = tpu.vector_load %arg23[%parallel_loop3A_1158, %parallel_loop3A_1159] {strides = array<i32>} : memref<64x136xf32, #tpu.memory_space<vmem>>, vector<16xf32>,
        tpu.vector_store %arg23[%parallel_loop3A_1158, %parallel_loop3A_1159], %parallel_loop3A_1157 {strides = array<i32>} : memref<64x136xf32, #tpu.memory_space<vmem>>, vector<16xf32>,
        %parallel_loop3A_1161 = vector.extract_strided_slice %parallel_loop3A_1110 {offsets = [13], sizes = [1], strides = [1]} : vector<16xf32> to vector<1xf32>
        %parallel_loop3A_1162 = vector.extract %parallel_loop3A_1161[0] : f32 from vector<1xf32>
        %parallel_loop3A_1163 = arith.index_cast %parallel_loop3A_1107 : i32 to index
        %parallel_loop3A_1164 = arith.constant 80 : index
        %parallel_loop3A_1165 = tpu.vector_load %arg17[%parallel_loop3A_1163, %parallel_loop3A_1164] {strides = array<i32>} : memref<64x128xf32, #tpu.memory_space<vmem>>, vector<16xf32>,
        %parallel_loop3A_1166 = vector.broadcast %parallel_loop3A_1162 : f32 to vector<16xf32>
        %parallel_loop3A_1167 = arith.mulf %parallel_loop3A_1166, %parallel_loop3A_1165 : vector<16xf32>
        %parallel_loop3A_1168 = arith.index_cast %parallel_loop3A_1107 : i32 to index
        %parallel_loop3A_1169 = arith.constant 80 : index
        %parallel_loop3A_1170 = tpu.vector_load %arg23[%parallel_loop3A_1168, %parallel_loop3A_1169] {strides = array<i32>} : memref<64x136xf32, #tpu.memory_space<vmem>>, vector<16xf32>,
        tpu.vector_store %arg23[%parallel_loop3A_1168, %parallel_loop3A_1169], %parallel_loop3A_1167 {strides = array<i32>} : memref<64x136xf32, #tpu.memory_space<vmem>>, vector<16xf32>,
        %parallel_loop3A_1171 = vector.extract_strided_slice %parallel_loop3A_1110 {offsets = [14], sizes = [1], strides = [1]} : vector<16xf32> to vector<1xf32>
        %parallel_loop3A_1172 = vector.extract %parallel_loop3A_1171[0] : f32 from vector<1xf32>
        %parallel_loop3A_1173 = arith.index_cast %parallel_loop3A_1107 : i32 to index
        %parallel_loop3A_1174 = arith.constant 96 : index
        %parallel_loop3A_1175 = tpu.vector_load %arg17[%parallel_loop3A_1173, %parallel_loop3A_1174] {strides = array<i32>} : memref<64x128xf32, #tpu.memory_space<vmem>>, vector<16xf32>,
        %parallel_loop3A_1176 = vector.broadcast %parallel_loop3A_1172 : f32 to vector<16xf32>
        %parallel_loop3A_1177 = arith.mulf %parallel_loop3A_1176, %parallel_loop3A_1175 : vector<16xf32>
        %parallel_loop3A_1178 = arith.index_cast %parallel_loop3A_1107 : i32 to index
        %parallel_loop3A_1179 = arith.constant 96 : index
        %parallel_loop3A_1180 = tpu.vector_load %arg23[%parallel_loop3A_1178, %parallel_loop3A_1179] {strides = array<i32>} : memref<64x136xf32, #tpu.memory_space<vmem>>, vector<16xf32>,
        tpu.vector_store %arg23[%parallel_loop3A_1178, %parallel_loop3A_1179], %parallel_loop3A_1177 {strides = array<i32>} : memref<64x136xf32, #tpu.memory_space<vmem>>, vector<16xf32>,
        %parallel_loop3A_1181 = vector.extract_strided_slice %parallel_loop3A_1110 {offsets = [15], sizes = [1], strides = [1]} : vector<16xf32> to vector<1xf32>
        %parallel_loop3A_1182 = vector.extract %parallel_loop3A_1181[0] : f32 from vector<1xf32>
        %parallel_loop3A_1183 = arith.index_cast %parallel_loop3A_1107 : i32 to index
        %parallel_loop3A_1184 = arith.constant 112 : index
        %parallel_loop3A_1185 = tpu.vector_load %arg17[%parallel_loop3A_1183, %parallel_loop3A_1184] {strides = array<i32>} : memref<64x128xf32, #tpu.memory_space<vmem>>, vector<16xf32>,
        %parallel_loop3A_1186 = vector.broadcast %parallel_loop3A_1182 : f32 to vector<16xf32>
        %parallel_loop3A_1187 = arith.mulf %parallel_loop3A_1186, %parallel_loop3A_1185 : vector<16xf32>
        %parallel_loop3A_1188 = arith.index_cast %parallel_loop3A_1107 : i32 to index
        %parallel_loop3A_1189 = arith.constant 112 : index
        %parallel_loop3A_1190 = tpu.vector_load %arg23[%parallel_loop3A_1188, %parallel_loop3A_1189] {strides = array<i32>} : memref<64x136xf32, #tpu.memory_space<vmem>>, vector<16xf32>,
        tpu.vector_store %arg23[%parallel_loop3A_1188, %parallel_loop3A_1189], %parallel_loop3A_1187 {strides = array<i32>} : memref<64x136xf32, #tpu.memory_space<vmem>>, vector<16xf32>,
      } {sc.loop_unroll_factor = 16 : i64, sc.parallel_access}
      "tpu.region"() ({
        %run_scoped3A = tpu.sem_alloc : memref<!tpu.dma_semaphore, #tpu.memory_space<semaphore_mem>>
        %dma_start3A_1107 = arith.constant 0 : i32
        %dma_start3A_1108 = arith.constant 0 : i32
        %dma_start3A_1109 = tpu.memref_slice %arg9[%dma_start3A_1107, %dma_start3A_1108] : memref<10112x136xf32, #tpu.memory_space<vmem_shared>> -> memref<10112x136xf32, #tpu.memory_space<vmem_shared>>
        tpu.enqueue_indirect_dma source(%arg23 : memref<64x136xf32, #tpu.memory_space<vmem>>) target(%dma_start3A_1109 : memref<10112x136xf32, #tpu.memory_space<vmem_shared>>) offsets(%arg15 : memref<64xi32, #tpu.memory_space<vmem>>) semaphore(%run_scoped3A : memref<!tpu.dma_semaphore, #tpu.memory_space<semaphore_mem>>) {add = true}
        %dma_wait3A_1110 = arith.constant 0 : i32
        %dma_wait3A_1111 = arith.constant 0 : i32
        %dma_wait3A_1112 = tpu.memref_slice %arg9[%dma_wait3A_1110, %dma_wait3A_1111] : memref<10112x136xf32, #tpu.memory_space<vmem_shared>> -> memref<10112x136xf32, #tpu.memory_space<vmem_shared>>
        tpu.wait_indirect_dma semaphore(%run_scoped3A : memref<!tpu.dma_semaphore, #tpu.memory_space<semaphore_mem>>) src(%arg23 : memref<64x136xf32, #tpu.memory_space<vmem>>) dst(%dma_wait3A_1112 : memref<10112x136xf32, #tpu.memory_space<vmem_shared>>)
        tpu.yield
      }) : () -> ()
    }
    %scan3A_34 = arith.constant 81 : i32
    %barrier3A_35 = arith.constant 0 : index
    tpu.barrier barrier_id(%barrier3A_35)
    %mul3A_36 = arith.constant 632 : i32
    %mul3A_37 = arith.muli %arg1, %mul3A_36 : i32
    %mul3A_38 = arith.constant 632 : i32
    %mul3A_39 = arith.muli %arg1, %mul3A_38 : i32
    "tpu.region"() ({
      %run_scoped3A = tpu.sem_alloc : memref<!tpu.dma_semaphore, #tpu.memory_space<semaphore_mem>>
      %dma_start3A_40 = arith.constant 0 : i32
      %dma_start3A_41 = tpu.memref_slice %arg8[%arg0, %mul3A_39, %dma_start3A_40] : memref<2x10112x136xf32, #tpu.memory_space<hbm>> -> memref<1x632x136xf32, #tpu.memory_space<hbm>>
      %dma_start3A_42 = tpu.memref_squeeze %dma_start3A_41 : memref<1x632x136xf32, #tpu.memory_space<hbm>> -> memref<632x136xf32, #tpu.memory_space<hbm>>
      %dma_start3A_43 = arith.constant 0 : i32
      %dma_start3A_44 = tpu.memref_slice %arg9[%mul3A_37, %dma_start3A_43] : memref<10112x136xf32, #tpu.memory_space<vmem_shared>> -> memref<632x136xf32, #tpu.memory_space<vmem_shared>>
      tpu.enqueue_dma source(%dma_start3A_44 : memref<632x136xf32, #tpu.memory_space<vmem_shared>>) target(%dma_start3A_42 : memref<632x136xf32, #tpu.memory_space<hbm>>) target_semaphore(%run_scoped3A : memref<!tpu.dma_semaphore, #tpu.memory_space<semaphore_mem>>)
      %dma_wait3A_45 = arith.constant 0 : i32
      %dma_wait3A_46 = tpu.memref_slice %arg8[%arg0, %mul3A_39, %dma_wait3A_45] : memref<2x10112x136xf32, #tpu.memory_space<hbm>> -> memref<1x632x136xf32, #tpu.memory_space<hbm>>
      %dma_wait3A_47 = tpu.memref_squeeze %dma_wait3A_46 : memref<1x632x136xf32, #tpu.memory_space<hbm>> -> memref<632x136xf32, #tpu.memory_space<hbm>>
      %dma_wait3A_48 = arith.constant 0 : i32
      %dma_wait3A_49 = tpu.memref_slice %arg9[%mul3A_37, %dma_wait3A_48] : memref<10112x136xf32, #tpu.memory_space<vmem_shared>> -> memref<632x136xf32, #tpu.memory_space<vmem_shared>>
      tpu.wait_dma2 semaphore(%run_scoped3A : memref<!tpu.dma_semaphore, #tpu.memory_space<semaphore_mem>>) src(%dma_wait3A_49 : memref<632x136xf32, #tpu.memory_space<vmem_shared>>) dst(%dma_wait3A_47 : memref<632x136xf32, #tpu.memory_space<hbm>>)
      tpu.yield
    }) : () -> ()
    return
  }
}

#map = affine_map<(d0, d1) -> (0, 0)>
#map1 = affine_map<(d0, d1) -> (0)>
#map2 = affine_map<(d0, d1) -> (0, 0, 0)>
module attributes {stable_mosaic.version = 14 : i64} {
  func.func @edge_pass(%arg0: i32, %arg1: i32, %arg2: memref<10000x128xf32, #tpu.memory_space<hbm>>, %arg3: memref<10000x16xf32, #tpu.memory_space<hbm>>, %arg4: memref<10112x16xf32, #tpu.memory_space<hbm>>, %arg5: memref<331776xi32, #tpu.memory_space<hbm>>, %arg6: memref<331776xi32, #tpu.memory_space<hbm>>, %arg7: memref<632x136xf32, #tpu.memory_space<hbm>>, %arg8: memref<2x10112x136xf32, #tpu.memory_space<hbm>>, %arg9: memref<10112x136xf32, #tpu.memory_space<vmem_shared>>, %arg10: memref<64xi32, #tpu.memory_space<vmem>>, %arg11: memref<64xi32, #tpu.memory_space<vmem>>, %arg12: memref<64xi32, #tpu.memory_space<vmem>>, %arg13: memref<64xi32, #tpu.memory_space<vmem>>, %arg14: memref<64xi32, #tpu.memory_space<vmem>>, %arg15: memref<64xi32, #tpu.memory_space<vmem>>, %arg16: memref<64x128xf32, #tpu.memory_space<vmem>>, %arg17: memref<64x128xf32, #tpu.memory_space<vmem>>, %arg18: memref<64x16xf32, #tpu.memory_space<vmem>>, %arg19: memref<64x16xf32, #tpu.memory_space<vmem>>, %arg20: memref<64x16xf32, #tpu.memory_space<vmem>>, %arg21: memref<64x16xf32, #tpu.memory_space<vmem>>, %arg22: memref<64x136xf32, #tpu.memory_space<vmem>>, %arg23: memref<64x136xf32, #tpu.memory_space<vmem>>, %arg24: memref<!tpu.dma_semaphore, #tpu.memory_space<semaphore_mem>>, %arg25: memref<!tpu.dma_semaphore, #tpu.memory_space<semaphore_mem>>, %arg26: memref<!tpu.dma_semaphore, #tpu.memory_space<semaphore_mem>>, %arg27: memref<!tpu.dma_semaphore, #tpu.memory_space<semaphore_mem>>, %arg28: memref<!tpu.dma_semaphore, #tpu.memory_space<semaphore_mem>>, %arg29: memref<!tpu.dma_semaphore, #tpu.memory_space<semaphore_mem>>, %arg30: memref<!tpu.dma_semaphore, #tpu.memory_space<semaphore_mem>>, %arg31: memref<!tpu.dma_semaphore, #tpu.memory_space<semaphore_mem>>) attributes {dimension_semantics = [#tpu.dimension_semantics<core_parallel>, #tpu.dimension_semantics<subcore_parallel>], iteration_bounds = array<i64: 2, 16>, scalar_prefetch = 0 : i64, scratch_operands = 23 : i64, tpu.core_type = #tpu.core_type<sc_vector_subcore>, window_params = [{transform_indices = #map}, {transform_indices = #map}, {transform_indices = #map}, {transform_indices = #map1}, {transform_indices = #map1}, {transform_indices = #map}, {transform_indices = #map2}]} {
    %mul3A = arith.constant 2 : i32
    %mul3A_0 = arith.muli %arg1, %mul3A : i32
    %add3A = arith.addi %mul3A_0, %arg0 : i32
    %mul3A_1 = arith.constant 632 : i32
    %mul3A_2 = arith.muli %arg1, %mul3A_1 : i32
    "tpu.region"() ({
      %run_scoped3A = tpu.sem_alloc : memref<!tpu.dma_semaphore, #tpu.memory_space<semaphore_mem>>
      %dma_start3A_40 = arith.constant 0 : i32
      %dma_start3A_41 = tpu.memref_slice %arg9[%mul3A_2, %dma_start3A_40] : memref<10112x136xf32, #tpu.memory_space<vmem_shared>> -> memref<632x136xf32, #tpu.memory_space<vmem_shared>>
      tpu.enqueue_dma source(%arg7 : memref<632x136xf32, #tpu.memory_space<hbm>>) target(%dma_start3A_41 : memref<632x136xf32, #tpu.memory_space<vmem_shared>>) target_semaphore(%run_scoped3A : memref<!tpu.dma_semaphore, #tpu.memory_space<semaphore_mem>>)
      %dma_wait3A_42 = arith.constant 0 : i32
      %dma_wait3A_43 = tpu.memref_slice %arg9[%mul3A_2, %dma_wait3A_42] : memref<10112x136xf32, #tpu.memory_space<vmem_shared>> -> memref<632x136xf32, #tpu.memory_space<vmem_shared>>
      tpu.wait_dma2 semaphore(%run_scoped3A : memref<!tpu.dma_semaphore, #tpu.memory_space<semaphore_mem>>) src(%arg7 : memref<632x136xf32, #tpu.memory_space<hbm>>) dst(%dma_wait3A_43 : memref<632x136xf32, #tpu.memory_space<vmem_shared>>)
      tpu.yield
    }) : () -> ()
    %barrier3A = arith.constant 0 : index
    tpu.barrier barrier_id(%barrier3A)
    %mul3A_3 = arith.constant 10368 : i32
    %mul3A_4 = arith.muli %add3A, %mul3A_3 : i32
    %add3A_5 = arith.constant 0 : i32
    %add3A_6 = arith.addi %mul3A_4, %add3A_5 : i32
    %dma_start3A = tpu.memref_slice %arg5[%add3A_6] : memref<331776xi32, #tpu.memory_space<hbm>> -> memref<64xi32, #tpu.memory_space<hbm>>
    %dma_start3A_7 = tpu.memref_slice %arg5[%add3A_6] : memref<331776xi32, #tpu.memory_space<hbm>> -> memref<64xi32, #tpu.memory_space<hbm>>
    tpu.enqueue_dma source(%dma_start3A_7 : memref<64xi32, #tpu.memory_space<hbm>>) target(%arg10 : memref<64xi32, #tpu.memory_space<vmem>>) target_semaphore(%arg24 : memref<!tpu.dma_semaphore, #tpu.memory_space<semaphore_mem>>)
    %dma_start3A_8 = tpu.memref_slice %arg6[%add3A_6] : memref<331776xi32, #tpu.memory_space<hbm>> -> memref<64xi32, #tpu.memory_space<hbm>>
    %dma_start3A_9 = tpu.memref_slice %arg6[%add3A_6] : memref<331776xi32, #tpu.memory_space<hbm>> -> memref<64xi32, #tpu.memory_space<hbm>>
    tpu.enqueue_dma source(%dma_start3A_9 : memref<64xi32, #tpu.memory_space<hbm>>) target(%arg12 : memref<64xi32, #tpu.memory_space<vmem>>) target_semaphore(%arg24 : memref<!tpu.dma_semaphore, #tpu.memory_space<semaphore_mem>>)
    %add3A_10 = arith.constant 0 : i32
    %add3A_11 = arith.addi %mul3A_4, %add3A_10 : i32
    %dma_wait3A = tpu.memref_slice %arg5[%add3A_11] : memref<331776xi32, #tpu.memory_space<hbm>> -> memref<64xi32, #tpu.memory_space<hbm>>
    %dma_wait3A_12 = tpu.memref_slice %arg5[%add3A_11] : memref<331776xi32, #tpu.memory_space<hbm>> -> memref<64xi32, #tpu.memory_space<hbm>>
    tpu.wait_dma2 semaphore(%arg24 : memref<!tpu.dma_semaphore, #tpu.memory_space<semaphore_mem>>) src(%dma_wait3A_12 : memref<64xi32, #tpu.memory_space<hbm>>) dst(%arg10 : memref<64xi32, #tpu.memory_space<vmem>>)
    %dma_wait3A_13 = tpu.memref_slice %arg6[%add3A_11] : memref<331776xi32, #tpu.memory_space<hbm>> -> memref<64xi32, #tpu.memory_space<hbm>>
    %dma_wait3A_14 = tpu.memref_slice %arg6[%add3A_11] : memref<331776xi32, #tpu.memory_space<hbm>> -> memref<64xi32, #tpu.memory_space<hbm>>
    tpu.wait_dma2 semaphore(%arg24 : memref<!tpu.dma_semaphore, #tpu.memory_space<semaphore_mem>>) src(%dma_wait3A_14 : memref<64xi32, #tpu.memory_space<hbm>>) dst(%arg12 : memref<64xi32, #tpu.memory_space<vmem>>)
    %dma_start3A_15 = arith.constant 0 : i32
    %dma_start3A_16 = arith.constant 0 : i32
    %dma_start3A_17 = tpu.memref_slice %arg2[%dma_start3A_15, %dma_start3A_16] : memref<10000x128xf32, #tpu.memory_space<hbm>> -> memref<10000x128xf32, #tpu.memory_space<hbm>>
    tpu.enqueue_indirect_dma source(%dma_start3A_17 : memref<10000x128xf32, #tpu.memory_space<hbm>>) target(%arg16 : memref<64x128xf32, #tpu.memory_space<vmem>>) offsets(%arg10 : memref<64xi32, #tpu.memory_space<vmem>>) semaphore(%arg26 : memref<!tpu.dma_semaphore, #tpu.memory_space<semaphore_mem>>)
    %dma_start3A_18 = arith.constant 0 : i32
    %dma_start3A_19 = arith.constant 0 : i32
    %dma_start3A_20 = tpu.memref_slice %arg3[%dma_start3A_18, %dma_start3A_19] : memref<10000x16xf32, #tpu.memory_space<hbm>> -> memref<10000x16xf32, #tpu.memory_space<hbm>>
    tpu.enqueue_indirect_dma source(%dma_start3A_20 : memref<10000x16xf32, #tpu.memory_space<hbm>>) target(%arg18 : memref<64x16xf32, #tpu.memory_space<vmem>>) offsets(%arg10 : memref<64xi32, #tpu.memory_space<vmem>>) semaphore(%arg28 : memref<!tpu.dma_semaphore, #tpu.memory_space<semaphore_mem>>)
    %dma_start3A_21 = arith.constant 0 : i32
    %dma_start3A_22 = arith.constant 0 : i32
    %dma_start3A_23 = tpu.memref_slice %arg4[%dma_start3A_21, %dma_start3A_22] : memref<10112x16xf32, #tpu.memory_space<hbm>> -> memref<10112x16xf32, #tpu.memory_space<hbm>>
    tpu.enqueue_indirect_dma source(%dma_start3A_23 : memref<10112x16xf32, #tpu.memory_space<hbm>>) target(%arg20 : memref<64x16xf32, #tpu.memory_space<vmem>>) offsets(%arg12 : memref<64xi32, #tpu.memory_space<vmem>>) semaphore(%arg30 : memref<!tpu.dma_semaphore, #tpu.memory_space<semaphore_mem>>)
    %add3A_24 = arith.constant 64 : i32
    %add3A_25 = arith.addi %mul3A_4, %add3A_24 : i32
    %dma_start3A_26 = tpu.memref_slice %arg5[%add3A_25] : memref<331776xi32, #tpu.memory_space<hbm>> -> memref<64xi32, #tpu.memory_space<hbm>>
    %dma_start3A_27 = tpu.memref_slice %arg5[%add3A_25] : memref<331776xi32, #tpu.memory_space<hbm>> -> memref<64xi32, #tpu.memory_space<hbm>>
    tpu.enqueue_dma source(%dma_start3A_27 : memref<64xi32, #tpu.memory_space<hbm>>) target(%arg11 : memref<64xi32, #tpu.memory_space<vmem>>) target_semaphore(%arg25 : memref<!tpu.dma_semaphore, #tpu.memory_space<semaphore_mem>>)
    %dma_start3A_28 = tpu.memref_slice %arg6[%add3A_25] : memref<331776xi32, #tpu.memory_space<hbm>> -> memref<64xi32, #tpu.memory_space<hbm>>
    %dma_start3A_29 = tpu.memref_slice %arg6[%add3A_25] : memref<331776xi32, #tpu.memory_space<hbm>> -> memref<64xi32, #tpu.memory_space<hbm>>
    tpu.enqueue_dma source(%dma_start3A_29 : memref<64xi32, #tpu.memory_space<hbm>>) target(%arg13 : memref<64xi32, #tpu.memory_space<vmem>>) target_semaphore(%arg25 : memref<!tpu.dma_semaphore, #tpu.memory_space<semaphore_mem>>)
    %scan3A = arith.constant 0 : i32
    %scan3A_30 = arith.constant 0 : i32
    %scan3A_31 = arith.constant 81 : i32
    %scan3A_32 = arith.addi %scan3A_30, %scan3A_31 : i32
    %scan3A_33 = arith.constant 1 : i32
    scf.for %scan3A_40 = %scan3A_30 to %scan3A_32 step %scan3A_33  : i32 {
      %mul3A_41 = arith.constant 2 : i32
      %mul3A_42 = arith.muli %scan3A_40, %mul3A_41 : i32
      %add3A_43 = arith.constant 0 : i32
      %add3A_44 = arith.addi %mul3A_42, %add3A_43 : i32
      %dma_wait3A_45 = arith.constant 0 : i32
      %dma_wait3A_46 = arith.constant 0 : i32
      %dma_wait3A_47 = tpu.memref_slice %arg3[%dma_wait3A_45, %dma_wait3A_46] : memref<10000x16xf32, #tpu.memory_space<hbm>> -> memref<10000x16xf32, #tpu.memory_space<hbm>>
      tpu.wait_indirect_dma semaphore(%arg28 : memref<!tpu.dma_semaphore, #tpu.memory_space<semaphore_mem>>) src(%dma_wait3A_47 : memref<10000x16xf32, #tpu.memory_space<hbm>>) dst(%arg18 : memref<64x16xf32, #tpu.memory_space<vmem>>)
      %dma_wait3A_48 = arith.constant 0 : i32
      %dma_wait3A_49 = arith.constant 0 : i32
      %dma_wait3A_50 = tpu.memref_slice %arg4[%dma_wait3A_48, %dma_wait3A_49] : memref<10112x16xf32, #tpu.memory_space<hbm>> -> memref<10112x16xf32, #tpu.memory_space<hbm>>
      tpu.wait_indirect_dma semaphore(%arg30 : memref<!tpu.dma_semaphore, #tpu.memory_space<semaphore_mem>>) src(%dma_wait3A_50 : memref<10112x16xf32, #tpu.memory_space<hbm>>) dst(%arg20 : memref<64x16xf32, #tpu.memory_space<vmem>>)
      %dma_wait3A_51 = arith.constant 0 : i32
      %dma_wait3A_52 = arith.constant 0 : i32
      %dma_wait3A_53 = tpu.memref_slice %arg2[%dma_wait3A_51, %dma_wait3A_52] : memref<10000x128xf32, #tpu.memory_space<hbm>> -> memref<10000x128xf32, #tpu.memory_space<hbm>>
      tpu.wait_indirect_dma semaphore(%arg26 : memref<!tpu.dma_semaphore, #tpu.memory_space<semaphore_mem>>) src(%dma_wait3A_53 : memref<10000x128xf32, #tpu.memory_space<hbm>>) dst(%arg16 : memref<64x128xf32, #tpu.memory_space<vmem>>)
      %get3A = arith.constant 0 : index
      %get3A_54 = tpu.vector_load %arg12[%get3A] {strides = array<i32>} : memref<64xi32, #tpu.memory_space<vmem>>, vector<16xi32>,
      %swap3A = arith.constant 0 : index
      %swap3A_55 = tpu.vector_load %arg14[%swap3A] {strides = array<i32>} : memref<64xi32, #tpu.memory_space<vmem>>, vector<16xi32>,
      tpu.vector_store %arg14[%swap3A], %get3A_54 {strides = array<i32>} : memref<64xi32, #tpu.memory_space<vmem>>, vector<16xi32>,
      %get3A_56 = arith.constant 16 : index
      %get3A_57 = tpu.vector_load %arg12[%get3A_56] {strides = array<i32>} : memref<64xi32, #tpu.memory_space<vmem>>, vector<16xi32>,
      %swap3A_58 = arith.constant 16 : index
      %swap3A_59 = tpu.vector_load %arg14[%swap3A_58] {strides = array<i32>} : memref<64xi32, #tpu.memory_space<vmem>>, vector<16xi32>,
      tpu.vector_store %arg14[%swap3A_58], %get3A_57 {strides = array<i32>} : memref<64xi32, #tpu.memory_space<vmem>>, vector<16xi32>,
      %get3A_60 = arith.constant 32 : index
      %get3A_61 = tpu.vector_load %arg12[%get3A_60] {strides = array<i32>} : memref<64xi32, #tpu.memory_space<vmem>>, vector<16xi32>,
      %swap3A_62 = arith.constant 32 : index
      %swap3A_63 = tpu.vector_load %arg14[%swap3A_62] {strides = array<i32>} : memref<64xi32, #tpu.memory_space<vmem>>, vector<16xi32>,
      tpu.vector_store %arg14[%swap3A_62], %get3A_61 {strides = array<i32>} : memref<64xi32, #tpu.memory_space<vmem>>, vector<16xi32>,
      %get3A_64 = arith.constant 48 : index
      %get3A_65 = tpu.vector_load %arg12[%get3A_64] {strides = array<i32>} : memref<64xi32, #tpu.memory_space<vmem>>, vector<16xi32>,
      %swap3A_66 = arith.constant 48 : index
      %swap3A_67 = tpu.vector_load %arg14[%swap3A_66] {strides = array<i32>} : memref<64xi32, #tpu.memory_space<vmem>>, vector<16xi32>,
      tpu.vector_store %arg14[%swap3A_66], %get3A_65 {strides = array<i32>} : memref<64xi32, #tpu.memory_space<vmem>>, vector<16xi32>,
      %add3A_68 = arith.constant 1 : i32
      %add3A_69 = arith.addi %add3A_44, %add3A_68 : i32
      %lt3A = arith.constant 162 : i32
      %lt3A_70 = arith.cmpi slt, %add3A_69, %lt3A : i32
      %convert_element_type3A = arith.extui %lt3A_70 : i1 to i32
      %cond3A = arith.constant 0 : i32
      %cond3A_71 = arith.cmpi ne, %convert_element_type3A, %cond3A : i32
      scf.if %cond3A_71 {
        %add3A_267 = arith.constant 1 : i32
        %add3A_268 = arith.addi %add3A_44, %add3A_267 : i32
        %mul3A_269 = arith.constant 64 : i32
        %mul3A_270 = arith.muli %add3A_268, %mul3A_269 : i32
        %add3A_271 = arith.addi %mul3A_4, %mul3A_270 : i32
        %dma_wait3A_272 = tpu.memref_slice %arg5[%add3A_271] : memref<331776xi32, #tpu.memory_space<hbm>> -> memref<64xi32, #tpu.memory_space<hbm>>
        %dma_wait3A_273 = tpu.memref_slice %arg5[%add3A_271] : memref<331776xi32, #tpu.memory_space<hbm>> -> memref<64xi32, #tpu.memory_space<hbm>>
        tpu.wait_dma2 semaphore(%arg25 : memref<!tpu.dma_semaphore, #tpu.memory_space<semaphore_mem>>) src(%dma_wait3A_273 : memref<64xi32, #tpu.memory_space<hbm>>) dst(%arg11 : memref<64xi32, #tpu.memory_space<vmem>>)
        %dma_wait3A_274 = tpu.memref_slice %arg6[%add3A_271] : memref<331776xi32, #tpu.memory_space<hbm>> -> memref<64xi32, #tpu.memory_space<hbm>>
        %dma_wait3A_275 = tpu.memref_slice %arg6[%add3A_271] : memref<331776xi32, #tpu.memory_space<hbm>> -> memref<64xi32, #tpu.memory_space<hbm>>
        tpu.wait_dma2 semaphore(%arg25 : memref<!tpu.dma_semaphore, #tpu.memory_space<semaphore_mem>>) src(%dma_wait3A_275 : memref<64xi32, #tpu.memory_space<hbm>>) dst(%arg13 : memref<64xi32, #tpu.memory_space<vmem>>)
        %dma_start3A_276 = arith.constant 0 : i32
        %dma_start3A_277 = arith.constant 0 : i32
        %dma_start3A_278 = tpu.memref_slice %arg2[%dma_start3A_276, %dma_start3A_277] : memref<10000x128xf32, #tpu.memory_space<hbm>> -> memref<10000x128xf32, #tpu.memory_space<hbm>>
        tpu.enqueue_indirect_dma source(%dma_start3A_278 : memref<10000x128xf32, #tpu.memory_space<hbm>>) target(%arg17 : memref<64x128xf32, #tpu.memory_space<vmem>>) offsets(%arg11 : memref<64xi32, #tpu.memory_space<vmem>>) semaphore(%arg27 : memref<!tpu.dma_semaphore, #tpu.memory_space<semaphore_mem>>)
        %dma_start3A_279 = arith.constant 0 : i32
        %dma_start3A_280 = arith.constant 0 : i32
        %dma_start3A_281 = tpu.memref_slice %arg3[%dma_start3A_279, %dma_start3A_280] : memref<10000x16xf32, #tpu.memory_space<hbm>> -> memref<10000x16xf32, #tpu.memory_space<hbm>>
        tpu.enqueue_indirect_dma source(%dma_start3A_281 : memref<10000x16xf32, #tpu.memory_space<hbm>>) target(%arg19 : memref<64x16xf32, #tpu.memory_space<vmem>>) offsets(%arg11 : memref<64xi32, #tpu.memory_space<vmem>>) semaphore(%arg29 : memref<!tpu.dma_semaphore, #tpu.memory_space<semaphore_mem>>)
        %dma_start3A_282 = arith.constant 0 : i32
        %dma_start3A_283 = arith.constant 0 : i32
        %dma_start3A_284 = tpu.memref_slice %arg4[%dma_start3A_282, %dma_start3A_283] : memref<10112x16xf32, #tpu.memory_space<hbm>> -> memref<10112x16xf32, #tpu.memory_space<hbm>>
        tpu.enqueue_indirect_dma source(%dma_start3A_284 : memref<10112x16xf32, #tpu.memory_space<hbm>>) target(%arg21 : memref<64x16xf32, #tpu.memory_space<vmem>>) offsets(%arg13 : memref<64xi32, #tpu.memory_space<vmem>>) semaphore(%arg31 : memref<!tpu.dma_semaphore, #tpu.memory_space<semaphore_mem>>)
      } else {
      }
      %add3A_72 = arith.constant 2 : i32
      %add3A_73 = arith.addi %add3A_44, %add3A_72 : i32
      %lt3A_74 = arith.constant 162 : i32
      %lt3A_75 = arith.cmpi slt, %add3A_73, %lt3A_74 : i32
      %convert_element_type3A_76 = arith.extui %lt3A_75 : i1 to i32
      %cond3A_77 = arith.constant 0 : i32
      %cond3A_78 = arith.cmpi ne, %convert_element_type3A_76, %cond3A_77 : i32
      scf.if %cond3A_78 {
        %add3A_267 = arith.constant 2 : i32
        %add3A_268 = arith.addi %add3A_44, %add3A_267 : i32
        %mul3A_269 = arith.constant 64 : i32
        %mul3A_270 = arith.muli %add3A_268, %mul3A_269 : i32
        %add3A_271 = arith.addi %mul3A_4, %mul3A_270 : i32
        %dma_start3A_272 = tpu.memref_slice %arg5[%add3A_271] : memref<331776xi32, #tpu.memory_space<hbm>> -> memref<64xi32, #tpu.memory_space<hbm>>
        %dma_start3A_273 = tpu.memref_slice %arg5[%add3A_271] : memref<331776xi32, #tpu.memory_space<hbm>> -> memref<64xi32, #tpu.memory_space<hbm>>
        tpu.enqueue_dma source(%dma_start3A_273 : memref<64xi32, #tpu.memory_space<hbm>>) target(%arg10 : memref<64xi32, #tpu.memory_space<vmem>>) target_semaphore(%arg24 : memref<!tpu.dma_semaphore, #tpu.memory_space<semaphore_mem>>)
        %dma_start3A_274 = tpu.memref_slice %arg6[%add3A_271] : memref<331776xi32, #tpu.memory_space<hbm>> -> memref<64xi32, #tpu.memory_space<hbm>>
        %dma_start3A_275 = tpu.memref_slice %arg6[%add3A_271] : memref<331776xi32, #tpu.memory_space<hbm>> -> memref<64xi32, #tpu.memory_space<hbm>>
        tpu.enqueue_dma source(%dma_start3A_275 : memref<64xi32, #tpu.memory_space<hbm>>) target(%arg12 : memref<64xi32, #tpu.memory_space<vmem>>) target_semaphore(%arg24 : memref<!tpu.dma_semaphore, #tpu.memory_space<semaphore_mem>>)
      } else {
      }
      %iota3A = tpu.iota {dimensions = array<i32: 0>} : vector<16xi32>
      %add3A_79 = arith.constant 0 : i32
      %add3A_80 = vector.broadcast %add3A_79 : i32 to vector<16xi32>
      %add3A_81 = arith.addi %iota3A, %add3A_80 : vector<16xi32>
      %broadcast_in_dim3A = arith.constant 0 : i32
      %broadcast_in_dim3A_82 = vector.broadcast %broadcast_in_dim3A : i32 to vector<16xi32>
      %gather3A = tpu.vector_load_idx %arg18[%add3A_81, %broadcast_in_dim3A_82] : memref<64x16xf32, #tpu.memory_space<vmem>>[vector<16xi32>, vector<16xi32>], vector<16xf32>,
      %gather3A_83 = tpu.vector_load_idx %arg20[%add3A_81, %broadcast_in_dim3A_82] : memref<64x16xf32, #tpu.memory_space<vmem>>[vector<16xi32>, vector<16xi32>], vector<16xf32>,
      %add3A_84 = arith.addf %gather3A, %gather3A_83 : vector<16xf32>
      %gt3A = arith.constant 0.000000e+00 : f32
      %gt3A_85 = vector.broadcast %gt3A : f32 to vector<16xf32>
      %gt3A_86 = arith.cmpf ogt, %add3A_84, %gt3A_85 : vector<16xf32>
      %mul3A_87 = arith.constant 2.000000e-01 : f32
      %mul3A_88 = vector.broadcast %mul3A_87 : f32 to vector<16xf32>
      %mul3A_89 = arith.mulf %mul3A_88, %add3A_84 : vector<16xf32>
      %select_n3A = arith.select %gt3A_86, %add3A_84, %mul3A_89 : vector<16xi1>, vector<16xf32>
      %exp3A = math.exp %select_n3A : vector<16xf32>
      %broadcast_in_dim3A_90 = arith.constant 128 : i32
      %broadcast_in_dim3A_91 = vector.broadcast %broadcast_in_dim3A_90 : i32 to vector<16xi32>
      tpu.vector_store_idx %arg22[%add3A_81, %broadcast_in_dim3A_91], %exp3A : memref<64x136xf32, #tpu.memory_space<vmem>>[vector<16xi32>, vector<16xi32>], vector<16xf32>,
      %add3A_92 = arith.constant 16 : i32
      %add3A_93 = vector.broadcast %add3A_92 : i32 to vector<16xi32>
      %add3A_94 = arith.addi %iota3A, %add3A_93 : vector<16xi32>
      %broadcast_in_dim3A_95 = arith.constant 0 : i32
      %broadcast_in_dim3A_96 = vector.broadcast %broadcast_in_dim3A_95 : i32 to vector<16xi32>
      %gather3A_97 = tpu.vector_load_idx %arg18[%add3A_94, %broadcast_in_dim3A_96] : memref<64x16xf32, #tpu.memory_space<vmem>>[vector<16xi32>, vector<16xi32>], vector<16xf32>,
      %gather3A_98 = tpu.vector_load_idx %arg20[%add3A_94, %broadcast_in_dim3A_96] : memref<64x16xf32, #tpu.memory_space<vmem>>[vector<16xi32>, vector<16xi32>], vector<16xf32>,
      %add3A_99 = arith.addf %gather3A_97, %gather3A_98 : vector<16xf32>
      %gt3A_100 = arith.constant 0.000000e+00 : f32
      %gt3A_101 = vector.broadcast %gt3A_100 : f32 to vector<16xf32>
      %gt3A_102 = arith.cmpf ogt, %add3A_99, %gt3A_101 : vector<16xf32>
      %mul3A_103 = arith.constant 2.000000e-01 : f32
      %mul3A_104 = vector.broadcast %mul3A_103 : f32 to vector<16xf32>
      %mul3A_105 = arith.mulf %mul3A_104, %add3A_99 : vector<16xf32>
      %select_n3A_106 = arith.select %gt3A_102, %add3A_99, %mul3A_105 : vector<16xi1>, vector<16xf32>
      %exp3A_107 = math.exp %select_n3A_106 : vector<16xf32>
      %broadcast_in_dim3A_108 = arith.constant 128 : i32
      %broadcast_in_dim3A_109 = vector.broadcast %broadcast_in_dim3A_108 : i32 to vector<16xi32>
      tpu.vector_store_idx %arg22[%add3A_94, %broadcast_in_dim3A_109], %exp3A_107 : memref<64x136xf32, #tpu.memory_space<vmem>>[vector<16xi32>, vector<16xi32>], vector<16xf32>,
      %add3A_110 = arith.constant 32 : i32
      %add3A_111 = vector.broadcast %add3A_110 : i32 to vector<16xi32>
      %add3A_112 = arith.addi %iota3A, %add3A_111 : vector<16xi32>
      %broadcast_in_dim3A_113 = arith.constant 0 : i32
      %broadcast_in_dim3A_114 = vector.broadcast %broadcast_in_dim3A_113 : i32 to vector<16xi32>
      %gather3A_115 = tpu.vector_load_idx %arg18[%add3A_112, %broadcast_in_dim3A_114] : memref<64x16xf32, #tpu.memory_space<vmem>>[vector<16xi32>, vector<16xi32>], vector<16xf32>,
      %gather3A_116 = tpu.vector_load_idx %arg20[%add3A_112, %broadcast_in_dim3A_114] : memref<64x16xf32, #tpu.memory_space<vmem>>[vector<16xi32>, vector<16xi32>], vector<16xf32>,
      %add3A_117 = arith.addf %gather3A_115, %gather3A_116 : vector<16xf32>
      %gt3A_118 = arith.constant 0.000000e+00 : f32
      %gt3A_119 = vector.broadcast %gt3A_118 : f32 to vector<16xf32>
      %gt3A_120 = arith.cmpf ogt, %add3A_117, %gt3A_119 : vector<16xf32>
      %mul3A_121 = arith.constant 2.000000e-01 : f32
      %mul3A_122 = vector.broadcast %mul3A_121 : f32 to vector<16xf32>
      %mul3A_123 = arith.mulf %mul3A_122, %add3A_117 : vector<16xf32>
      %select_n3A_124 = arith.select %gt3A_120, %add3A_117, %mul3A_123 : vector<16xi1>, vector<16xf32>
      %exp3A_125 = math.exp %select_n3A_124 : vector<16xf32>
      %broadcast_in_dim3A_126 = arith.constant 128 : i32
      %broadcast_in_dim3A_127 = vector.broadcast %broadcast_in_dim3A_126 : i32 to vector<16xi32>
      tpu.vector_store_idx %arg22[%add3A_112, %broadcast_in_dim3A_127], %exp3A_125 : memref<64x136xf32, #tpu.memory_space<vmem>>[vector<16xi32>, vector<16xi32>], vector<16xf32>,
      %add3A_128 = arith.constant 48 : i32
      %add3A_129 = vector.broadcast %add3A_128 : i32 to vector<16xi32>
      %add3A_130 = arith.addi %iota3A, %add3A_129 : vector<16xi32>
      %broadcast_in_dim3A_131 = arith.constant 0 : i32
      %broadcast_in_dim3A_132 = vector.broadcast %broadcast_in_dim3A_131 : i32 to vector<16xi32>
      %gather3A_133 = tpu.vector_load_idx %arg18[%add3A_130, %broadcast_in_dim3A_132] : memref<64x16xf32, #tpu.memory_space<vmem>>[vector<16xi32>, vector<16xi32>], vector<16xf32>,
      %gather3A_134 = tpu.vector_load_idx %arg20[%add3A_130, %broadcast_in_dim3A_132] : memref<64x16xf32, #tpu.memory_space<vmem>>[vector<16xi32>, vector<16xi32>], vector<16xf32>,
      %add3A_135 = arith.addf %gather3A_133, %gather3A_134 : vector<16xf32>
      %gt3A_136 = arith.constant 0.000000e+00 : f32
      %gt3A_137 = vector.broadcast %gt3A_136 : f32 to vector<16xf32>
      %gt3A_138 = arith.cmpf ogt, %add3A_135, %gt3A_137 : vector<16xf32>
      %mul3A_139 = arith.constant 2.000000e-01 : f32
      %mul3A_140 = vector.broadcast %mul3A_139 : f32 to vector<16xf32>
      %mul3A_141 = arith.mulf %mul3A_140, %add3A_135 : vector<16xf32>
      %select_n3A_142 = arith.select %gt3A_138, %add3A_135, %mul3A_141 : vector<16xi1>, vector<16xf32>
      %exp3A_143 = math.exp %select_n3A_142 : vector<16xf32>
      %broadcast_in_dim3A_144 = arith.constant 128 : i32
      %broadcast_in_dim3A_145 = vector.broadcast %broadcast_in_dim3A_144 : i32 to vector<16xi32>
      tpu.vector_store_idx %arg22[%add3A_130, %broadcast_in_dim3A_145], %exp3A_143 : memref<64x136xf32, #tpu.memory_space<vmem>>[vector<16xi32>, vector<16xi32>], vector<16xf32>,
      %parallel_loop3A = arith.constant 0 : i32
      %parallel_loop3A_146 = arith.constant 64 : i32
      %parallel_loop3A_147 = arith.constant 1 : i32
      scf.for %parallel_loop3A_267 = %parallel_loop3A to %parallel_loop3A_146 step %parallel_loop3A_147  : i32 {
        %parallel_loop3A_268 = arith.index_cast %parallel_loop3A_267 : i32 to index
        %parallel_loop3A_269 = arith.constant 120 : index
        %parallel_loop3A_270 = tpu.vector_load %arg22[%parallel_loop3A_268, %parallel_loop3A_269] {strides = array<i32>} : memref<64x136xf32, #tpu.memory_space<vmem>>, vector<16xf32>,
        %parallel_loop3A_271 = vector.extract_strided_slice %parallel_loop3A_270 {offsets = [8], sizes = [1], strides = [1]} : vector<16xf32> to vector<1xf32>
        %parallel_loop3A_272 = vector.extract %parallel_loop3A_271[0] : f32 from vector<1xf32>
        %parallel_loop3A_273 = arith.index_cast %parallel_loop3A_267 : i32 to index
        %parallel_loop3A_274 = arith.constant 0 : index
        %parallel_loop3A_275 = tpu.vector_load %arg16[%parallel_loop3A_273, %parallel_loop3A_274] {strides = array<i32>} : memref<64x128xf32, #tpu.memory_space<vmem>>, vector<16xf32>,
        %parallel_loop3A_276 = vector.broadcast %parallel_loop3A_272 : f32 to vector<16xf32>
        %parallel_loop3A_277 = arith.mulf %parallel_loop3A_276, %parallel_loop3A_275 : vector<16xf32>
        %parallel_loop3A_278 = arith.index_cast %parallel_loop3A_267 : i32 to index
        %parallel_loop3A_279 = arith.constant 0 : index
        %parallel_loop3A_280 = tpu.vector_load %arg22[%parallel_loop3A_278, %parallel_loop3A_279] {strides = array<i32>} : memref<64x136xf32, #tpu.memory_space<vmem>>, vector<16xf32>,
        tpu.vector_store %arg22[%parallel_loop3A_278, %parallel_loop3A_279], %parallel_loop3A_277 {strides = array<i32>} : memref<64x136xf32, #tpu.memory_space<vmem>>, vector<16xf32>,
        %parallel_loop3A_281 = vector.extract_strided_slice %parallel_loop3A_270 {offsets = [8], sizes = [1], strides = [1]} : vector<16xf32> to vector<1xf32>
        %parallel_loop3A_282 = vector.extract %parallel_loop3A_281[0] : f32 from vector<1xf32>
        %parallel_loop3A_283 = arith.index_cast %parallel_loop3A_267 : i32 to index
        %parallel_loop3A_284 = arith.constant 16 : index
        %parallel_loop3A_285 = tpu.vector_load %arg16[%parallel_loop3A_283, %parallel_loop3A_284] {strides = array<i32>} : memref<64x128xf32, #tpu.memory_space<vmem>>, vector<16xf32>,
        %parallel_loop3A_286 = vector.broadcast %parallel_loop3A_282 : f32 to vector<16xf32>
        %parallel_loop3A_287 = arith.mulf %parallel_loop3A_286, %parallel_loop3A_285 : vector<16xf32>
        %parallel_loop3A_288 = arith.index_cast %parallel_loop3A_267 : i32 to index
        %parallel_loop3A_289 = arith.constant 16 : index
        %parallel_loop3A_290 = tpu.vector_load %arg22[%parallel_loop3A_288, %parallel_loop3A_289] {strides = array<i32>} : memref<64x136xf32, #tpu.memory_space<vmem>>, vector<16xf32>,
        tpu.vector_store %arg22[%parallel_loop3A_288, %parallel_loop3A_289], %parallel_loop3A_287 {strides = array<i32>} : memref<64x136xf32, #tpu.memory_space<vmem>>, vector<16xf32>,
        %parallel_loop3A_291 = vector.extract_strided_slice %parallel_loop3A_270 {offsets = [8], sizes = [1], strides = [1]} : vector<16xf32> to vector<1xf32>
        %parallel_loop3A_292 = vector.extract %parallel_loop3A_291[0] : f32 from vector<1xf32>
        %parallel_loop3A_293 = arith.index_cast %parallel_loop3A_267 : i32 to index
        %parallel_loop3A_294 = arith.constant 32 : index
        %parallel_loop3A_295 = tpu.vector_load %arg16[%parallel_loop3A_293, %parallel_loop3A_294] {strides = array<i32>} : memref<64x128xf32, #tpu.memory_space<vmem>>, vector<16xf32>,
        %parallel_loop3A_296 = vector.broadcast %parallel_loop3A_292 : f32 to vector<16xf32>
        %parallel_loop3A_297 = arith.mulf %parallel_loop3A_296, %parallel_loop3A_295 : vector<16xf32>
        %parallel_loop3A_298 = arith.index_cast %parallel_loop3A_267 : i32 to index
        %parallel_loop3A_299 = arith.constant 32 : index
        %parallel_loop3A_300 = tpu.vector_load %arg22[%parallel_loop3A_298, %parallel_loop3A_299] {strides = array<i32>} : memref<64x136xf32, #tpu.memory_space<vmem>>, vector<16xf32>,
        tpu.vector_store %arg22[%parallel_loop3A_298, %parallel_loop3A_299], %parallel_loop3A_297 {strides = array<i32>} : memref<64x136xf32, #tpu.memory_space<vmem>>, vector<16xf32>,
        %parallel_loop3A_301 = vector.extract_strided_slice %parallel_loop3A_270 {offsets = [8], sizes = [1], strides = [1]} : vector<16xf32> to vector<1xf32>
        %parallel_loop3A_302 = vector.extract %parallel_loop3A_301[0] : f32 from vector<1xf32>
        %parallel_loop3A_303 = arith.index_cast %parallel_loop3A_267 : i32 to index
        %parallel_loop3A_304 = arith.constant 48 : index
        %parallel_loop3A_305 = tpu.vector_load %arg16[%parallel_loop3A_303, %parallel_loop3A_304] {strides = array<i32>} : memref<64x128xf32, #tpu.memory_space<vmem>>, vector<16xf32>,
        %parallel_loop3A_306 = vector.broadcast %parallel_loop3A_302 : f32 to vector<16xf32>
        %parallel_loop3A_307 = arith.mulf %parallel_loop3A_306, %parallel_loop3A_305 : vector<16xf32>
        %parallel_loop3A_308 = arith.index_cast %parallel_loop3A_267 : i32 to index
        %parallel_loop3A_309 = arith.constant 48 : index
        %parallel_loop3A_310 = tpu.vector_load %arg22[%parallel_loop3A_308, %parallel_loop3A_309] {strides = array<i32>} : memref<64x136xf32, #tpu.memory_space<vmem>>, vector<16xf32>,
        tpu.vector_store %arg22[%parallel_loop3A_308, %parallel_loop3A_309], %parallel_loop3A_307 {strides = array<i32>} : memref<64x136xf32, #tpu.memory_space<vmem>>, vector<16xf32>,
        %parallel_loop3A_311 = vector.extract_strided_slice %parallel_loop3A_270 {offsets = [8], sizes = [1], strides = [1]} : vector<16xf32> to vector<1xf32>
        %parallel_loop3A_312 = vector.extract %parallel_loop3A_311[0] : f32 from vector<1xf32>
        %parallel_loop3A_313 = arith.index_cast %parallel_loop3A_267 : i32 to index
        %parallel_loop3A_314 = arith.constant 64 : index
        %parallel_loop3A_315 = tpu.vector_load %arg16[%parallel_loop3A_313, %parallel_loop3A_314] {strides = array<i32>} : memref<64x128xf32, #tpu.memory_space<vmem>>, vector<16xf32>,
        %parallel_loop3A_316 = vector.broadcast %parallel_loop3A_312 : f32 to vector<16xf32>
        %parallel_loop3A_317 = arith.mulf %parallel_loop3A_316, %parallel_loop3A_315 : vector<16xf32>
        %parallel_loop3A_318 = arith.index_cast %parallel_loop3A_267 : i32 to index
        %parallel_loop3A_319 = arith.constant 64 : index
        %parallel_loop3A_320 = tpu.vector_load %arg22[%parallel_loop3A_318, %parallel_loop3A_319] {strides = array<i32>} : memref<64x136xf32, #tpu.memory_space<vmem>>, vector<16xf32>,
        tpu.vector_store %arg22[%parallel_loop3A_318, %parallel_loop3A_319], %parallel_loop3A_317 {strides = array<i32>} : memref<64x136xf32, #tpu.memory_space<vmem>>, vector<16xf32>,
        %parallel_loop3A_321 = vector.extract_strided_slice %parallel_loop3A_270 {offsets = [8], sizes = [1], strides = [1]} : vector<16xf32> to vector<1xf32>
        %parallel_loop3A_322 = vector.extract %parallel_loop3A_321[0] : f32 from vector<1xf32>
        %parallel_loop3A_323 = arith.index_cast %parallel_loop3A_267 : i32 to index
        %parallel_loop3A_324 = arith.constant 80 : index
        %parallel_loop3A_325 = tpu.vector_load %arg16[%parallel_loop3A_323, %parallel_loop3A_324] {strides = array<i32>} : memref<64x128xf32, #tpu.memory_space<vmem>>, vector<16xf32>,
        %parallel_loop3A_326 = vector.broadcast %parallel_loop3A_322 : f32 to vector<16xf32>
        %parallel_loop3A_327 = arith.mulf %parallel_loop3A_326, %parallel_loop3A_325 : vector<16xf32>
        %parallel_loop3A_328 = arith.index_cast %parallel_loop3A_267 : i32 to index
        %parallel_loop3A_329 = arith.constant 80 : index
        %parallel_loop3A_330 = tpu.vector_load %arg22[%parallel_loop3A_328, %parallel_loop3A_329] {strides = array<i32>} : memref<64x136xf32, #tpu.memory_space<vmem>>, vector<16xf32>,
        tpu.vector_store %arg22[%parallel_loop3A_328, %parallel_loop3A_329], %parallel_loop3A_327 {strides = array<i32>} : memref<64x136xf32, #tpu.memory_space<vmem>>, vector<16xf32>,
        %parallel_loop3A_331 = vector.extract_strided_slice %parallel_loop3A_270 {offsets = [8], sizes = [1], strides = [1]} : vector<16xf32> to vector<1xf32>
        %parallel_loop3A_332 = vector.extract %parallel_loop3A_331[0] : f32 from vector<1xf32>
        %parallel_loop3A_333 = arith.index_cast %parallel_loop3A_267 : i32 to index
        %parallel_loop3A_334 = arith.constant 96 : index
        %parallel_loop3A_335 = tpu.vector_load %arg16[%parallel_loop3A_333, %parallel_loop3A_334] {strides = array<i32>} : memref<64x128xf32, #tpu.memory_space<vmem>>, vector<16xf32>,
        %parallel_loop3A_336 = vector.broadcast %parallel_loop3A_332 : f32 to vector<16xf32>
        %parallel_loop3A_337 = arith.mulf %parallel_loop3A_336, %parallel_loop3A_335 : vector<16xf32>
        %parallel_loop3A_338 = arith.index_cast %parallel_loop3A_267 : i32 to index
        %parallel_loop3A_339 = arith.constant 96 : index
        %parallel_loop3A_340 = tpu.vector_load %arg22[%parallel_loop3A_338, %parallel_loop3A_339] {strides = array<i32>} : memref<64x136xf32, #tpu.memory_space<vmem>>, vector<16xf32>,
        tpu.vector_store %arg22[%parallel_loop3A_338, %parallel_loop3A_339], %parallel_loop3A_337 {strides = array<i32>} : memref<64x136xf32, #tpu.memory_space<vmem>>, vector<16xf32>,
        %parallel_loop3A_341 = vector.extract_strided_slice %parallel_loop3A_270 {offsets = [8], sizes = [1], strides = [1]} : vector<16xf32> to vector<1xf32>
        %parallel_loop3A_342 = vector.extract %parallel_loop3A_341[0] : f32 from vector<1xf32>
        %parallel_loop3A_343 = arith.index_cast %parallel_loop3A_267 : i32 to index
        %parallel_loop3A_344 = arith.constant 112 : index
        %parallel_loop3A_345 = tpu.vector_load %arg16[%parallel_loop3A_343, %parallel_loop3A_344] {strides = array<i32>} : memref<64x128xf32, #tpu.memory_space<vmem>>, vector<16xf32>,
        %parallel_loop3A_346 = vector.broadcast %parallel_loop3A_342 : f32 to vector<16xf32>
        %parallel_loop3A_347 = arith.mulf %parallel_loop3A_346, %parallel_loop3A_345 : vector<16xf32>
        %parallel_loop3A_348 = arith.index_cast %parallel_loop3A_267 : i32 to index
        %parallel_loop3A_349 = arith.constant 112 : index
        %parallel_loop3A_350 = tpu.vector_load %arg22[%parallel_loop3A_348, %parallel_loop3A_349] {strides = array<i32>} : memref<64x136xf32, #tpu.memory_space<vmem>>, vector<16xf32>,
        tpu.vector_store %arg22[%parallel_loop3A_348, %parallel_loop3A_349], %parallel_loop3A_347 {strides = array<i32>} : memref<64x136xf32, #tpu.memory_space<vmem>>, vector<16xf32>,
      } {sc.loop_unroll_factor = 16 : i64, sc.parallel_access}
      "tpu.region"() ({
        %run_scoped3A = tpu.sem_alloc : memref<!tpu.dma_semaphore, #tpu.memory_space<semaphore_mem>>
        %dma_start3A_267 = arith.constant 0 : i32
        %dma_start3A_268 = arith.constant 0 : i32
        %dma_start3A_269 = tpu.memref_slice %arg9[%dma_start3A_267, %dma_start3A_268] : memref<10112x136xf32, #tpu.memory_space<vmem_shared>> -> memref<10112x136xf32, #tpu.memory_space<vmem_shared>>
        tpu.enqueue_indirect_dma source(%arg22 : memref<64x136xf32, #tpu.memory_space<vmem>>) target(%dma_start3A_269 : memref<10112x136xf32, #tpu.memory_space<vmem_shared>>) offsets(%arg14 : memref<64xi32, #tpu.memory_space<vmem>>) semaphore(%run_scoped3A : memref<!tpu.dma_semaphore, #tpu.memory_space<semaphore_mem>>) {add = true}
        %dma_wait3A_270 = arith.constant 0 : i32
        %dma_wait3A_271 = arith.constant 0 : i32
        %dma_wait3A_272 = tpu.memref_slice %arg9[%dma_wait3A_270, %dma_wait3A_271] : memref<10112x136xf32, #tpu.memory_space<vmem_shared>> -> memref<10112x136xf32, #tpu.memory_space<vmem_shared>>
        tpu.wait_indirect_dma semaphore(%run_scoped3A : memref<!tpu.dma_semaphore, #tpu.memory_space<semaphore_mem>>) src(%arg22 : memref<64x136xf32, #tpu.memory_space<vmem>>) dst(%dma_wait3A_272 : memref<10112x136xf32, #tpu.memory_space<vmem_shared>>)
        tpu.yield
      }) : () -> ()
      %mul3A_148 = arith.constant 2 : i32
      %mul3A_149 = arith.muli %scan3A_40, %mul3A_148 : i32
      %add3A_150 = arith.constant 1 : i32
      %add3A_151 = arith.addi %mul3A_149, %add3A_150 : i32
      %dma_wait3A_152 = arith.constant 0 : i32
      %dma_wait3A_153 = arith.constant 0 : i32
      %dma_wait3A_154 = tpu.memref_slice %arg3[%dma_wait3A_152, %dma_wait3A_153] : memref<10000x16xf32, #tpu.memory_space<hbm>> -> memref<10000x16xf32, #tpu.memory_space<hbm>>
      tpu.wait_indirect_dma semaphore(%arg29 : memref<!tpu.dma_semaphore, #tpu.memory_space<semaphore_mem>>) src(%dma_wait3A_154 : memref<10000x16xf32, #tpu.memory_space<hbm>>) dst(%arg19 : memref<64x16xf32, #tpu.memory_space<vmem>>)
      %dma_wait3A_155 = arith.constant 0 : i32
      %dma_wait3A_156 = arith.constant 0 : i32
      %dma_wait3A_157 = tpu.memref_slice %arg4[%dma_wait3A_155, %dma_wait3A_156] : memref<10112x16xf32, #tpu.memory_space<hbm>> -> memref<10112x16xf32, #tpu.memory_space<hbm>>
      tpu.wait_indirect_dma semaphore(%arg31 : memref<!tpu.dma_semaphore, #tpu.memory_space<semaphore_mem>>) src(%dma_wait3A_157 : memref<10112x16xf32, #tpu.memory_space<hbm>>) dst(%arg21 : memref<64x16xf32, #tpu.memory_space<vmem>>)
      %dma_wait3A_158 = arith.constant 0 : i32
      %dma_wait3A_159 = arith.constant 0 : i32
      %dma_wait3A_160 = tpu.memref_slice %arg2[%dma_wait3A_158, %dma_wait3A_159] : memref<10000x128xf32, #tpu.memory_space<hbm>> -> memref<10000x128xf32, #tpu.memory_space<hbm>>
      tpu.wait_indirect_dma semaphore(%arg27 : memref<!tpu.dma_semaphore, #tpu.memory_space<semaphore_mem>>) src(%dma_wait3A_160 : memref<10000x128xf32, #tpu.memory_space<hbm>>) dst(%arg17 : memref<64x128xf32, #tpu.memory_space<vmem>>)
      %get3A_161 = arith.constant 0 : index
      %get3A_162 = tpu.vector_load %arg13[%get3A_161] {strides = array<i32>} : memref<64xi32, #tpu.memory_space<vmem>>, vector<16xi32>,
      %swap3A_163 = arith.constant 0 : index
      %swap3A_164 = tpu.vector_load %arg15[%swap3A_163] {strides = array<i32>} : memref<64xi32, #tpu.memory_space<vmem>>, vector<16xi32>,
      tpu.vector_store %arg15[%swap3A_163], %get3A_162 {strides = array<i32>} : memref<64xi32, #tpu.memory_space<vmem>>, vector<16xi32>,
      %get3A_165 = arith.constant 16 : index
      %get3A_166 = tpu.vector_load %arg13[%get3A_165] {strides = array<i32>} : memref<64xi32, #tpu.memory_space<vmem>>, vector<16xi32>,
      %swap3A_167 = arith.constant 16 : index
      %swap3A_168 = tpu.vector_load %arg15[%swap3A_167] {strides = array<i32>} : memref<64xi32, #tpu.memory_space<vmem>>, vector<16xi32>,
      tpu.vector_store %arg15[%swap3A_167], %get3A_166 {strides = array<i32>} : memref<64xi32, #tpu.memory_space<vmem>>, vector<16xi32>,
      %get3A_169 = arith.constant 32 : index
      %get3A_170 = tpu.vector_load %arg13[%get3A_169] {strides = array<i32>} : memref<64xi32, #tpu.memory_space<vmem>>, vector<16xi32>,
      %swap3A_171 = arith.constant 32 : index
      %swap3A_172 = tpu.vector_load %arg15[%swap3A_171] {strides = array<i32>} : memref<64xi32, #tpu.memory_space<vmem>>, vector<16xi32>,
      tpu.vector_store %arg15[%swap3A_171], %get3A_170 {strides = array<i32>} : memref<64xi32, #tpu.memory_space<vmem>>, vector<16xi32>,
      %get3A_173 = arith.constant 48 : index
      %get3A_174 = tpu.vector_load %arg13[%get3A_173] {strides = array<i32>} : memref<64xi32, #tpu.memory_space<vmem>>, vector<16xi32>,
      %swap3A_175 = arith.constant 48 : index
      %swap3A_176 = tpu.vector_load %arg15[%swap3A_175] {strides = array<i32>} : memref<64xi32, #tpu.memory_space<vmem>>, vector<16xi32>,
      tpu.vector_store %arg15[%swap3A_175], %get3A_174 {strides = array<i32>} : memref<64xi32, #tpu.memory_space<vmem>>, vector<16xi32>,
      %add3A_177 = arith.constant 1 : i32
      %add3A_178 = arith.addi %add3A_151, %add3A_177 : i32
      %lt3A_179 = arith.constant 162 : i32
      %lt3A_180 = arith.cmpi slt, %add3A_178, %lt3A_179 : i32
      %convert_element_type3A_181 = arith.extui %lt3A_180 : i1 to i32
      %cond3A_182 = arith.constant 0 : i32
      %cond3A_183 = arith.cmpi ne, %convert_element_type3A_181, %cond3A_182 : i32
      scf.if %cond3A_183 {
        %add3A_267 = arith.constant 1 : i32
        %add3A_268 = arith.addi %add3A_151, %add3A_267 : i32
        %mul3A_269 = arith.constant 64 : i32
        %mul3A_270 = arith.muli %add3A_268, %mul3A_269 : i32
        %add3A_271 = arith.addi %mul3A_4, %mul3A_270 : i32
        %dma_wait3A_272 = tpu.memref_slice %arg5[%add3A_271] : memref<331776xi32, #tpu.memory_space<hbm>> -> memref<64xi32, #tpu.memory_space<hbm>>
        %dma_wait3A_273 = tpu.memref_slice %arg5[%add3A_271] : memref<331776xi32, #tpu.memory_space<hbm>> -> memref<64xi32, #tpu.memory_space<hbm>>
        tpu.wait_dma2 semaphore(%arg24 : memref<!tpu.dma_semaphore, #tpu.memory_space<semaphore_mem>>) src(%dma_wait3A_273 : memref<64xi32, #tpu.memory_space<hbm>>) dst(%arg10 : memref<64xi32, #tpu.memory_space<vmem>>)
        %dma_wait3A_274 = tpu.memref_slice %arg6[%add3A_271] : memref<331776xi32, #tpu.memory_space<hbm>> -> memref<64xi32, #tpu.memory_space<hbm>>
        %dma_wait3A_275 = tpu.memref_slice %arg6[%add3A_271] : memref<331776xi32, #tpu.memory_space<hbm>> -> memref<64xi32, #tpu.memory_space<hbm>>
        tpu.wait_dma2 semaphore(%arg24 : memref<!tpu.dma_semaphore, #tpu.memory_space<semaphore_mem>>) src(%dma_wait3A_275 : memref<64xi32, #tpu.memory_space<hbm>>) dst(%arg12 : memref<64xi32, #tpu.memory_space<vmem>>)
        %dma_start3A_276 = arith.constant 0 : i32
        %dma_start3A_277 = arith.constant 0 : i32
        %dma_start3A_278 = tpu.memref_slice %arg2[%dma_start3A_276, %dma_start3A_277] : memref<10000x128xf32, #tpu.memory_space<hbm>> -> memref<10000x128xf32, #tpu.memory_space<hbm>>
        tpu.enqueue_indirect_dma source(%dma_start3A_278 : memref<10000x128xf32, #tpu.memory_space<hbm>>) target(%arg16 : memref<64x128xf32, #tpu.memory_space<vmem>>) offsets(%arg10 : memref<64xi32, #tpu.memory_space<vmem>>) semaphore(%arg26 : memref<!tpu.dma_semaphore, #tpu.memory_space<semaphore_mem>>)
        %dma_start3A_279 = arith.constant 0 : i32
        %dma_start3A_280 = arith.constant 0 : i32
        %dma_start3A_281 = tpu.memref_slice %arg3[%dma_start3A_279, %dma_start3A_280] : memref<10000x16xf32, #tpu.memory_space<hbm>> -> memref<10000x16xf32, #tpu.memory_space<hbm>>
        tpu.enqueue_indirect_dma source(%dma_start3A_281 : memref<10000x16xf32, #tpu.memory_space<hbm>>) target(%arg18 : memref<64x16xf32, #tpu.memory_space<vmem>>) offsets(%arg10 : memref<64xi32, #tpu.memory_space<vmem>>) semaphore(%arg28 : memref<!tpu.dma_semaphore, #tpu.memory_space<semaphore_mem>>)
        %dma_start3A_282 = arith.constant 0 : i32
        %dma_start3A_283 = arith.constant 0 : i32
        %dma_start3A_284 = tpu.memref_slice %arg4[%dma_start3A_282, %dma_start3A_283] : memref<10112x16xf32, #tpu.memory_space<hbm>> -> memref<10112x16xf32, #tpu.memory_space<hbm>>
        tpu.enqueue_indirect_dma source(%dma_start3A_284 : memref<10112x16xf32, #tpu.memory_space<hbm>>) target(%arg20 : memref<64x16xf32, #tpu.memory_space<vmem>>) offsets(%arg12 : memref<64xi32, #tpu.memory_space<vmem>>) semaphore(%arg30 : memref<!tpu.dma_semaphore, #tpu.memory_space<semaphore_mem>>)
      } else {
      }
      %add3A_184 = arith.constant 2 : i32
      %add3A_185 = arith.addi %add3A_151, %add3A_184 : i32
      %lt3A_186 = arith.constant 162 : i32
      %lt3A_187 = arith.cmpi slt, %add3A_185, %lt3A_186 : i32
      %convert_element_type3A_188 = arith.extui %lt3A_187 : i1 to i32
      %cond3A_189 = arith.constant 0 : i32
      %cond3A_190 = arith.cmpi ne, %convert_element_type3A_188, %cond3A_189 : i32
      scf.if %cond3A_190 {
        %add3A_267 = arith.constant 2 : i32
        %add3A_268 = arith.addi %add3A_151, %add3A_267 : i32
        %mul3A_269 = arith.constant 64 : i32
        %mul3A_270 = arith.muli %add3A_268, %mul3A_269 : i32
        %add3A_271 = arith.addi %mul3A_4, %mul3A_270 : i32
        %dma_start3A_272 = tpu.memref_slice %arg5[%add3A_271] : memref<331776xi32, #tpu.memory_space<hbm>> -> memref<64xi32, #tpu.memory_space<hbm>>
        %dma_start3A_273 = tpu.memref_slice %arg5[%add3A_271] : memref<331776xi32, #tpu.memory_space<hbm>> -> memref<64xi32, #tpu.memory_space<hbm>>
        tpu.enqueue_dma source(%dma_start3A_273 : memref<64xi32, #tpu.memory_space<hbm>>) target(%arg11 : memref<64xi32, #tpu.memory_space<vmem>>) target_semaphore(%arg25 : memref<!tpu.dma_semaphore, #tpu.memory_space<semaphore_mem>>)
        %dma_start3A_274 = tpu.memref_slice %arg6[%add3A_271] : memref<331776xi32, #tpu.memory_space<hbm>> -> memref<64xi32, #tpu.memory_space<hbm>>
        %dma_start3A_275 = tpu.memref_slice %arg6[%add3A_271] : memref<331776xi32, #tpu.memory_space<hbm>> -> memref<64xi32, #tpu.memory_space<hbm>>
        tpu.enqueue_dma source(%dma_start3A_275 : memref<64xi32, #tpu.memory_space<hbm>>) target(%arg13 : memref<64xi32, #tpu.memory_space<vmem>>) target_semaphore(%arg25 : memref<!tpu.dma_semaphore, #tpu.memory_space<semaphore_mem>>)
      } else {
      }
      %iota3A_191 = tpu.iota {dimensions = array<i32: 0>} : vector<16xi32>
      %add3A_192 = arith.constant 0 : i32
      %add3A_193 = vector.broadcast %add3A_192 : i32 to vector<16xi32>
      %add3A_194 = arith.addi %iota3A_191, %add3A_193 : vector<16xi32>
      %broadcast_in_dim3A_195 = arith.constant 0 : i32
      %broadcast_in_dim3A_196 = vector.broadcast %broadcast_in_dim3A_195 : i32 to vector<16xi32>
      %gather3A_197 = tpu.vector_load_idx %arg19[%add3A_194, %broadcast_in_dim3A_196] : memref<64x16xf32, #tpu.memory_space<vmem>>[vector<16xi32>, vector<16xi32>], vector<16xf32>,
      %gather3A_198 = tpu.vector_load_idx %arg21[%add3A_194, %broadcast_in_dim3A_196] : memref<64x16xf32, #tpu.memory_space<vmem>>[vector<16xi32>, vector<16xi32>], vector<16xf32>,
      %add3A_199 = arith.addf %gather3A_197, %gather3A_198 : vector<16xf32>
      %gt3A_200 = arith.constant 0.000000e+00 : f32
      %gt3A_201 = vector.broadcast %gt3A_200 : f32 to vector<16xf32>
      %gt3A_202 = arith.cmpf ogt, %add3A_199, %gt3A_201 : vector<16xf32>
      %mul3A_203 = arith.constant 2.000000e-01 : f32
      %mul3A_204 = vector.broadcast %mul3A_203 : f32 to vector<16xf32>
      %mul3A_205 = arith.mulf %mul3A_204, %add3A_199 : vector<16xf32>
      %select_n3A_206 = arith.select %gt3A_202, %add3A_199, %mul3A_205 : vector<16xi1>, vector<16xf32>
      %exp3A_207 = math.exp %select_n3A_206 : vector<16xf32>
      %broadcast_in_dim3A_208 = arith.constant 128 : i32
      %broadcast_in_dim3A_209 = vector.broadcast %broadcast_in_dim3A_208 : i32 to vector<16xi32>
      tpu.vector_store_idx %arg23[%add3A_194, %broadcast_in_dim3A_209], %exp3A_207 : memref<64x136xf32, #tpu.memory_space<vmem>>[vector<16xi32>, vector<16xi32>], vector<16xf32>,
      %add3A_210 = arith.constant 16 : i32
      %add3A_211 = vector.broadcast %add3A_210 : i32 to vector<16xi32>
      %add3A_212 = arith.addi %iota3A_191, %add3A_211 : vector<16xi32>
      %broadcast_in_dim3A_213 = arith.constant 0 : i32
      %broadcast_in_dim3A_214 = vector.broadcast %broadcast_in_dim3A_213 : i32 to vector<16xi32>
      %gather3A_215 = tpu.vector_load_idx %arg19[%add3A_212, %broadcast_in_dim3A_214] : memref<64x16xf32, #tpu.memory_space<vmem>>[vector<16xi32>, vector<16xi32>], vector<16xf32>,
      %gather3A_216 = tpu.vector_load_idx %arg21[%add3A_212, %broadcast_in_dim3A_214] : memref<64x16xf32, #tpu.memory_space<vmem>>[vector<16xi32>, vector<16xi32>], vector<16xf32>,
      %add3A_217 = arith.addf %gather3A_215, %gather3A_216 : vector<16xf32>
      %gt3A_218 = arith.constant 0.000000e+00 : f32
      %gt3A_219 = vector.broadcast %gt3A_218 : f32 to vector<16xf32>
      %gt3A_220 = arith.cmpf ogt, %add3A_217, %gt3A_219 : vector<16xf32>
      %mul3A_221 = arith.constant 2.000000e-01 : f32
      %mul3A_222 = vector.broadcast %mul3A_221 : f32 to vector<16xf32>
      %mul3A_223 = arith.mulf %mul3A_222, %add3A_217 : vector<16xf32>
      %select_n3A_224 = arith.select %gt3A_220, %add3A_217, %mul3A_223 : vector<16xi1>, vector<16xf32>
      %exp3A_225 = math.exp %select_n3A_224 : vector<16xf32>
      %broadcast_in_dim3A_226 = arith.constant 128 : i32
      %broadcast_in_dim3A_227 = vector.broadcast %broadcast_in_dim3A_226 : i32 to vector<16xi32>
      tpu.vector_store_idx %arg23[%add3A_212, %broadcast_in_dim3A_227], %exp3A_225 : memref<64x136xf32, #tpu.memory_space<vmem>>[vector<16xi32>, vector<16xi32>], vector<16xf32>,
      %add3A_228 = arith.constant 32 : i32
      %add3A_229 = vector.broadcast %add3A_228 : i32 to vector<16xi32>
      %add3A_230 = arith.addi %iota3A_191, %add3A_229 : vector<16xi32>
      %broadcast_in_dim3A_231 = arith.constant 0 : i32
      %broadcast_in_dim3A_232 = vector.broadcast %broadcast_in_dim3A_231 : i32 to vector<16xi32>
      %gather3A_233 = tpu.vector_load_idx %arg19[%add3A_230, %broadcast_in_dim3A_232] : memref<64x16xf32, #tpu.memory_space<vmem>>[vector<16xi32>, vector<16xi32>], vector<16xf32>,
      %gather3A_234 = tpu.vector_load_idx %arg21[%add3A_230, %broadcast_in_dim3A_232] : memref<64x16xf32, #tpu.memory_space<vmem>>[vector<16xi32>, vector<16xi32>], vector<16xf32>,
      %add3A_235 = arith.addf %gather3A_233, %gather3A_234 : vector<16xf32>
      %gt3A_236 = arith.constant 0.000000e+00 : f32
      %gt3A_237 = vector.broadcast %gt3A_236 : f32 to vector<16xf32>
      %gt3A_238 = arith.cmpf ogt, %add3A_235, %gt3A_237 : vector<16xf32>
      %mul3A_239 = arith.constant 2.000000e-01 : f32
      %mul3A_240 = vector.broadcast %mul3A_239 : f32 to vector<16xf32>
      %mul3A_241 = arith.mulf %mul3A_240, %add3A_235 : vector<16xf32>
      %select_n3A_242 = arith.select %gt3A_238, %add3A_235, %mul3A_241 : vector<16xi1>, vector<16xf32>
      %exp3A_243 = math.exp %select_n3A_242 : vector<16xf32>
      %broadcast_in_dim3A_244 = arith.constant 128 : i32
      %broadcast_in_dim3A_245 = vector.broadcast %broadcast_in_dim3A_244 : i32 to vector<16xi32>
      tpu.vector_store_idx %arg23[%add3A_230, %broadcast_in_dim3A_245], %exp3A_243 : memref<64x136xf32, #tpu.memory_space<vmem>>[vector<16xi32>, vector<16xi32>], vector<16xf32>,
      %add3A_246 = arith.constant 48 : i32
      %add3A_247 = vector.broadcast %add3A_246 : i32 to vector<16xi32>
      %add3A_248 = arith.addi %iota3A_191, %add3A_247 : vector<16xi32>
      %broadcast_in_dim3A_249 = arith.constant 0 : i32
      %broadcast_in_dim3A_250 = vector.broadcast %broadcast_in_dim3A_249 : i32 to vector<16xi32>
      %gather3A_251 = tpu.vector_load_idx %arg19[%add3A_248, %broadcast_in_dim3A_250] : memref<64x16xf32, #tpu.memory_space<vmem>>[vector<16xi32>, vector<16xi32>], vector<16xf32>,
      %gather3A_252 = tpu.vector_load_idx %arg21[%add3A_248, %broadcast_in_dim3A_250] : memref<64x16xf32, #tpu.memory_space<vmem>>[vector<16xi32>, vector<16xi32>], vector<16xf32>,
      %add3A_253 = arith.addf %gather3A_251, %gather3A_252 : vector<16xf32>
      %gt3A_254 = arith.constant 0.000000e+00 : f32
      %gt3A_255 = vector.broadcast %gt3A_254 : f32 to vector<16xf32>
      %gt3A_256 = arith.cmpf ogt, %add3A_253, %gt3A_255 : vector<16xf32>
      %mul3A_257 = arith.constant 2.000000e-01 : f32
      %mul3A_258 = vector.broadcast %mul3A_257 : f32 to vector<16xf32>
      %mul3A_259 = arith.mulf %mul3A_258, %add3A_253 : vector<16xf32>
      %select_n3A_260 = arith.select %gt3A_256, %add3A_253, %mul3A_259 : vector<16xi1>, vector<16xf32>
      %exp3A_261 = math.exp %select_n3A_260 : vector<16xf32>
      %broadcast_in_dim3A_262 = arith.constant 128 : i32
      %broadcast_in_dim3A_263 = vector.broadcast %broadcast_in_dim3A_262 : i32 to vector<16xi32>
      tpu.vector_store_idx %arg23[%add3A_248, %broadcast_in_dim3A_263], %exp3A_261 : memref<64x136xf32, #tpu.memory_space<vmem>>[vector<16xi32>, vector<16xi32>], vector<16xf32>,
      %parallel_loop3A_264 = arith.constant 0 : i32
      %parallel_loop3A_265 = arith.constant 64 : i32
      %parallel_loop3A_266 = arith.constant 1 : i32
      scf.for %parallel_loop3A_267 = %parallel_loop3A_264 to %parallel_loop3A_265 step %parallel_loop3A_266  : i32 {
        %parallel_loop3A_268 = arith.index_cast %parallel_loop3A_267 : i32 to index
        %parallel_loop3A_269 = arith.constant 120 : index
        %parallel_loop3A_270 = tpu.vector_load %arg23[%parallel_loop3A_268, %parallel_loop3A_269] {strides = array<i32>} : memref<64x136xf32, #tpu.memory_space<vmem>>, vector<16xf32>,
        %parallel_loop3A_271 = vector.extract_strided_slice %parallel_loop3A_270 {offsets = [8], sizes = [1], strides = [1]} : vector<16xf32> to vector<1xf32>
        %parallel_loop3A_272 = vector.extract %parallel_loop3A_271[0] : f32 from vector<1xf32>
        %parallel_loop3A_273 = arith.index_cast %parallel_loop3A_267 : i32 to index
        %parallel_loop3A_274 = arith.constant 0 : index
        %parallel_loop3A_275 = tpu.vector_load %arg17[%parallel_loop3A_273, %parallel_loop3A_274] {strides = array<i32>} : memref<64x128xf32, #tpu.memory_space<vmem>>, vector<16xf32>,
        %parallel_loop3A_276 = vector.broadcast %parallel_loop3A_272 : f32 to vector<16xf32>
        %parallel_loop3A_277 = arith.mulf %parallel_loop3A_276, %parallel_loop3A_275 : vector<16xf32>
        %parallel_loop3A_278 = arith.index_cast %parallel_loop3A_267 : i32 to index
        %parallel_loop3A_279 = arith.constant 0 : index
        %parallel_loop3A_280 = tpu.vector_load %arg23[%parallel_loop3A_278, %parallel_loop3A_279] {strides = array<i32>} : memref<64x136xf32, #tpu.memory_space<vmem>>, vector<16xf32>,
        tpu.vector_store %arg23[%parallel_loop3A_278, %parallel_loop3A_279], %parallel_loop3A_277 {strides = array<i32>} : memref<64x136xf32, #tpu.memory_space<vmem>>, vector<16xf32>,
        %parallel_loop3A_281 = vector.extract_strided_slice %parallel_loop3A_270 {offsets = [8], sizes = [1], strides = [1]} : vector<16xf32> to vector<1xf32>
        %parallel_loop3A_282 = vector.extract %parallel_loop3A_281[0] : f32 from vector<1xf32>
        %parallel_loop3A_283 = arith.index_cast %parallel_loop3A_267 : i32 to index
        %parallel_loop3A_284 = arith.constant 16 : index
        %parallel_loop3A_285 = tpu.vector_load %arg17[%parallel_loop3A_283, %parallel_loop3A_284] {strides = array<i32>} : memref<64x128xf32, #tpu.memory_space<vmem>>, vector<16xf32>,
        %parallel_loop3A_286 = vector.broadcast %parallel_loop3A_282 : f32 to vector<16xf32>
        %parallel_loop3A_287 = arith.mulf %parallel_loop3A_286, %parallel_loop3A_285 : vector<16xf32>
        %parallel_loop3A_288 = arith.index_cast %parallel_loop3A_267 : i32 to index
        %parallel_loop3A_289 = arith.constant 16 : index
        %parallel_loop3A_290 = tpu.vector_load %arg23[%parallel_loop3A_288, %parallel_loop3A_289] {strides = array<i32>} : memref<64x136xf32, #tpu.memory_space<vmem>>, vector<16xf32>,
        tpu.vector_store %arg23[%parallel_loop3A_288, %parallel_loop3A_289], %parallel_loop3A_287 {strides = array<i32>} : memref<64x136xf32, #tpu.memory_space<vmem>>, vector<16xf32>,
        %parallel_loop3A_291 = vector.extract_strided_slice %parallel_loop3A_270 {offsets = [8], sizes = [1], strides = [1]} : vector<16xf32> to vector<1xf32>
        %parallel_loop3A_292 = vector.extract %parallel_loop3A_291[0] : f32 from vector<1xf32>
        %parallel_loop3A_293 = arith.index_cast %parallel_loop3A_267 : i32 to index
        %parallel_loop3A_294 = arith.constant 32 : index
        %parallel_loop3A_295 = tpu.vector_load %arg17[%parallel_loop3A_293, %parallel_loop3A_294] {strides = array<i32>} : memref<64x128xf32, #tpu.memory_space<vmem>>, vector<16xf32>,
        %parallel_loop3A_296 = vector.broadcast %parallel_loop3A_292 : f32 to vector<16xf32>
        %parallel_loop3A_297 = arith.mulf %parallel_loop3A_296, %parallel_loop3A_295 : vector<16xf32>
        %parallel_loop3A_298 = arith.index_cast %parallel_loop3A_267 : i32 to index
        %parallel_loop3A_299 = arith.constant 32 : index
        %parallel_loop3A_300 = tpu.vector_load %arg23[%parallel_loop3A_298, %parallel_loop3A_299] {strides = array<i32>} : memref<64x136xf32, #tpu.memory_space<vmem>>, vector<16xf32>,
        tpu.vector_store %arg23[%parallel_loop3A_298, %parallel_loop3A_299], %parallel_loop3A_297 {strides = array<i32>} : memref<64x136xf32, #tpu.memory_space<vmem>>, vector<16xf32>,
        %parallel_loop3A_301 = vector.extract_strided_slice %parallel_loop3A_270 {offsets = [8], sizes = [1], strides = [1]} : vector<16xf32> to vector<1xf32>
        %parallel_loop3A_302 = vector.extract %parallel_loop3A_301[0] : f32 from vector<1xf32>
        %parallel_loop3A_303 = arith.index_cast %parallel_loop3A_267 : i32 to index
        %parallel_loop3A_304 = arith.constant 48 : index
        %parallel_loop3A_305 = tpu.vector_load %arg17[%parallel_loop3A_303, %parallel_loop3A_304] {strides = array<i32>} : memref<64x128xf32, #tpu.memory_space<vmem>>, vector<16xf32>,
        %parallel_loop3A_306 = vector.broadcast %parallel_loop3A_302 : f32 to vector<16xf32>
        %parallel_loop3A_307 = arith.mulf %parallel_loop3A_306, %parallel_loop3A_305 : vector<16xf32>
        %parallel_loop3A_308 = arith.index_cast %parallel_loop3A_267 : i32 to index
        %parallel_loop3A_309 = arith.constant 48 : index
        %parallel_loop3A_310 = tpu.vector_load %arg23[%parallel_loop3A_308, %parallel_loop3A_309] {strides = array<i32>} : memref<64x136xf32, #tpu.memory_space<vmem>>, vector<16xf32>,
        tpu.vector_store %arg23[%parallel_loop3A_308, %parallel_loop3A_309], %parallel_loop3A_307 {strides = array<i32>} : memref<64x136xf32, #tpu.memory_space<vmem>>, vector<16xf32>,
        %parallel_loop3A_311 = vector.extract_strided_slice %parallel_loop3A_270 {offsets = [8], sizes = [1], strides = [1]} : vector<16xf32> to vector<1xf32>
        %parallel_loop3A_312 = vector.extract %parallel_loop3A_311[0] : f32 from vector<1xf32>
        %parallel_loop3A_313 = arith.index_cast %parallel_loop3A_267 : i32 to index
        %parallel_loop3A_314 = arith.constant 64 : index
        %parallel_loop3A_315 = tpu.vector_load %arg17[%parallel_loop3A_313, %parallel_loop3A_314] {strides = array<i32>} : memref<64x128xf32, #tpu.memory_space<vmem>>, vector<16xf32>,
        %parallel_loop3A_316 = vector.broadcast %parallel_loop3A_312 : f32 to vector<16xf32>
        %parallel_loop3A_317 = arith.mulf %parallel_loop3A_316, %parallel_loop3A_315 : vector<16xf32>
        %parallel_loop3A_318 = arith.index_cast %parallel_loop3A_267 : i32 to index
        %parallel_loop3A_319 = arith.constant 64 : index
        %parallel_loop3A_320 = tpu.vector_load %arg23[%parallel_loop3A_318, %parallel_loop3A_319] {strides = array<i32>} : memref<64x136xf32, #tpu.memory_space<vmem>>, vector<16xf32>,
        tpu.vector_store %arg23[%parallel_loop3A_318, %parallel_loop3A_319], %parallel_loop3A_317 {strides = array<i32>} : memref<64x136xf32, #tpu.memory_space<vmem>>, vector<16xf32>,
        %parallel_loop3A_321 = vector.extract_strided_slice %parallel_loop3A_270 {offsets = [8], sizes = [1], strides = [1]} : vector<16xf32> to vector<1xf32>
        %parallel_loop3A_322 = vector.extract %parallel_loop3A_321[0] : f32 from vector<1xf32>
        %parallel_loop3A_323 = arith.index_cast %parallel_loop3A_267 : i32 to index
        %parallel_loop3A_324 = arith.constant 80 : index
        %parallel_loop3A_325 = tpu.vector_load %arg17[%parallel_loop3A_323, %parallel_loop3A_324] {strides = array<i32>} : memref<64x128xf32, #tpu.memory_space<vmem>>, vector<16xf32>,
        %parallel_loop3A_326 = vector.broadcast %parallel_loop3A_322 : f32 to vector<16xf32>
        %parallel_loop3A_327 = arith.mulf %parallel_loop3A_326, %parallel_loop3A_325 : vector<16xf32>
        %parallel_loop3A_328 = arith.index_cast %parallel_loop3A_267 : i32 to index
        %parallel_loop3A_329 = arith.constant 80 : index
        %parallel_loop3A_330 = tpu.vector_load %arg23[%parallel_loop3A_328, %parallel_loop3A_329] {strides = array<i32>} : memref<64x136xf32, #tpu.memory_space<vmem>>, vector<16xf32>,
        tpu.vector_store %arg23[%parallel_loop3A_328, %parallel_loop3A_329], %parallel_loop3A_327 {strides = array<i32>} : memref<64x136xf32, #tpu.memory_space<vmem>>, vector<16xf32>,
        %parallel_loop3A_331 = vector.extract_strided_slice %parallel_loop3A_270 {offsets = [8], sizes = [1], strides = [1]} : vector<16xf32> to vector<1xf32>
        %parallel_loop3A_332 = vector.extract %parallel_loop3A_331[0] : f32 from vector<1xf32>
        %parallel_loop3A_333 = arith.index_cast %parallel_loop3A_267 : i32 to index
        %parallel_loop3A_334 = arith.constant 96 : index
        %parallel_loop3A_335 = tpu.vector_load %arg17[%parallel_loop3A_333, %parallel_loop3A_334] {strides = array<i32>} : memref<64x128xf32, #tpu.memory_space<vmem>>, vector<16xf32>,
        %parallel_loop3A_336 = vector.broadcast %parallel_loop3A_332 : f32 to vector<16xf32>
        %parallel_loop3A_337 = arith.mulf %parallel_loop3A_336, %parallel_loop3A_335 : vector<16xf32>
        %parallel_loop3A_338 = arith.index_cast %parallel_loop3A_267 : i32 to index
        %parallel_loop3A_339 = arith.constant 96 : index
        %parallel_loop3A_340 = tpu.vector_load %arg23[%parallel_loop3A_338, %parallel_loop3A_339] {strides = array<i32>} : memref<64x136xf32, #tpu.memory_space<vmem>>, vector<16xf32>,
        tpu.vector_store %arg23[%parallel_loop3A_338, %parallel_loop3A_339], %parallel_loop3A_337 {strides = array<i32>} : memref<64x136xf32, #tpu.memory_space<vmem>>, vector<16xf32>,
        %parallel_loop3A_341 = vector.extract_strided_slice %parallel_loop3A_270 {offsets = [8], sizes = [1], strides = [1]} : vector<16xf32> to vector<1xf32>
        %parallel_loop3A_342 = vector.extract %parallel_loop3A_341[0] : f32 from vector<1xf32>
        %parallel_loop3A_343 = arith.index_cast %parallel_loop3A_267 : i32 to index
        %parallel_loop3A_344 = arith.constant 112 : index
        %parallel_loop3A_345 = tpu.vector_load %arg17[%parallel_loop3A_343, %parallel_loop3A_344] {strides = array<i32>} : memref<64x128xf32, #tpu.memory_space<vmem>>, vector<16xf32>,
        %parallel_loop3A_346 = vector.broadcast %parallel_loop3A_342 : f32 to vector<16xf32>
        %parallel_loop3A_347 = arith.mulf %parallel_loop3A_346, %parallel_loop3A_345 : vector<16xf32>
        %parallel_loop3A_348 = arith.index_cast %parallel_loop3A_267 : i32 to index
        %parallel_loop3A_349 = arith.constant 112 : index
        %parallel_loop3A_350 = tpu.vector_load %arg23[%parallel_loop3A_348, %parallel_loop3A_349] {strides = array<i32>} : memref<64x136xf32, #tpu.memory_space<vmem>>, vector<16xf32>,
        tpu.vector_store %arg23[%parallel_loop3A_348, %parallel_loop3A_349], %parallel_loop3A_347 {strides = array<i32>} : memref<64x136xf32, #tpu.memory_space<vmem>>, vector<16xf32>,
      } {sc.loop_unroll_factor = 16 : i64, sc.parallel_access}
      "tpu.region"() ({
        %run_scoped3A = tpu.sem_alloc : memref<!tpu.dma_semaphore, #tpu.memory_space<semaphore_mem>>
        %dma_start3A_267 = arith.constant 0 : i32
        %dma_start3A_268 = arith.constant 0 : i32
        %dma_start3A_269 = tpu.memref_slice %arg9[%dma_start3A_267, %dma_start3A_268] : memref<10112x136xf32, #tpu.memory_space<vmem_shared>> -> memref<10112x136xf32, #tpu.memory_space<vmem_shared>>
        tpu.enqueue_indirect_dma source(%arg23 : memref<64x136xf32, #tpu.memory_space<vmem>>) target(%dma_start3A_269 : memref<10112x136xf32, #tpu.memory_space<vmem_shared>>) offsets(%arg15 : memref<64xi32, #tpu.memory_space<vmem>>) semaphore(%run_scoped3A : memref<!tpu.dma_semaphore, #tpu.memory_space<semaphore_mem>>) {add = true}
        %dma_wait3A_270 = arith.constant 0 : i32
        %dma_wait3A_271 = arith.constant 0 : i32
        %dma_wait3A_272 = tpu.memref_slice %arg9[%dma_wait3A_270, %dma_wait3A_271] : memref<10112x136xf32, #tpu.memory_space<vmem_shared>> -> memref<10112x136xf32, #tpu.memory_space<vmem_shared>>
        tpu.wait_indirect_dma semaphore(%run_scoped3A : memref<!tpu.dma_semaphore, #tpu.memory_space<semaphore_mem>>) src(%arg23 : memref<64x136xf32, #tpu.memory_space<vmem>>) dst(%dma_wait3A_272 : memref<10112x136xf32, #tpu.memory_space<vmem_shared>>)
        tpu.yield
      }) : () -> ()
    }
    %scan3A_34 = arith.constant 81 : i32
    %barrier3A_35 = arith.constant 0 : index
    tpu.barrier barrier_id(%barrier3A_35)
    %mul3A_36 = arith.constant 632 : i32
    %mul3A_37 = arith.muli %arg1, %mul3A_36 : i32
    %mul3A_38 = arith.constant 632 : i32
    %mul3A_39 = arith.muli %arg1, %mul3A_38 : i32
    "tpu.region"() ({
      %run_scoped3A = tpu.sem_alloc : memref<!tpu.dma_semaphore, #tpu.memory_space<semaphore_mem>>
      %dma_start3A_40 = arith.constant 0 : i32
      %dma_start3A_41 = tpu.memref_slice %arg8[%arg0, %mul3A_39, %dma_start3A_40] : memref<2x10112x136xf32, #tpu.memory_space<hbm>> -> memref<1x632x136xf32, #tpu.memory_space<hbm>>
      %dma_start3A_42 = tpu.memref_squeeze %dma_start3A_41 : memref<1x632x136xf32, #tpu.memory_space<hbm>> -> memref<632x136xf32, #tpu.memory_space<hbm>>
      %dma_start3A_43 = arith.constant 0 : i32
      %dma_start3A_44 = tpu.memref_slice %arg9[%mul3A_37, %dma_start3A_43] : memref<10112x136xf32, #tpu.memory_space<vmem_shared>> -> memref<632x136xf32, #tpu.memory_space<vmem_shared>>
      tpu.enqueue_dma source(%dma_start3A_44 : memref<632x136xf32, #tpu.memory_space<vmem_shared>>) target(%dma_start3A_42 : memref<632x136xf32, #tpu.memory_space<hbm>>) target_semaphore(%run_scoped3A : memref<!tpu.dma_semaphore, #tpu.memory_space<semaphore_mem>>)
      %dma_wait3A_45 = arith.constant 0 : i32
      %dma_wait3A_46 = tpu.memref_slice %arg8[%arg0, %mul3A_39, %dma_wait3A_45] : memref<2x10112x136xf32, #tpu.memory_space<hbm>> -> memref<1x632x136xf32, #tpu.memory_space<hbm>>
      %dma_wait3A_47 = tpu.memref_squeeze %dma_wait3A_46 : memref<1x632x136xf32, #tpu.memory_space<hbm>> -> memref<632x136xf32, #tpu.memory_space<hbm>>
      %dma_wait3A_48 = arith.constant 0 : i32
      %dma_wait3A_49 = tpu.memref_slice %arg9[%mul3A_37, %dma_wait3A_48] : memref<10112x136xf32, #tpu.memory_space<vmem_shared>> -> memref<632x136xf32, #tpu.memory_space<vmem_shared>>
      tpu.wait_dma2 semaphore(%run_scoped3A : memref<!tpu.dma_semaphore, #tpu.memory_space<semaphore_mem>>) src(%dma_wait3A_49 : memref<632x136xf32, #tpu.memory_space<vmem_shared>>) dst(%dma_wait3A_47 : memref<632x136xf32, #tpu.memory_space<hbm>>)
      tpu.yield
    }) : () -> ()
    return
  }
}

module attributes {stable_mosaic.version = 14 : i64} {
  func.func @_pre_body(%arg0: i32, %arg1: memref<1000x128xf32, #tpu.memory_space<vmem>>, %arg2: memref<128x128xf32, #tpu.memory_space<vmem>>, %arg3: memref<128x16xf32, #tpu.memory_space<vmem>>, %arg4: memref<128x16xf32, #tpu.memory_space<vmem>>, %arg5: memref<1000x128xf32, #tpu.memory_space<vmem>>, %arg6: memref<1000x16xf32, #tpu.memory_space<vmem>>, %arg7: memref<1000x16xf32, #tpu.memory_space<vmem>>) attributes {dimension_semantics = [#tpu.dimension_semantics<arbitrary>], iteration_bounds = array<i64: 10>, scalar_prefetch = 0 : i64, scratch_operands = 0 : i64, tpu.core_type = #tpu.core_type<tc>, window_params = [{transform_indices = @transform_0, window_bounds = array<i64: 1000, 128>}, {pipeline_mode = #tpu.pipeline_mode<synchronous>, transform_indices = @transform_1, window_bounds = array<i64: 128, 128>}, {pipeline_mode = #tpu.pipeline_mode<synchronous>, transform_indices = @transform_2, window_bounds = array<i64: 128, 16>}, {pipeline_mode = #tpu.pipeline_mode<synchronous>, transform_indices = @transform_3, window_bounds = array<i64: 128, 16>}, {transform_indices = @transform_4, window_bounds = array<i64: 1000, 128>}, {transform_indices = @transform_5, window_bounds = array<i64: 1000, 16>}, {transform_indices = @transform_6, window_bounds = array<i64: 1000, 16>}]} {
    %get3A = arith.constant 0 : index
    %get3A_0 = arith.constant 0 : index
    %get3A_1 = vector.load %arg1[%get3A, %get3A_0] : memref<1000x128xf32, #tpu.memory_space<vmem>>, vector<1000x128xf32>
    %get3A_2 = arith.constant 0 : index
    %get3A_3 = arith.constant 0 : index
    %get3A_4 = vector.load %arg2[%get3A_2, %get3A_3] : memref<128x128xf32, #tpu.memory_space<vmem>>, vector<128x128xf32>
    %dot_general3A = arith.constant dense<0.000000e+00> : vector<1000x128xf32>
    %dot_general3A_5 = tpu.matmul %get3A_1, %get3A_4, %dot_general3A {dimension_numbers = #tpu.dot_dimension_numbers<[1], [0], [0], [1], [0, 0, 1, 1], [], []>, precision = #tpu.contract_precision<fp32>, transpose_lhs_hint = false} : vector<1000x128xf32>, vector<128x128xf32>, vector<1000x128xf32> -> vector<1000x128xf32>
    %swap3A = arith.constant 0 : index
    %swap3A_6 = arith.constant 0 : index
    %swap3A_7 = vector.load %arg5[%swap3A, %swap3A_6] : memref<1000x128xf32, #tpu.memory_space<vmem>>, vector<1000x128xf32>
    tpu.vector_store %arg5[%swap3A, %swap3A_6], %dot_general3A_5 {strides = array<i32>} : memref<1000x128xf32, #tpu.memory_space<vmem>>, vector<1000x128xf32>,
    %get3A_8 = arith.constant 0 : index
    %get3A_9 = arith.constant 0 : index
    %get3A_10 = vector.load %arg3[%get3A_8, %get3A_9] : memref<128x16xf32, #tpu.memory_space<vmem>>, vector<128x16xf32>
    %dot_general3A_11 = arith.constant dense<0.000000e+00> : vector<1000x16xf32>
    %dot_general3A_12 = tpu.matmul %dot_general3A_5, %get3A_10, %dot_general3A_11 {dimension_numbers = #tpu.dot_dimension_numbers<[1], [0], [0], [1], [0, 0, 1, 1], [], []>, precision = #tpu.contract_precision<fp32>, transpose_lhs_hint = false} : vector<1000x128xf32>, vector<128x16xf32>, vector<1000x16xf32> -> vector<1000x16xf32>
    %swap3A_13 = arith.constant 0 : index
    %swap3A_14 = arith.constant 0 : index
    %swap3A_15 = vector.load %arg6[%swap3A_13, %swap3A_14] : memref<1000x16xf32, #tpu.memory_space<vmem>>, vector<1000x16xf32>
    tpu.vector_store %arg6[%swap3A_13, %swap3A_14], %dot_general3A_12 {strides = array<i32>} : memref<1000x16xf32, #tpu.memory_space<vmem>>, vector<1000x16xf32>,
    %get3A_16 = arith.constant 0 : index
    %get3A_17 = arith.constant 0 : index
    %get3A_18 = vector.load %arg4[%get3A_16, %get3A_17] : memref<128x16xf32, #tpu.memory_space<vmem>>, vector<128x16xf32>
    %dot_general3A_19 = arith.constant dense<0.000000e+00> : vector<1000x16xf32>
    %dot_general3A_20 = tpu.matmul %dot_general3A_5, %get3A_18, %dot_general3A_19 {dimension_numbers = #tpu.dot_dimension_numbers<[1], [0], [0], [1], [0, 0, 1, 1], [], []>, precision = #tpu.contract_precision<fp32>, transpose_lhs_hint = false} : vector<1000x128xf32>, vector<128x16xf32>, vector<1000x16xf32> -> vector<1000x16xf32>
    %swap3A_21 = arith.constant 0 : index
    %swap3A_22 = arith.constant 0 : index
    %swap3A_23 = vector.load %arg7[%swap3A_21, %swap3A_22] : memref<1000x16xf32, #tpu.memory_space<vmem>>, vector<1000x16xf32>
    tpu.vector_store %arg7[%swap3A_21, %swap3A_22], %dot_general3A_20 {strides = array<i32>} : memref<1000x16xf32, #tpu.memory_space<vmem>>, vector<1000x16xf32>,
    return
  }
  func.func @transform_0(%arg0: i32) -> (i32, i32) {
    %c0_i32 = arith.constant 0 : i32
    %c0_i32_0 = arith.constant 0 : i32
    return %arg0, %c0_i32 : i32, i32
  }
  func.func @transform_1(%arg0: i32) -> (i32, i32) {
    %c0_i32 = arith.constant 0 : i32
    %c0_i32_0 = arith.constant 0 : i32
    %c0_i32_1 = arith.constant 0 : i32
    return %c0_i32, %c0_i32_0 : i32, i32
  }
  func.func @transform_2(%arg0: i32) -> (i32, i32) {
    %c0_i32 = arith.constant 0 : i32
    %c0_i32_0 = arith.constant 0 : i32
    %c0_i32_1 = arith.constant 0 : i32
    return %c0_i32, %c0_i32_0 : i32, i32
  }
  func.func @transform_3(%arg0: i32) -> (i32, i32) {
    %c0_i32 = arith.constant 0 : i32
    %c0_i32_0 = arith.constant 0 : i32
    %c0_i32_1 = arith.constant 0 : i32
    return %c0_i32, %c0_i32_0 : i32, i32
  }
  func.func @transform_4(%arg0: i32) -> (i32, i32) {
    %c0_i32 = arith.constant 0 : i32
    %c0_i32_0 = arith.constant 0 : i32
    return %arg0, %c0_i32 : i32, i32
  }
  func.func @transform_5(%arg0: i32) -> (i32, i32) {
    %c0_i32 = arith.constant 0 : i32
    %c0_i32_0 = arith.constant 0 : i32
    return %arg0, %c0_i32 : i32, i32
  }
  func.func @transform_6(%arg0: i32) -> (i32, i32) {
    %c0_i32 = arith.constant 0 : i32
    %c0_i32_0 = arith.constant 0 : i32
    return %arg0, %c0_i32 : i32, i32
  }
}

module attributes {stable_mosaic.version = 14 : i64} {
  func.func @_mid_body(%arg0: i32, %arg1: memref<2x1000x136xf32, #tpu.memory_space<vmem>>, %arg2: memref<136x128xf32, #tpu.memory_space<vmem>>, %arg3: memref<1x128xf32, #tpu.memory_space<vmem>>, %arg4: memref<128x128xf32, #tpu.memory_space<vmem>>, %arg5: memref<128x16xf32, #tpu.memory_space<vmem>>, %arg6: memref<128x16xf32, #tpu.memory_space<vmem>>, %arg7: memref<1000x128xf32, #tpu.memory_space<vmem>>, %arg8: memref<1000x16xf32, #tpu.memory_space<vmem>>, %arg9: memref<1000x16xf32, #tpu.memory_space<vmem>>) attributes {dimension_semantics = [#tpu.dimension_semantics<arbitrary>], iteration_bounds = array<i64: 10>, scalar_prefetch = 0 : i64, scratch_operands = 0 : i64, tpu.core_type = #tpu.core_type<tc>, window_params = [{transform_indices = @transform_0, window_bounds = array<i64: 2, 1000, 136>}, {pipeline_mode = #tpu.pipeline_mode<synchronous>, transform_indices = @transform_1, window_bounds = array<i64: 136, 128>}, {pipeline_mode = #tpu.pipeline_mode<synchronous>, transform_indices = @transform_2, window_bounds = array<i64: 1, 128>}, {pipeline_mode = #tpu.pipeline_mode<synchronous>, transform_indices = @transform_3, window_bounds = array<i64: 128, 128>}, {pipeline_mode = #tpu.pipeline_mode<synchronous>, transform_indices = @transform_4, window_bounds = array<i64: 128, 16>}, {pipeline_mode = #tpu.pipeline_mode<synchronous>, transform_indices = @transform_5, window_bounds = array<i64: 128, 16>}, {transform_indices = @transform_6, window_bounds = array<i64: 1000, 128>}, {transform_indices = @transform_7, window_bounds = array<i64: 1000, 16>}, {transform_indices = @transform_8, window_bounds = array<i64: 1000, 16>}]} {
    %get3A = arith.constant 0 : index
    %get3A_0 = arith.constant 0 : index
    %get3A_1 = arith.constant 0 : index
    %get3A_2 = vector.load %arg1[%get3A, %get3A_0, %get3A_1] : memref<2x1000x136xf32, #tpu.memory_space<vmem>>, vector<1x1000x136xf32>
    %get3A_3 = vector.shape_cast %get3A_2 : vector<1x1000x136xf32> to vector<1000x136xf32>
    %get3A_4 = arith.constant 1 : index
    %get3A_5 = arith.constant 0 : index
    %get3A_6 = arith.constant 0 : index
    %get3A_7 = vector.load %arg1[%get3A_4, %get3A_5, %get3A_6] : memref<2x1000x136xf32, #tpu.memory_space<vmem>>, vector<1x1000x136xf32>
    %get3A_8 = vector.shape_cast %get3A_7 : vector<1x1000x136xf32> to vector<1000x136xf32>
    %add3A = arith.addf %get3A_3, %get3A_8 : vector<1000x136xf32>
    %slice3A = vector.extract_strided_slice %add3A {offsets = [0, 0], sizes = [1000, 128], strides = [1, 1]} : vector<1000x136xf32> to vector<1000x128xf32>
    %get3A_9 = arith.constant 0 : index
    %get3A_10 = arith.constant 0 : index
    %get3A_11 = vector.load %arg2[%get3A_9, %get3A_10] : memref<136x128xf32, #tpu.memory_space<vmem>>, vector<136x128xf32>
    %dot_general3A = arith.constant dense<0.000000e+00> : vector<1000x128xf32>
    %dot_general3A_12 = tpu.matmul %add3A, %get3A_11, %dot_general3A {dimension_numbers = #tpu.dot_dimension_numbers<[1], [0], [0], [1], [0, 0, 1, 1], [], []>, precision = #tpu.contract_precision<fp32>, transpose_lhs_hint = false} : vector<1000x136xf32>, vector<136x128xf32>, vector<1000x128xf32> -> vector<1000x128xf32>
    %add3A_13 = arith.constant 1.000000e-16 : f32
    %add3A_14 = vector.broadcast %add3A_13 : f32 to vector<1000x128xf32>
    %add3A_15 = arith.addf %dot_general3A_12, %add3A_14 : vector<1000x128xf32>
    %div3A = arith.divf %slice3A, %add3A_15 : vector<1000x128xf32>
    %get3A_16 = arith.constant 0 : index
    %get3A_17 = arith.constant 0 : index
    %get3A_18 = vector.load %arg3[%get3A_16, %get3A_17] : memref<1x128xf32, #tpu.memory_space<vmem>>, vector<1x128xf32>
    %add3A_19 = vector.broadcast %get3A_18 : vector<1x128xf32> to vector<1000x128xf32>
    %add3A_20 = arith.addf %div3A, %add3A_19 : vector<1000x128xf32>
    %max3A = arith.constant 0.000000e+00 : f32
    %max3A_21 = vector.broadcast %max3A : f32 to vector<1000x128xf32>
    %max3A_22 = arith.maximumf %add3A_20, %max3A_21 : vector<1000x128xf32>
    %get3A_23 = arith.constant 0 : index
    %get3A_24 = arith.constant 0 : index
    %get3A_25 = vector.load %arg4[%get3A_23, %get3A_24] : memref<128x128xf32, #tpu.memory_space<vmem>>, vector<128x128xf32>
    %dot_general3A_26 = arith.constant dense<0.000000e+00> : vector<1000x128xf32>
    %dot_general3A_27 = tpu.matmul %max3A_22, %get3A_25, %dot_general3A_26 {dimension_numbers = #tpu.dot_dimension_numbers<[1], [0], [0], [1], [0, 0, 1, 1], [], []>, precision = #tpu.contract_precision<fp32>, transpose_lhs_hint = false} : vector<1000x128xf32>, vector<128x128xf32>, vector<1000x128xf32> -> vector<1000x128xf32>
    %swap3A = arith.constant 0 : index
    %swap3A_28 = arith.constant 0 : index
    %swap3A_29 = vector.load %arg7[%swap3A, %swap3A_28] : memref<1000x128xf32, #tpu.memory_space<vmem>>, vector<1000x128xf32>
    tpu.vector_store %arg7[%swap3A, %swap3A_28], %dot_general3A_27 {strides = array<i32>} : memref<1000x128xf32, #tpu.memory_space<vmem>>, vector<1000x128xf32>,
    %get3A_30 = arith.constant 0 : index
    %get3A_31 = arith.constant 0 : index
    %get3A_32 = vector.load %arg5[%get3A_30, %get3A_31] : memref<128x16xf32, #tpu.memory_space<vmem>>, vector<128x16xf32>
    %dot_general3A_33 = arith.constant dense<0.000000e+00> : vector<1000x16xf32>
    %dot_general3A_34 = tpu.matmul %dot_general3A_27, %get3A_32, %dot_general3A_33 {dimension_numbers = #tpu.dot_dimension_numbers<[1], [0], [0], [1], [0, 0, 1, 1], [], []>, precision = #tpu.contract_precision<fp32>, transpose_lhs_hint = false} : vector<1000x128xf32>, vector<128x16xf32>, vector<1000x16xf32> -> vector<1000x16xf32>
    %swap3A_35 = arith.constant 0 : index
    %swap3A_36 = arith.constant 0 : index
    %swap3A_37 = vector.load %arg8[%swap3A_35, %swap3A_36] : memref<1000x16xf32, #tpu.memory_space<vmem>>, vector<1000x16xf32>
    tpu.vector_store %arg8[%swap3A_35, %swap3A_36], %dot_general3A_34 {strides = array<i32>} : memref<1000x16xf32, #tpu.memory_space<vmem>>, vector<1000x16xf32>,
    %get3A_38 = arith.constant 0 : index
    %get3A_39 = arith.constant 0 : index
    %get3A_40 = vector.load %arg6[%get3A_38, %get3A_39] : memref<128x16xf32, #tpu.memory_space<vmem>>, vector<128x16xf32>
    %dot_general3A_41 = arith.constant dense<0.000000e+00> : vector<1000x16xf32>
    %dot_general3A_42 = tpu.matmul %dot_general3A_27, %get3A_40, %dot_general3A_41 {dimension_numbers = #tpu.dot_dimension_numbers<[1], [0], [0], [1], [0, 0, 1, 1], [], []>, precision = #tpu.contract_precision<fp32>, transpose_lhs_hint = false} : vector<1000x128xf32>, vector<128x16xf32>, vector<1000x16xf32> -> vector<1000x16xf32>
    %swap3A_43 = arith.constant 0 : index
    %swap3A_44 = arith.constant 0 : index
    %swap3A_45 = vector.load %arg9[%swap3A_43, %swap3A_44] : memref<1000x16xf32, #tpu.memory_space<vmem>>, vector<1000x16xf32>
    tpu.vector_store %arg9[%swap3A_43, %swap3A_44], %dot_general3A_42 {strides = array<i32>} : memref<1000x16xf32, #tpu.memory_space<vmem>>, vector<1000x16xf32>,
    return
  }
  func.func @transform_0(%arg0: i32) -> (i32, i32, i32) {
    %c0_i32 = arith.constant 0 : i32
    %c0_i32_0 = arith.constant 0 : i32
    %c0_i32_1 = arith.constant 0 : i32
    return %c0_i32, %arg0, %c0_i32_0 : i32, i32, i32
  }
  func.func @transform_1(%arg0: i32) -> (i32, i32) {
    %c0_i32 = arith.constant 0 : i32
    %c0_i32_0 = arith.constant 0 : i32
    %c0_i32_1 = arith.constant 0 : i32
    return %c0_i32, %c0_i32_0 : i32, i32
  }
  func.func @transform_2(%arg0: i32) -> (i32, i32) {
    %c0_i32 = arith.constant 0 : i32
    %c0_i32_0 = arith.constant 0 : i32
    %c0_i32_1 = arith.constant 0 : i32
    return %c0_i32, %c0_i32_0 : i32, i32
  }
  func.func @transform_3(%arg0: i32) -> (i32, i32) {
    %c0_i32 = arith.constant 0 : i32
    %c0_i32_0 = arith.constant 0 : i32
    %c0_i32_1 = arith.constant 0 : i32
    return %c0_i32, %c0_i32_0 : i32, i32
  }
  func.func @transform_4(%arg0: i32) -> (i32, i32) {
    %c0_i32 = arith.constant 0 : i32
    %c0_i32_0 = arith.constant 0 : i32
    %c0_i32_1 = arith.constant 0 : i32
    return %c0_i32, %c0_i32_0 : i32, i32
  }
  func.func @transform_5(%arg0: i32) -> (i32, i32) {
    %c0_i32 = arith.constant 0 : i32
    %c0_i32_0 = arith.constant 0 : i32
    %c0_i32_1 = arith.constant 0 : i32
    return %c0_i32, %c0_i32_0 : i32, i32
  }
  func.func @transform_6(%arg0: i32) -> (i32, i32) {
    %c0_i32 = arith.constant 0 : i32
    %c0_i32_0 = arith.constant 0 : i32
    return %arg0, %c0_i32 : i32, i32
  }
  func.func @transform_7(%arg0: i32) -> (i32, i32) {
    %c0_i32 = arith.constant 0 : i32
    %c0_i32_0 = arith.constant 0 : i32
    return %arg0, %c0_i32 : i32, i32
  }
  func.func @transform_8(%arg0: i32) -> (i32, i32) {
    %c0_i32 = arith.constant 0 : i32
    %c0_i32_0 = arith.constant 0 : i32
    return %arg0, %c0_i32 : i32, i32
  }
}

module attributes {stable_mosaic.version = 14 : i64} {
  func.func @_post_body(%arg0: i32, %arg1: memref<2x1000x136xf32, #tpu.memory_space<vmem>>, %arg2: memref<136x128xf32, #tpu.memory_space<vmem>>, %arg3: memref<1x128xf32, #tpu.memory_space<vmem>>, %arg4: memref<1000x128xf32, #tpu.memory_space<vmem>>) attributes {dimension_semantics = [#tpu.dimension_semantics<arbitrary>], iteration_bounds = array<i64: 10>, scalar_prefetch = 0 : i64, scratch_operands = 0 : i64, tpu.core_type = #tpu.core_type<tc>, window_params = [{transform_indices = @transform_0, window_bounds = array<i64: 2, 1000, 136>}, {pipeline_mode = #tpu.pipeline_mode<synchronous>, transform_indices = @transform_1, window_bounds = array<i64: 136, 128>}, {pipeline_mode = #tpu.pipeline_mode<synchronous>, transform_indices = @transform_2, window_bounds = array<i64: 1, 128>}, {transform_indices = @transform_3, window_bounds = array<i64: 1000, 128>}]} {
    %get3A = arith.constant 0 : index
    %get3A_0 = arith.constant 0 : index
    %get3A_1 = arith.constant 0 : index
    %get3A_2 = vector.load %arg1[%get3A, %get3A_0, %get3A_1] : memref<2x1000x136xf32, #tpu.memory_space<vmem>>, vector<1x1000x136xf32>
    %get3A_3 = vector.shape_cast %get3A_2 : vector<1x1000x136xf32> to vector<1000x136xf32>
    %get3A_4 = arith.constant 1 : index
    %get3A_5 = arith.constant 0 : index
    %get3A_6 = arith.constant 0 : index
    %get3A_7 = vector.load %arg1[%get3A_4, %get3A_5, %get3A_6] : memref<2x1000x136xf32, #tpu.memory_space<vmem>>, vector<1x1000x136xf32>
    %get3A_8 = vector.shape_cast %get3A_7 : vector<1x1000x136xf32> to vector<1000x136xf32>
    %add3A = arith.addf %get3A_3, %get3A_8 : vector<1000x136xf32>
    %slice3A = vector.extract_strided_slice %add3A {offsets = [0, 0], sizes = [1000, 128], strides = [1, 1]} : vector<1000x136xf32> to vector<1000x128xf32>
    %get3A_9 = arith.constant 0 : index
    %get3A_10 = arith.constant 0 : index
    %get3A_11 = vector.load %arg2[%get3A_9, %get3A_10] : memref<136x128xf32, #tpu.memory_space<vmem>>, vector<136x128xf32>
    %dot_general3A = arith.constant dense<0.000000e+00> : vector<1000x128xf32>
    %dot_general3A_12 = tpu.matmul %add3A, %get3A_11, %dot_general3A {dimension_numbers = #tpu.dot_dimension_numbers<[1], [0], [0], [1], [0, 0, 1, 1], [], []>, precision = #tpu.contract_precision<fp32>, transpose_lhs_hint = false} : vector<1000x136xf32>, vector<136x128xf32>, vector<1000x128xf32> -> vector<1000x128xf32>
    %add3A_13 = arith.constant 1.000000e-16 : f32
    %add3A_14 = vector.broadcast %add3A_13 : f32 to vector<1000x128xf32>
    %add3A_15 = arith.addf %dot_general3A_12, %add3A_14 : vector<1000x128xf32>
    %div3A = arith.divf %slice3A, %add3A_15 : vector<1000x128xf32>
    %get3A_16 = arith.constant 0 : index
    %get3A_17 = arith.constant 0 : index
    %get3A_18 = vector.load %arg3[%get3A_16, %get3A_17] : memref<1x128xf32, #tpu.memory_space<vmem>>, vector<1x128xf32>
    %add3A_19 = vector.broadcast %get3A_18 : vector<1x128xf32> to vector<1000x128xf32>
    %add3A_20 = arith.addf %div3A, %add3A_19 : vector<1000x128xf32>
    %swap3A = arith.constant 0 : index
    %swap3A_21 = arith.constant 0 : index
    %swap3A_22 = vector.load %arg4[%swap3A, %swap3A_21] : memref<1000x128xf32, #tpu.memory_space<vmem>>, vector<1000x128xf32>
    tpu.vector_store %arg4[%swap3A, %swap3A_21], %add3A_20 {strides = array<i32>} : memref<1000x128xf32, #tpu.memory_space<vmem>>, vector<1000x128xf32>,
    return
  }
  func.func @transform_0(%arg0: i32) -> (i32, i32, i32) {
    %c0_i32 = arith.constant 0 : i32
    %c0_i32_0 = arith.constant 0 : i32
    %c0_i32_1 = arith.constant 0 : i32
    return %c0_i32, %arg0, %c0_i32_0 : i32, i32, i32
  }
  func.func @transform_1(%arg0: i32) -> (i32, i32) {
    %c0_i32 = arith.constant 0 : i32
    %c0_i32_0 = arith.constant 0 : i32
    %c0_i32_1 = arith.constant 0 : i32
    return %c0_i32, %c0_i32_0 : i32, i32
  }
  func.func @transform_2(%arg0: i32) -> (i32, i32) {
    %c0_i32 = arith.constant 0 : i32
    %c0_i32_0 = arith.constant 0 : i32
    %c0_i32_1 = arith.constant 0 : i32
    return %c0_i32, %c0_i32_0 : i32, i32
  }
  func.func @transform_3(%arg0: i32) -> (i32, i32) {
    %c0_i32 = arith.constant 0 : i32
    %c0_i32_0 = arith.constant 0 : i32
    return %arg0, %c0_i32 : i32, i32
  }
}

</mosaic_0001>

<sc_bundles>
// kernel: kernel.10.cloned.1.call-start
scs
__scs_entry_jumppad:
0x0: {  	(pc) =	sbr.rel $0x88, $3  }
0x1: {  	(tag) =	ssettag $0x0;
	lr =	simm.s32 $0x1  }
0x2: {  	[smem:$0x3F97] =	sst lr;
	_ =	strace $0xD0000000  }
0x3: {  	_ = 	snop  }
0x4: {  	_ = 	snop  }
0x5: {  	_ = 	snop  }
0x6: {  	_ = 	snop  }
0x7: {  	_ = 	snop  }
__scs_overlays_trampoline_lowered:
0x8: {  	[smem:$0x3FA6] =	sst s0  }
0x9: {  	[smem:$0x3FA7] =	sst s1  }
0xa: {  	[smem:$0x3FA8] =	sst s2  }
0xb: {  	[smem:$0x3FA9] =	sst s3  }
0xc: {  	[smem:$0x3FAA] =	sst s4  }
0xd: {  	[smem:$0x3FAB] =	sst s5  }
0xe: {  	[smem:$0x3FAC] =	sst s6  }
0xf: {  	[smem:$0x3FAD] =	sst s7  }
0x10: {  	[smem:$0x3FAE] =	sst s8  }
0x11: {  	[smem:$0x3FAF] =	sst s9;
	s0 =	simm.s32 @!p0 $0x0  }
0x12: {  	s1 =	sld [smem:$0x3F95];
	s0 =	simm.s32 @p0 $0x1  }
0x13: {  	[smem:$0x3FB0] =	sst s0;
	s0 =	simm.s32 @!p1 $0x0  }
0x14: {  	s2 =	sld [smem:$0x3F94];
	s0 =	simm.s32 @p1 $0x1  }
0x15: {  	[smem:$0x3FB1] =	sst s0;
	s0 =	simm.s32 @!p2 $0x0  }
0x16: {  	s3 =	sld [smem:$0x3FDB];
	s0 =	simm.s32 @p2 $0x1  }
0x17: {  	s4 =	simm.s32 $0x1BF5;
	[smem:$0x3FB3] =	sst s0  }
0x18: {  	s0 =	sld [smem:$0x3F96];
	_ =	swait.ge [sflag:s4], $0x0  }
0x19: {  	s7 =	sld [smem:$0x3F97]  }
0x1a: {  	s8 =	sadd.s32 $0xFFFFE003, lr  }
0x1b: {  	s9 =	sadd.s32 $0xFFFFFEF7, lr;
	s5 =	simm.s32 $0xFFFFFFFF;
	p2 =	slt.u32 s8, $0xFFFFF086  }
0x1c: {  	p1 =	slt.u32 s9, $0xF7A;
	s5 =	simm.s32 @!p2 $0x0  }
0x1d: {  	s5 =	simm.s32 @p1 $0x1;
	p0 =	seq.s32 s7, s2  }
0x1e: {  	s7 =	smul.u32 @!p0 $0xF7A, s2;
	p2 =	seq.s32 @!p0 s5, $0x0  }
0x1f: {  	s9 =	smul.u32 $0xF7A, s1;
	s8 =	simm.s32 @!p0 $0x1BF5;
	p2 =	por !p2, p0  }
0x20: {  	[sflag:s8] =	ssyncset.s32 @!p0 $0xFFFFF086;
	s6 =	sadd.s32 @!p0 s3, s7;
	s7 =	simm.s32 @!p0 $0x108  }
0x21: {  	s3 =	sadd.s32 s3, s9;
	s6 =	sadd.s32 @!p0 $0x88, s6;
	s7 =	simm.s32 @p2 $0x1082  }
0x22: {  	[simem:s7], [sflag:s8] =	dma.local @!p0 [hbm:s6], $0xF7A  }
0x23: {  	s9 =	sor.u32 $0xD0000000, s2;
	s6 =	simm.s32 $0x108;
	_ =	swait.ge @!p0 [sflag:s8], $0x0  }
0x24: {  	s3 =	sadd.s32 $0x88, s3;
	s6 =	simm.s32 @!p1 $0x1082;
	[sflag:s4] =	ssyncset.s32 $0xFFFFF086  }
0x25: {  	[simem:s6], [sflag:s4] =	dma.local [hbm:s3], $0xF7A  }
0x26: {  	[smem:$0x3F97] =	sst s1;
	(tag) =	ssettag s2;
	_ =	strace s9  }
0x27: {  	s1 =	sld [smem:$0x3FA7]  }
0x28: {  	s2 =	sld [smem:$0x3FA8]  }
0x29: {  	s4 =	sld [smem:$0x3FAA]  }
0x2a: {  	p0 =	seq.s32 s5, $0x0;
	s5 =	sld [smem:$0x3FAB]  }
0x2b: {  	s6 =	sld [smem:$0x3FAC]  }
0x2c: {  	s7 =	sld [smem:$0x3FAD]  }
0x2d: {  	s3 =	simm.s32 $0x108;
	s8 =	sld [smem:$0x3FAE]  }
0x2e: {  	s3 =	simm.s32 @!p0 $0x1082;
	s9 =	sld [smem:$0x3FAF]  }
0x2f: {  	lr =	sadd.s32 s0, s3;
	s0 =	sld [smem:$0x3FA6]  }
0x30: {  	s3 =	sld [smem:$0x3FA9]  }
0x31: {  	[smem:$0x3FB2] =	sst s10  }
0x32: {  	s10 =	sld [smem:$0x3FB0];
	_ =	sdelay $0x3  }
0x33: {  	p0 =	seq.s32 s10, $0x1;
	s10 =	sld [smem:$0x3FB2];
	_ =	sdelay $0x3  }
0x34: {  	[smem:$0x3FB2] =	sst s10  }
0x35: {  	s10 =	sld [smem:$0x3FB1];
	_ =	sdelay $0x3  }
0x36: {  	p1 =	seq.s32 s10, $0x1;
	s10 =	sld [smem:$0x3FB2];
	_ =	sdelay $0x3  }
0x37: {  	[smem:$0x3FB2] =	sst s10  }
0x38: {  	s10 =	sld [smem:$0x3FB3]  }
0x39: {  	_ = 	snop;
	(pc) =	sbr.ind lr, $3  }
0x3a: {  	_ = 	snop  }
0x3b: {  	_ = 	snop  }
0x3c: {  	p2 =	seq.s32 s10, $0x1;
	s10 =	sld [smem:$0x3FB2]  }
0x3d: {  	_ =	shalt  }
0x3e: {  	_ =	shalt  }
0x3f: {  	_ =	shalt  }
0x40: {  	_ =	shalt  }
0x41: {  	_ =	shalt  }
0x42: {  	_ =	shalt  }
0x43: {  	_ =	shalt  }
0x44: {  	_ =	shalt  }
0x45: {  	_ =	shalt  }
0x46: {  	_ =	shalt  }
0x47: {  	_ =	shalt  }
0x48: {  	_ =	shalt  }
0x49: {  	_ =	shalt  }
0x4a: {  	_ =	shalt  }
0x4b: {  	_ =	shalt  }
0x4c: {  	_ =	shalt  }
0x4d: {  	_ =	shalt  }
0x4e: {  	_ =	shalt  }
0x4f: {  	_ =	shalt  }
0x50: {  	_ =	shalt  }
0x51: {  	_ =	shalt  }
0x52: {  	_ =	shalt  }
0x53: {  	_ =	shalt  }
0x54: {  	_ =	shalt  }
0x55: {  	_ =	shalt  }
0x56: {  	_ =	shalt  }
0x57: {  	_ =	shalt  }
0x58: {  	_ =	shalt  }
0x59: {  	_ =	shalt  }
0x5a: {  	_ =	shalt  }
0x5b: {  	_ =	shalt  }
0x5c: {  	_ =	shalt  }
0x5d: {  	_ =	shalt  }
0x5e: {  	_ =	shalt  }
0x5f: {  	_ =	shalt  }
0x60: {  	_ =	shalt  }
0x61: {  	_ =	shalt  }
0x62: {  	_ =	shalt  }
0x63: {  	_ =	shalt  }
0x64: {  	_ =	shalt  }
0x65: {  	_ =	shalt  }
0x66: {  	_ =	shalt  }
0x67: {  	_ =	shalt  }
0x68: {  	_ =	shalt  }
0x69: {  	_ =	shalt  }
0x6a: {  	_ =	shalt  }
0x6b: {  	_ =	shalt  }
0x6c: {  	_ =	shalt  }
0x6d: {  	_ =	shalt  }
0x6e: {  	_ =	shalt  }
0x6f: {  	_ =	shalt  }
0x70: {  	_ =	shalt  }
0x71: {  	_ =	shalt  }
0x72: {  	_ =	shalt  }
0x73: {  	_ =	shalt  }
0x74: {  	_ =	shalt  }
0x75: {  	_ =	shalt  }
0x76: {  	_ =	shalt  }
0x77: {  	_ =	shalt  }
0x78: {  	_ =	shalt  }
0x79: {  	_ =	shalt  }
0x7a: {  	_ =	shalt  }
0x7b: {  	_ =	shalt  }
0x7c: {  	_ =	shalt  }
0x7d: {  	_ =	shalt  }
0x7e: {  	_ =	shalt  }
0x7f: {  	_ =	shalt  }
0x80: {  	_ =	shalt  }
0x81: {  	_ =	shalt  }
0x82: {  	_ =	shalt  }
0x83: {  	_ =	shalt  }
0x84: {  	_ =	shalt  }
0x85: {  	_ =	shalt  }
0x86: {  	_ =	shalt  }
0x87: {  	_ =	shalt  }
.Lfunc_end0:
.L_simem_size_0:
called_computation.1_lowered:
.L_overlay_start_0:
0x88: {  	s2 =	sld [smem:$0x3FD9]  }
0x89: {  	s3 =	sld [smem:$0x3FFE];
	_ =	sdelay $0x1  }
0x8a: {  	s1 =	srdreg.scid  }
0x8b: {  	s0 =	sand.u32 $0x1, s1  }
0x8c: {  	s17 =	sshll.u32 s0, $0xA;
	s2 =	sadd.s32 s3, s2  }
0x8d: {  	s2 =	sadd.s32 s2, s17  }
0x8e: {  	[smem:$0x3FBE] =	sst s2  }
0x8f: {  	_ = 	snop  }
0x90: {  	s2 =	sld [smem:$0x3FD0];
	(tm) =	ssettm $0x1  }
0x91: {  	s18 =	sld [smem:$0x3FFB];
	_ =	sdelay $0x3  }
0x92: {  	_ =	strace s18  }
0x93: {  	s3 =	sld [smem:$0x3FFC];
	_ =	sdelay $0x3  }
0x94: {  	_ =	strace s3  }
0x95: {  	s3 =	sld [smem:$0x3FFD];
	_ =	sdelay $0x3  }
0x96: {  	_ =	strace s3  }
0x97: {  	_ =	strace $0x8FFFFFFF  }
0x98: {  	s19 =	sld [smem:$0x3FDB];
	_ =	sdelay $0x1  }
0x99: {  	s4 =	simm.s32 $_scs_section_size  }
0x9a: {  	s5 =	simm.s32 $_size__tile_overlayer_lowered;
	s6 =	simm.s32 $_tile_overlayer_lowered  }
0x9b: {  	s22 =	simm.s32 $0x1BFF;
	s21 =	sshll.u32 s6, $0x1;
	s3 =	sadd.s32 s4, s19  }
0x9c: {  	s7 =	simm.s32 $0x0;
	s20 =	sshll.u32 s5, $0x1;
	s5 =	sadd.s32 s21, s3  }
0x9d: {  	[timem:s7], [sflag:s22] =	dma.local [hbm:s5], s20  }
0x9e: {  	_ =	swait.ge [sflag:s22], s20  }
0x9f: {  	s4 =	ssub.s32 $0x0, s20;
	[sflag:s22] =	ssyncset.done $0x0  }
0xa0: {  	[sflag:s22] =	ssyncadd.s32 s4;
	_ =	sdelay $0x1  }
0xa1: {  	s23 =	simm.s32 $0x1B8B  }
0xa2: {  	_ =	swait.ge [sflag:s23], $0x1  }
0xa3: {  	[sflag:s23] =	ssyncset.done $0x0  }
0xa4: {  	s25 =	simm.s32 $0x1B8E;
	s24 =	sld [smem:$0x3FFE];
	[sflag:s23] =	ssyncadd.s32 $0xFFFFFFFF  }
0xa5: {  	s26 =	simm.s32 $execute0_lowered;
	[smem:$0x3FD2] =	sst s25  }
0xa6: {  	s5 =	sshll.u32 s26, $0x1;
	_ =	strace $0x80000049;
	[dreg:$0x1] =	wrdreg $0xFFFFFFFF  }
0xa7: {  	s28 =	simm.s32 $_size_execute0_lowered;
	s3 =	sadd.s32 s3, s5;
	[dreg:$0x0] =	wrdreg $0x0  }
0xa8: {  	s5 =	sshll.u32 s28, $0x1;
	[dreg:$0x2] =	wrdreg s3  }
0xa9: {  	[dreg:$0x3] =	wrdreg s5  }
0xaa: {  	[dreg:$0x4] =	wrdreg $0xC0  }
0xab: {  	_ =	task [dreg:s7], $0x5FFFF  }
0xac: {  	[dreg:$0x1] =	wrdreg $0xFFFFFFFF  }
0xad: {  	[dreg:$0x0] =	wrdreg $0x60  }
0xae: {  	[dreg:$0x2] =	wrdreg s2  }
0xaf: {  	[dreg:$0x3] =	wrdreg s24  }
0xb0: {  	[dreg:$0x4] =	wrdreg $0x0  }
0xb1: {  	[dreg:$0x5] =	wrdreg $0x9  }
0xb2: {  	_ =	task.clear_ibuf [dreg:s7], $0x6FFFF;
	_ =	strace $0x90000049  }
0xb3: {  	s29 =	simm.s32 $0x9;
	_ =	strace $0x8000004B  }
0xb4: {  	_ =	swait.ge [sflag:s29], $0x1  }
0xb5: {  	[sflag:s29] =	ssyncadd.s32 $0xFFFFFFFF  }
0xb6: {  	_ =	strace $0x9000004B  }
0xb7: {  	_ =	sfence  }
0xb8: {  	s30 =	sld [smem:$0x0];
	_ =	sdelay $0x2  }
0xb9: {  	s31 =	sshll.u32 s1, $0xD;
	s1 =	sshrl.u32 s1, $0x2  }
0xba: {  	s3 =	sand.u32 $0x4000, s31;
	s1 =	sadd.s32 s1, s30  }
0xbb: {  	s0 =	sor.u32 s3, s0;
	s1 =	sshll.u32 s1, $0x11  }
0xbc: {  	s0 =	sor.u32 s1, s0  }
0xbd: {  	s0 =	sadd.s32 $0x8F2B, s0  }
0xbe: {  	[sflag:s0] =	ssyncadd.remote.s32 $0x1  }
0xbf: {  	_ =	sfence.sel $0xFFFF  }
0xc0: {  	[dreg:$0x0] =	wrdreg $0xFFFFFFFF;
	(pc) =	sbr.abs _section_cstart, $3  }
0xc1: {  	[dreg:$0x1] =	wrdreg $0xFFFFFFFF  }
0xc2: {  	_ =	task.clear_ibuf [dreg:s7], $0x2FFFF;
	_ =	strace $0x9FFFFFFF  }
0xc3: {  	(tm) =	ssettm $0x7FFFFFFF  }
tec
execute0_lowered:
.L_overlay_start_1:
0x0: {  	(tag) =	ssettag $0x1  }
0x1: {  	s31 =	rddreg [dreg:$0x0]  }
0x2: {  	s0 =	rddreg [dreg:$0x1]  }
0x3: {  	s5 =	rddreg [dreg:$0x2];
	s1 =	simm.s32 $0x0;
	s17 =	srdreg.scid  }
0x4: {  	s6 =	stileid.u32;
	s11 =	simm.s32 $0x19D40;
	s12 =	simm.s32 $0x1A140  }
0x5: {  	[smem:$0x7FF] =	sst s1;
	s1 =	sand.u32 $0x1, s17;
	s2 =	smul.u32 $0x14FC0, s6  }
0x6: {  	s3 =	sadd.s32 $0x5A00, s0;
	s18 =	sadd.s32 $0xA00, s0;
	s8 =	sadd.s32 $0xAA00, s0  }
0x7: {  	s9 =	sadd.s32 $0x14C00, s0;
	_ =	strace $0x8000004A;
	[dreg:$0x4] =	wrdreg s3  }
0x8: {  	s4 =	sshll.u32 s6, $0x1;
	s10 =	sadd.s32 $0x1EE00, s0;
	[dreg:$0x5] =	wrdreg s18  }
0x9: {  	s22 =	sshll.u32 s6, $0x6;
	s19 =	smul.u32 $0x14FC00, s1;
	[dreg:$0x8] =	wrdreg s10  }
0xa: {  	s7 =	ssub.s32 $0x2, s1;
	s1 =	sor.u32 s1, s4;
	[dreg:$0x6] =	wrdreg s8  }
0xb: {  	[dreg:$0x7] =	wrdreg s9;
	s20 =	sshrl.u32 s7, $0x1;
	s1 =	smul.u32 $0x2880, s1  }
0xc: {  	s3 =	sadd.s32 s2, s19;
	s2 =	sadd.s32 s2, s5;
	s5 =	sor.u32 $0x1C09, s22  }
0xd: {  	s21 =	ssub.s32 s7, s20;
	s29 =	sadd.s32 $0x80, s1;
	[dreg:$0x9] =	wrdreg s5  }
0xe: {  	s23 =	sshrl.u32 s1, $0x3;
	s1 =	sadd.s32 $0xC0, s1;
	[dreg:$0xe] =	wrdreg s29  }
0xf: {  	s20 =	simm.s32 $0x9;
	s30 =	smax.u32 s21, $0x1;
	[dreg:$0xf] =	wrdreg s1  }
0x10: {  	s3 =	sshrl.u32 s3, $0x3;
	s24 =	sadd.s32 s8, s23;
	[dreg:$0x11] =	wrdreg s30  }
0x11: {  	v0 =	vlaneseq.u32;
	s21 =	simm.s32 $0x1C340;
	s26 =	sadd.s32 s9, s23;
	[dreg:$0xa] =	wrdreg s24  }
0x12: {  	v7 =	vmul.u32 $0x88, v0;
	s25 =	sor.u32 $0x8, s23;
	s1 =	sshrl.u32 s2, $0x3;
	[dreg:$0xb] =	wrdreg s26  }
0x13: {  	v0 =	vmul.u32 $0x10, v0;
	s0 =	sadd.s32 s3, s0;
	s28 =	sadd.s32 s8, s25;
	[dreg:$0x12] =	wrdreg s1  }
0x14: {  	v1 =	vadd.s32 $0x80, v7;
	s2 =	simm.s32 $0x0;
	s4 =	sadd.s32 s9, s25;
	[dreg:$0xc] =	wrdreg s28  }
0x15: {  	v2 =	vor.u32 $0x100, v0;
	v3 =	vadd.s32 $0x900, v7;
	v4 =	vor.u32 $0x200, v0;
	s0 =	sadd.s32 $0x21800, s0;
	s24 =	simm.s32 $0x40;
	[dreg:$0xd] =	wrdreg s4  }
0x16: {  	v5 =	vadd.s32 $0x1180, v7;
	v6 =	vor.u32 $0x300, v0;
	v7 =	vadd.s32 $0x1A00, v7;
	s25 =	simm.s32 $0x2;
	s9 =	simm.s32 $0x19540;
	[dreg:$0x10] =	wrdreg s0  }
.LBB2_1:
0x17: {  	[dreg:$0x13] =	wrdreg s2  }
0x18: {  	s0 =	rddreg [dreg:$0x8]  }
0x19: {  	[spmem:s1], [sflag:s5] =	dma.local [hbm:s0], $0x29F8  }
0x1a: {  	_ =	swait.ge [sflag:s20], $0x29F8  }
0x1b: {  	[sflag:s20] =	ssyncset.done $0x0  }
0x1c: {  	[sflag:s20] =	ssyncadd.s32 $0xFFFFD608  }
0x1d: {  	[bflag:$0x0] =	sbarrier.arrive $0xFFFF  }
0x1e: {  	s13 =	simm.s32 $0x0;
	s15 =	simm.s32 $0x14FC0;
	s14 =	rddreg [dreg:$0xa]  }
0x1f: {  	[tilespmem:s15], [sflag:$0x1] =	stream.linear.gather [hbm4b:s14+s13], $0x40, $0x38;
	[tilespmem:$0x1E540] =	vst v63  }
0x20: {  	s3 =	simm.s32 $0x15040;
	s17 =	simm.s32 $0x1;
	s16 =	rddreg [dreg:$0xb]  }
0x21: {  	[tilespmem:s3], [sflag:$0x1] =	stream.linear.gather [hbm4b:s16+s13], $0x40, $0x38;
	[tilespmem:$0x1E540] =	vst v63  }
0x22: {  	_ =	swait.ge [sflag:s17], $0x40  }
0x23: {  	[sflag:s17] =	ssyncset.done $0x0  }
0x24: {  	[sflag:s17] =	ssyncadd.s32 $0xFFFFFFC0  }
0x25: {  	_ =	swait.ge [sflag:s17], $0x40  }
0x26: {  	[sflag:s17] =	ssyncset.done $0x0  }
0x27: {  	s18 =	simm.s32 $0x15140;
	[sflag:s17] =	ssyncadd.s32 $0xFFFFFFC0  }
0x28: {  	[tilespmem:s18], [sflag:$0x3] =	stream.indirect.gather [hbm4b:s31+s24], $0x80, s15, s24, $0xb8;
	[tilespmem:$0x1E540] =	vst v63  }
0x29: {  	s4 =	simm.s32 $0x19140;
	s19 =	rddreg [dreg:$0x4]  }
0x2a: {  	[tilespmem:s4], [sflag:$0x5] =	stream.indirect.gather [hbm4b:s19+s24], $0x10, s15, s24, $0xb8;
	[tilespmem:$0x1E540] =	vst v63  }
0x2b: {  	s23 =	simm.s32 $0x19940;
	s22 =	rddreg [dreg:$0x5]  }
0x2c: {  	[tilespmem:s23], [sflag:$0x7] =	stream.indirect.gather [hbm4b:s22+s24], $0x10, s3, s24, $0xb8;
	[tilespmem:$0x1E540] =	vst v63  }
0x2d: {  	s28 =	simm.s32 $0x15000;
	s26 =	rddreg [dreg:$0xc]  }
0x2e: {  	[tilespmem:s28], [sflag:$0x2] =	stream.linear.gather [hbm4b:s26+s13], $0x40, $0x38;
	[tilespmem:$0x1E540] =	vst v63  }
0x2f: {  	s30 =	simm.s32 $0x15080;
	s29 =	rddreg [dreg:$0xd];
	s19 =	simm.s32 $0x0  }
0x30: {  	[tilespmem:s30], [sflag:$0x2] =	stream.linear.gather [hbm4b:s29+s13], $0x40, $0x38;
	[tilespmem:$0x1E540] =	vst v63  }
.LBB2_2:
0x31: {  	s0 =	simm.s32 $0x5  }
0x32: {  	_ =	swait.ge [sflag:s0], $0x400  }
0x33: {  	[sflag:s0] =	ssyncset.done $0x0  }
0x34: {  	s17 =	simm.s32 $0x7;
	[sflag:s0] =	ssyncadd.s32 $0xFFFFFC00  }
0x35: {  	_ =	swait.ge [sflag:s17], $0x400  }
0x36: {  	[sflag:s17] =	ssyncset.done $0x0  }
0x37: {  	s18 =	simm.s32 $0x3;
	[sflag:s17] =	ssyncadd.s32 $0xFFFFFC00  }
0x38: {  	_ =	swait.ge [sflag:s18], $0x2000  }
0x39: {  	[sflag:s18] =	ssyncset.done $0x0  }
0x3a: {  	[sflag:s18] =	ssyncadd.s32 $0xFFFFE000  }
0x3b: {  	v8 =	vld [tilespmem:$0x15040]  }
0x3c: {  	v9 =	vld [tilespmem:$0x15050]  }
0x3d: {  	v10 =	vld [tilespmem:$0x15060]  }
0x3e: {  	v11 =	vld [tilespmem:$0x15070];
	_ =	sdelay $0x1  }
0x3f: {  	[tilespmem:$0x150C0] =	vst v8  }
0x40: {  	[tilespmem:$0x150D0] =	vst v9  }
0x41: {  	[tilespmem:$0x150E0] =	vst v10  }
0x42: {  	[tilespmem:$0x150F0] =	vst v11  }
0x43: {  	_ =	swait.ge [sflag:s25], $0x40  }
0x44: {  	[sflag:s25] =	ssyncset.done $0x0  }
0x45: {  	[sflag:s25] =	ssyncadd.s32 $0xFFFFFFC0  }
0x46: {  	_ =	swait.ge [sflag:s25], $0x40  }
0x47: {  	[sflag:s25] =	ssyncset.done $0x0  }
0x48: {  	s1 =	simm.s32 $0x15000;
	s22 =	simm.s32 $0x17140;
	[sflag:s25] =	ssyncadd.s32 $0xFFFFFFC0  }
0x49: {  	[tilespmem:s22], [sflag:$0x4] =	stream.indirect.gather [hbm4b:s31+s24], $0x80, s1, s24, $0xb8;
	[tilespmem:$0x1E540] =	vst v63  }
0x4a: {  	s23 =	rddreg [dreg:$0x4]  }
0x4b: {  	[tilespmem:s9], [sflag:$0x6] =	stream.indirect.gather [hbm4b:s23+s24], $0x10, s1, s24, $0xb8;
	[tilespmem:$0x1E540] =	vst v63  }
0x4c: {  	p0 =	seq.s32 s19, $0x50;
	s0 =	rddreg [dreg:$0xe];
	s23 =	sshll.u32 s19, $0x7  }
0x4d: {  	s29 =	simm.s32 $0x15080;
	s26 =	rddreg [dreg:$0x5];
	s0 =	sadd.s32 @!p0 s23, s0  }
0x4e: {  	[tilespmem:s11], [sflag:$0x8] =	stream.indirect.gather [hbm4b:s26+s24], $0x10, s29, s24, $0xb8;
	[tilespmem:$0x1E540] =	vst v63  }
0x4f: {  	s1 =	rddreg [dreg:$0x6];
	s0 =	sshrl.u32 @!p0 s0, $0x3  }
0x50: {  	s2 =	simm.s32 @!p0 $0x0;
	s3 =	simm.s32 @!p0 $0x14FC0;
	s1 =	sadd.s32 @!p0 s1, s0  }
0x51: {  	[tilespmem:s3], [sflag:$0x1] =	stream.linear.gather @!p0 [hbm4b:s1+s2], $0x40, $0x38;
	[tilespmem:$0x1E540] =	vst v63  }
0x52: {  	s1 =	rddreg [dreg:$0x7]  }
0x53: {  	s30 =	simm.s32 $0x19140;
	s0 =	sadd.s32 @!p0 s1, s0;
	s1 =	simm.s32 @!p0 $0x15040  }
0x54: {  	[tilespmem:s1], [sflag:$0x1] =	stream.linear.gather @!p0 [hbm4b:s0+s2], $0x40, $0x38;
	[tilespmem:$0x1E540] =	vst v63  }
0x55: {  	s28 =	smov.u32 s31;
	s31 =	simm.s32 $0x19940;
	v8 =	vld.idx.msk [tilespmem:v0+s30+$0x0], $0xffff  }
0x56: {  	v60 =	vld.idx.msk [tilespmem:v0+s31+$0x0], $0xffff;
	_ =	sdelay $0x4  }
0x57: {  	v8 =	vadd.f32 v60, v8;
	_ =	sdelay $0x1  }
0x58: {  	v9 =	vmul.f32 $2.000000030e-01, v8  }
0x59: {  	vm0 =	vgt.f32 v8, $0.0e+00  }
0x5a: {  	v8 =	vsel vm0, v8, v9  }
0x5b: {  	v8 =	vmul.f32 $1.442695020e+00, v8;
	_ =	sdelay $0x1  }
0x5c: {  	(erf) = vpow2.f32 v8;
	_ =	sdelay $0x8  }
0x5d: {  	v8 =	vpop (erf)  }
0x5e: {  	[tilespmem:v1+s12+$0x0] =	vst.idx.msk $0xffff, v8  }
0x5f: {  	v8 =	vld.idx.msk [tilespmem:v2+s30+$0x0], $0xffff  }
0x60: {  	v61 =	vld.idx.msk [tilespmem:v2+s31+$0x0], $0xffff;
	_ =	sdelay $0x4  }
0x61: {  	v8 =	vadd.f32 v61, v8;
	_ =	sdelay $0x1  }
0x62: {  	v9 =	vmul.f32 $2.000000030e-01, v8  }
0x63: {  	vm13 =	vgt.f32 v8, $0.0e+00  }
0x64: {  	v8 =	vsel vm13, v8, v9  }
0x65: {  	v8 =	vmul.f32 $1.442695020e+00, v8;
	_ =	sdelay $0x1  }
0x66: {  	(erf) = vpow2.f32 v8;
	_ =	sdelay $0x8  }
0x67: {  	v8 =	vpop (erf)  }
0x68: {  	[tilespmem:v3+s12+$0x0] =	vst.idx.msk $0xffff, v8  }
0x69: {  	v8 =	vld.idx.msk [tilespmem:v4+s30+$0x0], $0xffff  }
0x6a: {  	v62 =	vld.idx.msk [tilespmem:v4+s31+$0x0], $0xffff;
	_ =	sdelay $0x4  }
0x6b: {  	v8 =	vadd.f32 v62, v8;
	_ =	sdelay $0x1  }
0x6c: {  	v9 =	vmul.f32 $2.000000030e-01, v8  }
0x6d: {  	vm14 =	vgt.f32 v8, $0.0e+00  }
0x6e: {  	v8 =	vsel vm14, v8, v9  }
0x6f: {  	v8 =	vmul.f32 $1.442695020e+00, v8;
	_ =	sdelay $0x1  }
0x70: {  	(erf) = vpow2.f32 v8;
	_ =	sdelay $0x8  }
0x71: {  	v8 =	vpop (erf)  }
0x72: {  	[tilespmem:v5+s12+$0x0] =	vst.idx.msk $0xffff, v8  }
0x73: {  	v8 =	vld.idx.msk [tilespmem:v6+s30+$0x0], $0xffff  }
0x74: {  	v63 =	vld.idx.msk [tilespmem:v6+s31+$0x0], $0xffff;
	_ =	sdelay $0x4  }
0x75: {  	v8 =	vadd.f32 v63, v8;
	_ =	sdelay $0x1  }
0x76: {  	v9 =	vmul.f32 $2.000000030e-01, v8  }
0x77: {  	vm15 =	vgt.f32 v8, $0.0e+00  }
0x78: {  	v8 =	vsel vm15, v8, v9  }
0x79: {  	v8 =	vmul.f32 $1.442695020e+00, v8;
	_ =	sdelay $0x1  }
0x7a: {  	(erf) = vpow2.f32 v8;
	_ =	sdelay $0x8  }
0x7b: {  	v8 =	vpop (erf)  }
0x7c: {  	s10 =	simm.s32 $0x0;
	[tilespmem:v7+s12+$0x0] =	vst.idx.msk $0xffff, v8  }
.LBB2_3:
0x7d: {  	s0 =	smul.u32 $0x220, s10  }
0x7e: {  	s1 =	sor.u32 $0x1, s10;
	s16 =	sshll.u32 s10, $0x7  }
0x7f: {  	s17 =	sor.u32 $0x2, s10;
	s8 =	sor.u32 $0x3, s10;
	s13 =	sshra.s32 s0, $0x2  }
0x80: {  	s2 =	smul.u32 $0x220, s1;
	s1 =	sshll.u32 s1, $0x7;
	s0 =	sand.u32 $0x3FFFFF80, s16;
	v8 =	vld [tilespmem:s13+$0x1A1B8]  }
0x81: {  	s4 =	smul.u32 $0x220, s17;
	s29 =	sshll.u32 s8, $0x7;
	s3 =	sand.u32 $0x3FFFFF80, s1;
	v9 =	vld [tilespmem:s0+$0x15140]  }
0x82: {  	s18 =	smul.u32 $0x220, s8;
	s8 =	sand.u32 $0x3FFFFF80, s29;
	v11 =	vld [tilespmem:s3+$0x15140]  }
0x83: {  	s26 =	sor.u32 $0x4, s10;
	s22 =	sshra.s32 s2, $0x2;
	v17 =	vld [tilespmem:s8+$0x15140]  }
0x84: {  	s14 =	smul.u32 $0x220, s26;
	s30 =	sshra.s32 s4, $0x2;
	v10 =	vld [tilespmem:s22+$0x1A1B8]  }
0x85: {  	s15 =	sor.u32 $0x5, s10;
	s4 =	sshra.s32 s18, $0x2;
	v13 =	vld [tilespmem:s30+$0x1A1B8]  }
0x86: {  	s16 =	smul.u32 $0x220, s15;
	s2 =	sshll.u32 s17, $0x7;
	s1 =	sshra.s32 s14, $0x2;
	v14 =	vld [tilespmem:s4+$0x1A1B8]  }
0x87: {  	s18 =	sor.u32 $0x6, s10;
	s7 =	sand.u32 $0x3FFFFF80, s2;
	s2 =	sshll.u32 s26, $0x7;
	v18 =	vld [tilespmem:s1+$0x1A1B8]  }
0x88: {  	s29 =	sor.u32 $0x7, s10;
	s5 =	smul.u32 $0x220, s18;
	v16 =	vld [tilespmem:s7+$0x15140];
	s31 =	sand.u32 $0x3FFFFF80, s2  }
0x89: {  	s6 =	smul.u32 $0x220, s29;
	s2 =	sshra.s32 s16, $0x2;
	v19 =	vld [tilespmem:s31+$0x15140]  }
0x8a: {  	s15 =	sshll.u32 s15, $0x7;
	v20 =	vld [tilespmem:s2+$0x1A1B8];
	s16 =	sshra.s32 s5, $0x2  }
0x8b: {  	s17 =	sand.u32 $0x3FFFFF80, s15;
	s18 =	sshll.u32 s18, $0x7;
	s15 =	sshra.s32 s6, $0x2;
	v21 =	vld [tilespmem:s16+$0x1A1B8]  }
0x8c: {  	s18 =	sand.u32 $0x3FFFFF80, s18;
	v22 =	vld [tilespmem:s15+$0x1A1B8];
	v15 =	vbroadcast v8, $0x8  }
0x8d: {  	v23 =	vld [tilespmem:s18+$0x15140];
	v12 =	vbroadcast v10, $0x8;
	v13 =	vbroadcast v13, $0x8  }
0x8e: {  	s29 =	sshll.u32 s29, $0x7;
	v8 =	vld [tilespmem:s17+$0x15140];
	v14 =	vbroadcast v14, $0x8;
	v9 =	vmul.f32 v9, v15  }
0x8f: {  	s29 =	sand.u32 $0x3FFFFF80, s29;
	v10 =	vmul.f32 v11, v12;
	v36 =	vmul.f32 v16, v13  }
0x90: {  	v37 =	vld [tilespmem:s29+$0x15140];
	v11 =	vbroadcast v18, $0x8;
	[tilespmem:s13+$0x1A140] =	vst v9;
	v9 =	vbroadcast v21, $0x8  }
0x91: {  	v17 =	vmul.f32 v17, v14;
	v38 =	vld [tilespmem:s0+$0x15150];
	[tilespmem:s22+$0x1A140] =	vst v10;
	v10 =	vbroadcast v20, $0x8  }
0x92: {  	[tilespmem:s30+$0x1A140] =	vst v36;
	v19 =	vmul.f32 v19, v11;
	v39 =	vld [tilespmem:s3+$0x15150];
	v43 =	vmul.f32 v23, v9  }
0x93: {  	[tilespmem:s4+$0x1A140] =	vst v17;
	v40 =	vld [tilespmem:s7+$0x15150];
	v41 =	vmul.f32 v8, v10;
	v8 =	vbroadcast v22, $0x8  }
0x94: {  	v42 =	vld [tilespmem:s8+$0x15150];
	[tilespmem:s1+$0x1A140] =	vst v19  }
0x95: {  	v44 =	vld [tilespmem:s31+$0x15150];
	[tilespmem:s16+$0x1A140] =	vst v43;
	v16 =	vmul.f32 v37, v8  }
0x96: {  	[tilespmem:s2+$0x1A140] =	vst v41;
	v48 =	vld [tilespmem:s18+$0x15150];
	v45 =	vmul.f32 v38, v15  }
0x97: {  	v46 =	vld [tilespmem:s17+$0x15150];
	v47 =	vmul.f32 v39, v12;
	[tilespmem:s15+$0x1A140] =	vst v16  }
0x98: {  	v49 =	vmul.f32 v40, v13;
	[tilespmem:s13+$0x1A150] =	vst v45;
	v50 =	vld [tilespmem:s29+$0x15150]  }
0x99: {  	v52 =	vmul.f32 v42, v14;
	v51 =	vld [tilespmem:s0+$0x15160];
	[tilespmem:s22+$0x1A150] =	vst v47  }
0x9a: {  	[tilespmem:s30+$0x1A150] =	vst v49;
	v54 =	vmul.f32 v44, v11;
	v53 =	vld [tilespmem:s3+$0x15160]  }
0x9b: {  	[tilespmem:s4+$0x1A150] =	vst v52;
	v55 =	vld [tilespmem:s7+$0x15160];
	v56 =	vmul.f32 v48, v9  }
0x9c: {  	v19 =	vld [tilespmem:s8+$0x15160];
	v18 =	vmul.f32 v46, v10;
	[tilespmem:s1+$0x1A150] =	vst v54  }
0x9d: {  	v57 =	vld [tilespmem:s31+$0x15160];
	[tilespmem:s16+$0x1A150] =	vst v56;
	v17 =	vmul.f32 v50, v8  }
0x9e: {  	[tilespmem:s2+$0x1A150] =	vst v18;
	v61 =	vld [tilespmem:s18+$0x15160];
	v58 =	vmul.f32 v51, v15  }
0x9f: {  	v59 =	vld [tilespmem:s17+$0x15160];
	v60 =	vmul.f32 v53, v12;
	[tilespmem:s15+$0x1A150] =	vst v17  }
0xa0: {  	v62 =	vmul.f32 v55, v13;
	[tilespmem:s13+$0x1A160] =	vst v58;
	v63 =	vld [tilespmem:s29+$0x15160]  }
0xa1: {  	v25 =	vmul.f32 v19, v14;
	v24 =	vld [tilespmem:s0+$0x15170];
	[tilespmem:s22+$0x1A160] =	vst v60  }
0xa2: {  	[tilespmem:s30+$0x1A160] =	vst v62;
	v27 =	vmul.f32 v57, v11;
	v26 =	vld [tilespmem:s3+$0x15170]  }
0xa3: {  	[tilespmem:s4+$0x1A160] =	vst v25;
	v28 =	vld [tilespmem:s7+$0x15170];
	v31 =	vmul.f32 v61, v9  }
0xa4: {  	v30 =	vld [tilespmem:s8+$0x15170];
	v29 =	vmul.f32 v59, v10;
	[tilespmem:s1+$0x1A160] =	vst v27  }
0xa5: {  	v32 =	vld [tilespmem:s31+$0x15170];
	[tilespmem:s16+$0x1A160] =	vst v31;
	v33 =	vmul.f32 v63, v8  }
0xa6: {  	[tilespmem:s2+$0x1A160] =	vst v29;
	v37 =	vld [tilespmem:s18+$0x15170];
	v34 =	vmul.f32 v24, v15  }
0xa7: {  	v35 =	vld [tilespmem:s17+$0x15170];
	v36 =	vmul.f32 v26, v12;
	[tilespmem:s15+$0x1A160] =	vst v33  }
0xa8: {  	v38 =	vmul.f32 v28, v13;
	[tilespmem:s13+$0x1A170] =	vst v34;
	v39 =	vld [tilespmem:s29+$0x15170]  }
0xa9: {  	v41 =	vmul.f32 v30, v14;
	v40 =	vld [tilespmem:s0+$0x15180];
	[tilespmem:s22+$0x1A170] =	vst v36  }
0xaa: {  	[tilespmem:s30+$0x1A170] =	vst v38;
	v43 =	vmul.f32 v32, v11;
	v42 =	vld [tilespmem:s3+$0x15180]  }
0xab: {  	[tilespmem:s4+$0x1A170] =	vst v41;
	v44 =	vld [tilespmem:s7+$0x15180];
	v47 =	vmul.f32 v37, v9  }
0xac: {  	v46 =	vld [tilespmem:s8+$0x15180];
	v45 =	vmul.f32 v35, v10;
	[tilespmem:s1+$0x1A170] =	vst v43  }
0xad: {  	v48 =	vld [tilespmem:s31+$0x15180];
	[tilespmem:s16+$0x1A170] =	vst v47;
	v49 =	vmul.f32 v39, v8  }
0xae: {  	[tilespmem:s2+$0x1A170] =	vst v45;
	v53 =	vld [tilespmem:s18+$0x15180];
	v50 =	vmul.f32 v40, v15  }
0xaf: {  	v51 =	vld [tilespmem:s17+$0x15180];
	v52 =	vmul.f32 v42, v12;
	[tilespmem:s15+$0x1A170] =	vst v49  }
0xb0: {  	v54 =	vmul.f32 v44, v13;
	[tilespmem:s13+$0x1A180] =	vst v50;
	v55 =	vld [tilespmem:s29+$0x15180]  }
0xb1: {  	v57 =	vmul.f32 v46, v14;
	v56 =	vld [tilespmem:s0+$0x15190];
	[tilespmem:s22+$0x1A180] =	vst v52  }
0xb2: {  	[tilespmem:s30+$0x1A180] =	vst v54;
	v59 =	vmul.f32 v48, v11;
	v58 =	vld [tilespmem:s3+$0x15190]  }
0xb3: {  	[tilespmem:s4+$0x1A180] =	vst v57;
	v60 =	vld [tilespmem:s7+$0x15190];
	v63 =	vmul.f32 v53, v9  }
0xb4: {  	v62 =	vld [tilespmem:s8+$0x15190];
	v61 =	vmul.f32 v51, v10;
	[tilespmem:s1+$0x1A180] =	vst v59  }
0xb5: {  	v24 =	vld [tilespmem:s31+$0x15190];
	[tilespmem:s16+$0x1A180] =	vst v63;
	v25 =	vmul.f32 v55, v8  }
0xb6: {  	[tilespmem:s2+$0x1A180] =	vst v61;
	v29 =	vld [tilespmem:s18+$0x15190];
	v26 =	vmul.f32 v56, v15  }
0xb7: {  	v27 =	vld [tilespmem:s17+$0x15190];
	v28 =	vmul.f32 v58, v12;
	[tilespmem:s15+$0x1A180] =	vst v25  }
0xb8: {  	v30 =	vmul.f32 v60, v13;
	[tilespmem:s13+$0x1A190] =	vst v26;
	v31 =	vld [tilespmem:s29+$0x15190]  }
0xb9: {  	v33 =	vmul.f32 v62, v14;
	v32 =	vld [tilespmem:s0+$0x151A0];
	[tilespmem:s22+$0x1A190] =	vst v28  }
0xba: {  	[tilespmem:s30+$0x1A190] =	vst v30;
	v35 =	vmul.f32 v24, v11;
	v34 =	vld [tilespmem:s3+$0x151A0]  }
0xbb: {  	[tilespmem:s4+$0x1A190] =	vst v33;
	v36 =	vld [tilespmem:s7+$0x151A0];
	v39 =	vmul.f32 v29, v9  }
0xbc: {  	v38 =	vld [tilespmem:s8+$0x151A0];
	v37 =	vmul.f32 v27, v10;
	[tilespmem:s1+$0x1A190] =	vst v35  }
0xbd: {  	v40 =	vld [tilespmem:s31+$0x151A0];
	[tilespmem:s16+$0x1A190] =	vst v39;
	v41 =	vmul.f32 v31, v8  }
0xbe: {  	[tilespmem:s2+$0x1A190] =	vst v37;
	v45 =	vld [tilespmem:s18+$0x151A0];
	v42 =	vmul.f32 v32, v15  }
0xbf: {  	v43 =	vld [tilespmem:s17+$0x151A0];
	v44 =	vmul.f32 v34, v12;
	[tilespmem:s15+$0x1A190] =	vst v41  }
0xc0: {  	v46 =	vmul.f32 v36, v13;
	[tilespmem:s13+$0x1A1A0] =	vst v42;
	v47 =	vld [tilespmem:s29+$0x151A0]  }
0xc1: {  	v49 =	vmul.f32 v38, v14;
	v48 =	vld [tilespmem:s0+$0x151B0];
	[tilespmem:s22+$0x1A1A0] =	vst v44  }
0xc2: {  	s26 =	sor.u32 $0x8, s10;
	[tilespmem:s30+$0x1A1A0] =	vst v46;
	v50 =	vld [tilespmem:s3+$0x151B0]  }
0xc3: {  	v51 =	vmul.f32 v40, v11;
	[tilespmem:s4+$0x1A1A0] =	vst v49;
	s0 =	sshll.u32 s26, $0x7;
	v52 =	vld [tilespmem:s7+$0x151B0]  }
0xc4: {  	v54 =	vld [tilespmem:s8+$0x151B0];
	v55 =	vmul.f32 v45, v9;
	s14 =	sand.u32 $0x3FFFFF80, s0  }
0xc5: {  	v53 =	vmul.f32 v43, v10;
	[tilespmem:s1+$0x1A1A0] =	vst v51;
	v25 =	vld [tilespmem:s14+$0x15140]  }
0xc6: {  	s5 =	sor.u32 $0x9, s10;
	s8 =	sor.u32 $0xA, s10;
	v56 =	vld [tilespmem:s31+$0x151B0];
	[tilespmem:s16+$0x1A1A0] =	vst v55;
	s31 =	smul.u32 $0x220, s26  }
0xc7: {  	s26 =	smul.u32 $0x220, s8;
	[tilespmem:s2+$0x1A1A0] =	vst v53;
	v17 =	vld [tilespmem:s18+$0x151B0];
	s18 =	sshll.u32 s5, $0x7  }
0xc8: {  	v57 =	vmul.f32 v47, v8;
	v58 =	vld [tilespmem:s17+$0x151B0];
	s17 =	sand.u32 $0x3FFFFF80, s18  }
0xc9: {  	s6 =	smul.u32 $0x220, s5;
	s3 =	sshll.u32 s8, $0x7;
	s0 =	sshra.s32 s26, $0x2;
	v27 =	vld [tilespmem:s17+$0x15140]  }
0xca: {  	s18 =	sand.u32 $0x3FFFFF80, s3;
	[tilespmem:s15+$0x1A1A0] =	vst v57;
	v28 =	vld [tilespmem:s0+$0x1A1B8]  }
0xcb: {  	v13 =	vmul.f32 v52, v13;
	v16 =	vld [tilespmem:s29+$0x151B0];
	s29 =	sshra.s32 s31, $0x2;
	s31 =	sshra.s32 s6, $0x2;
	s6 =	sor.u32 $0xB, s10  }
0xcc: {  	v59 =	vld [tilespmem:s18+$0x15140];
	s5 =	smul.u32 $0x220, s6;
	s26 =	sshll.u32 s6, $0x7  }
0xcd: {  	v62 =	vmul.f32 v54, v14;
	v24 =	vld [tilespmem:s29+$0x1A1B8];
	s6 =	sor.u32 $0xD, s10;
	[tilespmem:s30+$0x1A1B0] =	vst v13;
	s30 =	sor.u32 $0xF, s10;
	s7 =	sand.u32 $0x3FFFFF80, s26  }
0xce: {  	v12 =	vmul.f32 v50, v12;
	v26 =	vld [tilespmem:s31+$0x1A1B8];
	s26 =	smul.u32 $0x220, s6;
	s6 =	sshll.u32 s6, $0x7;
	s3 =	sshra.s32 s5, $0x2  }
0xcf: {  	[tilespmem:s4+$0x1A1B0] =	vst v62;
	s5 =	sor.u32 $0xC, s10;
	v61 =	vld [tilespmem:s7+$0x15140];
	v10 =	vmul.f32 v58, v10;
	s4 =	sand.u32 $0x3FFFFF80, s6;
	s6 =	smul.u32 $0x220, s30  }
0xd0: {  	v15 =	vmul.f32 v48, v15;
	[tilespmem:s22+$0x1A1B0] =	vst v12;
	s8 =	smul.u32 $0x220, s5;
	v60 =	vld [tilespmem:s3+$0x1A1B8]  }
0xd1: {  	s5 =	sshll.u32 s5, $0x7;
	s22 =	sshra.s32 s26, $0x2;
	v32 =	vld [tilespmem:s4+$0x15140];
	[tilespmem:s2+$0x1A1B0] =	vst v10;
	s2 =	sshra.s32 s6, $0x2  }
0xd2: {  	[tilespmem:s13+$0x1A1B0] =	vst v15;
	v30 =	vld [tilespmem:s22+$0x1A1B8];
	s13 =	sshra.s32 s8, $0x2;
	s8 =	sand.u32 $0x3FFFFF80, s5;
	s5 =	sor.u32 $0xE, s10  }
0xd3: {  	v11 =	vmul.f32 v56, v11;
	v31 =	vmul.f32 v17, v9;
	v36 =	vld [tilespmem:s2+$0x1A1B8];
	s26 =	smul.u32 $0x220, s5  }
0xd4: {  	v33 =	vmul.f32 v16, v8;
	v8 =	vbroadcast v26, $0x8;
	v63 =	vld [tilespmem:s13+$0x1A1B8]  }
0xd5: {  	[tilespmem:s1+$0x1A1B0] =	vst v11;
	v10 =	vbroadcast v28, $0x8;
	v29 =	vld [tilespmem:s8+$0x15140];
	s1 =	sshra.s32 s26, $0x2;
	s26 =	sshll.u32 s30, $0x7  }
0xd6: {  	[tilespmem:s16+$0x1A1B0] =	vst v31;
	s5 =	sshll.u32 s5, $0x7;
	v37 =	vmul.f32 v27, v8;
	v11 =	vbroadcast v60, $0x8;
	v34 =	vld [tilespmem:s1+$0x1A1B8];
	s30 =	sand.u32 $0x3FFFFF80, s26  }
0xd7: {  	v9 =	vbroadcast v24, $0x8;
	[tilespmem:s15+$0x1A1B0] =	vst v33;
	v39 =	vmul.f32 v59, v10;
	s6 =	sand.u32 $0x3FFFFF80, s5;
	v40 =	vld [tilespmem:s30+$0x15140]  }
0xd8: {  	v38 =	vld [tilespmem:s6+$0x15140];
	[tilespmem:s31+$0x1A140] =	vst v37;
	v13 =	vbroadcast v30, $0x8;
	v15 =	vmul.f32 v61, v11  }
0xd9: {  	v35 =	vmul.f32 v25, v9;
	[tilespmem:s0+$0x1A140] =	vst v39;
	v23 =	vld [tilespmem:s17+$0x15150];
	v12 =	vbroadcast v63, $0x8  }
0xda: {  	v43 =	vld [tilespmem:s18+$0x15150];
	v17 =	vmul.f32 v32, v13;
	[tilespmem:s3+$0x1A140] =	vst v15;
	v15 =	vbroadcast v36, $0x8  }
0xdb: {  	[tilespmem:s29+$0x1A140] =	vst v35;
	v42 =	vmul.f32 v29, v12;
	v44 =	vld [tilespmem:s7+$0x15150];
	v14 =	vbroadcast v34, $0x8  }
0xdc: {  	v41 =	vld [tilespmem:s14+$0x15150];
	[tilespmem:s22+$0x1A140] =	vst v17;
	v47 =	vmul.f32 v40, v15  }
0xdd: {  	v49 =	vld [tilespmem:s4+$0x15150];
	[tilespmem:s13+$0x1A140] =	vst v42;
	v45 =	vmul.f32 v38, v14  }
0xde: {  	v50 =	vmul.f32 v23, v8;
	v46 =	vld [tilespmem:s8+$0x15150];
	[tilespmem:s2+$0x1A140] =	vst v47  }
0xdf: {  	v16 =	vmul.f32 v43, v10;
	[tilespmem:s1+$0x1A140] =	vst v45;
	v17 =	vld [tilespmem:s30+$0x15150]  }
0xe0: {  	[tilespmem:s31+$0x1A150] =	vst v50;
	v52 =	vmul.f32 v44, v11;
	v51 =	vld [tilespmem:s6+$0x15150]  }
0xe1: {  	v48 =	vmul.f32 v41, v9;
	[tilespmem:s0+$0x1A150] =	vst v16;
	v53 =	vld [tilespmem:s17+$0x15160]  }
0xe2: {  	v55 =	vld [tilespmem:s18+$0x15160];
	v56 =	vmul.f32 v49, v13;
	[tilespmem:s3+$0x1A150] =	vst v52  }
0xe3: {  	[tilespmem:s29+$0x1A150] =	vst v48;
	v54 =	vmul.f32 v46, v12;
	v57 =	vld [tilespmem:s7+$0x15160]  }
0xe4: {  	v21 =	vld [tilespmem:s14+$0x15160];
	[tilespmem:s22+$0x1A150] =	vst v56;
	v17 =	vmul.f32 v17, v15  }
0xe5: {  	v61 =	vld [tilespmem:s4+$0x15160];
	[tilespmem:s13+$0x1A150] =	vst v54;
	v58 =	vmul.f32 v51, v14  }
0xe6: {  	v62 =	vmul.f32 v53, v8;
	v59 =	vld [tilespmem:s8+$0x15160];
	[tilespmem:s2+$0x1A150] =	vst v17  }
0xe7: {  	v24 =	vmul.f32 v55, v10;
	[tilespmem:s1+$0x1A150] =	vst v58;
	v25 =	vld [tilespmem:s30+$0x15160]  }
0xe8: {  	[tilespmem:s31+$0x1A160] =	vst v62;
	v27 =	vmul.f32 v57, v11;
	v63 =	vld [tilespmem:s6+$0x15160]  }
0xe9: {  	v60 =	vmul.f32 v21, v9;
	[tilespmem:s0+$0x1A160] =	vst v24;
	v28 =	vld [tilespmem:s17+$0x15170]  }
0xea: {  	v30 =	vld [tilespmem:s18+$0x15170];
	v31 =	vmul.f32 v61, v13;
	[tilespmem:s3+$0x1A160] =	vst v27  }
0xeb: {  	[tilespmem:s29+$0x1A160] =	vst v60;
	v29 =	vmul.f32 v59, v12;
	v32 =	vld [tilespmem:s7+$0x15170]  }
0xec: {  	v26 =	vld [tilespmem:s14+$0x15170];
	[tilespmem:s22+$0x1A160] =	vst v31;
	v35 =	vmul.f32 v25, v15  }
0xed: {  	v37 =	vld [tilespmem:s4+$0x15170];
	[tilespmem:s13+$0x1A160] =	vst v29;
	v33 =	vmul.f32 v63, v14  }
0xee: {  	v38 =	vmul.f32 v28, v8;
	v34 =	vld [tilespmem:s8+$0x15170];
	[tilespmem:s2+$0x1A160] =	vst v35  }
0xef: {  	v40 =	vmul.f32 v30, v10;
	[tilespmem:s1+$0x1A160] =	vst v33;
	v41 =	vld [tilespmem:s30+$0x15170]  }
0xf0: {  	[tilespmem:s31+$0x1A170] =	vst v38;
	v43 =	vmul.f32 v32, v11;
	v39 =	vld [tilespmem:s6+$0x15170]  }
0xf1: {  	v36 =	vmul.f32 v26, v9;
	[tilespmem:s0+$0x1A170] =	vst v40;
	v44 =	vld [tilespmem:s17+$0x15180]  }
0xf2: {  	v46 =	vld [tilespmem:s18+$0x15180];
	v47 =	vmul.f32 v37, v13;
	[tilespmem:s3+$0x1A170] =	vst v43  }
0xf3: {  	[tilespmem:s29+$0x1A170] =	vst v36;
	v45 =	vmul.f32 v34, v12;
	v48 =	vld [tilespmem:s7+$0x15180]  }
0xf4: {  	v42 =	vld [tilespmem:s14+$0x15180];
	[tilespmem:s22+$0x1A170] =	vst v47;
	v51 =	vmul.f32 v41, v15  }
0xf5: {  	v53 =	vld [tilespmem:s4+$0x15180];
	[tilespmem:s13+$0x1A170] =	vst v45;
	v49 =	vmul.f32 v39, v14  }
0xf6: {  	v54 =	vmul.f32 v44, v8;
	v50 =	vld [tilespmem:s8+$0x15180];
	[tilespmem:s2+$0x1A170] =	vst v51  }
0xf7: {  	v56 =	vmul.f32 v46, v10;
	[tilespmem:s1+$0x1A170] =	vst v49;
	v57 =	vld [tilespmem:s30+$0x15180]  }
0xf8: {  	[tilespmem:s31+$0x1A180] =	vst v54;
	v59 =	vmul.f32 v48, v11;
	v55 =	vld [tilespmem:s6+$0x15180]  }
0xf9: {  	v52 =	vmul.f32 v42, v9;
	[tilespmem:s0+$0x1A180] =	vst v56;
	v60 =	vld [tilespmem:s17+$0x15190]  }
0xfa: {  	v62 =	vld [tilespmem:s18+$0x15190];
	v63 =	vmul.f32 v53, v13;
	[tilespmem:s3+$0x1A180] =	vst v59  }
0xfb: {  	[tilespmem:s29+$0x1A180] =	vst v52;
	v61 =	vmul.f32 v50, v12;
	v24 =	vld [tilespmem:s7+$0x15190]  }
0xfc: {  	v58 =	vld [tilespmem:s14+$0x15190];
	[tilespmem:s22+$0x1A180] =	vst v63;
	v27 =	vmul.f32 v57, v15  }
0xfd: {  	v29 =	vld [tilespmem:s4+$0x15190];
	[tilespmem:s13+$0x1A180] =	vst v61;
	v25 =	vmul.f32 v55, v14  }
0xfe: {  	v30 =	vmul.f32 v60, v8;
	v26 =	vld [tilespmem:s8+$0x15190];
	[tilespmem:s2+$0x1A180] =	vst v27  }
0xff: {  	v32 =	vmul.f32 v62, v10;
	[tilespmem:s1+$0x1A180] =	vst v25;
	v33 =	vld [tilespmem:s30+$0x15190]  }
0x100: {  	[tilespmem:s31+$0x1A190] =	vst v30;
	v35 =	vmul.f32 v24, v11;
	v31 =	vld [tilespmem:s6+$0x15190]  }
0x101: {  	v28 =	vmul.f32 v58, v9;
	[tilespmem:s0+$0x1A190] =	vst v32;
	v36 =	vld [tilespmem:s17+$0x151A0]  }
0x102: {  	v38 =	vld [tilespmem:s18+$0x151A0];
	v39 =	vmul.f32 v29, v13;
	[tilespmem:s3+$0x1A190] =	vst v35  }
0x103: {  	[tilespmem:s29+$0x1A190] =	vst v28;
	v37 =	vmul.f32 v26, v12;
	v40 =	vld [tilespmem:s7+$0x151A0]  }
0x104: {  	v34 =	vld [tilespmem:s14+$0x151A0];
	[tilespmem:s22+$0x1A190] =	vst v39;
	v43 =	vmul.f32 v33, v15  }
0x105: {  	v45 =	vld [tilespmem:s4+$0x151A0];
	[tilespmem:s13+$0x1A190] =	vst v37;
	v41 =	vmul.f32 v31, v14  }
0x106: {  	v46 =	vmul.f32 v36, v8;
	v42 =	vld [tilespmem:s8+$0x151A0];
	[tilespmem:s2+$0x1A190] =	vst v43  }
0x107: {  	v48 =	vmul.f32 v38, v10;
	[tilespmem:s1+$0x1A190] =	vst v41;
	v49 =	vld [tilespmem:s30+$0x151A0]  }
0x108: {  	[tilespmem:s31+$0x1A1A0] =	vst v46;
	v51 =	vmul.f32 v40, v11;
	v47 =	vld [tilespmem:s6+$0x151A0]  }
0x109: {  	v44 =	vmul.f32 v34, v9;
	[tilespmem:s0+$0x1A1A0] =	vst v48;
	v52 =	vld [tilespmem:s17+$0x151B0]  }
0x10a: {  	v54 =	vld [tilespmem:s18+$0x151B0];
	v55 =	vmul.f32 v45, v13;
	[tilespmem:s3+$0x1A1A0] =	vst v51  }
0x10b: {  	[tilespmem:s29+$0x1A1A0] =	vst v44;
	v53 =	vmul.f32 v42, v12;
	v56 =	vld [tilespmem:s7+$0x151B0]  }
0x10c: {  	v50 =	vld [tilespmem:s14+$0x151B0];
	[tilespmem:s22+$0x1A1A0] =	vst v55;
	v59 =	vmul.f32 v49, v15  }
0x10d: {  	v60 =	vld [tilespmem:s4+$0x151B0];
	[tilespmem:s13+$0x1A1A0] =	vst v53;
	v57 =	vmul.f32 v47, v14  }
0x10e: {  	v8 =	vmul.f32 v52, v8;
	v58 =	vld [tilespmem:s8+$0x151B0];
	[tilespmem:s2+$0x1A1A0] =	vst v59  }
0x10f: {  	v10 =	vmul.f32 v54, v10;
	[tilespmem:s1+$0x1A1A0] =	vst v57;
	v61 =	vld [tilespmem:s30+$0x151B0]  }
0x110: {  	[tilespmem:s31+$0x1A1B0] =	vst v8;
	v8 =	vmul.f32 v56, v11;
	v17 =	vld [tilespmem:s6+$0x151B0]  }
0x111: {  	v9 =	vmul.f32 v50, v9;
	[tilespmem:s0+$0x1A1B0] =	vst v10  }
0x112: {  	p1 =	slt.u32 s10, $0x30;
	[tilespmem:s3+$0x1A1B0] =	vst v8;
	v8 =	vmul.f32 v60, v13  }
.Ltmp0:
0x113: {  	[tilespmem:s29+$0x1A1B0] =	vst v9;
	v62 =	vmul.f32 v58, v12;
	(pc) =	sbr.rel @p1 .LBB2_3-.Ltmp0, $4  }
0x114: {  	[tilespmem:s22+$0x1A1B0] =	vst v8;
	v8 =	vmul.f32 v61, v15  }
0x115: {  	[tilespmem:s13+$0x1A1B0] =	vst v62;
	v63 =	vmul.f32 v17, v14  }
0x116: {  	s31 =	sadd.s32 $0x10, s10;
	[tilespmem:s2+$0x1A1B0] =	vst v8  }
0x117: {  	s10 =	smov.u32 s31;
	[tilespmem:s1+$0x1A1B0] =	vst v63  }
0x118: {  	s0 =	rddreg [dreg:$0x2];
	s1 =	simm.s32 $0x150C0  }
0x119: {  	[spmem:s0] =	stream.indirect.scatter.add.f32 [tilespmem:s12], [sflag:$0x9], $0x88, s1, s24, $0xb8;
	[tilespmem:$0x1E540] =	vst v63  }
0x11a: {  	_ =	swait.ge [sflag:s20], $0x2200  }
0x11b: {  	[sflag:s20] =	ssyncset.done $0x0  }
0x11c: {  	s26 =	simm.s32 $0x6;
	[sflag:s20] =	ssyncadd.s32 $0xFFFFDE00  }
0x11d: {  	_ =	swait.ge [sflag:s26], $0x400  }
0x11e: {  	[sflag:s26] =	ssyncset.done $0x0  }
0x11f: {  	s29 =	simm.s32 $0x8;
	[sflag:s26] =	ssyncadd.s32 $0xFFFFFC00  }
0x120: {  	_ =	swait.ge [sflag:s29], $0x400  }
0x121: {  	[sflag:s29] =	ssyncset.done $0x0  }
0x122: {  	s30 =	simm.s32 $0x4;
	[sflag:s29] =	ssyncadd.s32 $0xFFFFFC00  }
0x123: {  	_ =	swait.ge [sflag:s30], $0x2000  }
0x124: {  	[sflag:s30] =	ssyncset.done $0x0  }
0x125: {  	[sflag:s30] =	ssyncadd.s32 $0xFFFFE000  }
0x126: {  	v8 =	vld [tilespmem:$0x15080]  }
0x127: {  	v9 =	vld [tilespmem:$0x15090]  }
0x128: {  	v10 =	vld [tilespmem:$0x150A0]  }
0x129: {  	v11 =	vld [tilespmem:$0x150B0];
	_ =	sdelay $0x1  }
0x12a: {  	[tilespmem:$0x15100] =	vst v8  }
0x12b: {  	[tilespmem:$0x15110] =	vst v9  }
0x12c: {  	[tilespmem:$0x15120] =	vst v10  }
0x12d: {  	s0 =	simm.s32 @!p0 $0x1;
	[tilespmem:$0x15130] =	vst v11  }
0x12e: {  	_ =	swait.ge @!p0 [sflag:s0], $0x40  }
0x12f: {  	[sflag:s0] =	ssyncset.done @!p0 $0x0  }
0x130: {  	[sflag:s0] =	ssyncadd.s32 @!p0 $0xFFFFFFC0  }
0x131: {  	_ =	swait.ge @!p0 [sflag:s0], $0x40  }
0x132: {  	s2 =	simm.s32 @!p0 $0x15140;
	[sflag:s0] =	ssyncset.done @!p0 $0x0  }
0x133: {  	s1 =	simm.s32 @!p0 $0x14FC0;
	[sflag:s0] =	ssyncadd.s32 @!p0 $0xFFFFFFC0;
	s0 =	simm.s32 @!p0 $0x40  }
0x134: {  	[tilespmem:s2], [sflag:$0x3] =	stream.indirect.gather @!p0 [hbm4b:s28+s0], $0x80, s1, s0, $0xb8;
	[tilespmem:$0x1E540] =	vst v63  }
0x135: {  	s3 =	rddreg [dreg:$0x4];
	s2 =	simm.s32 @!p0 $0x19140  }
0x136: {  	[tilespmem:s2], [sflag:$0x5] =	stream.indirect.gather @!p0 [hbm4b:s3+s0], $0x10, s1, s0, $0xb8;
	[tilespmem:$0x1E540] =	vst v63  }
0x137: {  	s1 =	simm.s32 @!p0 $0x15040;
	s2 =	simm.s32 @!p0 $0x19940;
	s3 =	rddreg [dreg:$0x5]  }
0x138: {  	[tilespmem:s2], [sflag:$0x7] =	stream.indirect.gather @!p0 [hbm4b:s3+s0], $0x10, s1, s0, $0xb8;
	[tilespmem:$0x1E540] =	vst v63  }
0x139: {  	s0 =	rddreg [dreg:$0xf]  }
0x13a: {  	s0 =	sadd.s32 @!p0 s23, s0  }
0x13b: {  	s1 =	rddreg [dreg:$0x6];
	s0 =	sshrl.u32 @!p0 s0, $0x3  }
0x13c: {  	s2 =	simm.s32 @!p0 $0x0;
	s3 =	simm.s32 @!p0 $0x15000;
	s1 =	sadd.s32 @!p0 s1, s0  }
0x13d: {  	[tilespmem:s3], [sflag:$0x2] =	stream.linear.gather @!p0 [hbm4b:s1+s2], $0x40, $0x38;
	[tilespmem:$0x1E540] =	vst v63  }
0x13e: {  	s1 =	rddreg [dreg:$0x7]  }
0x13f: {  	s0 =	sadd.s32 @!p0 s1, s0;
	s1 =	simm.s32 @!p0 $0x15080  }
0x140: {  	[tilespmem:s1], [sflag:$0x2] =	stream.linear.gather @!p0 [hbm4b:s0+s2], $0x40, $0x38;
	[tilespmem:$0x1E540] =	vst v63  }
0x141: {  	v8 =	vld.idx.msk [tilespmem:v0+s9+$0x0], $0xffff  }
0x142: {  	v60 =	vld.idx.msk [tilespmem:v0+s11+$0x0], $0xffff;
	_ =	sdelay $0x4  }
0x143: {  	v8 =	vadd.f32 v60, v8;
	_ =	sdelay $0x1  }
0x144: {  	v9 =	vmul.f32 $2.000000030e-01, v8  }
0x145: {  	vm0 =	vgt.f32 v8, $0.0e+00  }
0x146: {  	v8 =	vsel vm0, v8, v9  }
0x147: {  	v8 =	vmul.f32 $1.442695020e+00, v8;
	_ =	sdelay $0x1  }
0x148: {  	(erf) = vpow2.f32 v8;
	_ =	sdelay $0x8  }
0x149: {  	v8 =	vpop (erf)  }
0x14a: {  	[tilespmem:v1+s21+$0x0] =	vst.idx.msk $0xffff, v8  }
0x14b: {  	v8 =	vld.idx.msk [tilespmem:v2+s9+$0x0], $0xffff  }
0x14c: {  	v61 =	vld.idx.msk [tilespmem:v2+s11+$0x0], $0xffff;
	_ =	sdelay $0x4  }
0x14d: {  	v8 =	vadd.f32 v61, v8;
	_ =	sdelay $0x1  }
0x14e: {  	v9 =	vmul.f32 $2.000000030e-01, v8  }
0x14f: {  	vm13 =	vgt.f32 v8, $0.0e+00  }
0x150: {  	v8 =	vsel vm13, v8, v9  }
0x151: {  	v8 =	vmul.f32 $1.442695020e+00, v8;
	_ =	sdelay $0x1  }
0x152: {  	(erf) = vpow2.f32 v8;
	_ =	sdelay $0x8  }
0x153: {  	v8 =	vpop (erf)  }
0x154: {  	[tilespmem:v3+s21+$0x0] =	vst.idx.msk $0xffff, v8  }
0x155: {  	v8 =	vld.idx.msk [tilespmem:v4+s9+$0x0], $0xffff  }
0x156: {  	v62 =	vld.idx.msk [tilespmem:v4+s11+$0x0], $0xffff;
	_ =	sdelay $0x4  }
0x157: {  	v8 =	vadd.f32 v62, v8;
	_ =	sdelay $0x1  }
0x158: {  	v9 =	vmul.f32 $2.000000030e-01, v8  }
0x159: {  	vm14 =	vgt.f32 v8, $0.0e+00  }
0x15a: {  	v8 =	vsel vm14, v8, v9  }
0x15b: {  	v8 =	vmul.f32 $1.442695020e+00, v8;
	_ =	sdelay $0x1  }
0x15c: {  	(erf) = vpow2.f32 v8;
	_ =	sdelay $0x8  }
0x15d: {  	v8 =	vpop (erf)  }
0x15e: {  	[tilespmem:v5+s21+$0x0] =	vst.idx.msk $0xffff, v8  }
0x15f: {  	v8 =	vld.idx.msk [tilespmem:v6+s9+$0x0], $0xffff  }
0x160: {  	v63 =	vld.idx.msk [tilespmem:v6+s11+$0x0], $0xffff;
	_ =	sdelay $0x4  }
0x161: {  	v8 =	vadd.f32 v63, v8;
	_ =	sdelay $0x1  }
0x162: {  	v9 =	vmul.f32 $2.000000030e-01, v8  }
0x163: {  	vm15 =	vgt.f32 v8, $0.0e+00  }
0x164: {  	v8 =	vsel vm15, v8, v9  }
0x165: {  	v8 =	vmul.f32 $1.442695020e+00, v8;
	_ =	sdelay $0x1  }
0x166: {  	(erf) = vpow2.f32 v8;
	_ =	sdelay $0x8  }
0x167: {  	v8 =	vpop (erf)  }
0x168: {  	s31 =	smov.u32 s28;
	s10 =	simm.s32 $0x0;
	[tilespmem:v7+s21+$0x0] =	vst.idx.msk $0xffff, v8  }
.LBB2_5:
0x169: {  	s0 =	smul.u32 $0x220, s10  }
0x16a: {  	s1 =	sor.u32 $0x1, s10;
	s14 =	sshll.u32 s10, $0x7  }
0x16b: {  	s15 =	sor.u32 $0x2, s10;
	s5 =	sor.u32 $0x3, s10;
	s13 =	sshra.s32 s0, $0x2  }
0x16c: {  	s2 =	smul.u32 $0x220, s1;
	s1 =	sshll.u32 s1, $0x7;
	s0 =	sand.u32 $0x3FFFFF80, s14;
	v8 =	vld [tilespmem:s13+$0x1C3B8]  }
0x16d: {  	s28 =	sor.u32 $0x6, s10;
	s18 =	sshll.u32 s5, $0x7;
	s3 =	sand.u32 $0x3FFFFF80, s1;
	v9 =	vld [tilespmem:s0+$0x17140]  }
0x16e: {  	s16 =	smul.u32 $0x220, s5;
	s5 =	sshll.u32 s28, $0x7;
	s8 =	sand.u32 $0x3FFFFF80, s18;
	v11 =	vld [tilespmem:s3+$0x17140]  }
0x16f: {  	s4 =	smul.u32 $0x220, s15;
	s18 =	sand.u32 $0x3FFFFF80, s5;
	v17 =	vld [tilespmem:s8+$0x17140]  }
0x170: {  	s17 =	sor.u32 $0x4, s10;
	s22 =	sshra.s32 s2, $0x2;
	v23 =	vld [tilespmem:s18+$0x17140]  }
0x171: {  	s26 =	smul.u32 $0x220, s17;
	s23 =	sshra.s32 s4, $0x2;
	v10 =	vld [tilespmem:s22+$0x1C3B8]  }
0x172: {  	s29 =	smul.u32 $0x220, s28;
	s4 =	sshra.s32 s16, $0x2;
	v13 =	vld [tilespmem:s23+$0x1C3B8]  }
0x173: {  	s6 =	sor.u32 $0x5, s10;
	s1 =	sshra.s32 s26, $0x2;
	v14 =	vld [tilespmem:s4+$0x1C3B8]  }
0x174: {  	s2 =	sshll.u32 s15, $0x7;
	s15 =	smul.u32 $0x220, s6;
	s16 =	sshra.s32 s29, $0x2;
	v18 =	vld [tilespmem:s1+$0x1C3B8]  }
0x175: {  	s26 =	sor.u32 $0x7, s10;
	s7 =	sand.u32 $0x3FFFFF80, s2;
	s2 =	sshll.u32 s17, $0x7;
	v21 =	vld [tilespmem:s16+$0x1C3B8]  }
0x176: {  	s30 =	smul.u32 $0x220, s26;
	v16 =	vld [tilespmem:s7+$0x17140];
	s14 =	sand.u32 $0x3FFFFF80, s2  }
0x177: {  	s2 =	sshra.s32 s15, $0x2;
	v19 =	vld [tilespmem:s14+$0x17140]  }
0x178: {  	s6 =	sshll.u32 s6, $0x7;
	v20 =	vld [tilespmem:s2+$0x1C3B8];
	s15 =	sshra.s32 s30, $0x2;
	v15 =	vbroadcast v8, $0x8  }
0x179: {  	s17 =	sand.u32 $0x3FFFFF80, s6;
	v22 =	vld [tilespmem:s15+$0x1C3B8];
	v12 =	vbroadcast v10, $0x8;
	v13 =	vbroadcast v13, $0x8  }
0x17a: {  	s6 =	sshll.u32 s26, $0x7;
	v8 =	vld [tilespmem:s17+$0x17140];
	v14 =	vbroadcast v14, $0x8;
	v9 =	vmul.f32 v9, v15  }
0x17b: {  	s29 =	sand.u32 $0x3FFFFF80, s6;
	v10 =	vmul.f32 v11, v12;
	v36 =	vmul.f32 v16, v13  }
0x17c: {  	v37 =	vld [tilespmem:s29+$0x17140];
	v11 =	vbroadcast v18, $0x8;
	[tilespmem:s13+$0x1C340] =	vst v9;
	v9 =	vbroadcast v21, $0x8  }
0x17d: {  	v17 =	vmul.f32 v17, v14;
	v38 =	vld [tilespmem:s0+$0x17150];
	[tilespmem:s22+$0x1C340] =	vst v10;
	v10 =	vbroadcast v20, $0x8  }
0x17e: {  	[tilespmem:s23+$0x1C340] =	vst v36;
	v19 =	vmul.f32 v19, v11;
	v39 =	vld [tilespmem:s3+$0x17150];
	v43 =	vmul.f32 v23, v9  }
0x17f: {  	[tilespmem:s4+$0x1C340] =	vst v17;
	v40 =	vld [tilespmem:s7+$0x17150];
	v41 =	vmul.f32 v8, v10;
	v8 =	vbroadcast v22, $0x8  }
0x180: {  	v42 =	vld [tilespmem:s8+$0x17150];
	[tilespmem:s1+$0x1C340] =	vst v19  }
0x181: {  	v44 =	vld [tilespmem:s14+$0x17150];
	[tilespmem:s16+$0x1C340] =	vst v43;
	v16 =	vmul.f32 v37, v8  }
0x182: {  	[tilespmem:s2+$0x1C340] =	vst v41;
	v48 =	vld [tilespmem:s18+$0x17150];
	v45 =	vmul.f32 v38, v15  }
0x183: {  	v46 =	vld [tilespmem:s17+$0x17150];
	v47 =	vmul.f32 v39, v12;
	[tilespmem:s15+$0x1C340] =	vst v16  }
0x184: {  	v49 =	vmul.f32 v40, v13;
	[tilespmem:s13+$0x1C350] =	vst v45;
	v50 =	vld [tilespmem:s29+$0x17150]  }
0x185: {  	v52 =	vmul.f32 v42, v14;
	v51 =	vld [tilespmem:s0+$0x17160];
	[tilespmem:s22+$0x1C350] =	vst v47  }
0x186: {  	[tilespmem:s23+$0x1C350] =	vst v49;
	v54 =	vmul.f32 v44, v11;
	v53 =	vld [tilespmem:s3+$0x17160]  }
0x187: {  	[tilespmem:s4+$0x1C350] =	vst v52;
	v55 =	vld [tilespmem:s7+$0x17160];
	v56 =	vmul.f32 v48, v9  }
0x188: {  	v19 =	vld [tilespmem:s8+$0x17160];
	v18 =	vmul.f32 v46, v10;
	[tilespmem:s1+$0x1C350] =	vst v54  }
0x189: {  	v57 =	vld [tilespmem:s14+$0x17160];
	[tilespmem:s16+$0x1C350] =	vst v56;
	v17 =	vmul.f32 v50, v8  }
0x18a: {  	[tilespmem:s2+$0x1C350] =	vst v18;
	v61 =	vld [tilespmem:s18+$0x17160];
	v58 =	vmul.f32 v51, v15  }
0x18b: {  	v59 =	vld [tilespmem:s17+$0x17160];
	v60 =	vmul.f32 v53, v12;
	[tilespmem:s15+$0x1C350] =	vst v17  }
0x18c: {  	v62 =	vmul.f32 v55, v13;
	[tilespmem:s13+$0x1C360] =	vst v58;
	v63 =	vld [tilespmem:s29+$0x17160]  }
0x18d: {  	v25 =	vmul.f32 v19, v14;
	v24 =	vld [tilespmem:s0+$0x17170];
	[tilespmem:s22+$0x1C360] =	vst v60  }
0x18e: {  	[tilespmem:s23+$0x1C360] =	vst v62;
	v27 =	vmul.f32 v57, v11;
	v26 =	vld [tilespmem:s3+$0x17170]  }
0x18f: {  	[tilespmem:s4+$0x1C360] =	vst v25;
	v28 =	vld [tilespmem:s7+$0x17170];
	v31 =	vmul.f32 v61, v9  }
0x190: {  	v30 =	vld [tilespmem:s8+$0x17170];
	v29 =	vmul.f32 v59, v10;
	[tilespmem:s1+$0x1C360] =	vst v27  }
0x191: {  	v32 =	vld [tilespmem:s14+$0x17170];
	[tilespmem:s16+$0x1C360] =	vst v31;
	v33 =	vmul.f32 v63, v8  }
0x192: {  	[tilespmem:s2+$0x1C360] =	vst v29;
	v37 =	vld [tilespmem:s18+$0x17170];
	v34 =	vmul.f32 v24, v15  }
0x193: {  	v35 =	vld [tilespmem:s17+$0x17170];
	v36 =	vmul.f32 v26, v12;
	[tilespmem:s15+$0x1C360] =	vst v33  }
0x194: {  	v38 =	vmul.f32 v28, v13;
	[tilespmem:s13+$0x1C370] =	vst v34;
	v39 =	vld [tilespmem:s29+$0x17170]  }
0x195: {  	v41 =	vmul.f32 v30, v14;
	v40 =	vld [tilespmem:s0+$0x17180];
	[tilespmem:s22+$0x1C370] =	vst v36  }
0x196: {  	[tilespmem:s23+$0x1C370] =	vst v38;
	v43 =	vmul.f32 v32, v11;
	v42 =	vld [tilespmem:s3+$0x17180]  }
0x197: {  	[tilespmem:s4+$0x1C370] =	vst v41;
	v44 =	vld [tilespmem:s7+$0x17180];
	v47 =	vmul.f32 v37, v9  }
0x198: {  	v46 =	vld [tilespmem:s8+$0x17180];
	v45 =	vmul.f32 v35, v10;
	[tilespmem:s1+$0x1C370] =	vst v43  }
0x199: {  	v48 =	vld [tilespmem:s14+$0x17180];
	[tilespmem:s16+$0x1C370] =	vst v47;
	v49 =	vmul.f32 v39, v8  }
0x19a: {  	[tilespmem:s2+$0x1C370] =	vst v45;
	v53 =	vld [tilespmem:s18+$0x17180];
	v50 =	vmul.f32 v40, v15  }
0x19b: {  	v51 =	vld [tilespmem:s17+$0x17180];
	v52 =	vmul.f32 v42, v12;
	[tilespmem:s15+$0x1C370] =	vst v49  }
0x19c: {  	v54 =	vmul.f32 v44, v13;
	[tilespmem:s13+$0x1C380] =	vst v50;
	v55 =	vld [tilespmem:s29+$0x17180]  }
0x19d: {  	v57 =	vmul.f32 v46, v14;
	v56 =	vld [tilespmem:s0+$0x17190];
	[tilespmem:s22+$0x1C380] =	vst v52  }
0x19e: {  	[tilespmem:s23+$0x1C380] =	vst v54;
	v59 =	vmul.f32 v48, v11;
	v58 =	vld [tilespmem:s3+$0x17190]  }
0x19f: {  	[tilespmem:s4+$0x1C380] =	vst v57;
	v60 =	vld [tilespmem:s7+$0x17190];
	v63 =	vmul.f32 v53, v9  }
0x1a0: {  	v62 =	vld [tilespmem:s8+$0x17190];
	v61 =	vmul.f32 v51, v10;
	[tilespmem:s1+$0x1C380] =	vst v59  }
0x1a1: {  	v24 =	vld [tilespmem:s14+$0x17190];
	[tilespmem:s16+$0x1C380] =	vst v63;
	v25 =	vmul.f32 v55, v8  }
0x1a2: {  	[tilespmem:s2+$0x1C380] =	vst v61;
	v29 =	vld [tilespmem:s18+$0x17190];
	v26 =	vmul.f32 v56, v15  }
0x1a3: {  	v27 =	vld [tilespmem:s17+$0x17190];
	v28 =	vmul.f32 v58, v12;
	[tilespmem:s15+$0x1C380] =	vst v25  }
0x1a4: {  	v30 =	vmul.f32 v60, v13;
	[tilespmem:s13+$0x1C390] =	vst v26;
	v31 =	vld [tilespmem:s29+$0x17190]  }
0x1a5: {  	v33 =	vmul.f32 v62, v14;
	v32 =	vld [tilespmem:s0+$0x171A0];
	[tilespmem:s22+$0x1C390] =	vst v28  }
0x1a6: {  	[tilespmem:s23+$0x1C390] =	vst v30;
	v35 =	vmul.f32 v24, v11;
	v34 =	vld [tilespmem:s3+$0x171A0]  }
0x1a7: {  	[tilespmem:s4+$0x1C390] =	vst v33;
	v36 =	vld [tilespmem:s7+$0x171A0];
	v39 =	vmul.f32 v29, v9  }
0x1a8: {  	v38 =	vld [tilespmem:s8+$0x171A0];
	v37 =	vmul.f32 v27, v10;
	[tilespmem:s1+$0x1C390] =	vst v35  }
0x1a9: {  	v40 =	vld [tilespmem:s14+$0x171A0];
	[tilespmem:s16+$0x1C390] =	vst v39;
	v41 =	vmul.f32 v31, v8  }
0x1aa: {  	[tilespmem:s2+$0x1C390] =	vst v37;
	v45 =	vld [tilespmem:s18+$0x171A0];
	v42 =	vmul.f32 v32, v15  }
0x1ab: {  	v43 =	vld [tilespmem:s17+$0x171A0];
	v44 =	vmul.f32 v34, v12;
	[tilespmem:s15+$0x1C390] =	vst v41  }
0x1ac: {  	v46 =	vmul.f32 v36, v13;
	[tilespmem:s13+$0x1C3A0] =	vst v42;
	v47 =	vld [tilespmem:s29+$0x171A0]  }
0x1ad: {  	v49 =	vmul.f32 v38, v14;
	v48 =	vld [tilespmem:s0+$0x171B0];
	[tilespmem:s22+$0x1C3A0] =	vst v44  }
0x1ae: {  	[tilespmem:s23+$0x1C3A0] =	vst v46;
	v51 =	vmul.f32 v40, v11;
	v50 =	vld [tilespmem:s3+$0x171B0]  }
0x1af: {  	[tilespmem:s4+$0x1C3A0] =	vst v49;
	v52 =	vld [tilespmem:s7+$0x171B0];
	v55 =	vmul.f32 v45, v9  }
0x1b0: {  	v54 =	vld [tilespmem:s8+$0x171B0];
	v53 =	vmul.f32 v43, v10;
	[tilespmem:s1+$0x1C3A0] =	vst v51  }
0x1b1: {  	s28 =	sor.u32 $0xA, s10;
	v56 =	vld [tilespmem:s14+$0x171B0];
	[tilespmem:s16+$0x1C3A0] =	vst v55  }
0x1b2: {  	s8 =	sor.u32 $0x8, s10;
	s3 =	sshll.u32 s28, $0x7;
	[tilespmem:s2+$0x1C3A0] =	vst v53;
	v57 =	vmul.f32 v47, v8;
	v17 =	vld [tilespmem:s18+$0x171B0]  }
0x1b3: {  	s14 =	smul.u32 $0x220, s8;
	s18 =	sand.u32 $0x3FFFFF80, s3;
	v58 =	vld [tilespmem:s17+$0x171B0]  }
0x1b4: {  	s7 =	smul.u32 $0x220, s28;
	v59 =	vld [tilespmem:s18+$0x17140];
	[tilespmem:s15+$0x1C3A0] =	vst v57  }
0x1b5: {  	s0 =	sshll.u32 s8, $0x7;
	s17 =	sor.u32 $0x9, s10;
	v16 =	vld [tilespmem:s29+$0x171B0];
	s29 =	sshra.s32 s14, $0x2  }
0x1b6: {  	s26 =	smul.u32 $0x220, s17;
	s6 =	sshll.u32 s17, $0x7;
	s14 =	sand.u32 $0x3FFFFF80, s0;
	v24 =	vld [tilespmem:s29+$0x1C3B8]  }
0x1b7: {  	s5 =	sor.u32 $0xC, s10;
	s8 =	sor.u32 $0xB, s10;
	s17 =	sand.u32 $0x3FFFFF80, s6;
	v25 =	vld [tilespmem:s14+$0x17140]  }
0x1b8: {  	s0 =	sshra.s32 s7, $0x2;
	s30 =	sshra.s32 s26, $0x2;
	s26 =	smul.u32 $0x220, s8;
	v27 =	vld [tilespmem:s17+$0x17140]  }
0x1b9: {  	v15 =	vmul.f32 v48, v15;
	s6 =	sshll.u32 s8, $0x7;
	v28 =	vld [tilespmem:s0+$0x1C3B8];
	s8 =	smul.u32 $0x220, s5  }
0x1ba: {  	v12 =	vmul.f32 v50, v12;
	s7 =	sand.u32 $0x3FFFFF80, s6;
	s5 =	sshll.u32 s5, $0x7;
	v26 =	vld [tilespmem:s30+$0x1C3B8]  }
0x1bb: {  	v13 =	vmul.f32 v52, v13;
	[tilespmem:s13+$0x1C3B0] =	vst v15;
	v61 =	vld [tilespmem:s7+$0x17140];
	s3 =	sshra.s32 s26, $0x2;
	s26 =	sor.u32 $0xD, s10;
	s13 =	sshra.s32 s8, $0x2  }
0x1bc: {  	v62 =	vmul.f32 v54, v14;
	[tilespmem:s22+$0x1C3B0] =	vst v12;
	s8 =	sand.u32 $0x3FFFFF80, s5;
	s5 =	sor.u32 $0xE, s10;
	v60 =	vld [tilespmem:s3+$0x1C3B8];
	s28 =	smul.u32 $0x220, s26  }
0x1bd: {  	[tilespmem:s23+$0x1C3B0] =	vst v13;
	v11 =	vmul.f32 v56, v11;
	v63 =	vld [tilespmem:s13+$0x1C3B8];
	s23 =	smul.u32 $0x220, s5  }
0x1be: {  	[tilespmem:s4+$0x1C3B0] =	vst v62;
	v29 =	vld [tilespmem:s8+$0x17140];
	s22 =	sshra.s32 s28, $0x2;
	s28 =	sshll.u32 s26, $0x7;
	s26 =	sor.u32 $0xF, s10  }
0x1bf: {  	v31 =	vmul.f32 v17, v9;
	[tilespmem:s1+$0x1C3B0] =	vst v11;
	s1 =	sshra.s32 s23, $0x2;
	v30 =	vld [tilespmem:s22+$0x1C3B8];
	s4 =	sand.u32 $0x3FFFFF80, s28;
	s28 =	smul.u32 $0x220, s26  }
0x1c0: {  	v10 =	vmul.f32 v58, v10;
	v9 =	vbroadcast v24, $0x8;
	v34 =	vld [tilespmem:s1+$0x1C3B8]  }
0x1c1: {  	s5 =	sshll.u32 s5, $0x7;
	[tilespmem:s16+$0x1C3B0] =	vst v31;
	v33 =	vmul.f32 v16, v8;
	v8 =	vbroadcast v26, $0x8;
	v32 =	vld [tilespmem:s4+$0x17140];
	s6 =	sshra.s32 s28, $0x2  }
0x1c2: {  	[tilespmem:s2+$0x1C3B0] =	vst v10;
	v10 =	vbroadcast v28, $0x8;
	s23 =	sand.u32 $0x3FFFFF80, s5;
	s26 =	sshll.u32 s26, $0x7;
	v35 =	vmul.f32 v25, v9;
	v36 =	vld [tilespmem:s6+$0x1C3B8]  }
0x1c3: {  	[tilespmem:s15+$0x1C3B0] =	vst v33;
	v38 =	vld [tilespmem:s23+$0x17140];
	v37 =	vmul.f32 v27, v8;
	v11 =	vbroadcast v60, $0x8;
	s28 =	sand.u32 $0x3FFFFF80, s26  }
0x1c4: {  	v39 =	vmul.f32 v59, v10;
	v12 =	vbroadcast v63, $0x8;
	[tilespmem:s29+$0x1C340] =	vst v35;
	v40 =	vld [tilespmem:s28+$0x17140]  }
0x1c5: {  	v41 =	vld [tilespmem:s14+$0x17150];
	[tilespmem:s30+$0x1C340] =	vst v37;
	v15 =	vmul.f32 v61, v11;
	v13 =	vbroadcast v30, $0x8  }
0x1c6: {  	[tilespmem:s0+$0x1C340] =	vst v39;
	v42 =	vmul.f32 v29, v12;
	v23 =	vld [tilespmem:s17+$0x17150];
	v14 =	vbroadcast v34, $0x8  }
0x1c7: {  	v43 =	vld [tilespmem:s18+$0x17150];
	[tilespmem:s3+$0x1C340] =	vst v15;
	v17 =	vmul.f32 v32, v13;
	v15 =	vbroadcast v36, $0x8  }
0x1c8: {  	[tilespmem:s13+$0x1C340] =	vst v42;
	v44 =	vld [tilespmem:s7+$0x17150];
	v45 =	vmul.f32 v38, v14  }
0x1c9: {  	v46 =	vld [tilespmem:s8+$0x17150];
	[tilespmem:s22+$0x1C340] =	vst v17;
	v47 =	vmul.f32 v40, v15  }
0x1ca: {  	v48 =	vmul.f32 v41, v9;
	[tilespmem:s1+$0x1C340] =	vst v45;
	v49 =	vld [tilespmem:s4+$0x17150]  }
0x1cb: {  	v50 =	vmul.f32 v23, v8;
	v51 =	vld [tilespmem:s23+$0x17150];
	[tilespmem:s6+$0x1C340] =	vst v47  }
0x1cc: {  	v16 =	vmul.f32 v43, v10;
	[tilespmem:s29+$0x1C350] =	vst v48;
	v17 =	vld [tilespmem:s28+$0x17150]  }
0x1cd: {  	v21 =	vld [tilespmem:s14+$0x17160];
	[tilespmem:s30+$0x1C350] =	vst v50;
	v52 =	vmul.f32 v44, v11  }
0x1ce: {  	[tilespmem:s0+$0x1C350] =	vst v16;
	v54 =	vmul.f32 v46, v12;
	v53 =	vld [tilespmem:s17+$0x17160]  }
0x1cf: {  	v55 =	vld [tilespmem:s18+$0x17160];
	[tilespmem:s3+$0x1C350] =	vst v52;
	v56 =	vmul.f32 v49, v13  }
0x1d0: {  	[tilespmem:s13+$0x1C350] =	vst v54;
	v57 =	vld [tilespmem:s7+$0x17160];
	v58 =	vmul.f32 v51, v14  }
0x1d1: {  	v59 =	vld [tilespmem:s8+$0x17160];
	[tilespmem:s22+$0x1C350] =	vst v56;
	v17 =	vmul.f32 v17, v15  }
0x1d2: {  	v60 =	vmul.f32 v21, v9;
	[tilespmem:s1+$0x1C350] =	vst v58;
	v61 =	vld [tilespmem:s4+$0x17160]  }
0x1d3: {  	v62 =	vmul.f32 v53, v8;
	v63 =	vld [tilespmem:s23+$0x17160];
	[tilespmem:s6+$0x1C350] =	vst v17  }
0x1d4: {  	v24 =	vmul.f32 v55, v10;
	[tilespmem:s29+$0x1C360] =	vst v60;
	v25 =	vld [tilespmem:s28+$0x17160]  }
0x1d5: {  	v26 =	vld [tilespmem:s14+$0x17170];
	[tilespmem:s30+$0x1C360] =	vst v62;
	v27 =	vmul.f32 v57, v11  }
0x1d6: {  	[tilespmem:s0+$0x1C360] =	vst v24;
	v29 =	vmul.f32 v59, v12;
	v28 =	vld [tilespmem:s17+$0x17170]  }
0x1d7: {  	v30 =	vld [tilespmem:s18+$0x17170];
	[tilespmem:s3+$0x1C360] =	vst v27;
	v31 =	vmul.f32 v61, v13  }
0x1d8: {  	[tilespmem:s13+$0x1C360] =	vst v29;
	v32 =	vld [tilespmem:s7+$0x17170];
	v33 =	vmul.f32 v63, v14  }
0x1d9: {  	v34 =	vld [tilespmem:s8+$0x17170];
	[tilespmem:s22+$0x1C360] =	vst v31;
	v35 =	vmul.f32 v25, v15  }
0x1da: {  	v36 =	vmul.f32 v26, v9;
	[tilespmem:s1+$0x1C360] =	vst v33;
	v37 =	vld [tilespmem:s4+$0x17170]  }
0x1db: {  	v38 =	vmul.f32 v28, v8;
	v39 =	vld [tilespmem:s23+$0x17170];
	[tilespmem:s6+$0x1C360] =	vst v35  }
0x1dc: {  	v40 =	vmul.f32 v30, v10;
	[tilespmem:s29+$0x1C370] =	vst v36;
	v41 =	vld [tilespmem:s28+$0x17170]  }
0x1dd: {  	v42 =	vld [tilespmem:s14+$0x17180];
	[tilespmem:s30+$0x1C370] =	vst v38;
	v43 =	vmul.f32 v32, v11  }
0x1de: {  	[tilespmem:s0+$0x1C370] =	vst v40;
	v45 =	vmul.f32 v34, v12;
	v44 =	vld [tilespmem:s17+$0x17180]  }
0x1df: {  	v46 =	vld [tilespmem:s18+$0x17180];
	[tilespmem:s3+$0x1C370] =	vst v43;
	v47 =	vmul.f32 v37, v13  }
0x1e0: {  	[tilespmem:s13+$0x1C370] =	vst v45;
	v48 =	vld [tilespmem:s7+$0x17180];
	v49 =	vmul.f32 v39, v14  }
0x1e1: {  	v50 =	vld [tilespmem:s8+$0x17180];
	[tilespmem:s22+$0x1C370] =	vst v47;
	v51 =	vmul.f32 v41, v15  }
0x1e2: {  	v52 =	vmul.f32 v42, v9;
	[tilespmem:s1+$0x1C370] =	vst v49;
	v53 =	vld [tilespmem:s4+$0x17180]  }
0x1e3: {  	v54 =	vmul.f32 v44, v8;
	v55 =	vld [tilespmem:s23+$0x17180];
	[tilespmem:s6+$0x1C370] =	vst v51  }
0x1e4: {  	v56 =	vmul.f32 v46, v10;
	[tilespmem:s29+$0x1C380] =	vst v52;
	v57 =	vld [tilespmem:s28+$0x17180]  }
0x1e5: {  	v58 =	vld [tilespmem:s14+$0x17190];
	[tilespmem:s30+$0x1C380] =	vst v54;
	v59 =	vmul.f32 v48, v11  }
0x1e6: {  	[tilespmem:s0+$0x1C380] =	vst v56;
	v61 =	vmul.f32 v50, v12;
	v60 =	vld [tilespmem:s17+$0x17190]  }
0x1e7: {  	v62 =	vld [tilespmem:s18+$0x17190];
	[tilespmem:s3+$0x1C380] =	vst v59;
	v63 =	vmul.f32 v53, v13  }
0x1e8: {  	[tilespmem:s13+$0x1C380] =	vst v61;
	v24 =	vld [tilespmem:s7+$0x17190];
	v25 =	vmul.f32 v55, v14  }
0x1e9: {  	v26 =	vld [tilespmem:s8+$0x17190];
	[tilespmem:s22+$0x1C380] =	vst v63;
	v27 =	vmul.f32 v57, v15  }
0x1ea: {  	v28 =	vmul.f32 v58, v9;
	[tilespmem:s1+$0x1C380] =	vst v25;
	v29 =	vld [tilespmem:s4+$0x17190]  }
0x1eb: {  	v30 =	vmul.f32 v60, v8;
	v31 =	vld [tilespmem:s23+$0x17190];
	[tilespmem:s6+$0x1C380] =	vst v27  }
0x1ec: {  	v32 =	vmul.f32 v62, v10;
	[tilespmem:s29+$0x1C390] =	vst v28;
	v33 =	vld [tilespmem:s28+$0x17190]  }
0x1ed: {  	v34 =	vld [tilespmem:s14+$0x171A0];
	[tilespmem:s30+$0x1C390] =	vst v30;
	v35 =	vmul.f32 v24, v11  }
0x1ee: {  	[tilespmem:s0+$0x1C390] =	vst v32;
	v37 =	vmul.f32 v26, v12;
	v36 =	vld [tilespmem:s17+$0x171A0]  }
0x1ef: {  	v38 =	vld [tilespmem:s18+$0x171A0];
	[tilespmem:s3+$0x1C390] =	vst v35;
	v39 =	vmul.f32 v29, v13  }
0x1f0: {  	[tilespmem:s13+$0x1C390] =	vst v37;
	v40 =	vld [tilespmem:s7+$0x171A0];
	v41 =	vmul.f32 v31, v14  }
0x1f1: {  	v42 =	vld [tilespmem:s8+$0x171A0];
	[tilespmem:s22+$0x1C390] =	vst v39;
	v43 =	vmul.f32 v33, v15  }
0x1f2: {  	v44 =	vmul.f32 v34, v9;
	[tilespmem:s1+$0x1C390] =	vst v41;
	v45 =	vld [tilespmem:s4+$0x171A0]  }
0x1f3: {  	v46 =	vmul.f32 v36, v8;
	v47 =	vld [tilespmem:s23+$0x171A0];
	[tilespmem:s6+$0x1C390] =	vst v43  }
0x1f4: {  	v48 =	vmul.f32 v38, v10;
	[tilespmem:s29+$0x1C3A0] =	vst v44;
	v49 =	vld [tilespmem:s28+$0x171A0]  }
0x1f5: {  	v50 =	vld [tilespmem:s14+$0x171B0];
	[tilespmem:s30+$0x1C3A0] =	vst v46;
	v51 =	vmul.f32 v40, v11  }
0x1f6: {  	[tilespmem:s0+$0x1C3A0] =	vst v48;
	v53 =	vmul.f32 v42, v12;
	v52 =	vld [tilespmem:s17+$0x171B0]  }
0x1f7: {  	v54 =	vld [tilespmem:s18+$0x171B0];
	[tilespmem:s3+$0x1C3A0] =	vst v51;
	v55 =	vmul.f32 v45, v13  }
0x1f8: {  	[tilespmem:s13+$0x1C3A0] =	vst v53;
	v56 =	vld [tilespmem:s7+$0x171B0];
	v57 =	vmul.f32 v47, v14  }
0x1f9: {  	v58 =	vld [tilespmem:s8+$0x171B0];
	[tilespmem:s22+$0x1C3A0] =	vst v55;
	v59 =	vmul.f32 v49, v15  }
0x1fa: {  	v9 =	vmul.f32 v50, v9;
	[tilespmem:s1+$0x1C3A0] =	vst v57;
	v60 =	vld [tilespmem:s4+$0x171B0]  }
0x1fb: {  	v17 =	vld [tilespmem:s23+$0x171B0];
	v8 =	vmul.f32 v52, v8;
	[tilespmem:s6+$0x1C3A0] =	vst v59  }
0x1fc: {  	v10 =	vmul.f32 v54, v10;
	[tilespmem:s29+$0x1C3B0] =	vst v9;
	v61 =	vld [tilespmem:s28+$0x171B0]  }
0x1fd: {  	[tilespmem:s30+$0x1C3B0] =	vst v8;
	v8 =	vmul.f32 v56, v11  }
0x1fe: {  	p0 =	slt.u32 s10, $0x30;
	[tilespmem:s0+$0x1C3B0] =	vst v10;
	v62 =	vmul.f32 v58, v12  }
.Ltmp1:
0x1ff: {  	[tilespmem:s3+$0x1C3B0] =	vst v8;
	v8 =	vmul.f32 v60, v13;
	(pc) =	sbr.rel @p0 .LBB2_5-.Ltmp1, $4  }
0x200: {  	[tilespmem:s13+$0x1C3B0] =	vst v62;
	v63 =	vmul.f32 v17, v14  }
0x201: {  	[tilespmem:s22+$0x1C3B0] =	vst v8;
	v8 =	vmul.f32 v61, v15  }
0x202: {  	s30 =	sadd.s32 $0x10, s10;
	[tilespmem:s1+$0x1C3B0] =	vst v63  }
0x203: {  	s10 =	smov.u32 s30;
	[tilespmem:s6+$0x1C3B0] =	vst v8  }
0x204: {  	s19 =	sadd.s32 $0x1, s19  }
0x205: {  	p0 =	sne.s32 s19, $0x51  }
.Ltmp2:
0x206: {  	s0 =	rddreg [dreg:$0x2];
	s1 =	simm.s32 $0x15100;
	(pc) =	sbr.rel @p0 .LBB2_2-.Ltmp2, $4  }
0x207: {  	[spmem:s0] =	stream.indirect.scatter.add.f32 [tilespmem:s21], [sflag:$0x9], $0x88, s1, s24, $0xb8;
	[tilespmem:$0x1E540] =	vst v63  }
0x208: {  	_ =	swait.ge [sflag:s20], $0x2200  }
0x209: {  	[sflag:s20] =	ssyncset.done $0x0  }
0x20a: {  	[sflag:s20] =	ssyncadd.s32 $0xFFFFDE00  }
0x20b: {  	[bflag:$0x0] =	sbarrier.arrive $0xFFFF  }
0x20c: {  	s5 =	rddreg [dreg:$0x9]  }
0x20d: {  	s0 =	rddreg [dreg:$0x10]  }
0x20e: {  	s1 =	rddreg [dreg:$0x12]  }
0x20f: {  	[hbm:s0], [sflag:s5] =	dma.local [spmem:s1], $0x29F8  }
0x210: {  	_ =	swait.ge [sflag:s20], $0x29F8  }
0x211: {  	s2 =	rddreg [dreg:$0x13]  }
0x212: {  	s30 =	rddreg [dreg:$0x11];
	s2 =	sadd.s32 $0x1, s2  }
0x213: {  	p0 =	sne.s32 s2, s30  }
.Ltmp3:
0x214: {  	_ = 	snop;
	(pc) =	sbr.rel @p0 .LBB2_1-.Ltmp3, $3  }
0x215: {  	_ =	sdelay $0x1  }
0x216: {  	[sflag:s20] =	ssyncset.done $0x0  }
0x217: {  	[sflag:s20] =	ssyncadd.s32 $0xFFFFD608  }
0x218: {  	_ =	sfence.sel $0x180000  }
0x219: {  	[bflag:$0x0] =	sbarrier.arrive $0xFFFF  }
0x21a: {  	_ =	strace $0x9000004A  }
0x21b: {  	s0 =	stileid.u32;
	[bflag:$0x2] =	sbarrier.arrive $0xFFFF  }
0x21c: {  	p0 =	sne.s32 s0, $0x0;
	s0 =	rddreg [dreg:$0x3]  }
0x21d: {  	s0 =	sadd.s32 @!p0 $0x100000, s0  }
0x21e: {  	[sflag:s0] =	ssyncadd.tile.s32 @!p0 $0x1;
	_ =	shalt  }
.Lfunc_end2:
_tile_overlayer_lowered:
.L_overlay_start_2:
0x21f: {  	(tag) =	ssettag $0x2  }
0x220: {  	s0 =	rddreg [dreg:$0x0];
	s2 =	stileid.u32  }
0x221: {  	s1 =	rddreg [dreg:$0x1];
	p0 =	sne.s32 s2, $0x0  }
0x222: {  	s3 =	rddreg [dreg:$0x2];
	[bflag:$0x3] =	sbarrier.arrive $0xFFFF;
	s2 =	simm.s32 @!p0 $0x1C09  }
0x223: {  	[timem:s3], [sflag:s2] =	dma.local @!p0 [hbm:s0], s1  }
0x224: {  	s0 =	simm.s32 @!p0 $0x9  }
0x225: {  	_ =	swait.ge @!p0 [sflag:s0], s1  }
0x226: {  	s1 =	ssub.s32 @!p0 $0x0, s1;
	[sflag:s0] =	ssyncset.done @!p0 $0x0  }
0x227: {  	[sflag:s0] =	ssyncadd.s32 @!p0 s1  }
0x228: {  	[bflag:$0x3] =	sbarrier.arrive $0xFFFF  }
0x229: {  	_ =	shalt  }

// kernel: kernel.7.cloned.1.call-start
scs
__scs_entry_jumppad:
0x0: {  	(pc) =	sbr.rel $0x88, $3  }
0x1: {  	(tag) =	ssettag $0x0;
	lr =	simm.s32 $0x1  }
0x2: {  	[smem:$0x3F97] =	sst lr;
	_ =	strace $0xD0000000  }
0x3: {  	_ = 	snop  }
0x4: {  	_ = 	snop  }
0x5: {  	_ = 	snop  }
0x6: {  	_ = 	snop  }
0x7: {  	_ = 	snop  }
__scs_overlays_trampoline_lowered:
0x8: {  	[smem:$0x3FA6] =	sst s0  }
0x9: {  	[smem:$0x3FA7] =	sst s1  }
0xa: {  	[smem:$0x3FA8] =	sst s2  }
0xb: {  	[smem:$0x3FA9] =	sst s3  }
0xc: {  	[smem:$0x3FAA] =	sst s4  }
0xd: {  	[smem:$0x3FAB] =	sst s5  }
0xe: {  	[smem:$0x3FAC] =	sst s6  }
0xf: {  	[smem:$0x3FAD] =	sst s7  }
0x10: {  	[smem:$0x3FAE] =	sst s8  }
0x11: {  	[smem:$0x3FAF] =	sst s9;
	s0 =	simm.s32 @!p0 $0x0  }
0x12: {  	s1 =	sld [smem:$0x3F95];
	s0 =	simm.s32 @p0 $0x1  }
0x13: {  	[smem:$0x3FB0] =	sst s0;
	s0 =	simm.s32 @!p1 $0x0  }
0x14: {  	s2 =	sld [smem:$0x3F94];
	s0 =	simm.s32 @p1 $0x1  }
0x15: {  	[smem:$0x3FB1] =	sst s0;
	s0 =	simm.s32 @!p2 $0x0  }
0x16: {  	s3 =	sld [smem:$0x3FDB];
	s0 =	simm.s32 @p2 $0x1  }
0x17: {  	s4 =	simm.s32 $0x1BF5;
	[smem:$0x3FB3] =	sst s0  }
0x18: {  	s0 =	sld [smem:$0x3F96];
	_ =	swait.ge [sflag:s4], $0x0  }
0x19: {  	s7 =	sld [smem:$0x3F97]  }
0x1a: {  	s8 =	sadd.s32 $0xFFFFE003, lr  }
0x1b: {  	s9 =	sadd.s32 $0xFFFFFEF7, lr;
	s5 =	simm.s32 $0xFFFFFFFF;
	p2 =	slt.u32 s8, $0xFFFFF086  }
0x1c: {  	p1 =	slt.u32 s9, $0xF7A;
	s5 =	simm.s32 @!p2 $0x0  }
0x1d: {  	s5 =	simm.s32 @p1 $0x1;
	p0 =	seq.s32 s7, s2  }
0x1e: {  	s7 =	smul.u32 @!p0 $0xF7A, s2;
	p2 =	seq.s32 @!p0 s5, $0x0  }
0x1f: {  	s9 =	smul.u32 $0xF7A, s1;
	s8 =	simm.s32 @!p0 $0x1BF5;
	p2 =	por !p2, p0  }
0x20: {  	[sflag:s8] =	ssyncset.s32 @!p0 $0xFFFFF086;
	s6 =	sadd.s32 @!p0 s3, s7;
	s7 =	simm.s32 @!p0 $0x108  }
0x21: {  	s3 =	sadd.s32 s3, s9;
	s6 =	sadd.s32 @!p0 $0x88, s6;
	s7 =	simm.s32 @p2 $0x1082  }
0x22: {  	[simem:s7], [sflag:s8] =	dma.local @!p0 [hbm:s6], $0xF7A  }
0x23: {  	s9 =	sor.u32 $0xD0000000, s2;
	s6 =	simm.s32 $0x108;
	_ =	swait.ge @!p0 [sflag:s8], $0x0  }
0x24: {  	s3 =	sadd.s32 $0x88, s3;
	s6 =	simm.s32 @!p1 $0x1082;
	[sflag:s4] =	ssyncset.s32 $0xFFFFF086  }
0x25: {  	[simem:s6], [sflag:s4] =	dma.local [hbm:s3], $0xF7A  }
0x26: {  	[smem:$0x3F97] =	sst s1;
	(tag) =	ssettag s2;
	_ =	strace s9  }
0x27: {  	s1 =	sld [smem:$0x3FA7]  }
0x28: {  	s2 =	sld [smem:$0x3FA8]  }
0x29: {  	s4 =	sld [smem:$0x3FAA]  }
0x2a: {  	p0 =	seq.s32 s5, $0x0;
	s5 =	sld [smem:$0x3FAB]  }
0x2b: {  	s6 =	sld [smem:$0x3FAC]  }
0x2c: {  	s7 =	sld [smem:$0x3FAD]  }
0x2d: {  	s3 =	simm.s32 $0x108;
	s8 =	sld [smem:$0x3FAE]  }
0x2e: {  	s3 =	simm.s32 @!p0 $0x1082;
	s9 =	sld [smem:$0x3FAF]  }
0x2f: {  	lr =	sadd.s32 s0, s3;
	s0 =	sld [smem:$0x3FA6]  }
0x30: {  	s3 =	sld [smem:$0x3FA9]  }
0x31: {  	[smem:$0x3FB2] =	sst s10  }
0x32: {  	s10 =	sld [smem:$0x3FB0];
	_ =	sdelay $0x3  }
0x33: {  	p0 =	seq.s32 s10, $0x1;
	s10 =	sld [smem:$0x3FB2];
	_ =	sdelay $0x3  }
0x34: {  	[smem:$0x3FB2] =	sst s10  }
0x35: {  	s10 =	sld [smem:$0x3FB1];
	_ =	sdelay $0x3  }
0x36: {  	p1 =	seq.s32 s10, $0x1;
	s10 =	sld [smem:$0x3FB2];
	_ =	sdelay $0x3  }
0x37: {  	[smem:$0x3FB2] =	sst s10  }
0x38: {  	s10 =	sld [smem:$0x3FB3]  }
0x39: {  	_ = 	snop;
	(pc) =	sbr.ind lr, $3  }
0x3a: {  	_ = 	snop  }
0x3b: {  	_ = 	snop  }
0x3c: {  	p2 =	seq.s32 s10, $0x1;
	s10 =	sld [smem:$0x3FB2]  }
0x3d: {  	_ =	shalt  }
0x3e: {  	_ =	shalt  }
0x3f: {  	_ =	shalt  }
0x40: {  	_ =	shalt  }
0x41: {  	_ =	shalt  }
0x42: {  	_ =	shalt  }
0x43: {  	_ =	shalt  }
0x44: {  	_ =	shalt  }
0x45: {  	_ =	shalt  }
0x46: {  	_ =	shalt  }
0x47: {  	_ =	shalt  }
0x48: {  	_ =	shalt  }
0x49: {  	_ =	shalt  }
0x4a: {  	_ =	shalt  }
0x4b: {  	_ =	shalt  }
0x4c: {  	_ =	shalt  }
0x4d: {  	_ =	shalt  }
0x4e: {  	_ =	shalt  }
0x4f: {  	_ =	shalt  }
0x50: {  	_ =	shalt  }
0x51: {  	_ =	shalt  }
0x52: {  	_ =	shalt  }
0x53: {  	_ =	shalt  }
0x54: {  	_ =	shalt  }
0x55: {  	_ =	shalt  }
0x56: {  	_ =	shalt  }
0x57: {  	_ =	shalt  }
0x58: {  	_ =	shalt  }
0x59: {  	_ =	shalt  }
0x5a: {  	_ =	shalt  }
0x5b: {  	_ =	shalt  }
0x5c: {  	_ =	shalt  }
0x5d: {  	_ =	shalt  }
0x5e: {  	_ =	shalt  }
0x5f: {  	_ =	shalt  }
0x60: {  	_ =	shalt  }
0x61: {  	_ =	shalt  }
0x62: {  	_ =	shalt  }
0x63: {  	_ =	shalt  }
0x64: {  	_ =	shalt  }
0x65: {  	_ =	shalt  }
0x66: {  	_ =	shalt  }
0x67: {  	_ =	shalt  }
0x68: {  	_ =	shalt  }
0x69: {  	_ =	shalt  }
0x6a: {  	_ =	shalt  }
0x6b: {  	_ =	shalt  }
0x6c: {  	_ =	shalt  }
0x6d: {  	_ =	shalt  }
0x6e: {  	_ =	shalt  }
0x6f: {  	_ =	shalt  }
0x70: {  	_ =	shalt  }
0x71: {  	_ =	shalt  }
0x72: {  	_ =	shalt  }
0x73: {  	_ =	shalt  }
0x74: {  	_ =	shalt  }
0x75: {  	_ =	shalt  }
0x76: {  	_ =	shalt  }
0x77: {  	_ =	shalt  }
0x78: {  	_ =	shalt  }
0x79: {  	_ =	shalt  }
0x7a: {  	_ =	shalt  }
0x7b: {  	_ =	shalt  }
0x7c: {  	_ =	shalt  }
0x7d: {  	_ =	shalt  }
0x7e: {  	_ =	shalt  }
0x7f: {  	_ =	shalt  }
0x80: {  	_ =	shalt  }
0x81: {  	_ =	shalt  }
0x82: {  	_ =	shalt  }
0x83: {  	_ =	shalt  }
0x84: {  	_ =	shalt  }
0x85: {  	_ =	shalt  }
0x86: {  	_ =	shalt  }
0x87: {  	_ =	shalt  }
.Lfunc_end0:
.L_simem_size_0:
called_computation_lowered:
.L_overlay_start_0:
0x88: {  	s2 =	sld [smem:$0x3FD9]  }
0x89: {  	s3 =	sld [smem:$0x3FFE];
	_ =	sdelay $0x1  }
0x8a: {  	s1 =	srdreg.scid  }
0x8b: {  	s0 =	sand.u32 $0x1, s1  }
0x8c: {  	s17 =	sshll.u32 s0, $0xA;
	s2 =	sadd.s32 s3, s2  }
0x8d: {  	s2 =	sadd.s32 s2, s17  }
0x8e: {  	[smem:$0x3FBE] =	sst s2  }
0x8f: {  	_ = 	snop  }
0x90: {  	s2 =	sld [smem:$0x3FD0];
	(tm) =	ssettm $0x1  }
0x91: {  	s18 =	sld [smem:$0x3FFB];
	_ =	sdelay $0x3  }
0x92: {  	_ =	strace s18  }
0x93: {  	s3 =	sld [smem:$0x3FFC];
	_ =	sdelay $0x3  }
0x94: {  	_ =	strace s3  }
0x95: {  	s3 =	sld [smem:$0x3FFD];
	_ =	sdelay $0x3  }
0x96: {  	_ =	strace s3  }
0x97: {  	_ =	strace $0x8FFFFFFF  }
0x98: {  	s19 =	sld [smem:$0x3FDB];
	_ =	sdelay $0x1  }
0x99: {  	s4 =	simm.s32 $_scs_section_size  }
0x9a: {  	s5 =	simm.s32 $_size__tile_overlayer_lowered;
	s6 =	simm.s32 $_tile_overlayer_lowered  }
0x9b: {  	s22 =	simm.s32 $0x1BFF;
	s21 =	sshll.u32 s6, $0x1;
	s3 =	sadd.s32 s4, s19  }
0x9c: {  	s7 =	simm.s32 $0x0;
	s20 =	sshll.u32 s5, $0x1;
	s5 =	sadd.s32 s21, s3  }
0x9d: {  	[timem:s7], [sflag:s22] =	dma.local [hbm:s5], s20  }
0x9e: {  	_ =	swait.ge [sflag:s22], s20  }
0x9f: {  	s4 =	ssub.s32 $0x0, s20;
	[sflag:s22] =	ssyncset.done $0x0  }
0xa0: {  	[sflag:s22] =	ssyncadd.s32 s4;
	_ =	sdelay $0x1  }
0xa1: {  	s23 =	simm.s32 $0x1B8B  }
0xa2: {  	_ =	swait.ge [sflag:s23], $0x1  }
0xa3: {  	[sflag:s23] =	ssyncset.done $0x0  }
0xa4: {  	s25 =	simm.s32 $0x1B8E;
	s24 =	sld [smem:$0x3FFE];
	[sflag:s23] =	ssyncadd.s32 $0xFFFFFFFF  }
0xa5: {  	s26 =	simm.s32 $execute0_lowered;
	[smem:$0x3FD2] =	sst s25  }
0xa6: {  	s5 =	sshll.u32 s26, $0x1;
	_ =	strace $0x80000046;
	[dreg:$0x1] =	wrdreg $0xFFFFFFFF  }
0xa7: {  	s28 =	simm.s32 $_size_execute0_lowered;
	s3 =	sadd.s32 s3, s5;
	[dreg:$0x0] =	wrdreg $0x0  }
0xa8: {  	s5 =	sshll.u32 s28, $0x1;
	[dreg:$0x2] =	wrdreg s3  }
0xa9: {  	[dreg:$0x3] =	wrdreg s5  }
0xaa: {  	[dreg:$0x4] =	wrdreg $0xC0  }
0xab: {  	_ =	task [dreg:s7], $0x5FFFF  }
0xac: {  	[dreg:$0x1] =	wrdreg $0xFFFFFFFF  }
0xad: {  	[dreg:$0x0] =	wrdreg $0x60  }
0xae: {  	[dreg:$0x2] =	wrdreg s2  }
0xaf: {  	[dreg:$0x3] =	wrdreg s24  }
0xb0: {  	[dreg:$0x4] =	wrdreg $0x0  }
0xb1: {  	[dreg:$0x5] =	wrdreg $0x9  }
0xb2: {  	_ =	task.clear_ibuf [dreg:s7], $0x6FFFF;
	_ =	strace $0x90000046  }
0xb3: {  	s29 =	simm.s32 $0x9;
	_ =	strace $0x80000048  }
0xb4: {  	_ =	swait.ge [sflag:s29], $0x1  }
0xb5: {  	[sflag:s29] =	ssyncadd.s32 $0xFFFFFFFF  }
0xb6: {  	_ =	strace $0x90000048  }
0xb7: {  	_ =	sfence  }
0xb8: {  	s30 =	sld [smem:$0x0];
	_ =	sdelay $0x2  }
0xb9: {  	s31 =	sshll.u32 s1, $0xD;
	s1 =	sshrl.u32 s1, $0x2  }
0xba: {  	s3 =	sand.u32 $0x4000, s31;
	s1 =	sadd.s32 s1, s30  }
0xbb: {  	s0 =	sor.u32 s3, s0;
	s1 =	sshll.u32 s1, $0x11  }
0xbc: {  	s0 =	sor.u32 s1, s0  }
0xbd: {  	s0 =	sadd.s32 $0x8F2B, s0  }
0xbe: {  	[sflag:s0] =	ssyncadd.remote.s32 $0x1  }
0xbf: {  	_ =	sfence.sel $0xFFFF  }
0xc0: {  	[dreg:$0x0] =	wrdreg $0xFFFFFFFF;
	(pc) =	sbr.abs _section_cstart, $3  }
0xc1: {  	[dreg:$0x1] =	wrdreg $0xFFFFFFFF  }
0xc2: {  	_ =	task.clear_ibuf [dreg:s7], $0x2FFFF;
	_ =	strace $0x9FFFFFFF  }
0xc3: {  	(tm) =	ssettm $0x7FFFFFFF  }
tec
execute0_lowered:
.L_overlay_start_1:
0x0: {  	(tag) =	ssettag $0x1  }
0x1: {  	v0 =	vlaneseq.u32  }
0x2: {  	v2 =	vmul.u32 $0x88, v0  }
0x3: {  	s31 =	rddreg [dreg:$0x0]  }
0x4: {  	s0 =	rddreg [dreg:$0x1];
	s1 =	simm.s32 $0x0;
	v1 =	vmul.u32 $0x10, v0;
	v0 =	vadd.s32 $0x81, v2  }
0x5: {  	[smem:$0x7FF] =	sst s1;
	[tilespmem:$0x1FEA0] =	vst v0;
	v0 =	vadd.s32 $0x82, v2  }
0x6: {  	s5 =	rddreg [dreg:$0x2];
	_ =	strace $0x80000047;
	[tilespmem:$0x1FEB0] =	vst v0  }
0x7: {  	v42 =	vadd.s32 $0x80, v2;
	v0 =	vadd.s32 $0x83, v2;
	[tilespmem:$0x1FFF0] =	vst v2  }
0x8: {  	s16 =	srdreg.scid;
	s6 =	stileid.u32;
	s28 =	simm.s32 $0x19940;
	v3 =	vor.u32 $0x1, v1;
	v5 =	vor.u32 $0x2, v1;
	[tilespmem:$0x1FEC0] =	vst v0;
	v0 =	vadd.s32 $0x84, v2  }
0x9: {  	s11 =	simm.s32 $0x19D40;
	s12 =	simm.s32 $0x1A140;
	s1 =	sand.u32 $0x1, s16;
	v7 =	vor.u32 $0x3, v1;
	v9 =	vor.u32 $0x4, v1;
	[tilespmem:$0x1FED0] =	vst v0;
	v0 =	vadd.s32 $0x85, v2  }
0xa: {  	s2 =	smul.u32 $0x14FC0, s6;
	s3 =	sadd.s32 $0x5A00, s0;
	s17 =	sadd.s32 $0xA00, s0;
	v11 =	vor.u32 $0x5, v1;
	v13 =	vor.u32 $0x6, v1;
	[tilespmem:$0x1FEE0] =	vst v0;
	v0 =	vadd.s32 $0x86, v2  }
0xb: {  	s8 =	sadd.s32 $0xAA00, s0;
	s9 =	sadd.s32 $0x14C00, s0;
	s10 =	sadd.s32 $0x1EE00, s0;
	v15 =	vor.u32 $0x7, v1;
	v17 =	vor.u32 $0x100, v1;
	[tilespmem:$0x1FEF0] =	vst v0;
	v0 =	vadd.s32 $0x87, v2  }
0xc: {  	s4 =	sshll.u32 s6, $0x1;
	s18 =	smul.u32 $0x14FC00, s1;
	v19 =	vor.u32 $0x101, v1;
	v21 =	vor.u32 $0x102, v1;
	[dreg:$0x4] =	wrdreg s3;
	[tilespmem:$0x1FF00] =	vst v0;
	v0 =	vadd.s32 $0x900, v2  }
0xd: {  	s7 =	ssub.s32 $0x2, s1;
	s1 =	sor.u32 s1, s4;
	v23 =	vor.u32 $0x103, v1;
	v25 =	vor.u32 $0x104, v1;
	[dreg:$0x5] =	wrdreg s17;
	[tilespmem:$0x1FF10] =	vst v0;
	v0 =	vadd.s32 $0x901, v2  }
0xe: {  	s19 =	sshrl.u32 s7, $0x1;
	s1 =	smul.u32 $0x2880, s1;
	v27 =	vor.u32 $0x105, v1;
	v29 =	vor.u32 $0x106, v1;
	[dreg:$0x8] =	wrdreg s10;
	[tilespmem:$0x1FF20] =	vst v0;
	v0 =	vadd.s32 $0x902, v2  }
0xf: {  	s21 =	sshll.u32 s6, $0x6;
	v31 =	vor.u32 $0x107, v1;
	v33 =	vor.u32 $0x200, v1;
	s20 =	ssub.s32 s7, s19;
	[dreg:$0x6] =	wrdreg s8;
	[tilespmem:$0x1FF30] =	vst v0;
	v0 =	vadd.s32 $0x903, v2  }
0x10: {  	v35 =	vor.u32 $0x201, v1;
	v37 =	vor.u32 $0x202, v1;
	s3 =	sadd.s32 s2, s18;
	[dreg:$0x7] =	wrdreg s9;
	s29 =	sadd.s32 $0x80, s1;
	[tilespmem:$0x1FF40] =	vst v0;
	v0 =	vadd.s32 $0x904, v2  }
0x11: {  	v39 =	vor.u32 $0x203, v1;
	v41 =	vor.u32 $0x204, v1;
	s22 =	sshrl.u32 s1, $0x3;
	s1 =	sadd.s32 $0xC0, s1;
	[dreg:$0xe] =	wrdreg s29;
	[tilespmem:$0x1FF50] =	vst v0;
	v0 =	vadd.s32 $0x905, v2  }
0x12: {  	v43 =	vor.u32 $0x205, v1;
	v45 =	vor.u32 $0x206, v1;
	s2 =	sadd.s32 s2, s5;
	s30 =	smax.u32 s20, $0x1;
	[dreg:$0xf] =	wrdreg s1;
	[tilespmem:$0x1FF60] =	vst v0;
	v0 =	vadd.s32 $0x906, v2  }
0x13: {  	v46 =	vadd.s32 $0x1186, v2;
	v47 =	vor.u32 $0x207, v1;
	s5 =	sor.u32 $0x1C09, s21;
	s20 =	simm.s32 $0x9;
	[dreg:$0x11] =	wrdreg s30;
	[tilespmem:$0x1FF70] =	vst v0;
	v0 =	vadd.s32 $0x907, v2  }
0x14: {  	v48 =	vadd.s32 $0x1187, v2;
	v49 =	vor.u32 $0x300, v1;
	s21 =	simm.s32 $0x1C340;
	s23 =	sadd.s32 s8, s22;
	[dreg:$0x9] =	wrdreg s5;
	[tilespmem:$0x1FF80] =	vst v0;
	v0 =	vadd.s32 $0x1180, v2  }
0x15: {  	v50 =	vadd.s32 $0x1A00, v2;
	v51 =	vor.u32 $0x301, v1;
	s3 =	sshrl.u32 s3, $0x3;
	s25 =	sadd.s32 s9, s22;
	[dreg:$0xa] =	wrdreg s23;
	[tilespmem:$0x1FF90] =	vst v0;
	v0 =	vadd.s32 $0x1181, v2  }
0x16: {  	v52 =	vadd.s32 $0x1A01, v2;
	v53 =	vor.u32 $0x302, v1;
	s24 =	sor.u32 $0x8, s22;
	s1 =	sshrl.u32 s2, $0x3;
	[dreg:$0xb] =	wrdreg s25;
	[tilespmem:$0x1FFA0] =	vst v0;
	v0 =	vadd.s32 $0x1182, v2  }
0x17: {  	v54 =	vadd.s32 $0x1A02, v2;
	v55 =	vor.u32 $0x303, v1;
	s22 =	simm.s32 $0x19540;
	s26 =	sadd.s32 s8, s24;
	[dreg:$0x12] =	wrdreg s1;
	[tilespmem:$0x1FFB0] =	vst v0;
	v0 =	vadd.s32 $0x1183, v2  }
0x18: {  	v56 =	vadd.s32 $0x1A03, v2;
	v57 =	vor.u32 $0x304, v1;
	s0 =	sadd.s32 s3, s0;
	s4 =	sadd.s32 s9, s24;
	[dreg:$0xc] =	wrdreg s26;
	[tilespmem:$0x1FFC0] =	vst v0;
	v0 =	vadd.s32 $0x1184, v2  }
0x19: {  	v58 =	vadd.s32 $0x1A04, v2;
	v59 =	vor.u32 $0x305, v1;
	s2 =	simm.s32 $0x0;
	[dreg:$0xd] =	wrdreg s4;
	s0 =	sadd.s32 $0x21800, s0;
	[tilespmem:$0x1FFD0] =	vst v0;
	v0 =	vadd.s32 $0x1185, v2  }
0x1a: {  	v60 =	vadd.s32 $0x1A05, v2;
	v61 =	vor.u32 $0x306, v1;
	v62 =	vadd.s32 $0x1A06, v2;
	s4 =	simm.s32 $0x40;
	s26 =	simm.s32 $0x19140;
	[dreg:$0x10] =	wrdreg s0;
	[tilespmem:$0x1FFE0] =	vst v0  }
.LBB2_1:
0x1b: {  	[dreg:$0x13] =	wrdreg s2  }
0x1c: {  	s0 =	rddreg [dreg:$0x8]  }
0x1d: {  	[spmem:s1], [sflag:s5] =	dma.local [hbm:s0], $0x29F8  }
0x1e: {  	_ =	swait.ge [sflag:s20], $0x29F8  }
0x1f: {  	[sflag:s20] =	ssyncset.done $0x0  }
0x20: {  	[sflag:s20] =	ssyncadd.s32 $0xFFFFD608  }
0x21: {  	[bflag:$0x0] =	sbarrier.arrive $0xFFFF  }
0x22: {  	s13 =	simm.s32 $0x0;
	s15 =	simm.s32 $0x14FC0;
	s14 =	rddreg [dreg:$0xa]  }
0x23: {  	[tilespmem:s15], [sflag:$0x1] =	stream.linear.gather [hbm4b:s14+s13], $0x40, $0x38;
	[tilespmem:$0x1E540] =	vst v63  }
0x24: {  	s3 =	simm.s32 $0x15040;
	s17 =	simm.s32 $0x1;
	s16 =	rddreg [dreg:$0xb]  }
0x25: {  	[tilespmem:s3], [sflag:$0x1] =	stream.linear.gather [hbm4b:s16+s13], $0x40, $0x38;
	[tilespmem:$0x1E540] =	vst v63  }
0x26: {  	_ =	swait.ge [sflag:s17], $0x40  }
0x27: {  	[sflag:s17] =	ssyncset.done $0x0  }
0x28: {  	[sflag:s17] =	ssyncadd.s32 $0xFFFFFFC0  }
0x29: {  	_ =	swait.ge [sflag:s17], $0x40  }
0x2a: {  	[sflag:s17] =	ssyncset.done $0x0  }
0x2b: {  	s18 =	simm.s32 $0x15140;
	[sflag:s17] =	ssyncadd.s32 $0xFFFFFFC0  }
0x2c: {  	[tilespmem:s18], [sflag:$0x3] =	stream.indirect.gather [hbm4b:s31+s4], $0x80, s15, s4, $0xb8;
	[tilespmem:$0x1E540] =	vst v63  }
0x2d: {  	s19 =	rddreg [dreg:$0x4]  }
0x2e: {  	[tilespmem:s26], [sflag:$0x5] =	stream.indirect.gather [hbm4b:s19+s4], $0x10, s15, s4, $0xb8;
	[tilespmem:$0x1E540] =	vst v63  }
0x2f: {  	s23 =	rddreg [dreg:$0x5]  }
0x30: {  	[tilespmem:s28], [sflag:$0x7] =	stream.indirect.gather [hbm4b:s23+s4], $0x10, s3, s4, $0xb8;
	[tilespmem:$0x1E540] =	vst v63  }
0x31: {  	s25 =	simm.s32 $0x15000;
	s24 =	rddreg [dreg:$0xc]  }
0x32: {  	[tilespmem:s25], [sflag:$0x2] =	stream.linear.gather [hbm4b:s24+s13], $0x40, $0x38;
	[tilespmem:$0x1E540] =	vst v63  }
0x33: {  	s30 =	simm.s32 $0x15080;
	s29 =	rddreg [dreg:$0xd];
	s19 =	simm.s32 $0x0  }
0x34: {  	[tilespmem:s30], [sflag:$0x2] =	stream.linear.gather [hbm4b:s29+s13], $0x40, $0x38;
	[tilespmem:$0x1E540] =	vst v63  }
.LBB2_2:
0x35: {  	s0 =	simm.s32 $0x5  }
0x36: {  	_ =	swait.ge [sflag:s0], $0x400  }
0x37: {  	[sflag:s0] =	ssyncset.done $0x0  }
0x38: {  	s17 =	simm.s32 $0x7;
	[sflag:s0] =	ssyncadd.s32 $0xFFFFFC00  }
0x39: {  	_ =	swait.ge [sflag:s17], $0x400  }
0x3a: {  	[sflag:s17] =	ssyncset.done $0x0  }
0x3b: {  	s18 =	simm.s32 $0x3;
	[sflag:s17] =	ssyncadd.s32 $0xFFFFFC00  }
0x3c: {  	_ =	swait.ge [sflag:s18], $0x2000  }
0x3d: {  	[sflag:s18] =	ssyncset.done $0x0  }
0x3e: {  	[sflag:s18] =	ssyncadd.s32 $0xFFFFE000  }
0x3f: {  	v0 =	vld [tilespmem:$0x15040]  }
0x40: {  	v2 =	vld [tilespmem:$0x15050]  }
0x41: {  	v4 =	vld [tilespmem:$0x15060]  }
0x42: {  	v6 =	vld [tilespmem:$0x15070];
	_ =	sdelay $0x1  }
0x43: {  	[tilespmem:$0x150C0] =	vst v0  }
0x44: {  	[tilespmem:$0x150D0] =	vst v2  }
0x45: {  	[tilespmem:$0x150E0] =	vst v4  }
0x46: {  	s23 =	simm.s32 $0x2;
	[tilespmem:$0x150F0] =	vst v6  }
0x47: {  	_ =	swait.ge [sflag:s23], $0x40  }
0x48: {  	[sflag:s23] =	ssyncset.done $0x0  }
0x49: {  	[sflag:s23] =	ssyncadd.s32 $0xFFFFFFC0  }
0x4a: {  	s1 =	simm.s32 $0x15000;
	s24 =	simm.s32 $0x17140;
	_ =	swait.ge [sflag:s23], $0x40  }
0x4b: {  	p0 =	seq.s32 s19, $0x50;
	[sflag:s23] =	ssyncset.done $0x0;
	s29 =	rddreg [dreg:$0x4]  }
0x4c: {  	s0 =	rddreg [dreg:$0xe];
	[sflag:s23] =	ssyncadd.s32 $0xFFFFFFC0;
	s23 =	sshll.u32 s19, $0x7  }
0x4d: {  	[tilespmem:s24], [sflag:$0x4] =	stream.indirect.gather [hbm4b:s31+s4], $0x80, s1, s4, $0xb8;
	[tilespmem:$0x1E540] =	vst v63  }
0x4e: {  	s25 =	smov.u32 s31;
	s30 =	rddreg [dreg:$0x5];
	s0 =	sadd.s32 @!p0 s23, s0  }
0x4f: {  	[tilespmem:s22], [sflag:$0x6] =	stream.indirect.gather [hbm4b:s29+s4], $0x10, s1, s4, $0xb8;
	[tilespmem:$0x1E540] =	vst v63  }
0x50: {  	s31 =	simm.s32 $0x15080;
	s0 =	sshrl.u32 @!p0 s0, $0x3;
	s1 =	rddreg [dreg:$0x6]  }
0x51: {  	[tilespmem:s11], [sflag:$0x8] =	stream.indirect.gather [hbm4b:s30+s4], $0x10, s31, s4, $0xb8;
	[tilespmem:$0x1E540] =	vst v63  }
0x52: {  	s2 =	simm.s32 @!p0 $0x0;
	s3 =	simm.s32 @!p0 $0x14FC0;
	s1 =	sadd.s32 @!p0 s1, s0  }
0x53: {  	[tilespmem:s3], [sflag:$0x1] =	stream.linear.gather @!p0 [hbm4b:s1+s2], $0x40, $0x38;
	[tilespmem:$0x1E540] =	vst v63  }
0x54: {  	s1 =	rddreg [dreg:$0x7]  }
0x55: {  	s0 =	sadd.s32 @!p0 s1, s0;
	s1 =	simm.s32 @!p0 $0x15040  }
0x56: {  	[tilespmem:s1], [sflag:$0x1] =	stream.linear.gather @!p0 [hbm4b:s0+s2], $0x40, $0x38;
	[tilespmem:$0x1E540] =	vst v63  }
0x57: {  	v0 =	vld.idx.msk [tilespmem:v1+s26+$0x0], $0xffff  }
0x58: {  	v2 =	vld.idx.msk [tilespmem:v1+s28+$0x0], $0xffff;
	_ =	sdelay $0x4  }
0x59: {  	v0 =	vadd.f32 v2, v0;
	_ =	sdelay $0x1  }
0x5a: {  	v2 =	vmul.f32 $2.000000030e-01, v0  }
0x5b: {  	vm0 =	vgt.f32 v0, $0.0e+00  }
0x5c: {  	v0 =	vsel vm0, v0, v2  }
0x5d: {  	v0 =	vmul.f32 $1.442695020e+00, v0;
	_ =	sdelay $0x1  }
0x5e: {  	(erf) = vpow2.f32 v0;
	_ =	sdelay $0x8  }
0x5f: {  	v0 =	vpop (erf)  }
0x60: {  	[tilespmem:v42+s12+$0x0] =	vst.idx.msk $0xffff, v0  }
0x61: {  	v0 =	vld.idx.msk [tilespmem:v3+s26+$0x0], $0xffff  }
0x62: {  	v2 =	vld.idx.msk [tilespmem:v3+s28+$0x0], $0xffff;
	_ =	sdelay $0x4  }
0x63: {  	v0 =	vadd.f32 v2, v0;
	_ =	sdelay $0x1  }
0x64: {  	v2 =	vmul.f32 $2.000000030e-01, v0  }
0x65: {  	vm9 =	vgt.f32 v0, $0.0e+00  }
0x66: {  	v0 =	vsel vm9, v0, v2  }
0x67: {  	v0 =	vmul.f32 $1.442695020e+00, v0;
	_ =	sdelay $0x1  }
0x68: {  	(erf) = vpow2.f32 v0;
	_ =	sdelay $0x1  }
0x69: {  	v2 =	vld [tilespmem:$0x1FEA0];
	_ =	sdelay $0x6  }
0x6a: {  	v0 =	vpop (erf)  }
0x6b: {  	[tilespmem:v2+s12+$0x0] =	vst.idx.msk $0xffff, v0  }
0x6c: {  	v0 =	vld.idx.msk [tilespmem:v5+s26+$0x0], $0xffff  }
0x6d: {  	v2 =	vld.idx.msk [tilespmem:v5+s28+$0x0], $0xffff;
	_ =	sdelay $0x4  }
0x6e: {  	v0 =	vadd.f32 v2, v0;
	_ =	sdelay $0x1  }
0x6f: {  	v2 =	vmul.f32 $2.000000030e-01, v0  }
0x70: {  	vm10 =	vgt.f32 v0, $0.0e+00  }
0x71: {  	v0 =	vsel vm10, v0, v2  }
0x72: {  	v0 =	vmul.f32 $1.442695020e+00, v0;
	_ =	sdelay $0x1  }
0x73: {  	(erf) = vpow2.f32 v0;
	_ =	sdelay $0x1  }
0x74: {  	v2 =	vld [tilespmem:$0x1FEB0];
	_ =	sdelay $0x6  }
0x75: {  	v0 =	vpop (erf)  }
0x76: {  	[tilespmem:v2+s12+$0x0] =	vst.idx.msk $0xffff, v0  }
0x77: {  	v0 =	vld.idx.msk [tilespmem:v7+s26+$0x0], $0xffff  }
0x78: {  	v2 =	vld.idx.msk [tilespmem:v7+s28+$0x0], $0xffff;
	_ =	sdelay $0x4  }
0x79: {  	v0 =	vadd.f32 v2, v0;
	_ =	sdelay $0x1  }
0x7a: {  	v2 =	vmul.f32 $2.000000030e-01, v0  }
0x7b: {  	vm11 =	vgt.f32 v0, $0.0e+00  }
0x7c: {  	v0 =	vsel vm11, v0, v2  }
0x7d: {  	v0 =	vmul.f32 $1.442695020e+00, v0;
	_ =	sdelay $0x1  }
0x7e: {  	(erf) = vpow2.f32 v0;
	_ =	sdelay $0x1  }
0x7f: {  	v2 =	vld [tilespmem:$0x1FEC0];
	_ =	sdelay $0x6  }
0x80: {  	v0 =	vpop (erf)  }
0x81: {  	[tilespmem:v2+s12+$0x0] =	vst.idx.msk $0xffff, v0  }
0x82: {  	v0 =	vld.idx.msk [tilespmem:v9+s26+$0x0], $0xffff  }
0x83: {  	v2 =	vld.idx.msk [tilespmem:v9+s28+$0x0], $0xffff;
	_ =	sdelay $0x4  }
0x84: {  	v0 =	vadd.f32 v2, v0;
	_ =	sdelay $0x1  }
0x85: {  	v2 =	vmul.f32 $2.000000030e-01, v0  }
0x86: {  	vm12 =	vgt.f32 v0, $0.0e+00  }
0x87: {  	v0 =	vsel vm12, v0, v2  }
0x88: {  	v0 =	vmul.f32 $1.442695020e+00, v0;
	_ =	sdelay $0x1  }
0x89: {  	(erf) = vpow2.f32 v0;
	_ =	sdelay $0x1  }
0x8a: {  	v2 =	vld [tilespmem:$0x1FED0];
	_ =	sdelay $0x6  }
0x8b: {  	v0 =	vpop (erf)  }
0x8c: {  	[tilespmem:v2+s12+$0x0] =	vst.idx.msk $0xffff, v0  }
0x8d: {  	v0 =	vld.idx.msk [tilespmem:v11+s26+$0x0], $0xffff  }
0x8e: {  	v2 =	vld.idx.msk [tilespmem:v11+s28+$0x0], $0xffff;
	_ =	sdelay $0x4  }
0x8f: {  	v0 =	vadd.f32 v2, v0;
	_ =	sdelay $0x1  }
0x90: {  	v2 =	vmul.f32 $2.000000030e-01, v0  }
0x91: {  	vm13 =	vgt.f32 v0, $0.0e+00  }
0x92: {  	v0 =	vsel vm13, v0, v2  }
0x93: {  	v0 =	vmul.f32 $1.442695020e+00, v0;
	_ =	sdelay $0x1  }
0x94: {  	(erf) = vpow2.f32 v0;
	_ =	sdelay $0x1  }
0x95: {  	v2 =	vld [tilespmem:$0x1FEE0];
	_ =	sdelay $0x6  }
0x96: {  	v0 =	vpop (erf)  }
0x97: {  	[tilespmem:v2+s12+$0x0] =	vst.idx.msk $0xffff, v0  }
0x98: {  	v0 =	vld.idx.msk [tilespmem:v13+s26+$0x0], $0xffff  }
0x99: {  	v2 =	vld.idx.msk [tilespmem:v13+s28+$0x0], $0xffff;
	_ =	sdelay $0x4  }
0x9a: {  	v0 =	vadd.f32 v2, v0;
	_ =	sdelay $0x1  }
0x9b: {  	v2 =	vmul.f32 $2.000000030e-01, v0  }
0x9c: {  	vm14 =	vgt.f32 v0, $0.0e+00  }
0x9d: {  	v0 =	vsel vm14, v0, v2  }
0x9e: {  	v0 =	vmul.f32 $1.442695020e+00, v0;
	_ =	sdelay $0x1  }
0x9f: {  	(erf) = vpow2.f32 v0;
	_ =	sdelay $0x1  }
0xa0: {  	v2 =	vld [tilespmem:$0x1FEF0];
	_ =	sdelay $0x6  }
0xa1: {  	v0 =	vpop (erf)  }
0xa2: {  	[tilespmem:v2+s12+$0x0] =	vst.idx.msk $0xffff, v0  }
0xa3: {  	v0 =	vld.idx.msk [tilespmem:v15+s26+$0x0], $0xffff  }
0xa4: {  	v2 =	vld.idx.msk [tilespmem:v15+s28+$0x0], $0xffff;
	_ =	sdelay $0x4  }
0xa5: {  	v0 =	vadd.f32 v2, v0;
	_ =	sdelay $0x1  }
0xa6: {  	v2 =	vmul.f32 $2.000000030e-01, v0  }
0xa7: {  	vm15 =	vgt.f32 v0, $0.0e+00  }
0xa8: {  	v0 =	vsel vm15, v0, v2  }
0xa9: {  	v0 =	vmul.f32 $1.442695020e+00, v0;
	_ =	sdelay $0x1  }
0xaa: {  	(erf) = vpow2.f32 v0;
	_ =	sdelay $0x1  }
0xab: {  	v2 =	vld [tilespmem:$0x1FF00];
	_ =	sdelay $0x6  }
0xac: {  	v0 =	vpop (erf)  }
0xad: {  	[tilespmem:v2+s12+$0x0] =	vst.idx.msk $0xffff, v0  }
0xae: {  	v0 =	vld.idx.msk [tilespmem:v17+s26+$0x0], $0xffff  }
0xaf: {  	v2 =	vld.idx.msk [tilespmem:v17+s28+$0x0], $0xffff;
	_ =	sdelay $0x4  }
0xb0: {  	v0 =	vadd.f32 v2, v0;
	_ =	sdelay $0x1  }
0xb1: {  	v2 =	vmul.f32 $2.000000030e-01, v0  }
0xb2: {  	vm4 =	vgt.f32 v0, $0.0e+00  }
0xb3: {  	v0 =	vsel vm4, v0, v2  }
0xb4: {  	v0 =	vmul.f32 $1.442695020e+00, v0;
	_ =	sdelay $0x1  }
0xb5: {  	(erf) = vpow2.f32 v0;
	_ =	sdelay $0x1  }
0xb6: {  	v2 =	vld [tilespmem:$0x1FF10];
	_ =	sdelay $0x6  }
0xb7: {  	v0 =	vpop (erf)  }
0xb8: {  	[tilespmem:v2+s12+$0x0] =	vst.idx.msk $0xffff, v0  }
0xb9: {  	v0 =	vld.idx.msk [tilespmem:v19+s26+$0x0], $0xffff  }
0xba: {  	v2 =	vld.idx.msk [tilespmem:v19+s28+$0x0], $0xffff;
	_ =	sdelay $0x4  }
0xbb: {  	v0 =	vadd.f32 v2, v0;
	_ =	sdelay $0x1  }
0xbc: {  	v2 =	vmul.f32 $2.000000030e-01, v0  }
0xbd: {  	vm5 =	vgt.f32 v0, $0.0e+00  }
0xbe: {  	v0 =	vsel vm5, v0, v2  }
0xbf: {  	v0 =	vmul.f32 $1.442695020e+00, v0;
	_ =	sdelay $0x1  }
0xc0: {  	(erf) = vpow2.f32 v0;
	_ =	sdelay $0x1  }
0xc1: {  	v2 =	vld [tilespmem:$0x1FF20];
	_ =	sdelay $0x6  }
0xc2: {  	v0 =	vpop (erf)  }
0xc3: {  	[tilespmem:v2+s12+$0x0] =	vst.idx.msk $0xffff, v0  }
0xc4: {  	v0 =	vld.idx.msk [tilespmem:v21+s26+$0x0], $0xffff  }
0xc5: {  	v2 =	vld.idx.msk [tilespmem:v21+s28+$0x0], $0xffff;
	_ =	sdelay $0x4  }
0xc6: {  	v0 =	vadd.f32 v2, v0;
	_ =	sdelay $0x1  }
0xc7: {  	v2 =	vmul.f32 $2.000000030e-01, v0  }
0xc8: {  	vm6 =	vgt.f32 v0, $0.0e+00  }
0xc9: {  	v0 =	vsel vm6, v0, v2  }
0xca: {  	v0 =	vmul.f32 $1.442695020e+00, v0;
	_ =	sdelay $0x1  }
0xcb: {  	(erf) = vpow2.f32 v0;
	_ =	sdelay $0x1  }
0xcc: {  	v2 =	vld [tilespmem:$0x1FF30];
	_ =	sdelay $0x6  }
0xcd: {  	v0 =	vpop (erf)  }
0xce: {  	[tilespmem:v2+s12+$0x0] =	vst.idx.msk $0xffff, v0  }
0xcf: {  	v0 =	vld.idx.msk [tilespmem:v23+s26+$0x0], $0xffff  }
0xd0: {  	v2 =	vld.idx.msk [tilespmem:v23+s28+$0x0], $0xffff;
	_ =	sdelay $0x4  }
0xd1: {  	v0 =	vadd.f32 v2, v0;
	_ =	sdelay $0x1  }
0xd2: {  	v2 =	vmul.f32 $2.000000030e-01, v0  }
0xd3: {  	vm7 =	vgt.f32 v0, $0.0e+00  }
0xd4: {  	v0 =	vsel vm7, v0, v2  }
0xd5: {  	v0 =	vmul.f32 $1.442695020e+00, v0;
	_ =	sdelay $0x1  }
0xd6: {  	(erf) = vpow2.f32 v0;
	_ =	sdelay $0x1  }
0xd7: {  	v2 =	vld [tilespmem:$0x1FF40];
	_ =	sdelay $0x6  }
0xd8: {  	v0 =	vpop (erf)  }
0xd9: {  	[tilespmem:v2+s12+$0x0] =	vst.idx.msk $0xffff, v0  }
0xda: {  	v0 =	vld.idx.msk [tilespmem:v25+s26+$0x0], $0xffff  }
0xdb: {  	v2 =	vld.idx.msk [tilespmem:v25+s28+$0x0], $0xffff;
	_ =	sdelay $0x4  }
0xdc: {  	v0 =	vadd.f32 v2, v0;
	_ =	sdelay $0x1  }
0xdd: {  	v2 =	vmul.f32 $2.000000030e-01, v0  }
0xde: {  	vm8 =	vgt.f32 v0, $0.0e+00  }
0xdf: {  	v0 =	vsel vm8, v0, v2  }
0xe0: {  	v0 =	vmul.f32 $1.442695020e+00, v0;
	_ =	sdelay $0x1  }
0xe1: {  	(erf) = vpow2.f32 v0;
	_ =	sdelay $0x1  }
0xe2: {  	v2 =	vld [tilespmem:$0x1FF50];
	_ =	sdelay $0x6  }
0xe3: {  	v0 =	vpop (erf)  }
0xe4: {  	[tilespmem:v2+s12+$0x0] =	vst.idx.msk $0xffff, v0  }
0xe5: {  	v0 =	vld.idx.msk [tilespmem:v27+s26+$0x0], $0xffff  }
0xe6: {  	v2 =	vld.idx.msk [tilespmem:v27+s28+$0x0], $0xffff;
	_ =	sdelay $0x4  }
0xe7: {  	v0 =	vadd.f32 v2, v0;
	_ =	sdelay $0x1  }
0xe8: {  	v2 =	vmul.f32 $2.000000030e-01, v0  }
0xe9: {  	vm9 =	vgt.f32 v0, $0.0e+00  }
0xea: {  	v0 =	vsel vm9, v0, v2  }
0xeb: {  	v0 =	vmul.f32 $1.442695020e+00, v0;
	_ =	sdelay $0x1  }
0xec: {  	(erf) = vpow2.f32 v0;
	_ =	sdelay $0x1  }
0xed: {  	v2 =	vld [tilespmem:$0x1FF60];
	_ =	sdelay $0x6  }
0xee: {  	v0 =	vpop (erf)  }
0xef: {  	[tilespmem:v2+s12+$0x0] =	vst.idx.msk $0xffff, v0  }
0xf0: {  	v0 =	vld.idx.msk [tilespmem:v29+s26+$0x0], $0xffff  }
0xf1: {  	v2 =	vld.idx.msk [tilespmem:v29+s28+$0x0], $0xffff;
	_ =	sdelay $0x4  }
0xf2: {  	v0 =	vadd.f32 v2, v0;
	_ =	sdelay $0x1  }
0xf3: {  	v2 =	vmul.f32 $2.000000030e-01, v0  }
0xf4: {  	vm10 =	vgt.f32 v0, $0.0e+00  }
0xf5: {  	v0 =	vsel vm10, v0, v2  }
0xf6: {  	v0 =	vmul.f32 $1.442695020e+00, v0;
	_ =	sdelay $0x1  }
0xf7: {  	(erf) = vpow2.f32 v0;
	_ =	sdelay $0x1  }
0xf8: {  	v2 =	vld [tilespmem:$0x1FF70];
	_ =	sdelay $0x6  }
0xf9: {  	v0 =	vpop (erf)  }
0xfa: {  	[tilespmem:v2+s12+$0x0] =	vst.idx.msk $0xffff, v0  }
0xfb: {  	v0 =	vld.idx.msk [tilespmem:v31+s26+$0x0], $0xffff  }
0xfc: {  	v2 =	vld.idx.msk [tilespmem:v31+s28+$0x0], $0xffff;
	_ =	sdelay $0x4  }
0xfd: {  	v0 =	vadd.f32 v2, v0;
	_ =	sdelay $0x1  }
0xfe: {  	v2 =	vmul.f32 $2.000000030e-01, v0  }
0xff: {  	vm11 =	vgt.f32 v0, $0.0e+00  }
0x100: {  	v0 =	vsel vm11, v0, v2  }
0x101: {  	v0 =	vmul.f32 $1.442695020e+00, v0;
	_ =	sdelay $0x1  }
0x102: {  	(erf) = vpow2.f32 v0;
	_ =	sdelay $0x1  }
0x103: {  	v2 =	vld [tilespmem:$0x1FF80];
	_ =	sdelay $0x6  }
0x104: {  	v0 =	vpop (erf)  }
0x105: {  	[tilespmem:v2+s12+$0x0] =	vst.idx.msk $0xffff, v0  }
0x106: {  	v0 =	vld.idx.msk [tilespmem:v33+s26+$0x0], $0xffff  }
0x107: {  	v2 =	vld.idx.msk [tilespmem:v33+s28+$0x0], $0xffff;
	_ =	sdelay $0x4  }
0x108: {  	v0 =	vadd.f32 v2, v0;
	_ =	sdelay $0x1  }
0x109: {  	v2 =	vmul.f32 $2.000000030e-01, v0  }
0x10a: {  	vm12 =	vgt.f32 v0, $0.0e+00  }
0x10b: {  	v0 =	vsel vm12, v0, v2  }
0x10c: {  	v0 =	vmul.f32 $1.442695020e+00, v0;
	_ =	sdelay $0x1  }
0x10d: {  	(erf) = vpow2.f32 v0;
	_ =	sdelay $0x1  }
0x10e: {  	v2 =	vld [tilespmem:$0x1FF90];
	_ =	sdelay $0x6  }
0x10f: {  	v0 =	vpop (erf)  }
0x110: {  	[tilespmem:v2+s12+$0x0] =	vst.idx.msk $0xffff, v0  }
0x111: {  	v0 =	vld.idx.msk [tilespmem:v35+s26+$0x0], $0xffff  }
0x112: {  	v2 =	vld.idx.msk [tilespmem:v35+s28+$0x0], $0xffff;
	_ =	sdelay $0x4  }
0x113: {  	v0 =	vadd.f32 v2, v0;
	_ =	sdelay $0x1  }
0x114: {  	v2 =	vmul.f32 $2.000000030e-01, v0  }
0x115: {  	vm13 =	vgt.f32 v0, $0.0e+00  }
0x116: {  	v0 =	vsel vm13, v0, v2  }
0x117: {  	v0 =	vmul.f32 $1.442695020e+00, v0;
	_ =	sdelay $0x1  }
0x118: {  	(erf) = vpow2.f32 v0;
	_ =	sdelay $0x1  }
0x119: {  	v2 =	vld [tilespmem:$0x1FFA0];
	_ =	sdelay $0x6  }
0x11a: {  	v0 =	vpop (erf)  }
0x11b: {  	[tilespmem:v2+s12+$0x0] =	vst.idx.msk $0xffff, v0  }
0x11c: {  	v0 =	vld.idx.msk [tilespmem:v37+s26+$0x0], $0xffff  }
0x11d: {  	v2 =	vld.idx.msk [tilespmem:v37+s28+$0x0], $0xffff;
	_ =	sdelay $0x4  }
0x11e: {  	v0 =	vadd.f32 v2, v0;
	_ =	sdelay $0x1  }
0x11f: {  	v2 =	vmul.f32 $2.000000030e-01, v0  }
0x120: {  	vm14 =	vgt.f32 v0, $0.0e+00  }
0x121: {  	v0 =	vsel vm14, v0, v2  }
0x122: {  	v0 =	vmul.f32 $1.442695020e+00, v0;
	_ =	sdelay $0x1  }
0x123: {  	(erf) = vpow2.f32 v0;
	_ =	sdelay $0x1  }
0x124: {  	v2 =	vld [tilespmem:$0x1FFB0];
	_ =	sdelay $0x6  }
0x125: {  	v0 =	vpop (erf)  }
0x126: {  	[tilespmem:v2+s12+$0x0] =	vst.idx.msk $0xffff, v0  }
0x127: {  	v0 =	vld.idx.msk [tilespmem:v39+s26+$0x0], $0xffff  }
0x128: {  	v2 =	vld.idx.msk [tilespmem:v39+s28+$0x0], $0xffff;
	_ =	sdelay $0x4  }
0x129: {  	v0 =	vadd.f32 v2, v0;
	_ =	sdelay $0x1  }
0x12a: {  	v2 =	vmul.f32 $2.000000030e-01, v0  }
0x12b: {  	vm15 =	vgt.f32 v0, $0.0e+00  }
0x12c: {  	v0 =	vsel vm15, v0, v2  }
0x12d: {  	v0 =	vmul.f32 $1.442695020e+00, v0;
	_ =	sdelay $0x1  }
0x12e: {  	(erf) = vpow2.f32 v0;
	_ =	sdelay $0x1  }
0x12f: {  	v2 =	vld [tilespmem:$0x1FFC0];
	_ =	sdelay $0x6  }
0x130: {  	v0 =	vpop (erf)  }
0x131: {  	[tilespmem:v2+s12+$0x0] =	vst.idx.msk $0xffff, v0  }
0x132: {  	v0 =	vld.idx.msk [tilespmem:v41+s26+$0x0], $0xffff  }
0x133: {  	v2 =	vld.idx.msk [tilespmem:v41+s28+$0x0], $0xffff;
	_ =	sdelay $0x4  }
0x134: {  	v0 =	vadd.f32 v2, v0;
	_ =	sdelay $0x1  }
0x135: {  	v2 =	vmul.f32 $2.000000030e-01, v0  }
0x136: {  	vm4 =	vgt.f32 v0, $0.0e+00  }
0x137: {  	v0 =	vsel vm4, v0, v2  }
0x138: {  	v0 =	vmul.f32 $1.442695020e+00, v0;
	_ =	sdelay $0x1  }
0x139: {  	(erf) = vpow2.f32 v0;
	_ =	sdelay $0x1  }
0x13a: {  	v2 =	vld [tilespmem:$0x1FFD0];
	_ =	sdelay $0x6  }
0x13b: {  	v0 =	vpop (erf)  }
0x13c: {  	[tilespmem:v2+s12+$0x0] =	vst.idx.msk $0xffff, v0  }
0x13d: {  	v0 =	vld.idx.msk [tilespmem:v43+s26+$0x0], $0xffff  }
0x13e: {  	v2 =	vld.idx.msk [tilespmem:v43+s28+$0x0], $0xffff;
	_ =	sdelay $0x4  }
0x13f: {  	v0 =	vadd.f32 v2, v0;
	_ =	sdelay $0x1  }
0x140: {  	v2 =	vmul.f32 $2.000000030e-01, v0  }
0x141: {  	vm5 =	vgt.f32 v0, $0.0e+00  }
0x142: {  	v0 =	vsel vm5, v0, v2  }
0x143: {  	v0 =	vmul.f32 $1.442695020e+00, v0;
	_ =	sdelay $0x1  }
0x144: {  	(erf) = vpow2.f32 v0;
	_ =	sdelay $0x1  }
0x145: {  	v2 =	vld [tilespmem:$0x1FFE0];
	_ =	sdelay $0x6  }
0x146: {  	v0 =	vpop (erf)  }
0x147: {  	[tilespmem:v2+s12+$0x0] =	vst.idx.msk $0xffff, v0  }
0x148: {  	v0 =	vld.idx.msk [tilespmem:v45+s26+$0x0], $0xffff  }
0x149: {  	v2 =	vld.idx.msk [tilespmem:v45+s28+$0x0], $0xffff;
	_ =	sdelay $0x4  }
0x14a: {  	v0 =	vadd.f32 v2, v0;
	_ =	sdelay $0x1  }
0x14b: {  	v2 =	vmul.f32 $2.000000030e-01, v0  }
0x14c: {  	vm6 =	vgt.f32 v0, $0.0e+00  }
0x14d: {  	v0 =	vsel vm6, v0, v2  }
0x14e: {  	v0 =	vmul.f32 $1.442695020e+00, v0;
	_ =	sdelay $0x1  }
0x14f: {  	(erf) = vpow2.f32 v0;
	_ =	sdelay $0x8  }
0x150: {  	v0 =	vpop (erf)  }
0x151: {  	[tilespmem:v46+s12+$0x0] =	vst.idx.msk $0xffff, v0  }
0x152: {  	v0 =	vld.idx.msk [tilespmem:v47+s26+$0x0], $0xffff  }
0x153: {  	v2 =	vld.idx.msk [tilespmem:v47+s28+$0x0], $0xffff;
	_ =	sdelay $0x4  }
0x154: {  	v0 =	vadd.f32 v2, v0;
	_ =	sdelay $0x1  }
0x155: {  	v2 =	vmul.f32 $2.000000030e-01, v0  }
0x156: {  	vm7 =	vgt.f32 v0, $0.0e+00  }
0x157: {  	v0 =	vsel vm7, v0, v2  }
0x158: {  	v0 =	vmul.f32 $1.442695020e+00, v0;
	_ =	sdelay $0x1  }
0x159: {  	(erf) = vpow2.f32 v0;
	_ =	sdelay $0x8  }
0x15a: {  	v0 =	vpop (erf)  }
0x15b: {  	[tilespmem:v48+s12+$0x0] =	vst.idx.msk $0xffff, v0  }
0x15c: {  	v0 =	vld.idx.msk [tilespmem:v49+s26+$0x0], $0xffff  }
0x15d: {  	v2 =	vld.idx.msk [tilespmem:v49+s28+$0x0], $0xffff;
	_ =	sdelay $0x4  }
0x15e: {  	v0 =	vadd.f32 v2, v0;
	_ =	sdelay $0x1  }
0x15f: {  	v2 =	vmul.f32 $2.000000030e-01, v0  }
0x160: {  	vm8 =	vgt.f32 v0, $0.0e+00  }
0x161: {  	v0 =	vsel vm8, v0, v2  }
0x162: {  	v0 =	vmul.f32 $1.442695020e+00, v0;
	_ =	sdelay $0x1  }
0x163: {  	(erf) = vpow2.f32 v0;
	_ =	sdelay $0x8  }
0x164: {  	v0 =	vpop (erf)  }
0x165: {  	[tilespmem:v50+s12+$0x0] =	vst.idx.msk $0xffff, v0  }
0x166: {  	v0 =	vld.idx.msk [tilespmem:v51+s26+$0x0], $0xffff  }
0x167: {  	v2 =	vld.idx.msk [tilespmem:v51+s28+$0x0], $0xffff;
	_ =	sdelay $0x4  }
0x168: {  	v0 =	vadd.f32 v2, v0;
	_ =	sdelay $0x1  }
0x169: {  	v2 =	vmul.f32 $2.000000030e-01, v0  }
0x16a: {  	vm9 =	vgt.f32 v0, $0.0e+00  }
0x16b: {  	v0 =	vsel vm9, v0, v2  }
0x16c: {  	v0 =	vmul.f32 $1.442695020e+00, v0;
	_ =	sdelay $0x1  }
0x16d: {  	(erf) = vpow2.f32 v0;
	_ =	sdelay $0x8  }
0x16e: {  	v0 =	vpop (erf)  }
0x16f: {  	[tilespmem:v52+s12+$0x0] =	vst.idx.msk $0xffff, v0  }
0x170: {  	v0 =	vld.idx.msk [tilespmem:v53+s26+$0x0], $0xffff  }
0x171: {  	v2 =	vld.idx.msk [tilespmem:v53+s28+$0x0], $0xffff;
	_ =	sdelay $0x4  }
0x172: {  	v0 =	vadd.f32 v2, v0;
	_ =	sdelay $0x1  }
0x173: {  	v2 =	vmul.f32 $2.000000030e-01, v0  }
0x174: {  	vm10 =	vgt.f32 v0, $0.0e+00  }
0x175: {  	v0 =	vsel vm10, v0, v2  }
0x176: {  	v0 =	vmul.f32 $1.442695020e+00, v0;
	_ =	sdelay $0x1  }
0x177: {  	(erf) = vpow2.f32 v0;
	_ =	sdelay $0x8  }
0x178: {  	v0 =	vpop (erf)  }
0x179: {  	[tilespmem:v54+s12+$0x0] =	vst.idx.msk $0xffff, v0  }
0x17a: {  	v0 =	vld.idx.msk [tilespmem:v55+s26+$0x0], $0xffff  }
0x17b: {  	v2 =	vld.idx.msk [tilespmem:v55+s28+$0x0], $0xffff;
	_ =	sdelay $0x4  }
0x17c: {  	v0 =	vadd.f32 v2, v0;
	_ =	sdelay $0x1  }
0x17d: {  	v2 =	vmul.f32 $2.000000030e-01, v0  }
0x17e: {  	vm11 =	vgt.f32 v0, $0.0e+00  }
0x17f: {  	v0 =	vsel vm11, v0, v2  }
0x180: {  	v0 =	vmul.f32 $1.442695020e+00, v0;
	_ =	sdelay $0x1  }
0x181: {  	(erf) = vpow2.f32 v0;
	_ =	sdelay $0x8  }
0x182: {  	v0 =	vpop (erf)  }
0x183: {  	[tilespmem:v56+s12+$0x0] =	vst.idx.msk $0xffff, v0  }
0x184: {  	v0 =	vld.idx.msk [tilespmem:v57+s26+$0x0], $0xffff  }
0x185: {  	v2 =	vld.idx.msk [tilespmem:v57+s28+$0x0], $0xffff;
	_ =	sdelay $0x4  }
0x186: {  	v0 =	vadd.f32 v2, v0;
	_ =	sdelay $0x1  }
0x187: {  	v2 =	vmul.f32 $2.000000030e-01, v0  }
0x188: {  	vm12 =	vgt.f32 v0, $0.0e+00  }
0x189: {  	v0 =	vsel vm12, v0, v2  }
0x18a: {  	v0 =	vmul.f32 $1.442695020e+00, v0;
	_ =	sdelay $0x1  }
0x18b: {  	(erf) = vpow2.f32 v0;
	_ =	sdelay $0x8  }
0x18c: {  	v0 =	vpop (erf)  }
0x18d: {  	[tilespmem:v58+s12+$0x0] =	vst.idx.msk $0xffff, v0  }
0x18e: {  	v0 =	vld.idx.msk [tilespmem:v59+s26+$0x0], $0xffff  }
0x18f: {  	v2 =	vld.idx.msk [tilespmem:v59+s28+$0x0], $0xffff;
	_ =	sdelay $0x4  }
0x190: {  	v0 =	vadd.f32 v2, v0;
	_ =	sdelay $0x1  }
0x191: {  	v2 =	vmul.f32 $2.000000030e-01, v0  }
0x192: {  	vm13 =	vgt.f32 v0, $0.0e+00  }
0x193: {  	v0 =	vsel vm13, v0, v2  }
0x194: {  	v0 =	vmul.f32 $1.442695020e+00, v0;
	_ =	sdelay $0x1  }
0x195: {  	(erf) = vpow2.f32 v0;
	_ =	sdelay $0x8  }
0x196: {  	v0 =	vpop (erf)  }
0x197: {  	[tilespmem:v60+s12+$0x0] =	vst.idx.msk $0xffff, v0  }
0x198: {  	v0 =	vld.idx.msk [tilespmem:v61+s26+$0x0], $0xffff  }
0x199: {  	v2 =	vld.idx.msk [tilespmem:v61+s28+$0x0], $0xffff;
	_ =	sdelay $0x4  }
0x19a: {  	v0 =	vadd.f32 v2, v0;
	_ =	sdelay $0x1  }
0x19b: {  	v2 =	vmul.f32 $2.000000030e-01, v0  }
0x19c: {  	vm14 =	vgt.f32 v0, $0.0e+00  }
0x19d: {  	v0 =	vsel vm14, v0, v2  }
0x19e: {  	v0 =	vmul.f32 $1.442695020e+00, v0;
	_ =	sdelay $0x1  }
0x19f: {  	(erf) = vpow2.f32 v0;
	_ =	sdelay $0x5  }
0x1a0: {  	v63 =	vor.u32 $0x307, v1;
	_ =	sdelay $0x2  }
0x1a1: {  	v0 =	vpop (erf)  }
0x1a2: {  	[tilespmem:v62+s12+$0x0] =	vst.idx.msk $0xffff, v0  }
0x1a3: {  	v0 =	vld.idx.msk [tilespmem:v63+s26+$0x0], $0xffff  }
0x1a4: {  	v2 =	vld.idx.msk [tilespmem:v63+s28+$0x0], $0xffff;
	_ =	sdelay $0x4  }
0x1a5: {  	v0 =	vadd.f32 v2, v0;
	_ =	sdelay $0x1  }
0x1a6: {  	v2 =	vmul.f32 $2.000000030e-01, v0  }
0x1a7: {  	vm15 =	vgt.f32 v0, $0.0e+00  }
0x1a8: {  	v0 =	vsel vm15, v0, v2  }
0x1a9: {  	v0 =	vmul.f32 $1.442695020e+00, v0;
	_ =	sdelay $0x1  }
0x1aa: {  	(erf) = vpow2.f32 v0;
	v0 =	vld [tilespmem:$0x1FFF0];
	_ =	sdelay $0x4  }
0x1ab: {  	v0 =	vadd.s32 $0x1A07, v0;
	_ =	sdelay $0x3  }
0x1ac: {  	v2 =	vpop (erf)  }
0x1ad: {  	v44 =	vmov v42;
	s10 =	simm.s32 $0x0;
	[tilespmem:v0+s12+$0x0] =	vst.idx.msk $0xffff, v2  }
.LBB2_3:
0x1ae: {  	s0 =	smul.u32 $0x220, s10  }
0x1af: {  	s1 =	sor.u32 $0x1, s10;
	s16 =	sshll.u32 s10, $0x7  }
0x1b0: {  	s17 =	sor.u32 $0x2, s10;
	s8 =	sor.u32 $0x3, s10;
	s3 =	sshra.s32 s0, $0x2  }
0x1b1: {  	s2 =	smul.u32 $0x220, s1;
	s1 =	sshll.u32 s1, $0x7;
	s0 =	sand.u32 $0x3FFFFF80, s16;
	v2 =	vld [tilespmem:s3+$0x1A1B8]  }
0x1b2: {  	s7 =	smul.u32 $0x220, s17;
	s29 =	sshll.u32 s8, $0x7;
	s4 =	sand.u32 $0x3FFFFF80, s1;
	v4 =	vld [tilespmem:s0+$0x15140]  }
0x1b3: {  	s18 =	smul.u32 $0x220, s8;
	s8 =	sand.u32 $0x3FFFFF80, s29;
	v14 =	vld [tilespmem:s4+$0x15140]  }
0x1b4: {  	s24 =	sor.u32 $0x4, s10;
	s9 =	sshra.s32 s2, $0x2;
	v24 =	vld [tilespmem:s8+$0x15140]  }
0x1b5: {  	s14 =	smul.u32 $0x220, s24;
	s30 =	sshra.s32 s7, $0x2;
	v6 =	vld [tilespmem:s9+$0x1A1B8]  }
0x1b6: {  	s15 =	sor.u32 $0x5, s10;
	s13 =	sshra.s32 s18, $0x2;
	v8 =	vld [tilespmem:s30+$0x1A1B8]  }
0x1b7: {  	s16 =	smul.u32 $0x220, s15;
	s15 =	sshll.u32 s15, $0x7;
	s1 =	sshra.s32 s14, $0x2;
	v10 =	vld [tilespmem:s13+$0x1A1B8]  }
0x1b8: {  	s2 =	sshll.u32 s17, $0x7;
	s17 =	sand.u32 $0x3FFFFF80, s15;
	v12 =	vld [tilespmem:s1+$0x1A1B8]  }
0x1b9: {  	s18 =	sor.u32 $0x6, s10;
	s7 =	sand.u32 $0x3FFFFF80, s2;
	s2 =	sshll.u32 s24, $0x7;
	v28 =	vld [tilespmem:s17+$0x15140]  }
0x1ba: {  	s29 =	sor.u32 $0x7, s10;
	s5 =	smul.u32 $0x220, s18;
	v22 =	vld [tilespmem:s7+$0x15140];
	s31 =	sand.u32 $0x3FFFFF80, s2  }
0x1bb: {  	s6 =	smul.u32 $0x220, s29;
	s2 =	sshra.s32 s16, $0x2;
	v26 =	vld [tilespmem:s31+$0x15140]  }
0x1bc: {  	v18 =	vld [tilespmem:s2+$0x1A1B8];
	s16 =	sshra.s32 s5, $0x2;
	v16 =	vbroadcast v2, $0x8  }
0x1bd: {  	s18 =	sshll.u32 s18, $0x7;
	s15 =	sshra.s32 s6, $0x2;
	v20 =	vld [tilespmem:s16+$0x1A1B8];
	v30 =	vbroadcast v6, $0x8  }
0x1be: {  	s29 =	sshll.u32 s29, $0x7;
	s18 =	sand.u32 $0x3FFFFF80, s18;
	v32 =	vbroadcast v8, $0x8;
	v4 =	vmul.f32 v4, v16;
	v16 =	vld [tilespmem:s15+$0x1A1B8]  }
0x1bf: {  	s29 =	sand.u32 $0x3FFFFF80, s29;
	v34 =	vld [tilespmem:s18+$0x15140];
	v14 =	vmul.f32 v14, v30;
	v30 =	vbroadcast v10, $0x8  }
0x1c0: {  	v42 =	vld [tilespmem:s29+$0x15140];
	[tilespmem:s3+$0x1A140] =	vst v4;
	v4 =	vmul.f32 v22, v32;
	v22 =	vbroadcast v12, $0x8  }
0x1c1: {  	v36 =	vld [tilespmem:s0+$0x15150];
	[tilespmem:s9+$0x1A140] =	vst v14;
	v14 =	vmul.f32 v24, v30;
	v24 =	vbroadcast v18, $0x8  }
0x1c2: {  	v30 =	vld [tilespmem:s4+$0x15150];
	[tilespmem:s30+$0x1A140] =	vst v4;
	v4 =	vmul.f32 v26, v22;
	v22 =	vbroadcast v20, $0x8  }
0x1c3: {  	v26 =	vld [tilespmem:s7+$0x15150];
	[tilespmem:s13+$0x1A140] =	vst v14;
	v14 =	vmul.f32 v28, v24;
	v24 =	vbroadcast v16, $0x8  }
0x1c4: {  	v28 =	vbroadcast v2, $0x9;
	v38 =	vld [tilespmem:s8+$0x15150];
	[tilespmem:s1+$0x1A140] =	vst v4;
	v4 =	vmul.f32 v34, v22  }
0x1c5: {  	v22 =	vbroadcast v6, $0x9;
	v40 =	vld [tilespmem:s31+$0x15150];
	[tilespmem:s2+$0x1A140] =	vst v14;
	v14 =	vmul.f32 v42, v24  }
0x1c6: {  	v24 =	vmul.f32 v36, v28;
	v28 =	vbroadcast v8, $0x9;
	v42 =	vld [tilespmem:s17+$0x15150];
	[tilespmem:s16+$0x1A140] =	vst v4  }
0x1c7: {  	v4 =	vmul.f32 v30, v22;
	v22 =	vbroadcast v10, $0x9;
	v30 =	vld [tilespmem:s18+$0x15150];
	[tilespmem:s15+$0x1A140] =	vst v14  }
0x1c8: {  	[tilespmem:s3+$0x1A150] =	vst v24;
	v14 =	vmul.f32 v26, v28;
	v24 =	vbroadcast v12, $0x9;
	v26 =	vld [tilespmem:s29+$0x15150]  }
0x1c9: {  	v28 =	vld [tilespmem:s0+$0x15160];
	[tilespmem:s9+$0x1A150] =	vst v4;
	v4 =	vmul.f32 v38, v22;
	v22 =	vbroadcast v18, $0x9  }
0x1ca: {  	v36 =	vld [tilespmem:s4+$0x15160];
	[tilespmem:s30+$0x1A150] =	vst v14;
	v14 =	vmul.f32 v40, v24;
	v24 =	vbroadcast v20, $0x9  }
0x1cb: {  	v34 =	vld [tilespmem:s7+$0x15160];
	[tilespmem:s13+$0x1A150] =	vst v4;
	v4 =	vmul.f32 v42, v22;
	v22 =	vbroadcast v16, $0x9  }
0x1cc: {  	v40 =	vbroadcast v2, $0xA;
	v42 =	vld [tilespmem:s8+$0x15160];
	[tilespmem:s1+$0x1A150] =	vst v14;
	v14 =	vmul.f32 v30, v24  }
0x1cd: {  	v24 =	vbroadcast v6, $0xA;
	v30 =	vld [tilespmem:s31+$0x15160];
	[tilespmem:s2+$0x1A150] =	vst v4;
	v4 =	vmul.f32 v26, v22  }
0x1ce: {  	v26 =	vbroadcast v8, $0xA;
	v22 =	vmul.f32 v28, v40;
	v28 =	vld [tilespmem:s17+$0x15160];
	[tilespmem:s16+$0x1A150] =	vst v14  }
0x1cf: {  	v14 =	vmul.f32 v36, v24;
	v24 =	vbroadcast v10, $0xA;
	v40 =	vld [tilespmem:s18+$0x15160];
	[tilespmem:s15+$0x1A150] =	vst v4  }
0x1d0: {  	[tilespmem:s3+$0x1A160] =	vst v22;
	v4 =	vmul.f32 v34, v26;
	v22 =	vbroadcast v12, $0xA;
	v26 =	vld [tilespmem:s29+$0x15160]  }
0x1d1: {  	v34 =	vld [tilespmem:s0+$0x15170];
	[tilespmem:s9+$0x1A160] =	vst v14;
	v14 =	vmul.f32 v42, v24;
	v24 =	vbroadcast v18, $0xA  }
0x1d2: {  	v42 =	vld [tilespmem:s4+$0x15170];
	[tilespmem:s30+$0x1A160] =	vst v4;
	v4 =	vmul.f32 v30, v22;
	v22 =	vbroadcast v20, $0xA  }
0x1d3: {  	v30 =	vld [tilespmem:s7+$0x15170];
	[tilespmem:s13+$0x1A160] =	vst v14;
	v14 =	vmul.f32 v28, v24;
	v24 =	vbroadcast v16, $0xA  }
0x1d4: {  	v28 =	vbroadcast v2, $0xB;
	v38 =	vld [tilespmem:s8+$0x15170];
	[tilespmem:s1+$0x1A160] =	vst v4;
	v4 =	vmul.f32 v40, v22  }
0x1d5: {  	v22 =	vbroadcast v6, $0xB;
	v40 =	vld [tilespmem:s31+$0x15170];
	[tilespmem:s2+$0x1A160] =	vst v14;
	v14 =	vmul.f32 v26, v24  }
0x1d6: {  	v26 =	vbroadcast v8, $0xB;
	v24 =	vmul.f32 v34, v28;
	v28 =	vld [tilespmem:s17+$0x15170];
	[tilespmem:s16+$0x1A160] =	vst v4  }
0x1d7: {  	v4 =	vmul.f32 v42, v22;
	v22 =	vbroadcast v10, $0xB;
	v42 =	vld [tilespmem:s18+$0x15170];
	[tilespmem:s15+$0x1A160] =	vst v14  }
0x1d8: {  	[tilespmem:s3+$0x1A170] =	vst v24;
	v14 =	vmul.f32 v30, v26;
	v24 =	vbroadcast v12, $0xB;
	v26 =	vld [tilespmem:s29+$0x15170]  }
0x1d9: {  	v30 =	vld [tilespmem:s0+$0x15180];
	[tilespmem:s9+$0x1A170] =	vst v4;
	v4 =	vmul.f32 v38, v22;
	v22 =	vbroadcast v18, $0xB  }
0x1da: {  	v36 =	vld [tilespmem:s4+$0x15180];
	[tilespmem:s30+$0x1A170] =	vst v14;
	v14 =	vmul.f32 v40, v24;
	v24 =	vbroadcast v20, $0xB  }
0x1db: {  	v32 =	vld [tilespmem:s7+$0x15180];
	[tilespmem:s13+$0x1A170] =	vst v4;
	v4 =	vmul.f32 v28, v22;
	v22 =	vbroadcast v16, $0xB  }
0x1dc: {  	v28 =	vbroadcast v2, $0xC;
	v40 =	vld [tilespmem:s8+$0x15180];
	[tilespmem:s1+$0x1A170] =	vst v14;
	v14 =	vmul.f32 v42, v24  }
0x1dd: {  	v24 =	vbroadcast v6, $0xC;
	v42 =	vld [tilespmem:s31+$0x15180];
	[tilespmem:s2+$0x1A170] =	vst v4;
	v4 =	vmul.f32 v26, v22  }
0x1de: {  	v26 =	vbroadcast v8, $0xC;
	v22 =	vmul.f32 v30, v28;
	v28 =	vld [tilespmem:s17+$0x15180];
	[tilespmem:s16+$0x1A170] =	vst v14  }
0x1df: {  	v14 =	vmul.f32 v36, v24;
	v24 =	vbroadcast v10, $0xC;
	v30 =	vld [tilespmem:s18+$0x15180];
	[tilespmem:s15+$0x1A170] =	vst v4  }
0x1e0: {  	[tilespmem:s3+$0x1A180] =	vst v22;
	v4 =	vmul.f32 v32, v26;
	v22 =	vbroadcast v12, $0xC;
	v26 =	vld [tilespmem:s29+$0x15180]  }
0x1e1: {  	v32 =	vld [tilespmem:s0+$0x15190];
	[tilespmem:s9+$0x1A180] =	vst v14;
	v14 =	vmul.f32 v40, v24;
	v24 =	vbroadcast v18, $0xC  }
0x1e2: {  	v40 =	vld [tilespmem:s4+$0x15190];
	[tilespmem:s30+$0x1A180] =	vst v4;
	v4 =	vmul.f32 v42, v22;
	v22 =	vbroadcast v20, $0xC  }
0x1e3: {  	v34 =	vld [tilespmem:s7+$0x15190];
	[tilespmem:s13+$0x1A180] =	vst v14;
	v14 =	vmul.f32 v28, v24;
	v24 =	vbroadcast v16, $0xC  }
0x1e4: {  	v28 =	vbroadcast v2, $0xD;
	v42 =	vld [tilespmem:s8+$0x15190];
	[tilespmem:s1+$0x1A180] =	vst v4;
	v4 =	vmul.f32 v30, v22  }
0x1e5: {  	v22 =	vbroadcast v6, $0xD;
	v30 =	vld [tilespmem:s31+$0x15190];
	[tilespmem:s2+$0x1A180] =	vst v14;
	v14 =	vmul.f32 v26, v24  }
0x1e6: {  	v26 =	vbroadcast v8, $0xD;
	v24 =	vmul.f32 v32, v28;
	v28 =	vld [tilespmem:s17+$0x15190];
	[tilespmem:s16+$0x1A180] =	vst v4  }
0x1e7: {  	v4 =	vmul.f32 v40, v22;
	v22 =	vbroadcast v10, $0xD;
	v40 =	vld [tilespmem:s18+$0x15190];
	[tilespmem:s15+$0x1A180] =	vst v14  }
0x1e8: {  	[tilespmem:s3+$0x1A190] =	vst v24;
	v14 =	vmul.f32 v34, v26;
	v24 =	vbroadcast v12, $0xD;
	v26 =	vld [tilespmem:s29+$0x15190]  }
0x1e9: {  	v34 =	vld [tilespmem:s0+$0x151A0];
	[tilespmem:s9+$0x1A190] =	vst v4;
	v4 =	vmul.f32 v42, v22;
	v22 =	vbroadcast v18, $0xD  }
0x1ea: {  	v42 =	vld [tilespmem:s4+$0x151A0];
	[tilespmem:s30+$0x1A190] =	vst v14;
	v14 =	vmul.f32 v30, v24;
	v24 =	vbroadcast v20, $0xD  }
0x1eb: {  	v30 =	vld [tilespmem:s7+$0x151A0];
	[tilespmem:s13+$0x1A190] =	vst v4;
	v4 =	vmul.f32 v28, v22;
	v22 =	vbroadcast v16, $0xD  }
0x1ec: {  	v28 =	vbroadcast v2, $0xE;
	v38 =	vld [tilespmem:s8+$0x151A0];
	[tilespmem:s1+$0x1A190] =	vst v14;
	v14 =	vmul.f32 v40, v24  }
0x1ed: {  	v24 =	vbroadcast v6, $0xE;
	v40 =	vld [tilespmem:s31+$0x151A0];
	[tilespmem:s2+$0x1A190] =	vst v4;
	v4 =	vmul.f32 v26, v22  }
0x1ee: {  	v26 =	vbroadcast v8, $0xE;
	v22 =	vmul.f32 v34, v28;
	v28 =	vld [tilespmem:s17+$0x151A0];
	[tilespmem:s16+$0x1A190] =	vst v14  }
0x1ef: {  	v14 =	vmul.f32 v42, v24;
	v42 =	vld [tilespmem:s18+$0x151A0];
	[tilespmem:s15+$0x1A190] =	vst v4  }
0x1f0: {  	v24 =	vbroadcast v10, $0xE;
	[tilespmem:s3+$0x1A1A0] =	vst v22;
	v4 =	vmul.f32 v30, v26;
	v26 =	vld [tilespmem:s29+$0x151A0]  }
0x1f1: {  	s24 =	sor.u32 $0x8, s10;
	v22 =	vbroadcast v12, $0xE;
	v30 =	vld [tilespmem:s0+$0x151B0];
	[tilespmem:s9+$0x1A1A0] =	vst v14  }
0x1f2: {  	v14 =	vmul.f32 v38, v24;
	v24 =	vbroadcast v18, $0xE;
	s0 =	sshll.u32 s24, $0x7;
	v36 =	vld [tilespmem:s4+$0x151B0];
	[tilespmem:s30+$0x1A1A0] =	vst v4  }
0x1f3: {  	v4 =	vmul.f32 v40, v22;
	v22 =	vbroadcast v20, $0xE;
	s14 =	sand.u32 $0x3FFFFF80, s0;
	v32 =	vld [tilespmem:s7+$0x151B0]  }
0x1f4: {  	[tilespmem:s13+$0x1A1A0] =	vst v14;
	v14 =	vmul.f32 v28, v24;
	v24 =	vbroadcast v16, $0xE;
	v38 =	vld [tilespmem:s14+$0x15140]  }
0x1f5: {  	v28 =	vld [tilespmem:s8+$0x151B0];
	[tilespmem:s1+$0x1A1A0] =	vst v4;
	v4 =	vmul.f32 v42, v22  }
0x1f6: {  	s8 =	sor.u32 $0xA, s10;
	v22 =	vld [tilespmem:s31+$0x151B0];
	[tilespmem:s2+$0x1A1A0] =	vst v14;
	v14 =	vmul.f32 v26, v24;
	s31 =	smul.u32 $0x220, s24  }
0x1f7: {  	s24 =	smul.u32 $0x220, s8;
	v24 =	vld [tilespmem:s17+$0x151B0];
	[tilespmem:s16+$0x1A1A0] =	vst v4  }
0x1f8: {  	s5 =	sor.u32 $0x9, s10;
	v26 =	vld [tilespmem:s18+$0x151B0];
	[tilespmem:s15+$0x1A1A0] =	vst v14  }
0x1f9: {  	s6 =	smul.u32 $0x220, s5;
	s0 =	sshra.s32 s24, $0x2;
	v34 =	vld [tilespmem:s29+$0x151B0]  }
0x1fa: {  	v40 =	vbroadcast v2, $0xF;
	s4 =	sshll.u32 s8, $0x7;
	s29 =	sshra.s32 s31, $0x2;
	v2 =	vld [tilespmem:s0+$0x1A1B8]  }
0x1fb: {  	v6 =	vbroadcast v6, $0xF;
	s18 =	sshll.u32 s5, $0x7;
	s31 =	sshra.s32 s6, $0x2;
	s6 =	sor.u32 $0xB, s10;
	v4 =	vld [tilespmem:s29+$0x1A1B8]  }
0x1fc: {  	v10 =	vbroadcast v10, $0xF;
	v30 =	vmul.f32 v30, v40;
	s17 =	sand.u32 $0x3FFFFF80, s18;
	v14 =	vld [tilespmem:s31+$0x1A1B8];
	s5 =	smul.u32 $0x220, s6;
	s24 =	sshll.u32 s6, $0x7  }
0x1fd: {  	v8 =	vbroadcast v8, $0xF;
	v36 =	vmul.f32 v36, v6;
	s18 =	sand.u32 $0x3FFFFF80, s4;
	v42 =	vld [tilespmem:s17+$0x15140];
	s6 =	sor.u32 $0xD, s10;
	s7 =	sand.u32 $0x3FFFFF80, s24  }
0x1fe: {  	[tilespmem:s3+$0x1A1B0] =	vst v30;
	v40 =	vld [tilespmem:s18+$0x15140];
	v10 =	vmul.f32 v28, v10;
	s24 =	smul.u32 $0x220, s6;
	s4 =	sshra.s32 s5, $0x2;
	s5 =	sor.u32 $0xC, s10  }
0x1ff: {  	v20 =	vbroadcast v20, $0xF;
	v30 =	vmul.f32 v32, v8;
	[tilespmem:s9+$0x1A1B0] =	vst v36;
	s6 =	sshll.u32 s6, $0x7;
	v32 =	vld [tilespmem:s7+$0x15140];
	s8 =	smul.u32 $0x220, s5  }
0x200: {  	v12 =	vbroadcast v12, $0xF;
	[tilespmem:s13+$0x1A1B0] =	vst v10;
	s13 =	sand.u32 $0x3FFFFF80, s6;
	v6 =	vld [tilespmem:s4+$0x1A1B8];
	s5 =	sshll.u32 s5, $0x7;
	s9 =	sshra.s32 s24, $0x2  }
0x201: {  	v18 =	vbroadcast v18, $0xF;
	v20 =	vmul.f32 v26, v20;
	v26 =	vld [tilespmem:s13+$0x15140];
	s3 =	sshra.s32 s8, $0x2;
	s8 =	sand.u32 $0x3FFFFF80, s5;
	s5 =	sor.u32 $0xE, s10  }
0x202: {  	[tilespmem:s30+$0x1A1B0] =	vst v30;
	v12 =	vmul.f32 v22, v12;
	s30 =	sor.u32 $0xF, s10;
	v10 =	vld [tilespmem:s9+$0x1A1B8];
	s24 =	smul.u32 $0x220, s5  }
0x203: {  	v16 =	vbroadcast v16, $0xF;
	v18 =	vmul.f32 v24, v18;
	s6 =	smul.u32 $0x220, s30;
	v8 =	vld [tilespmem:s3+$0x1A1B8]  }
0x204: {  	[tilespmem:s1+$0x1A1B0] =	vst v12;
	v24 =	vbroadcast v4, $0x8;
	v22 =	vld [tilespmem:s8+$0x15140];
	s1 =	sshra.s32 s24, $0x2  }
0x205: {  	[tilespmem:s2+$0x1A1B0] =	vst v18;
	v18 =	vmul.f32 v34, v16;
	s2 =	sshra.s32 s6, $0x2;
	v28 =	vbroadcast v14, $0x8;
	s5 =	sshll.u32 s5, $0x7;
	v12 =	vld [tilespmem:s1+$0x1A1B8]  }
0x206: {  	[tilespmem:s16+$0x1A1B0] =	vst v20;
	v16 =	vld [tilespmem:s2+$0x1A1B8];
	v20 =	vmul.f32 v38, v24;
	v24 =	vbroadcast v2, $0x8;
	s6 =	sand.u32 $0x3FFFFF80, s5;
	s24 =	sshll.u32 s30, $0x7  }
0x207: {  	[tilespmem:s15+$0x1A1B0] =	vst v18;
	v18 =	vmul.f32 v42, v28;
	v28 =	vbroadcast v6, $0x8;
	v30 =	vld [tilespmem:s6+$0x15140];
	s30 =	sand.u32 $0x3FFFFF80, s24  }
0x208: {  	[tilespmem:s29+$0x1A140] =	vst v20;
	v20 =	vmul.f32 v40, v24;
	v40 =	vld [tilespmem:s30+$0x15140];
	v24 =	vbroadcast v8, $0x8  }
0x209: {  	[tilespmem:s31+$0x1A140] =	vst v18;
	v42 =	vld [tilespmem:s14+$0x15150];
	v18 =	vmul.f32 v32, v28;
	v28 =	vbroadcast v10, $0x8  }
0x20a: {  	v32 =	vld [tilespmem:s17+$0x15150];
	[tilespmem:s0+$0x1A140] =	vst v20;
	v20 =	vmul.f32 v22, v24;
	v22 =	vbroadcast v12, $0x8  }
0x20b: {  	[tilespmem:s4+$0x1A140] =	vst v18;
	v18 =	vmul.f32 v26, v28;
	v26 =	vbroadcast v16, $0x8;
	v24 =	vld [tilespmem:s18+$0x15150]  }
0x20c: {  	v28 =	vbroadcast v4, $0x9;
	[tilespmem:s3+$0x1A140] =	vst v20;
	v20 =	vld [tilespmem:s7+$0x15150];
	v22 =	vmul.f32 v30, v22  }
0x20d: {  	[tilespmem:s9+$0x1A140] =	vst v18;
	v26 =	vmul.f32 v40, v26;
	v30 =	vbroadcast v14, $0x9;
	v18 =	vld [tilespmem:s8+$0x15150]  }
0x20e: {  	v28 =	vmul.f32 v42, v28;
	v40 =	vbroadcast v2, $0x9;
	v42 =	vld [tilespmem:s13+$0x15150];
	[tilespmem:s1+$0x1A140] =	vst v22  }
0x20f: {  	[tilespmem:s2+$0x1A140] =	vst v26;
	v22 =	vmul.f32 v32, v30;
	v30 =	vbroadcast v6, $0x9;
	v32 =	vld [tilespmem:s6+$0x15150]  }
0x210: {  	[tilespmem:s29+$0x1A150] =	vst v28;
	v26 =	vbroadcast v8, $0x9;
	v24 =	vmul.f32 v24, v40;
	v28 =	vld [tilespmem:s30+$0x15150]  }
0x211: {  	v40 =	vld [tilespmem:s14+$0x15160];
	[tilespmem:s31+$0x1A150] =	vst v22;
	v20 =	vmul.f32 v20, v30;
	v22 =	vbroadcast v10, $0x9  }
0x212: {  	[tilespmem:s0+$0x1A150] =	vst v24;
	v24 =	vbroadcast v12, $0x9;
	v30 =	vld [tilespmem:s17+$0x15160];
	v18 =	vmul.f32 v18, v26  }
0x213: {  	v26 =	vld [tilespmem:s18+$0x15160];
	[tilespmem:s4+$0x1A150] =	vst v20;
	v20 =	vmul.f32 v42, v22;
	v22 =	vbroadcast v16, $0x9  }
0x214: {  	v42 =	vbroadcast v4, $0xA;
	[tilespmem:s3+$0x1A150] =	vst v18;
	v18 =	vld [tilespmem:s7+$0x15160];
	v24 =	vmul.f32 v32, v24  }
0x215: {  	v32 =	vbroadcast v14, $0xA;
	[tilespmem:s9+$0x1A150] =	vst v20;
	v20 =	vld [tilespmem:s8+$0x15160];
	v22 =	vmul.f32 v28, v22  }
0x216: {  	v28 =	vmul.f32 v40, v42;
	v40 =	vbroadcast v2, $0xA;
	v42 =	vld [tilespmem:s13+$0x15160];
	[tilespmem:s1+$0x1A150] =	vst v24  }
0x217: {  	v24 =	vmul.f32 v30, v32;
	v30 =	vbroadcast v6, $0xA;
	[tilespmem:s2+$0x1A150] =	vst v22;
	v32 =	vld [tilespmem:s6+$0x15160]  }
0x218: {  	[tilespmem:s29+$0x1A160] =	vst v28;
	v22 =	vmul.f32 v26, v40;
	v26 =	vbroadcast v8, $0xA;
	v28 =	vld [tilespmem:s30+$0x15160]  }
0x219: {  	v40 =	vld [tilespmem:s14+$0x15170];
	[tilespmem:s31+$0x1A160] =	vst v24;
	v18 =	vmul.f32 v18, v30;
	v24 =	vbroadcast v10, $0xA  }
0x21a: {  	[tilespmem:s0+$0x1A160] =	vst v22;
	v22 =	vbroadcast v12, $0xA;
	v30 =	vld [tilespmem:s17+$0x15170];
	v20 =	vmul.f32 v20, v26  }
0x21b: {  	v26 =	vld [tilespmem:s18+$0x15170];
	[tilespmem:s4+$0x1A160] =	vst v18;
	v18 =	vmul.f32 v42, v24;
	v24 =	vbroadcast v16, $0xA  }
0x21c: {  	v42 =	vbroadcast v4, $0xB;
	[tilespmem:s3+$0x1A160] =	vst v20;
	v20 =	vld [tilespmem:s7+$0x15170];
	v22 =	vmul.f32 v32, v22  }
0x21d: {  	v32 =	vbroadcast v14, $0xB;
	[tilespmem:s9+$0x1A160] =	vst v18;
	v18 =	vld [tilespmem:s8+$0x15170];
	v24 =	vmul.f32 v28, v24  }
0x21e: {  	v28 =	vmul.f32 v40, v42;
	v40 =	vbroadcast v2, $0xB;
	v42 =	vld [tilespmem:s13+$0x15170];
	[tilespmem:s1+$0x1A160] =	vst v22  }
0x21f: {  	v22 =	vmul.f32 v30, v32;
	v30 =	vbroadcast v6, $0xB;
	[tilespmem:s2+$0x1A160] =	vst v24;
	v32 =	vld [tilespmem:s6+$0x15170]  }
0x220: {  	[tilespmem:s29+$0x1A170] =	vst v28;
	v24 =	vmul.f32 v26, v40;
	v26 =	vbroadcast v8, $0xB;
	v28 =	vld [tilespmem:s30+$0x15170]  }
0x221: {  	v40 =	vld [tilespmem:s14+$0x15180];
	[tilespmem:s31+$0x1A170] =	vst v22;
	v20 =	vmul.f32 v20, v30;
	v22 =	vbroadcast v10, $0xB  }
0x222: {  	[tilespmem:s0+$0x1A170] =	vst v24;
	v24 =	vbroadcast v12, $0xB;
	v30 =	vld [tilespmem:s17+$0x15180];
	v18 =	vmul.f32 v18, v26  }
0x223: {  	v26 =	vld [tilespmem:s18+$0x15180];
	[tilespmem:s4+$0x1A170] =	vst v20;
	v20 =	vmul.f32 v42, v22;
	v22 =	vbroadcast v16, $0xB  }
0x224: {  	v42 =	vbroadcast v4, $0xC;
	[tilespmem:s3+$0x1A170] =	vst v18;
	v18 =	vld [tilespmem:s7+$0x15180];
	v24 =	vmul.f32 v32, v24  }
0x225: {  	v32 =	vbroadcast v14, $0xC;
	[tilespmem:s9+$0x1A170] =	vst v20;
	v20 =	vld [tilespmem:s8+$0x15180];
	v22 =	vmul.f32 v28, v22  }
0x226: {  	v28 =	vmul.f32 v40, v42;
	v40 =	vbroadcast v2, $0xC;
	v42 =	vld [tilespmem:s13+$0x15180];
	[tilespmem:s1+$0x1A170] =	vst v24  }
0x227: {  	v24 =	vmul.f32 v30, v32;
	v30 =	vbroadcast v6, $0xC;
	[tilespmem:s2+$0x1A170] =	vst v22;
	v32 =	vld [tilespmem:s6+$0x15180]  }
0x228: {  	[tilespmem:s29+$0x1A180] =	vst v28;
	v22 =	vmul.f32 v26, v40;
	v26 =	vbroadcast v8, $0xC;
	v28 =	vld [tilespmem:s30+$0x15180]  }
0x229: {  	v40 =	vld [tilespmem:s14+$0x15190];
	[tilespmem:s31+$0x1A180] =	vst v24;
	v18 =	vmul.f32 v18, v30;
	v24 =	vbroadcast v10, $0xC  }
0x22a: {  	[tilespmem:s0+$0x1A180] =	vst v22;
	v22 =	vbroadcast v12, $0xC;
	v30 =	vld [tilespmem:s17+$0x15190];
	v20 =	vmul.f32 v20, v26  }
0x22b: {  	v26 =	vld [tilespmem:s18+$0x15190];
	[tilespmem:s4+$0x1A180] =	vst v18;
	v18 =	vmul.f32 v42, v24;
	v24 =	vbroadcast v16, $0xC  }
0x22c: {  	v42 =	vbroadcast v4, $0xD;
	[tilespmem:s3+$0x1A180] =	vst v20;
	v20 =	vld [tilespmem:s7+$0x15190];
	v22 =	vmul.f32 v32, v22  }
0x22d: {  	v32 =	vbroadcast v14, $0xD;
	[tilespmem:s9+$0x1A180] =	vst v18;
	v18 =	vld [tilespmem:s8+$0x15190];
	v24 =	vmul.f32 v28, v24  }
0x22e: {  	v28 =	vmul.f32 v40, v42;
	v40 =	vbroadcast v2, $0xD;
	v42 =	vld [tilespmem:s13+$0x15190];
	[tilespmem:s1+$0x1A180] =	vst v22  }
0x22f: {  	v22 =	vmul.f32 v30, v32;
	v30 =	vbroadcast v6, $0xD;
	[tilespmem:s2+$0x1A180] =	vst v24;
	v32 =	vld [tilespmem:s6+$0x15190]  }
0x230: {  	[tilespmem:s29+$0x1A190] =	vst v28;
	v24 =	vmul.f32 v26, v40;
	v26 =	vbroadcast v8, $0xD;
	v28 =	vld [tilespmem:s30+$0x15190]  }
0x231: {  	v40 =	vld [tilespmem:s14+$0x151A0];
	[tilespmem:s31+$0x1A190] =	vst v22;
	v20 =	vmul.f32 v20, v30;
	v22 =	vbroadcast v10, $0xD  }
0x232: {  	[tilespmem:s0+$0x1A190] =	vst v24;
	v24 =	vbroadcast v12, $0xD;
	v30 =	vld [tilespmem:s17+$0x151A0];
	v18 =	vmul.f32 v18, v26  }
0x233: {  	v26 =	vld [tilespmem:s18+$0x151A0];
	[tilespmem:s4+$0x1A190] =	vst v20;
	v20 =	vmul.f32 v42, v22;
	v22 =	vbroadcast v16, $0xD  }
0x234: {  	v42 =	vbroadcast v4, $0xE;
	[tilespmem:s3+$0x1A190] =	vst v18;
	v18 =	vld [tilespmem:s7+$0x151A0];
	v24 =	vmul.f32 v32, v24  }
0x235: {  	v32 =	vbroadcast v14, $0xE;
	[tilespmem:s9+$0x1A190] =	vst v20;
	v20 =	vld [tilespmem:s8+$0x151A0];
	v22 =	vmul.f32 v28, v22  }
0x236: {  	v28 =	vmul.f32 v40, v42;
	v40 =	vbroadcast v2, $0xE;
	v42 =	vld [tilespmem:s13+$0x151A0];
	[tilespmem:s1+$0x1A190] =	vst v24  }
0x237: {  	v24 =	vmul.f32 v30, v32;
	v30 =	vbroadcast v6, $0xE;
	[tilespmem:s2+$0x1A190] =	vst v22;
	v32 =	vld [tilespmem:s6+$0x151A0]  }
0x238: {  	[tilespmem:s29+$0x1A1A0] =	vst v28;
	v22 =	vmul.f32 v26, v40;
	v26 =	vbroadcast v8, $0xE;
	v28 =	vld [tilespmem:s30+$0x151A0]  }
0x239: {  	v40 =	vld [tilespmem:s14+$0x151B0];
	[tilespmem:s31+$0x1A1A0] =	vst v24;
	v18 =	vmul.f32 v18, v30;
	v24 =	vbroadcast v10, $0xE  }
0x23a: {  	[tilespmem:s0+$0x1A1A0] =	vst v22;
	v22 =	vbroadcast v12, $0xE;
	v30 =	vld [tilespmem:s17+$0x151B0];
	v20 =	vmul.f32 v20, v26  }
0x23b: {  	v26 =	vld [tilespmem:s18+$0x151B0];
	[tilespmem:s4+$0x1A1A0] =	vst v18;
	v18 =	vmul.f32 v42, v24;
	v24 =	vbroadcast v16, $0xE  }
0x23c: {  	v4 =	vbroadcast v4, $0xF;
	v42 =	vld [tilespmem:s7+$0x151B0];
	[tilespmem:s3+$0x1A1A0] =	vst v20;
	v20 =	vmul.f32 v32, v22  }
0x23d: {  	v14 =	vbroadcast v14, $0xF;
	v22 =	vld [tilespmem:s8+$0x151B0];
	[tilespmem:s9+$0x1A1A0] =	vst v18;
	v18 =	vmul.f32 v28, v24  }
0x23e: {  	v2 =	vbroadcast v2, $0xF;
	v4 =	vmul.f32 v40, v4;
	v24 =	vld [tilespmem:s13+$0x151B0];
	[tilespmem:s1+$0x1A1A0] =	vst v20  }
0x23f: {  	v6 =	vbroadcast v6, $0xF;
	v14 =	vmul.f32 v30, v14;
	[tilespmem:s2+$0x1A1A0] =	vst v18;
	v20 =	vld [tilespmem:s6+$0x151B0]  }
0x240: {  	v8 =	vbroadcast v8, $0xF;
	[tilespmem:s29+$0x1A1B0] =	vst v4;
	v2 =	vmul.f32 v26, v2;
	v4 =	vld [tilespmem:s30+$0x151B0]  }
0x241: {  	v10 =	vbroadcast v10, $0xF;
	[tilespmem:s31+$0x1A1B0] =	vst v14;
	v6 =	vmul.f32 v42, v6  }
0x242: {  	p1 =	slt.u32 s10, $0x30;
	[tilespmem:s0+$0x1A1B0] =	vst v2;
	v2 =	vmul.f32 v22, v8;
	v8 =	vbroadcast v12, $0xF  }
.Ltmp0:
0x243: {  	[tilespmem:s4+$0x1A1B0] =	vst v6;
	v6 =	vmul.f32 v24, v10;
	v10 =	vbroadcast v16, $0xF;
	(pc) =	sbr.rel @p1 .LBB2_3-.Ltmp0, $4  }
0x244: {  	[tilespmem:s3+$0x1A1B0] =	vst v2;
	v2 =	vmul.f32 v20, v8  }
0x245: {  	[tilespmem:s9+$0x1A1B0] =	vst v6;
	v4 =	vmul.f32 v4, v10  }
0x246: {  	s31 =	sadd.s32 $0x10, s10;
	[tilespmem:s1+$0x1A1B0] =	vst v2  }
0x247: {  	s10 =	smov.u32 s31;
	[tilespmem:s2+$0x1A1B0] =	vst v4  }
0x248: {  	s0 =	rddreg [dreg:$0x2];
	s1 =	simm.s32 $0x40;
	s2 =	simm.s32 $0x150C0  }
0x249: {  	[spmem:s0] =	stream.indirect.scatter.add.f32 [tilespmem:s12], [sflag:$0x9], $0x88, s2, s1, $0xb8;
	[tilespmem:$0x1E540] =	vst v63  }
0x24a: {  	_ =	swait.ge [sflag:s20], $0x2200  }
0x24b: {  	[sflag:s20] =	ssyncset.done $0x0  }
0x24c: {  	s24 =	simm.s32 $0x6;
	[sflag:s20] =	ssyncadd.s32 $0xFFFFDE00  }
0x24d: {  	_ =	swait.ge [sflag:s24], $0x400  }
0x24e: {  	[sflag:s24] =	ssyncset.done $0x0  }
0x24f: {  	s29 =	simm.s32 $0x8;
	[sflag:s24] =	ssyncadd.s32 $0xFFFFFC00  }
0x250: {  	_ =	swait.ge [sflag:s29], $0x400  }
0x251: {  	[sflag:s29] =	ssyncset.done $0x0  }
0x252: {  	s30 =	simm.s32 $0x4;
	[sflag:s29] =	ssyncadd.s32 $0xFFFFFC00  }
0x253: {  	_ =	swait.ge [sflag:s30], $0x2000  }
0x254: {  	[sflag:s30] =	ssyncset.done $0x0  }
0x255: {  	[sflag:s30] =	ssyncadd.s32 $0xFFFFE000  }
0x256: {  	v2 =	vld [tilespmem:$0x15080]  }
0x257: {  	v4 =	vld [tilespmem:$0x15090]  }
0x258: {  	v6 =	vld [tilespmem:$0x150A0]  }
0x259: {  	v8 =	vld [tilespmem:$0x150B0];
	_ =	sdelay $0x1  }
0x25a: {  	[tilespmem:$0x15100] =	vst v2  }
0x25b: {  	[tilespmem:$0x15110] =	vst v4  }
0x25c: {  	[tilespmem:$0x15120] =	vst v6  }
0x25d: {  	s0 =	simm.s32 @!p0 $0x1;
	[tilespmem:$0x15130] =	vst v8  }
0x25e: {  	_ =	swait.ge @!p0 [sflag:s0], $0x40  }
0x25f: {  	[sflag:s0] =	ssyncset.done @!p0 $0x0  }
0x260: {  	[sflag:s0] =	ssyncadd.s32 @!p0 $0xFFFFFFC0  }
0x261: {  	_ =	swait.ge @!p0 [sflag:s0], $0x40  }
0x262: {  	s1 =	simm.s32 @!p0 $0x14FC0;
	[sflag:s0] =	ssyncset.done @!p0 $0x0  }
0x263: {  	s2 =	simm.s32 @!p0 $0x15140;
	[sflag:s0] =	ssyncadd.s32 @!p0 $0xFFFFFFC0;
	s0 =	simm.s32 @!p0 $0x40  }
0x264: {  	[tilespmem:s2], [sflag:$0x3] =	stream.indirect.gather @!p0 [hbm4b:s25+s0], $0x80, s1, s0, $0xb8;
	[tilespmem:$0x1E540] =	vst v63  }
0x265: {  	s3 =	rddreg [dreg:$0x4];
	s2 =	simm.s32 @!p0 $0x19140  }
0x266: {  	[tilespmem:s2], [sflag:$0x5] =	stream.indirect.gather @!p0 [hbm4b:s3+s0], $0x10, s1, s0, $0xb8;
	[tilespmem:$0x1E540] =	vst v63  }
0x267: {  	s1 =	simm.s32 @!p0 $0x15040;
	s2 =	simm.s32 @!p0 $0x19940;
	s3 =	rddreg [dreg:$0x5]  }
0x268: {  	[tilespmem:s2], [sflag:$0x7] =	stream.indirect.gather @!p0 [hbm4b:s3+s0], $0x10, s1, s0, $0xb8;
	[tilespmem:$0x1E540] =	vst v63  }
0x269: {  	s0 =	rddreg [dreg:$0xf]  }
0x26a: {  	s0 =	sadd.s32 @!p0 s23, s0  }
0x26b: {  	s1 =	rddreg [dreg:$0x6];
	s0 =	sshrl.u32 @!p0 s0, $0x3  }
0x26c: {  	s2 =	simm.s32 @!p0 $0x0;
	s3 =	simm.s32 @!p0 $0x15000;
	s1 =	sadd.s32 @!p0 s1, s0  }
0x26d: {  	[tilespmem:s3], [sflag:$0x2] =	stream.linear.gather @!p0 [hbm4b:s1+s2], $0x40, $0x38;
	[tilespmem:$0x1E540] =	vst v63  }
0x26e: {  	s1 =	rddreg [dreg:$0x7]  }
0x26f: {  	s0 =	sadd.s32 @!p0 s1, s0;
	s1 =	simm.s32 @!p0 $0x15080  }
0x270: {  	[tilespmem:s1], [sflag:$0x2] =	stream.linear.gather @!p0 [hbm4b:s0+s2], $0x40, $0x38;
	[tilespmem:$0x1E540] =	vst v63  }
0x271: {  	v2 =	vld.idx.msk [tilespmem:v1+s22+$0x0], $0xffff  }
0x272: {  	v4 =	vld.idx.msk [tilespmem:v1+s11+$0x0], $0xffff;
	_ =	sdelay $0x4  }
0x273: {  	v2 =	vadd.f32 v4, v2;
	_ =	sdelay $0x1  }
0x274: {  	v4 =	vmul.f32 $2.000000030e-01, v2  }
0x275: {  	vm0 =	vgt.f32 v2, $0.0e+00  }
0x276: {  	v2 =	vsel vm0, v2, v4  }
0x277: {  	v2 =	vmul.f32 $1.442695020e+00, v2;
	_ =	sdelay $0x1  }
0x278: {  	(erf) = vpow2.f32 v2;
	_ =	sdelay $0x8  }
0x279: {  	v2 =	vpop (erf)  }
0x27a: {  	[tilespmem:v44+s21+$0x0] =	vst.idx.msk $0xffff, v2  }
0x27b: {  	v2 =	vld.idx.msk [tilespmem:v3+s22+$0x0], $0xffff  }
0x27c: {  	v4 =	vld.idx.msk [tilespmem:v3+s11+$0x0], $0xffff;
	_ =	sdelay $0x4  }
0x27d: {  	v2 =	vadd.f32 v4, v2;
	_ =	sdelay $0x1  }
0x27e: {  	v4 =	vmul.f32 $2.000000030e-01, v2  }
0x27f: {  	vm9 =	vgt.f32 v2, $0.0e+00  }
0x280: {  	v2 =	vsel vm9, v2, v4  }
0x281: {  	v2 =	vmul.f32 $1.442695020e+00, v2;
	_ =	sdelay $0x1  }
0x282: {  	(erf) = vpow2.f32 v2;
	_ =	sdelay $0x1  }
0x283: {  	v4 =	vld [tilespmem:$0x1FEA0];
	_ =	sdelay $0x6  }
0x284: {  	v2 =	vpop (erf)  }
0x285: {  	[tilespmem:v4+s21+$0x0] =	vst.idx.msk $0xffff, v2  }
0x286: {  	v2 =	vld.idx.msk [tilespmem:v5+s22+$0x0], $0xffff  }
0x287: {  	v4 =	vld.idx.msk [tilespmem:v5+s11+$0x0], $0xffff;
	_ =	sdelay $0x4  }
0x288: {  	v2 =	vadd.f32 v4, v2;
	_ =	sdelay $0x1  }
0x289: {  	v4 =	vmul.f32 $2.000000030e-01, v2  }
0x28a: {  	vm10 =	vgt.f32 v2, $0.0e+00  }
0x28b: {  	v2 =	vsel vm10, v2, v4  }
0x28c: {  	v2 =	vmul.f32 $1.442695020e+00, v2;
	_ =	sdelay $0x1  }
0x28d: {  	(erf) = vpow2.f32 v2;
	_ =	sdelay $0x1  }
0x28e: {  	v4 =	vld [tilespmem:$0x1FEB0];
	_ =	sdelay $0x6  }
0x28f: {  	v2 =	vpop (erf)  }
0x290: {  	[tilespmem:v4+s21+$0x0] =	vst.idx.msk $0xffff, v2  }
0x291: {  	v2 =	vld.idx.msk [tilespmem:v7+s22+$0x0], $0xffff  }
0x292: {  	v4 =	vld.idx.msk [tilespmem:v7+s11+$0x0], $0xffff;
	_ =	sdelay $0x4  }
0x293: {  	v2 =	vadd.f32 v4, v2;
	_ =	sdelay $0x1  }
0x294: {  	v4 =	vmul.f32 $2.000000030e-01, v2  }
0x295: {  	vm11 =	vgt.f32 v2, $0.0e+00  }
0x296: {  	v2 =	vsel vm11, v2, v4  }
0x297: {  	v2 =	vmul.f32 $1.442695020e+00, v2;
	_ =	sdelay $0x1  }
0x298: {  	(erf) = vpow2.f32 v2;
	_ =	sdelay $0x1  }
0x299: {  	v4 =	vld [tilespmem:$0x1FEC0];
	_ =	sdelay $0x6  }
0x29a: {  	v2 =	vpop (erf)  }
0x29b: {  	[tilespmem:v4+s21+$0x0] =	vst.idx.msk $0xffff, v2  }
0x29c: {  	v2 =	vld.idx.msk [tilespmem:v9+s22+$0x0], $0xffff  }
0x29d: {  	v4 =	vld.idx.msk [tilespmem:v9+s11+$0x0], $0xffff;
	_ =	sdelay $0x4  }
0x29e: {  	v2 =	vadd.f32 v4, v2;
	_ =	sdelay $0x1  }
0x29f: {  	v4 =	vmul.f32 $2.000000030e-01, v2  }
0x2a0: {  	vm12 =	vgt.f32 v2, $0.0e+00  }
0x2a1: {  	v2 =	vsel vm12, v2, v4  }
0x2a2: {  	v2 =	vmul.f32 $1.442695020e+00, v2;
	_ =	sdelay $0x1  }
0x2a3: {  	(erf) = vpow2.f32 v2;
	_ =	sdelay $0x1  }
0x2a4: {  	v4 =	vld [tilespmem:$0x1FED0];
	_ =	sdelay $0x6  }
0x2a5: {  	v2 =	vpop (erf)  }
0x2a6: {  	[tilespmem:v4+s21+$0x0] =	vst.idx.msk $0xffff, v2  }
0x2a7: {  	v2 =	vld.idx.msk [tilespmem:v11+s22+$0x0], $0xffff  }
0x2a8: {  	v4 =	vld.idx.msk [tilespmem:v11+s11+$0x0], $0xffff;
	_ =	sdelay $0x4  }
0x2a9: {  	v2 =	vadd.f32 v4, v2;
	_ =	sdelay $0x1  }
0x2aa: {  	v4 =	vmul.f32 $2.000000030e-01, v2  }
0x2ab: {  	vm13 =	vgt.f32 v2, $0.0e+00  }
0x2ac: {  	v2 =	vsel vm13, v2, v4  }
0x2ad: {  	v2 =	vmul.f32 $1.442695020e+00, v2;
	_ =	sdelay $0x1  }
0x2ae: {  	(erf) = vpow2.f32 v2;
	_ =	sdelay $0x1  }
0x2af: {  	v4 =	vld [tilespmem:$0x1FEE0];
	_ =	sdelay $0x6  }
0x2b0: {  	v2 =	vpop (erf)  }
0x2b1: {  	[tilespmem:v4+s21+$0x0] =	vst.idx.msk $0xffff, v2  }
0x2b2: {  	v2 =	vld.idx.msk [tilespmem:v13+s22+$0x0], $0xffff  }
0x2b3: {  	v4 =	vld.idx.msk [tilespmem:v13+s11+$0x0], $0xffff;
	_ =	sdelay $0x4  }
0x2b4: {  	v2 =	vadd.f32 v4, v2;
	_ =	sdelay $0x1  }
0x2b5: {  	v4 =	vmul.f32 $2.000000030e-01, v2  }
0x2b6: {  	vm14 =	vgt.f32 v2, $0.0e+00  }
0x2b7: {  	v2 =	vsel vm14, v2, v4  }
0x2b8: {  	v2 =	vmul.f32 $1.442695020e+00, v2;
	_ =	sdelay $0x1  }
0x2b9: {  	(erf) = vpow2.f32 v2;
	_ =	sdelay $0x1  }
0x2ba: {  	v4 =	vld [tilespmem:$0x1FEF0];
	_ =	sdelay $0x6  }
0x2bb: {  	v2 =	vpop (erf)  }
0x2bc: {  	[tilespmem:v4+s21+$0x0] =	vst.idx.msk $0xffff, v2  }
0x2bd: {  	v2 =	vld.idx.msk [tilespmem:v15+s22+$0x0], $0xffff  }
0x2be: {  	v4 =	vld.idx.msk [tilespmem:v15+s11+$0x0], $0xffff;
	_ =	sdelay $0x4  }
0x2bf: {  	v2 =	vadd.f32 v4, v2;
	_ =	sdelay $0x1  }
0x2c0: {  	v4 =	vmul.f32 $2.000000030e-01, v2  }
0x2c1: {  	vm15 =	vgt.f32 v2, $0.0e+00  }
0x2c2: {  	v2 =	vsel vm15, v2, v4  }
0x2c3: {  	v2 =	vmul.f32 $1.442695020e+00, v2;
	_ =	sdelay $0x1  }
0x2c4: {  	(erf) = vpow2.f32 v2;
	_ =	sdelay $0x1  }
0x2c5: {  	v4 =	vld [tilespmem:$0x1FF00];
	_ =	sdelay $0x6  }
0x2c6: {  	v2 =	vpop (erf)  }
0x2c7: {  	[tilespmem:v4+s21+$0x0] =	vst.idx.msk $0xffff, v2  }
0x2c8: {  	v2 =	vld.idx.msk [tilespmem:v17+s22+$0x0], $0xffff  }
0x2c9: {  	v4 =	vld.idx.msk [tilespmem:v17+s11+$0x0], $0xffff;
	_ =	sdelay $0x4  }
0x2ca: {  	v2 =	vadd.f32 v4, v2;
	_ =	sdelay $0x1  }
0x2cb: {  	v4 =	vmul.f32 $2.000000030e-01, v2  }
0x2cc: {  	vm4 =	vgt.f32 v2, $0.0e+00  }
0x2cd: {  	v2 =	vsel vm4, v2, v4  }
0x2ce: {  	v2 =	vmul.f32 $1.442695020e+00, v2;
	_ =	sdelay $0x1  }
0x2cf: {  	(erf) = vpow2.f32 v2;
	_ =	sdelay $0x1  }
0x2d0: {  	v4 =	vld [tilespmem:$0x1FF10];
	_ =	sdelay $0x6  }
0x2d1: {  	v2 =	vpop (erf)  }
0x2d2: {  	[tilespmem:v4+s21+$0x0] =	vst.idx.msk $0xffff, v2  }
0x2d3: {  	v2 =	vld.idx.msk [tilespmem:v19+s22+$0x0], $0xffff  }
0x2d4: {  	v4 =	vld.idx.msk [tilespmem:v19+s11+$0x0], $0xffff;
	_ =	sdelay $0x4  }
0x2d5: {  	v2 =	vadd.f32 v4, v2;
	_ =	sdelay $0x1  }
0x2d6: {  	v4 =	vmul.f32 $2.000000030e-01, v2  }
0x2d7: {  	vm5 =	vgt.f32 v2, $0.0e+00  }
0x2d8: {  	v2 =	vsel vm5, v2, v4  }
0x2d9: {  	v2 =	vmul.f32 $1.442695020e+00, v2;
	_ =	sdelay $0x1  }
0x2da: {  	(erf) = vpow2.f32 v2;
	_ =	sdelay $0x1  }
0x2db: {  	v4 =	vld [tilespmem:$0x1FF20];
	_ =	sdelay $0x6  }
0x2dc: {  	v2 =	vpop (erf)  }
0x2dd: {  	[tilespmem:v4+s21+$0x0] =	vst.idx.msk $0xffff, v2  }
0x2de: {  	v2 =	vld.idx.msk [tilespmem:v21+s22+$0x0], $0xffff  }
0x2df: {  	v4 =	vld.idx.msk [tilespmem:v21+s11+$0x0], $0xffff;
	_ =	sdelay $0x4  }
0x2e0: {  	v2 =	vadd.f32 v4, v2;
	_ =	sdelay $0x1  }
0x2e1: {  	v4 =	vmul.f32 $2.000000030e-01, v2  }
0x2e2: {  	vm6 =	vgt.f32 v2, $0.0e+00  }
0x2e3: {  	v2 =	vsel vm6, v2, v4  }
0x2e4: {  	v2 =	vmul.f32 $1.442695020e+00, v2;
	_ =	sdelay $0x1  }
0x2e5: {  	(erf) = vpow2.f32 v2;
	_ =	sdelay $0x1  }
0x2e6: {  	v4 =	vld [tilespmem:$0x1FF30];
	_ =	sdelay $0x6  }
0x2e7: {  	v2 =	vpop (erf)  }
0x2e8: {  	[tilespmem:v4+s21+$0x0] =	vst.idx.msk $0xffff, v2  }
0x2e9: {  	v2 =	vld.idx.msk [tilespmem:v23+s22+$0x0], $0xffff  }
0x2ea: {  	v4 =	vld.idx.msk [tilespmem:v23+s11+$0x0], $0xffff;
	_ =	sdelay $0x4  }
0x2eb: {  	v2 =	vadd.f32 v4, v2;
	_ =	sdelay $0x1  }
0x2ec: {  	v4 =	vmul.f32 $2.000000030e-01, v2  }
0x2ed: {  	vm7 =	vgt.f32 v2, $0.0e+00  }
0x2ee: {  	v2 =	vsel vm7, v2, v4  }
0x2ef: {  	v2 =	vmul.f32 $1.442695020e+00, v2;
	_ =	sdelay $0x1  }
0x2f0: {  	(erf) = vpow2.f32 v2;
	_ =	sdelay $0x1  }
0x2f1: {  	v4 =	vld [tilespmem:$0x1FF40];
	_ =	sdelay $0x6  }
0x2f2: {  	v2 =	vpop (erf)  }
0x2f3: {  	[tilespmem:v4+s21+$0x0] =	vst.idx.msk $0xffff, v2  }
0x2f4: {  	v2 =	vld.idx.msk [tilespmem:v25+s22+$0x0], $0xffff  }
0x2f5: {  	v4 =	vld.idx.msk [tilespmem:v25+s11+$0x0], $0xffff;
	_ =	sdelay $0x4  }
0x2f6: {  	v2 =	vadd.f32 v4, v2;
	_ =	sdelay $0x1  }
0x2f7: {  	v4 =	vmul.f32 $2.000000030e-01, v2  }
0x2f8: {  	vm8 =	vgt.f32 v2, $0.0e+00  }
0x2f9: {  	v2 =	vsel vm8, v2, v4  }
0x2fa: {  	v2 =	vmul.f32 $1.442695020e+00, v2;
	_ =	sdelay $0x1  }
0x2fb: {  	(erf) = vpow2.f32 v2;
	_ =	sdelay $0x1  }
0x2fc: {  	v4 =	vld [tilespmem:$0x1FF50];
	_ =	sdelay $0x6  }
0x2fd: {  	v2 =	vpop (erf)  }
0x2fe: {  	[tilespmem:v4+s21+$0x0] =	vst.idx.msk $0xffff, v2  }
0x2ff: {  	v2 =	vld.idx.msk [tilespmem:v27+s22+$0x0], $0xffff  }
0x300: {  	v4 =	vld.idx.msk [tilespmem:v27+s11+$0x0], $0xffff;
	_ =	sdelay $0x4  }
0x301: {  	v2 =	vadd.f32 v4, v2;
	_ =	sdelay $0x1  }
0x302: {  	v4 =	vmul.f32 $2.000000030e-01, v2  }
0x303: {  	vm9 =	vgt.f32 v2, $0.0e+00  }
0x304: {  	v2 =	vsel vm9, v2, v4  }
0x305: {  	v2 =	vmul.f32 $1.442695020e+00, v2;
	_ =	sdelay $0x1  }
0x306: {  	(erf) = vpow2.f32 v2;
	_ =	sdelay $0x1  }
0x307: {  	v4 =	vld [tilespmem:$0x1FF60];
	_ =	sdelay $0x6  }
0x308: {  	v2 =	vpop (erf)  }
0x309: {  	[tilespmem:v4+s21+$0x0] =	vst.idx.msk $0xffff, v2  }
0x30a: {  	v2 =	vld.idx.msk [tilespmem:v29+s22+$0x0], $0xffff  }
0x30b: {  	v4 =	vld.idx.msk [tilespmem:v29+s11+$0x0], $0xffff;
	_ =	sdelay $0x4  }
0x30c: {  	v2 =	vadd.f32 v4, v2;
	_ =	sdelay $0x1  }
0x30d: {  	v4 =	vmul.f32 $2.000000030e-01, v2  }
0x30e: {  	vm10 =	vgt.f32 v2, $0.0e+00  }
0x30f: {  	v2 =	vsel vm10, v2, v4  }
0x310: {  	v2 =	vmul.f32 $1.442695020e+00, v2;
	_ =	sdelay $0x1  }
0x311: {  	(erf) = vpow2.f32 v2;
	_ =	sdelay $0x1  }
0x312: {  	v4 =	vld [tilespmem:$0x1FF70];
	_ =	sdelay $0x6  }
0x313: {  	v2 =	vpop (erf)  }
0x314: {  	[tilespmem:v4+s21+$0x0] =	vst.idx.msk $0xffff, v2  }
0x315: {  	v2 =	vld.idx.msk [tilespmem:v31+s22+$0x0], $0xffff  }
0x316: {  	v4 =	vld.idx.msk [tilespmem:v31+s11+$0x0], $0xffff;
	_ =	sdelay $0x4  }
0x317: {  	v2 =	vadd.f32 v4, v2;
	_ =	sdelay $0x1  }
0x318: {  	v4 =	vmul.f32 $2.000000030e-01, v2  }
0x319: {  	vm11 =	vgt.f32 v2, $0.0e+00  }
0x31a: {  	v2 =	vsel vm11, v2, v4  }
0x31b: {  	v2 =	vmul.f32 $1.442695020e+00, v2;
	_ =	sdelay $0x1  }
0x31c: {  	(erf) = vpow2.f32 v2;
	_ =	sdelay $0x1  }
0x31d: {  	v4 =	vld [tilespmem:$0x1FF80];
	_ =	sdelay $0x6  }
0x31e: {  	v2 =	vpop (erf)  }
0x31f: {  	[tilespmem:v4+s21+$0x0] =	vst.idx.msk $0xffff, v2  }
0x320: {  	v2 =	vld.idx.msk [tilespmem:v33+s22+$0x0], $0xffff  }
0x321: {  	v4 =	vld.idx.msk [tilespmem:v33+s11+$0x0], $0xffff;
	_ =	sdelay $0x4  }
0x322: {  	v2 =	vadd.f32 v4, v2;
	_ =	sdelay $0x1  }
0x323: {  	v4 =	vmul.f32 $2.000000030e-01, v2  }
0x324: {  	vm12 =	vgt.f32 v2, $0.0e+00  }
0x325: {  	v2 =	vsel vm12, v2, v4  }
0x326: {  	v2 =	vmul.f32 $1.442695020e+00, v2;
	_ =	sdelay $0x1  }
0x327: {  	(erf) = vpow2.f32 v2;
	_ =	sdelay $0x1  }
0x328: {  	v4 =	vld [tilespmem:$0x1FF90];
	_ =	sdelay $0x6  }
0x329: {  	v2 =	vpop (erf)  }
0x32a: {  	[tilespmem:v4+s21+$0x0] =	vst.idx.msk $0xffff, v2  }
0x32b: {  	v2 =	vld.idx.msk [tilespmem:v35+s22+$0x0], $0xffff  }
0x32c: {  	v4 =	vld.idx.msk [tilespmem:v35+s11+$0x0], $0xffff;
	_ =	sdelay $0x4  }
0x32d: {  	v2 =	vadd.f32 v4, v2;
	_ =	sdelay $0x1  }
0x32e: {  	v4 =	vmul.f32 $2.000000030e-01, v2  }
0x32f: {  	vm13 =	vgt.f32 v2, $0.0e+00  }
0x330: {  	v2 =	vsel vm13, v2, v4  }
0x331: {  	v2 =	vmul.f32 $1.442695020e+00, v2;
	_ =	sdelay $0x1  }
0x332: {  	(erf) = vpow2.f32 v2;
	_ =	sdelay $0x1  }
0x333: {  	v4 =	vld [tilespmem:$0x1FFA0];
	_ =	sdelay $0x6  }
0x334: {  	v2 =	vpop (erf)  }
0x335: {  	[tilespmem:v4+s21+$0x0] =	vst.idx.msk $0xffff, v2  }
0x336: {  	v2 =	vld.idx.msk [tilespmem:v37+s22+$0x0], $0xffff  }
0x337: {  	v4 =	vld.idx.msk [tilespmem:v37+s11+$0x0], $0xffff;
	_ =	sdelay $0x4  }
0x338: {  	v2 =	vadd.f32 v4, v2;
	_ =	sdelay $0x1  }
0x339: {  	v4 =	vmul.f32 $2.000000030e-01, v2  }
0x33a: {  	vm14 =	vgt.f32 v2, $0.0e+00  }
0x33b: {  	v2 =	vsel vm14, v2, v4  }
0x33c: {  	v2 =	vmul.f32 $1.442695020e+00, v2;
	_ =	sdelay $0x1  }
0x33d: {  	(erf) = vpow2.f32 v2;
	_ =	sdelay $0x1  }
0x33e: {  	v4 =	vld [tilespmem:$0x1FFB0];
	_ =	sdelay $0x6  }
0x33f: {  	v2 =	vpop (erf)  }
0x340: {  	[tilespmem:v4+s21+$0x0] =	vst.idx.msk $0xffff, v2  }
0x341: {  	v2 =	vld.idx.msk [tilespmem:v39+s22+$0x0], $0xffff  }
0x342: {  	v4 =	vld.idx.msk [tilespmem:v39+s11+$0x0], $0xffff;
	_ =	sdelay $0x4  }
0x343: {  	v2 =	vadd.f32 v4, v2;
	_ =	sdelay $0x1  }
0x344: {  	v4 =	vmul.f32 $2.000000030e-01, v2  }
0x345: {  	vm15 =	vgt.f32 v2, $0.0e+00  }
0x346: {  	v2 =	vsel vm15, v2, v4  }
0x347: {  	v2 =	vmul.f32 $1.442695020e+00, v2;
	_ =	sdelay $0x1  }
0x348: {  	(erf) = vpow2.f32 v2;
	_ =	sdelay $0x1  }
0x349: {  	v4 =	vld [tilespmem:$0x1FFC0];
	_ =	sdelay $0x6  }
0x34a: {  	v2 =	vpop (erf)  }
0x34b: {  	[tilespmem:v4+s21+$0x0] =	vst.idx.msk $0xffff, v2  }
0x34c: {  	v2 =	vld.idx.msk [tilespmem:v41+s22+$0x0], $0xffff  }
0x34d: {  	v4 =	vld.idx.msk [tilespmem:v41+s11+$0x0], $0xffff;
	_ =	sdelay $0x4  }
0x34e: {  	v2 =	vadd.f32 v4, v2;
	_ =	sdelay $0x1  }
0x34f: {  	v4 =	vmul.f32 $2.000000030e-01, v2  }
0x350: {  	vm4 =	vgt.f32 v2, $0.0e+00  }
0x351: {  	v2 =	vsel vm4, v2, v4  }
0x352: {  	v2 =	vmul.f32 $1.442695020e+00, v2;
	_ =	sdelay $0x1  }
0x353: {  	(erf) = vpow2.f32 v2;
	_ =	sdelay $0x1  }
0x354: {  	v4 =	vld [tilespmem:$0x1FFD0];
	_ =	sdelay $0x6  }
0x355: {  	v2 =	vpop (erf)  }
0x356: {  	[tilespmem:v4+s21+$0x0] =	vst.idx.msk $0xffff, v2  }
0x357: {  	v2 =	vld.idx.msk [tilespmem:v43+s22+$0x0], $0xffff  }
0x358: {  	v4 =	vld.idx.msk [tilespmem:v43+s11+$0x0], $0xffff;
	_ =	sdelay $0x4  }
0x359: {  	v2 =	vadd.f32 v4, v2;
	_ =	sdelay $0x1  }
0x35a: {  	v4 =	vmul.f32 $2.000000030e-01, v2  }
0x35b: {  	vm5 =	vgt.f32 v2, $0.0e+00  }
0x35c: {  	v2 =	vsel vm5, v2, v4  }
0x35d: {  	v2 =	vmul.f32 $1.442695020e+00, v2;
	_ =	sdelay $0x1  }
0x35e: {  	(erf) = vpow2.f32 v2;
	_ =	sdelay $0x1  }
0x35f: {  	v4 =	vld [tilespmem:$0x1FFE0];
	_ =	sdelay $0x6  }
0x360: {  	v2 =	vpop (erf)  }
0x361: {  	[tilespmem:v4+s21+$0x0] =	vst.idx.msk $0xffff, v2  }
0x362: {  	v2 =	vld.idx.msk [tilespmem:v45+s22+$0x0], $0xffff  }
0x363: {  	v4 =	vld.idx.msk [tilespmem:v45+s11+$0x0], $0xffff;
	_ =	sdelay $0x4  }
0x364: {  	v2 =	vadd.f32 v4, v2;
	_ =	sdelay $0x1  }
0x365: {  	v4 =	vmul.f32 $2.000000030e-01, v2  }
0x366: {  	vm6 =	vgt.f32 v2, $0.0e+00  }
0x367: {  	v2 =	vsel vm6, v2, v4  }
0x368: {  	v2 =	vmul.f32 $1.442695020e+00, v2;
	_ =	sdelay $0x1  }
0x369: {  	(erf) = vpow2.f32 v2;
	_ =	sdelay $0x8  }
0x36a: {  	v2 =	vpop (erf)  }
0x36b: {  	[tilespmem:v46+s21+$0x0] =	vst.idx.msk $0xffff, v2  }
0x36c: {  	v2 =	vld.idx.msk [tilespmem:v47+s22+$0x0], $0xffff  }
0x36d: {  	v4 =	vld.idx.msk [tilespmem:v47+s11+$0x0], $0xffff;
	_ =	sdelay $0x4  }
0x36e: {  	v2 =	vadd.f32 v4, v2;
	_ =	sdelay $0x1  }
0x36f: {  	v4 =	vmul.f32 $2.000000030e-01, v2  }
0x370: {  	vm7 =	vgt.f32 v2, $0.0e+00  }
0x371: {  	v2 =	vsel vm7, v2, v4  }
0x372: {  	v2 =	vmul.f32 $1.442695020e+00, v2;
	_ =	sdelay $0x1  }
0x373: {  	(erf) = vpow2.f32 v2;
	_ =	sdelay $0x8  }
0x374: {  	v2 =	vpop (erf)  }
0x375: {  	[tilespmem:v48+s21+$0x0] =	vst.idx.msk $0xffff, v2  }
0x376: {  	v2 =	vld.idx.msk [tilespmem:v49+s22+$0x0], $0xffff  }
0x377: {  	v4 =	vld.idx.msk [tilespmem:v49+s11+$0x0], $0xffff;
	_ =	sdelay $0x4  }
0x378: {  	v2 =	vadd.f32 v4, v2;
	_ =	sdelay $0x1  }
0x379: {  	v4 =	vmul.f32 $2.000000030e-01, v2  }
0x37a: {  	vm8 =	vgt.f32 v2, $0.0e+00  }
0x37b: {  	v2 =	vsel vm8, v2, v4  }
0x37c: {  	v2 =	vmul.f32 $1.442695020e+00, v2;
	_ =	sdelay $0x1  }
0x37d: {  	(erf) = vpow2.f32 v2;
	_ =	sdelay $0x8  }
0x37e: {  	v2 =	vpop (erf)  }
0x37f: {  	[tilespmem:v50+s21+$0x0] =	vst.idx.msk $0xffff, v2  }
0x380: {  	v2 =	vld.idx.msk [tilespmem:v51+s22+$0x0], $0xffff  }
0x381: {  	v4 =	vld.idx.msk [tilespmem:v51+s11+$0x0], $0xffff;
	_ =	sdelay $0x4  }
0x382: {  	v2 =	vadd.f32 v4, v2;
	_ =	sdelay $0x1  }
0x383: {  	v4 =	vmul.f32 $2.000000030e-01, v2  }
0x384: {  	vm9 =	vgt.f32 v2, $0.0e+00  }
0x385: {  	v2 =	vsel vm9, v2, v4  }
0x386: {  	v2 =	vmul.f32 $1.442695020e+00, v2;
	_ =	sdelay $0x1  }
0x387: {  	(erf) = vpow2.f32 v2;
	_ =	sdelay $0x8  }
0x388: {  	v2 =	vpop (erf)  }
0x389: {  	[tilespmem:v52+s21+$0x0] =	vst.idx.msk $0xffff, v2  }
0x38a: {  	v2 =	vld.idx.msk [tilespmem:v53+s22+$0x0], $0xffff  }
0x38b: {  	v4 =	vld.idx.msk [tilespmem:v53+s11+$0x0], $0xffff;
	_ =	sdelay $0x4  }
0x38c: {  	v2 =	vadd.f32 v4, v2;
	_ =	sdelay $0x1  }
0x38d: {  	v4 =	vmul.f32 $2.000000030e-01, v2  }
0x38e: {  	vm10 =	vgt.f32 v2, $0.0e+00  }
0x38f: {  	v2 =	vsel vm10, v2, v4  }
0x390: {  	v2 =	vmul.f32 $1.442695020e+00, v2;
	_ =	sdelay $0x1  }
0x391: {  	(erf) = vpow2.f32 v2;
	_ =	sdelay $0x8  }
0x392: {  	v2 =	vpop (erf)  }
0x393: {  	[tilespmem:v54+s21+$0x0] =	vst.idx.msk $0xffff, v2  }
0x394: {  	v2 =	vld.idx.msk [tilespmem:v55+s22+$0x0], $0xffff  }
0x395: {  	v4 =	vld.idx.msk [tilespmem:v55+s11+$0x0], $0xffff;
	_ =	sdelay $0x4  }
0x396: {  	v2 =	vadd.f32 v4, v2;
	_ =	sdelay $0x1  }
0x397: {  	v4 =	vmul.f32 $2.000000030e-01, v2  }
0x398: {  	vm11 =	vgt.f32 v2, $0.0e+00  }
0x399: {  	v2 =	vsel vm11, v2, v4  }
0x39a: {  	v2 =	vmul.f32 $1.442695020e+00, v2;
	_ =	sdelay $0x1  }
0x39b: {  	(erf) = vpow2.f32 v2;
	_ =	sdelay $0x8  }
0x39c: {  	v2 =	vpop (erf)  }
0x39d: {  	[tilespmem:v56+s21+$0x0] =	vst.idx.msk $0xffff, v2  }
0x39e: {  	v2 =	vld.idx.msk [tilespmem:v57+s22+$0x0], $0xffff  }
0x39f: {  	v4 =	vld.idx.msk [tilespmem:v57+s11+$0x0], $0xffff;
	_ =	sdelay $0x4  }
0x3a0: {  	v2 =	vadd.f32 v4, v2;
	_ =	sdelay $0x1  }
0x3a1: {  	v4 =	vmul.f32 $2.000000030e-01, v2  }
0x3a2: {  	vm12 =	vgt.f32 v2, $0.0e+00  }
0x3a3: {  	v2 =	vsel vm12, v2, v4  }
0x3a4: {  	v2 =	vmul.f32 $1.442695020e+00, v2;
	_ =	sdelay $0x1  }
0x3a5: {  	(erf) = vpow2.f32 v2;
	_ =	sdelay $0x8  }
0x3a6: {  	v2 =	vpop (erf)  }
0x3a7: {  	[tilespmem:v58+s21+$0x0] =	vst.idx.msk $0xffff, v2  }
0x3a8: {  	v2 =	vld.idx.msk [tilespmem:v59+s22+$0x0], $0xffff  }
0x3a9: {  	v4 =	vld.idx.msk [tilespmem:v59+s11+$0x0], $0xffff;
	_ =	sdelay $0x4  }
0x3aa: {  	v2 =	vadd.f32 v4, v2;
	_ =	sdelay $0x1  }
0x3ab: {  	v4 =	vmul.f32 $2.000000030e-01, v2  }
0x3ac: {  	vm13 =	vgt.f32 v2, $0.0e+00  }
0x3ad: {  	v2 =	vsel vm13, v2, v4  }
0x3ae: {  	v2 =	vmul.f32 $1.442695020e+00, v2;
	_ =	sdelay $0x1  }
0x3af: {  	(erf) = vpow2.f32 v2;
	_ =	sdelay $0x8  }
0x3b0: {  	v2 =	vpop (erf)  }
0x3b1: {  	[tilespmem:v60+s21+$0x0] =	vst.idx.msk $0xffff, v2  }
0x3b2: {  	v2 =	vld.idx.msk [tilespmem:v61+s22+$0x0], $0xffff  }
0x3b3: {  	v4 =	vld.idx.msk [tilespmem:v61+s11+$0x0], $0xffff;
	_ =	sdelay $0x4  }
0x3b4: {  	v2 =	vadd.f32 v4, v2;
	_ =	sdelay $0x1  }
0x3b5: {  	v4 =	vmul.f32 $2.000000030e-01, v2  }
0x3b6: {  	vm14 =	vgt.f32 v2, $0.0e+00  }
0x3b7: {  	v2 =	vsel vm14, v2, v4  }
0x3b8: {  	v2 =	vmul.f32 $1.442695020e+00, v2;
	_ =	sdelay $0x1  }
0x3b9: {  	(erf) = vpow2.f32 v2;
	_ =	sdelay $0x8  }
0x3ba: {  	v2 =	vpop (erf)  }
0x3bb: {  	[tilespmem:v62+s21+$0x0] =	vst.idx.msk $0xffff, v2  }
0x3bc: {  	v2 =	vld.idx.msk [tilespmem:v63+s22+$0x0], $0xffff  }
0x3bd: {  	v4 =	vld.idx.msk [tilespmem:v63+s11+$0x0], $0xffff;
	_ =	sdelay $0x4  }
0x3be: {  	v2 =	vadd.f32 v4, v2;
	_ =	sdelay $0x1  }
0x3bf: {  	v4 =	vmul.f32 $2.000000030e-01, v2  }
0x3c0: {  	vm15 =	vgt.f32 v2, $0.0e+00  }
0x3c1: {  	v2 =	vsel vm15, v2, v4  }
0x3c2: {  	v2 =	vmul.f32 $1.442695020e+00, v2;
	_ =	sdelay $0x1  }
0x3c3: {  	(erf) = vpow2.f32 v2;
	_ =	sdelay $0x8  }
0x3c4: {  	v2 =	vpop (erf)  }
0x3c5: {  	s31 =	smov.u32 s25;
	v42 =	vmov v44;
	s10 =	simm.s32 $0x0;
	[tilespmem:v0+s21+$0x0] =	vst.idx.msk $0xffff, v2  }
.LBB2_5:
0x3c6: {  	s0 =	smul.u32 $0x220, s10  }
0x3c7: {  	s1 =	sor.u32 $0x1, s10  }
0x3c8: {  	s7 =	sshll.u32 s10, $0x7;
	s5 =	sor.u32 $0x2, s10;
	s3 =	sshra.s32 s0, $0x2  }
0x3c9: {  	s2 =	smul.u32 $0x220, s1;
	s1 =	sshll.u32 s1, $0x7;
	s0 =	sand.u32 $0x3FFFFF80, s7;
	v0 =	vld [tilespmem:s3+$0x1C3B8]  }
0x3ca: {  	s8 =	smul.u32 $0x220, s5;
	s5 =	sshll.u32 s5, $0x7;
	s4 =	sand.u32 $0x3FFFFF80, s1;
	v2 =	vld [tilespmem:s0+$0x17140]  }
0x3cb: {  	s6 =	sor.u32 $0x3, s10;
	s7 =	sand.u32 $0x3FFFFF80, s5;
	v12 =	vld [tilespmem:s4+$0x17140]  }
0x3cc: {  	s13 =	smul.u32 $0x220, s6;
	s9 =	sshra.s32 s2, $0x2;
	v20 =	vld [tilespmem:s7+$0x17140]  }
0x3cd: {  	s14 =	sor.u32 $0x4, s10;
	s2 =	sshra.s32 s8, $0x2;
	v4 =	vld [tilespmem:s9+$0x1C3B8]  }
0x3ce: {  	s16 =	sshll.u32 s6, $0x7;
	s17 =	smul.u32 $0x220, s14;
	s13 =	sshra.s32 s13, $0x2;
	v6 =	vld [tilespmem:s2+$0x1C3B8]  }
0x3cf: {  	s15 =	sor.u32 $0x5, s10;
	s8 =	sand.u32 $0x3FFFFF80, s16;
	v8 =	vld [tilespmem:s13+$0x1C3B8]  }
0x3d0: {  	s18 =	sor.u32 $0x6, s10;
	s5 =	sshll.u32 s14, $0x7;
	s1 =	sshra.s32 s17, $0x2;
	v22 =	vld [tilespmem:s8+$0x17140]  }
0x3d1: {  	s25 =	sshll.u32 s15, $0x7;
	s16 =	smul.u32 $0x220, s15;
	s14 =	sand.u32 $0x3FFFFF80, s5;
	v10 =	vld [tilespmem:s1+$0x1C3B8]  }
0x3d2: {  	s24 =	sor.u32 $0x7, s10;
	s29 =	smul.u32 $0x220, s18;
	s17 =	sand.u32 $0x3FFFFF80, s25;
	v24 =	vld [tilespmem:s14+$0x17140]  }
0x3d3: {  	s30 =	smul.u32 $0x220, s24;
	v26 =	vld [tilespmem:s17+$0x17140];
	s23 =	sshra.s32 s16, $0x2  }
0x3d4: {  	s16 =	sshra.s32 s29, $0x2;
	v16 =	vld [tilespmem:s23+$0x1C3B8];
	v14 =	vbroadcast v0, $0x8  }
0x3d5: {  	s5 =	sshll.u32 s18, $0x7;
	s15 =	sshra.s32 s30, $0x2;
	v18 =	vld [tilespmem:s16+$0x1C3B8];
	v28 =	vbroadcast v4, $0x8  }
0x3d6: {  	s6 =	sshll.u32 s24, $0x7;
	s18 =	sand.u32 $0x3FFFFF80, s5;
	v30 =	vbroadcast v6, $0x8;
	v2 =	vmul.f32 v2, v14;
	v14 =	vld [tilespmem:s15+$0x1C3B8]  }
0x3d7: {  	v32 =	vld [tilespmem:s18+$0x17140];
	s29 =	sand.u32 $0x3FFFFF80, s6;
	v12 =	vmul.f32 v12, v28;
	v28 =	vbroadcast v8, $0x8  }
0x3d8: {  	[tilespmem:s3+$0x1C340] =	vst v2;
	v2 =	vmul.f32 v20, v30;
	v20 =	vbroadcast v10, $0x8;
	v30 =	vld [tilespmem:s29+$0x17140]  }
0x3d9: {  	v34 =	vld [tilespmem:s0+$0x17150];
	[tilespmem:s9+$0x1C340] =	vst v12;
	v12 =	vmul.f32 v22, v28;
	v22 =	vbroadcast v16, $0x8  }
0x3da: {  	v28 =	vld [tilespmem:s4+$0x17150];
	[tilespmem:s2+$0x1C340] =	vst v2;
	v2 =	vmul.f32 v24, v20;
	v20 =	vbroadcast v18, $0x8  }
0x3db: {  	v24 =	vld [tilespmem:s7+$0x17150];
	[tilespmem:s13+$0x1C340] =	vst v12;
	v12 =	vmul.f32 v26, v22;
	v22 =	vbroadcast v14, $0x8  }
0x3dc: {  	v26 =	vbroadcast v0, $0x9;
	v36 =	vld [tilespmem:s8+$0x17150];
	[tilespmem:s1+$0x1C340] =	vst v2;
	v2 =	vmul.f32 v32, v20  }
0x3dd: {  	v20 =	vbroadcast v4, $0x9;
	v38 =	vld [tilespmem:s14+$0x17150];
	[tilespmem:s23+$0x1C340] =	vst v12;
	v12 =	vmul.f32 v30, v22  }
0x3de: {  	v22 =	vmul.f32 v34, v26;
	v26 =	vbroadcast v6, $0x9;
	v30 =	vld [tilespmem:s17+$0x17150];
	[tilespmem:s16+$0x1C340] =	vst v2  }
0x3df: {  	v2 =	vmul.f32 v28, v20;
	v20 =	vbroadcast v8, $0x9;
	v28 =	vld [tilespmem:s18+$0x17150];
	[tilespmem:s15+$0x1C340] =	vst v12  }
0x3e0: {  	[tilespmem:s3+$0x1C350] =	vst v22;
	v12 =	vmul.f32 v24, v26;
	v22 =	vbroadcast v10, $0x9;
	v24 =	vld [tilespmem:s29+$0x17150]  }
0x3e1: {  	v26 =	vld [tilespmem:s0+$0x17160];
	[tilespmem:s9+$0x1C350] =	vst v2;
	v2 =	vmul.f32 v36, v20;
	v20 =	vbroadcast v16, $0x9  }
0x3e2: {  	v40 =	vld [tilespmem:s4+$0x17160];
	[tilespmem:s2+$0x1C350] =	vst v12;
	v12 =	vmul.f32 v38, v22;
	v22 =	vbroadcast v18, $0x9  }
0x3e3: {  	v44 =	vld [tilespmem:s7+$0x17160];
	[tilespmem:s13+$0x1C350] =	vst v2;
	v2 =	vmul.f32 v30, v20;
	v20 =	vbroadcast v14, $0x9  }
0x3e4: {  	v30 =	vbroadcast v0, $0xA;
	v63 =	vld [tilespmem:s8+$0x17160];
	[tilespmem:s1+$0x1C350] =	vst v12;
	v12 =	vmul.f32 v28, v22  }
0x3e5: {  	v22 =	vbroadcast v4, $0xA;
	v28 =	vld [tilespmem:s14+$0x17160];
	[tilespmem:s23+$0x1C350] =	vst v2;
	v2 =	vmul.f32 v24, v20  }
0x3e6: {  	v24 =	vbroadcast v6, $0xA;
	v20 =	vmul.f32 v26, v30;
	v26 =	vld [tilespmem:s17+$0x17160];
	[tilespmem:s16+$0x1C350] =	vst v12  }
0x3e7: {  	v12 =	vmul.f32 v40, v22;
	v22 =	vbroadcast v8, $0xA;
	v30 =	vld [tilespmem:s18+$0x17160];
	[tilespmem:s15+$0x1C350] =	vst v2  }
0x3e8: {  	[tilespmem:s3+$0x1C360] =	vst v20;
	v2 =	vmul.f32 v44, v24;
	v20 =	vbroadcast v10, $0xA;
	v24 =	vld [tilespmem:s29+$0x17160]  }
0x3e9: {  	v40 =	vld [tilespmem:s0+$0x17170];
	[tilespmem:s9+$0x1C360] =	vst v12;
	v12 =	vmul.f32 v63, v22;
	v22 =	vbroadcast v16, $0xA  }
0x3ea: {  	v44 =	vld [tilespmem:s4+$0x17170];
	[tilespmem:s2+$0x1C360] =	vst v2;
	v2 =	vmul.f32 v28, v20;
	v20 =	vbroadcast v18, $0xA  }
0x3eb: {  	v28 =	vld [tilespmem:s7+$0x17170];
	[tilespmem:s13+$0x1C360] =	vst v12;
	v12 =	vmul.f32 v26, v22;
	v22 =	vbroadcast v14, $0xA  }
0x3ec: {  	v26 =	vbroadcast v0, $0xB;
	v63 =	vld [tilespmem:s8+$0x17170];
	[tilespmem:s1+$0x1C360] =	vst v2;
	v2 =	vmul.f32 v30, v20  }
0x3ed: {  	v20 =	vbroadcast v4, $0xB;
	v30 =	vld [tilespmem:s14+$0x17170];
	[tilespmem:s23+$0x1C360] =	vst v12;
	v12 =	vmul.f32 v24, v22  }
0x3ee: {  	v24 =	vbroadcast v6, $0xB;
	v22 =	vmul.f32 v40, v26;
	v26 =	vld [tilespmem:s17+$0x17170];
	[tilespmem:s16+$0x1C360] =	vst v2  }
0x3ef: {  	v2 =	vmul.f32 v44, v20;
	v20 =	vbroadcast v8, $0xB;
	v40 =	vld [tilespmem:s18+$0x17170];
	[tilespmem:s15+$0x1C360] =	vst v12  }
0x3f0: {  	[tilespmem:s3+$0x1C370] =	vst v22;
	v12 =	vmul.f32 v28, v24;
	v22 =	vbroadcast v10, $0xB;
	v24 =	vld [tilespmem:s29+$0x17170]  }
0x3f1: {  	v28 =	vld [tilespmem:s0+$0x17180];
	[tilespmem:s9+$0x1C370] =	vst v2;
	v2 =	vmul.f32 v63, v20;
	v20 =	vbroadcast v16, $0xB  }
0x3f2: {  	v44 =	vld [tilespmem:s4+$0x17180];
	[tilespmem:s2+$0x1C370] =	vst v12;
	v12 =	vmul.f32 v30, v22;
	v22 =	vbroadcast v18, $0xB  }
0x3f3: {  	v30 =	vld [tilespmem:s7+$0x17180];
	[tilespmem:s13+$0x1C370] =	vst v2;
	v2 =	vmul.f32 v26, v20;
	v20 =	vbroadcast v14, $0xB  }
0x3f4: {  	v26 =	vbroadcast v0, $0xC;
	v63 =	vld [tilespmem:s8+$0x17180];
	[tilespmem:s1+$0x1C370] =	vst v12;
	v12 =	vmul.f32 v40, v22  }
0x3f5: {  	v22 =	vbroadcast v4, $0xC;
	v40 =	vld [tilespmem:s14+$0x17180];
	[tilespmem:s23+$0x1C370] =	vst v2;
	v2 =	vmul.f32 v24, v20  }
0x3f6: {  	v24 =	vbroadcast v6, $0xC;
	v20 =	vmul.f32 v28, v26;
	v26 =	vld [tilespmem:s17+$0x17180];
	[tilespmem:s16+$0x1C370] =	vst v12  }
0x3f7: {  	v12 =	vmul.f32 v44, v22;
	v22 =	vbroadcast v8, $0xC;
	v28 =	vld [tilespmem:s18+$0x17180];
	[tilespmem:s15+$0x1C370] =	vst v2  }
0x3f8: {  	[tilespmem:s3+$0x1C380] =	vst v20;
	v2 =	vmul.f32 v30, v24;
	v20 =	vbroadcast v10, $0xC;
	v24 =	vld [tilespmem:s29+$0x17180]  }
0x3f9: {  	v30 =	vld [tilespmem:s0+$0x17190];
	[tilespmem:s9+$0x1C380] =	vst v12;
	v12 =	vmul.f32 v63, v22;
	v22 =	vbroadcast v16, $0xC  }
0x3fa: {  	v44 =	vld [tilespmem:s4+$0x17190];
	[tilespmem:s2+$0x1C380] =	vst v2;
	v2 =	vmul.f32 v40, v20;
	v20 =	vbroadcast v18, $0xC  }
0x3fb: {  	v63 =	vld [tilespmem:s7+$0x17190];
	[tilespmem:s13+$0x1C380] =	vst v12;
	v12 =	vmul.f32 v26, v22;
	v22 =	vbroadcast v14, $0xC  }
0x3fc: {  	v26 =	vbroadcast v0, $0xD;
	v40 =	vld [tilespmem:s8+$0x17190];
	[tilespmem:s1+$0x1C380] =	vst v2;
	v2 =	vmul.f32 v28, v20  }
0x3fd: {  	v20 =	vbroadcast v4, $0xD;
	v28 =	vld [tilespmem:s14+$0x17190];
	[tilespmem:s23+$0x1C380] =	vst v12;
	v12 =	vmul.f32 v24, v22  }
0x3fe: {  	v24 =	vbroadcast v6, $0xD;
	v22 =	vmul.f32 v30, v26;
	v26 =	vld [tilespmem:s17+$0x17190];
	[tilespmem:s16+$0x1C380] =	vst v2  }
0x3ff: {  	v2 =	vmul.f32 v44, v20;
	v20 =	vbroadcast v8, $0xD;
	v30 =	vld [tilespmem:s18+$0x17190];
	[tilespmem:s15+$0x1C380] =	vst v12  }
0x400: {  	[tilespmem:s3+$0x1C390] =	vst v22;
	v12 =	vmul.f32 v63, v24;
	v22 =	vbroadcast v10, $0xD;
	v24 =	vld [tilespmem:s29+$0x17190]  }
0x401: {  	v44 =	vld [tilespmem:s0+$0x171A0];
	[tilespmem:s9+$0x1C390] =	vst v2;
	v2 =	vmul.f32 v40, v20;
	v20 =	vbroadcast v16, $0xD  }
0x402: {  	v63 =	vld [tilespmem:s4+$0x171A0];
	[tilespmem:s2+$0x1C390] =	vst v12;
	v12 =	vmul.f32 v28, v22;
	v22 =	vbroadcast v18, $0xD  }
0x403: {  	v28 =	vld [tilespmem:s7+$0x171A0];
	[tilespmem:s13+$0x1C390] =	vst v2;
	v2 =	vmul.f32 v26, v20;
	v20 =	vbroadcast v14, $0xD  }
0x404: {  	v26 =	vbroadcast v0, $0xE;
	v40 =	vld [tilespmem:s8+$0x171A0];
	[tilespmem:s1+$0x1C390] =	vst v12;
	v12 =	vmul.f32 v30, v22  }
0x405: {  	v22 =	vbroadcast v4, $0xE;
	v30 =	vld [tilespmem:s14+$0x171A0];
	[tilespmem:s23+$0x1C390] =	vst v2;
	v2 =	vmul.f32 v24, v20  }
0x406: {  	v24 =	vbroadcast v6, $0xE;
	v20 =	vmul.f32 v44, v26;
	v26 =	vld [tilespmem:s17+$0x171A0];
	[tilespmem:s16+$0x1C390] =	vst v12  }
0x407: {  	v12 =	vmul.f32 v63, v22;
	v22 =	vbroadcast v8, $0xE;
	v44 =	vld [tilespmem:s18+$0x171A0];
	[tilespmem:s15+$0x1C390] =	vst v2  }
0x408: {  	[tilespmem:s3+$0x1C3A0] =	vst v20;
	v2 =	vmul.f32 v28, v24;
	v20 =	vbroadcast v10, $0xE;
	v24 =	vld [tilespmem:s29+$0x171A0]  }
0x409: {  	v28 =	vld [tilespmem:s0+$0x171B0];
	[tilespmem:s9+$0x1C3A0] =	vst v12;
	v12 =	vmul.f32 v40, v22;
	v22 =	vbroadcast v16, $0xE  }
0x40a: {  	v34 =	vld [tilespmem:s4+$0x171B0];
	[tilespmem:s2+$0x1C3A0] =	vst v2;
	v2 =	vmul.f32 v30, v20;
	v20 =	vbroadcast v18, $0xE  }
0x40b: {  	v30 =	vld [tilespmem:s7+$0x171B0];
	[tilespmem:s13+$0x1C3A0] =	vst v12;
	v12 =	vmul.f32 v26, v22;
	v22 =	vbroadcast v14, $0xE  }
0x40c: {  	v26 =	vld [tilespmem:s8+$0x171B0];
	[tilespmem:s1+$0x1C3A0] =	vst v2;
	v2 =	vmul.f32 v44, v20  }
0x40d: {  	v20 =	vld [tilespmem:s14+$0x171B0];
	[tilespmem:s23+$0x1C3A0] =	vst v12;
	v12 =	vmul.f32 v24, v22  }
0x40e: {  	s25 =	sor.u32 $0xA, s10;
	s8 =	sor.u32 $0x8, s10;
	v22 =	vld [tilespmem:s17+$0x171B0];
	[tilespmem:s16+$0x1C3A0] =	vst v2  }
0x40f: {  	s4 =	sshll.u32 s25, $0x7;
	s14 =	smul.u32 $0x220, s8;
	v24 =	vld [tilespmem:s18+$0x171B0];
	[tilespmem:s15+$0x1C3A0] =	vst v12  }
0x410: {  	s7 =	smul.u32 $0x220, s25;
	s18 =	sand.u32 $0x3FFFFF80, s4;
	v32 =	vld [tilespmem:s29+$0x171B0]  }
0x411: {  	s0 =	sshll.u32 s8, $0x7;
	s17 =	sor.u32 $0x9, s10;
	s29 =	sshra.s32 s14, $0x2;
	v44 =	vld [tilespmem:s18+$0x17140]  }
0x412: {  	s24 =	smul.u32 $0x220, s17;
	s6 =	sshll.u32 s17, $0x7;
	s14 =	sand.u32 $0x3FFFFF80, s0;
	v2 =	vld [tilespmem:s29+$0x1C3B8]  }
0x413: {  	s5 =	sor.u32 $0xC, s10;
	v38 =	vbroadcast v0, $0xF;
	s8 =	sor.u32 $0xB, s10;
	s17 =	sand.u32 $0x3FFFFF80, s6;
	v63 =	vld [tilespmem:s14+$0x17140]  }
0x414: {  	v4 =	vbroadcast v4, $0xF;
	s0 =	sshra.s32 s7, $0x2;
	s30 =	sshra.s32 s24, $0x2;
	s24 =	smul.u32 $0x220, s8;
	v40 =	vld [tilespmem:s17+$0x17140]  }
0x415: {  	v6 =	vbroadcast v6, $0xF;
	v28 =	vmul.f32 v28, v38;
	s6 =	sshll.u32 s8, $0x7;
	v0 =	vld [tilespmem:s0+$0x1C3B8];
	s8 =	smul.u32 $0x220, s5  }
0x416: {  	v8 =	vbroadcast v8, $0xF;
	s7 =	sand.u32 $0x3FFFFF80, s6;
	s5 =	sshll.u32 s5, $0x7;
	v12 =	vld [tilespmem:s30+$0x1C3B8]  }
0x417: {  	v34 =	vmul.f32 v34, v4;
	[tilespmem:s3+$0x1C3B0] =	vst v28;
	v28 =	vmul.f32 v30, v6;
	v30 =	vld [tilespmem:s7+$0x17140];
	s4 =	sshra.s32 s24, $0x2;
	s24 =	sor.u32 $0xD, s10;
	s3 =	sshra.s32 s8, $0x2  }
0x418: {  	v10 =	vbroadcast v10, $0xF;
	s8 =	sand.u32 $0x3FFFFF80, s5;
	s5 =	sor.u32 $0xE, s10;
	v4 =	vld [tilespmem:s4+$0x1C3B8];
	s25 =	smul.u32 $0x220, s24  }
0x419: {  	v16 =	vbroadcast v16, $0xF;
	[tilespmem:s9+$0x1C3B0] =	vst v34;
	v8 =	vmul.f32 v26, v8;
	v6 =	vld [tilespmem:s3+$0x1C3B8];
	s6 =	smul.u32 $0x220, s5  }
0x41a: {  	v18 =	vbroadcast v18, $0xF;
	[tilespmem:s2+$0x1C3B0] =	vst v28;
	v10 =	vmul.f32 v20, v10;
	v20 =	vld [tilespmem:s8+$0x17140];
	s9 =	sshra.s32 s25, $0x2;
	s25 =	sshll.u32 s24, $0x7;
	s24 =	sor.u32 $0xF, s10  }
0x41b: {  	v14 =	vbroadcast v14, $0xF;
	[tilespmem:s13+$0x1C3B0] =	vst v8;
	v16 =	vmul.f32 v22, v16;
	s6 =	sshra.s32 s6, $0x2;
	v8 =	vld [tilespmem:s9+$0x1C3B8];
	s13 =	sand.u32 $0x3FFFFF80, s25;
	s25 =	smul.u32 $0x220, s24  }
0x41c: {  	[tilespmem:s1+$0x1C3B0] =	vst v10;
	v18 =	vmul.f32 v24, v18;
	v22 =	vbroadcast v2, $0x8;
	v10 =	vld [tilespmem:s6+$0x1C3B8]  }
0x41d: {  	s5 =	sshll.u32 s5, $0x7;
	[tilespmem:s23+$0x1C3B0] =	vst v16;
	v16 =	vmul.f32 v32, v14;
	v26 =	vbroadcast v12, $0x8;
	v24 =	vld [tilespmem:s13+$0x17140];
	s2 =	sshra.s32 s25, $0x2  }
0x41e: {  	s23 =	sand.u32 $0x3FFFFF80, s5;
	[tilespmem:s16+$0x1C3B0] =	vst v18;
	s24 =	sshll.u32 s24, $0x7;
	v18 =	vmul.f32 v63, v22;
	v22 =	vbroadcast v0, $0x8;
	v14 =	vld [tilespmem:s2+$0x1C3B8]  }
0x41f: {  	v28 =	vld [tilespmem:s23+$0x17140];
	[tilespmem:s15+$0x1C3B0] =	vst v16;
	v16 =	vmul.f32 v40, v26;
	v26 =	vbroadcast v4, $0x8;
	s25 =	sand.u32 $0x3FFFFF80, s24  }
0x420: {  	[tilespmem:s29+$0x1C340] =	vst v18;
	v18 =	vmul.f32 v44, v22;
	v22 =	vbroadcast v6, $0x8;
	v63 =	vld [tilespmem:s25+$0x17140]  }
0x421: {  	v36 =	vld [tilespmem:s14+$0x17150];
	[tilespmem:s30+$0x1C340] =	vst v16;
	v16 =	vmul.f32 v30, v26;
	v26 =	vbroadcast v8, $0x8  }
0x422: {  	v30 =	vld [tilespmem:s17+$0x17150];
	[tilespmem:s0+$0x1C340] =	vst v18;
	v18 =	vmul.f32 v20, v22;
	v20 =	vbroadcast v10, $0x8  }
0x423: {  	v22 =	vld [tilespmem:s18+$0x17150];
	[tilespmem:s4+$0x1C340] =	vst v16;
	v16 =	vmul.f32 v24, v26;
	v24 =	vbroadcast v14, $0x8  }
0x424: {  	v26 =	vbroadcast v2, $0x9;
	[tilespmem:s3+$0x1C340] =	vst v18;
	v18 =	vld [tilespmem:s7+$0x17150];
	v20 =	vmul.f32 v28, v20  }
0x425: {  	v28 =	vbroadcast v12, $0x9;
	[tilespmem:s9+$0x1C340] =	vst v16;
	v16 =	vld [tilespmem:s8+$0x17150];
	v24 =	vmul.f32 v63, v24  }
0x426: {  	v38 =	vbroadcast v0, $0x9;
	v26 =	vmul.f32 v36, v26;
	[tilespmem:s6+$0x1C340] =	vst v20;
	v40 =	vld [tilespmem:s13+$0x17150]  }
0x427: {  	v20 =	vmul.f32 v30, v28;
	v28 =	vbroadcast v4, $0x9;
	v30 =	vld [tilespmem:s23+$0x17150];
	[tilespmem:s2+$0x1C340] =	vst v24  }
0x428: {  	[tilespmem:s29+$0x1C350] =	vst v26;
	v22 =	vmul.f32 v22, v38;
	v24 =	vbroadcast v6, $0x9;
	v26 =	vld [tilespmem:s25+$0x17150]  }
0x429: {  	v44 =	vld [tilespmem:s14+$0x17160];
	[tilespmem:s30+$0x1C350] =	vst v20;
	v18 =	vmul.f32 v18, v28;
	v20 =	vbroadcast v8, $0x9  }
0x42a: {  	v28 =	vld [tilespmem:s17+$0x17160];
	[tilespmem:s0+$0x1C350] =	vst v22;
	v22 =	vbroadcast v10, $0x9;
	v16 =	vmul.f32 v16, v24  }
0x42b: {  	v24 =	vld [tilespmem:s18+$0x17160];
	[tilespmem:s4+$0x1C350] =	vst v18;
	v18 =	vmul.f32 v40, v20;
	v20 =	vbroadcast v14, $0x9  }
0x42c: {  	v63 =	vbroadcast v2, $0xA;
	v22 =	vmul.f32 v30, v22;
	[tilespmem:s3+$0x1C350] =	vst v16;
	v16 =	vld [tilespmem:s7+$0x17160]  }
0x42d: {  	v30 =	vbroadcast v12, $0xA;
	[tilespmem:s9+$0x1C350] =	vst v18;
	v18 =	vld [tilespmem:s8+$0x17160];
	v20 =	vmul.f32 v26, v20  }
0x42e: {  	v36 =	vbroadcast v0, $0xA;
	[tilespmem:s6+$0x1C350] =	vst v22;
	v26 =	vmul.f32 v44, v63;
	v38 =	vld [tilespmem:s13+$0x17160]  }
0x42f: {  	v22 =	vmul.f32 v28, v30;
	v28 =	vbroadcast v4, $0xA;
	v30 =	vld [tilespmem:s23+$0x17160];
	[tilespmem:s2+$0x1C350] =	vst v20  }
0x430: {  	[tilespmem:s29+$0x1C360] =	vst v26;
	v20 =	vmul.f32 v24, v36;
	v24 =	vbroadcast v6, $0xA;
	v26 =	vld [tilespmem:s25+$0x17160]  }
0x431: {  	[tilespmem:s30+$0x1C360] =	vst v22;
	v22 =	vbroadcast v8, $0xA;
	v40 =	vld [tilespmem:s14+$0x17170];
	v16 =	vmul.f32 v16, v28  }
0x432: {  	v28 =	vld [tilespmem:s17+$0x17170];
	[tilespmem:s0+$0x1C360] =	vst v20;
	v18 =	vmul.f32 v18, v24;
	v20 =	vbroadcast v10, $0xA  }
0x433: {  	v24 =	vld [tilespmem:s18+$0x17170];
	[tilespmem:s4+$0x1C360] =	vst v16;
	v16 =	vmul.f32 v38, v22;
	v22 =	vbroadcast v14, $0xA  }
0x434: {  	v44 =	vbroadcast v2, $0xB;
	[tilespmem:s3+$0x1C360] =	vst v18;
	v18 =	vld [tilespmem:s7+$0x17170];
	v20 =	vmul.f32 v30, v20  }
0x435: {  	v30 =	vbroadcast v12, $0xB;
	[tilespmem:s9+$0x1C360] =	vst v16;
	v16 =	vld [tilespmem:s8+$0x17170];
	v22 =	vmul.f32 v26, v22  }
0x436: {  	v63 =	vbroadcast v0, $0xB;
	v26 =	vmul.f32 v40, v44;
	v36 =	vld [tilespmem:s13+$0x17170];
	[tilespmem:s6+$0x1C360] =	vst v20  }
0x437: {  	v20 =	vmul.f32 v28, v30;
	v28 =	vbroadcast v4, $0xB;
	v30 =	vld [tilespmem:s23+$0x17170];
	[tilespmem:s2+$0x1C360] =	vst v22  }
0x438: {  	[tilespmem:s29+$0x1C370] =	vst v26;
	v22 =	vmul.f32 v24, v63;
	v24 =	vbroadcast v6, $0xB;
	v26 =	vld [tilespmem:s25+$0x17170]  }
0x439: {  	[tilespmem:s30+$0x1C370] =	vst v20;
	v20 =	vbroadcast v8, $0xB;
	v38 =	vld [tilespmem:s14+$0x17180];
	v18 =	vmul.f32 v18, v28  }
0x43a: {  	v28 =	vld [tilespmem:s17+$0x17180];
	[tilespmem:s0+$0x1C370] =	vst v22;
	v16 =	vmul.f32 v16, v24;
	v22 =	vbroadcast v10, $0xB  }
0x43b: {  	v24 =	vld [tilespmem:s18+$0x17180];
	[tilespmem:s4+$0x1C370] =	vst v18;
	v18 =	vmul.f32 v36, v20;
	v20 =	vbroadcast v14, $0xB  }
0x43c: {  	v40 =	vbroadcast v2, $0xC;
	[tilespmem:s3+$0x1C370] =	vst v16;
	v16 =	vld [tilespmem:s7+$0x17180];
	v22 =	vmul.f32 v30, v22  }
0x43d: {  	v30 =	vbroadcast v12, $0xC;
	[tilespmem:s9+$0x1C370] =	vst v18;
	v18 =	vld [tilespmem:s8+$0x17180];
	v20 =	vmul.f32 v26, v20  }
0x43e: {  	v44 =	vbroadcast v0, $0xC;
	v26 =	vmul.f32 v38, v40;
	v63 =	vld [tilespmem:s13+$0x17180];
	[tilespmem:s6+$0x1C370] =	vst v22  }
0x43f: {  	v22 =	vmul.f32 v28, v30;
	v28 =	vbroadcast v4, $0xC;
	v30 =	vld [tilespmem:s23+$0x17180];
	[tilespmem:s2+$0x1C370] =	vst v20  }
0x440: {  	[tilespmem:s29+$0x1C380] =	vst v26;
	v20 =	vmul.f32 v24, v44;
	v24 =	vbroadcast v6, $0xC;
	v26 =	vld [tilespmem:s25+$0x17180]  }
0x441: {  	[tilespmem:s30+$0x1C380] =	vst v22;
	v22 =	vbroadcast v8, $0xC;
	v36 =	vld [tilespmem:s14+$0x17190];
	v16 =	vmul.f32 v16, v28  }
0x442: {  	v28 =	vld [tilespmem:s17+$0x17190];
	[tilespmem:s0+$0x1C380] =	vst v20;
	v18 =	vmul.f32 v18, v24;
	v20 =	vbroadcast v10, $0xC  }
0x443: {  	v24 =	vld [tilespmem:s18+$0x17190];
	[tilespmem:s4+$0x1C380] =	vst v16;
	v16 =	vmul.f32 v63, v22;
	v22 =	vbroadcast v14, $0xC  }
0x444: {  	v38 =	vbroadcast v2, $0xD;
	[tilespmem:s3+$0x1C380] =	vst v18;
	v18 =	vld [tilespmem:s7+$0x17190];
	v20 =	vmul.f32 v30, v20  }
0x445: {  	v30 =	vbroadcast v12, $0xD;
	[tilespmem:s9+$0x1C380] =	vst v16;
	v16 =	vld [tilespmem:s8+$0x17190];
	v22 =	vmul.f32 v26, v22  }
0x446: {  	v40 =	vbroadcast v0, $0xD;
	v26 =	vmul.f32 v36, v38;
	v44 =	vld [tilespmem:s13+$0x17190];
	[tilespmem:s6+$0x1C380] =	vst v20  }
0x447: {  	v20 =	vmul.f32 v28, v30;
	v28 =	vbroadcast v4, $0xD;
	v30 =	vld [tilespmem:s23+$0x17190];
	[tilespmem:s2+$0x1C380] =	vst v22  }
0x448: {  	[tilespmem:s29+$0x1C390] =	vst v26;
	v22 =	vmul.f32 v24, v40;
	v24 =	vbroadcast v6, $0xD;
	v26 =	vld [tilespmem:s25+$0x17190]  }
0x449: {  	[tilespmem:s30+$0x1C390] =	vst v20;
	v20 =	vbroadcast v8, $0xD;
	v63 =	vld [tilespmem:s14+$0x171A0];
	v18 =	vmul.f32 v18, v28  }
0x44a: {  	v28 =	vld [tilespmem:s17+$0x171A0];
	[tilespmem:s0+$0x1C390] =	vst v22;
	v16 =	vmul.f32 v16, v24;
	v22 =	vbroadcast v10, $0xD  }
0x44b: {  	v24 =	vld [tilespmem:s18+$0x171A0];
	[tilespmem:s4+$0x1C390] =	vst v18;
	v18 =	vmul.f32 v44, v20;
	v20 =	vbroadcast v14, $0xD  }
0x44c: {  	v36 =	vbroadcast v2, $0xE;
	[tilespmem:s3+$0x1C390] =	vst v16;
	v16 =	vld [tilespmem:s7+$0x171A0];
	v22 =	vmul.f32 v30, v22  }
0x44d: {  	v30 =	vbroadcast v12, $0xE;
	[tilespmem:s9+$0x1C390] =	vst v18;
	v18 =	vld [tilespmem:s8+$0x171A0];
	v20 =	vmul.f32 v26, v20  }
0x44e: {  	v38 =	vbroadcast v0, $0xE;
	v26 =	vmul.f32 v63, v36;
	v40 =	vld [tilespmem:s13+$0x171A0];
	[tilespmem:s6+$0x1C390] =	vst v22  }
0x44f: {  	v22 =	vmul.f32 v28, v30;
	v28 =	vbroadcast v4, $0xE;
	v30 =	vld [tilespmem:s23+$0x171A0];
	[tilespmem:s2+$0x1C390] =	vst v20  }
0x450: {  	[tilespmem:s29+$0x1C3A0] =	vst v26;
	v20 =	vmul.f32 v24, v38;
	v24 =	vbroadcast v6, $0xE;
	v26 =	vld [tilespmem:s25+$0x171A0]  }
0x451: {  	[tilespmem:s30+$0x1C3A0] =	vst v22;
	v22 =	vbroadcast v8, $0xE;
	v44 =	vld [tilespmem:s14+$0x171B0];
	v16 =	vmul.f32 v16, v28  }
0x452: {  	v28 =	vld [tilespmem:s17+$0x171B0];
	[tilespmem:s0+$0x1C3A0] =	vst v20;
	v18 =	vmul.f32 v18, v24;
	v20 =	vbroadcast v10, $0xE  }
0x453: {  	v24 =	vld [tilespmem:s18+$0x171B0];
	[tilespmem:s4+$0x1C3A0] =	vst v16;
	v16 =	vmul.f32 v40, v22;
	v22 =	vbroadcast v14, $0xE  }
0x454: {  	v2 =	vbroadcast v2, $0xF;
	v63 =	vld [tilespmem:s7+$0x171B0];
	[tilespmem:s3+$0x1C3A0] =	vst v18;
	v18 =	vmul.f32 v30, v20  }
0x455: {  	v12 =	vbroadcast v12, $0xF;
	v20 =	vld [tilespmem:s8+$0x171B0];
	[tilespmem:s9+$0x1C3A0] =	vst v16;
	v16 =	vmul.f32 v26, v22  }
0x456: {  	v0 =	vbroadcast v0, $0xF;
	v22 =	vld [tilespmem:s13+$0x171B0];
	v2 =	vmul.f32 v44, v2;
	[tilespmem:s6+$0x1C3A0] =	vst v18  }
0x457: {  	v4 =	vbroadcast v4, $0xF;
	v12 =	vmul.f32 v28, v12;
	v18 =	vld [tilespmem:s23+$0x171B0];
	[tilespmem:s2+$0x1C3A0] =	vst v16  }
0x458: {  	v6 =	vbroadcast v6, $0xF;
	[tilespmem:s29+$0x1C3B0] =	vst v2;
	v0 =	vmul.f32 v24, v0;
	v2 =	vld [tilespmem:s25+$0x171B0]  }
0x459: {  	v8 =	vbroadcast v8, $0xF;
	[tilespmem:s30+$0x1C3B0] =	vst v12;
	v4 =	vmul.f32 v63, v4  }
0x45a: {  	p0 =	slt.u32 s10, $0x30;
	[tilespmem:s0+$0x1C3B0] =	vst v0;
	v0 =	vmul.f32 v20, v6;
	v6 =	vbroadcast v10, $0xF  }
.Ltmp1:
0x45b: {  	[tilespmem:s4+$0x1C3B0] =	vst v4;
	v4 =	vmul.f32 v22, v8;
	v8 =	vbroadcast v14, $0xF;
	(pc) =	sbr.rel @p0 .LBB2_5-.Ltmp1, $4  }
0x45c: {  	[tilespmem:s3+$0x1C3B0] =	vst v0;
	v0 =	vmul.f32 v18, v6  }
0x45d: {  	[tilespmem:s9+$0x1C3B0] =	vst v4;
	v2 =	vmul.f32 v2, v8  }
0x45e: {  	s30 =	sadd.s32 $0x10, s10;
	[tilespmem:s6+$0x1C3B0] =	vst v0  }
0x45f: {  	s10 =	smov.u32 s30;
	[tilespmem:s2+$0x1C3B0] =	vst v2  }
0x460: {  	s19 =	sadd.s32 $0x1, s19  }
0x461: {  	s0 =	rddreg [dreg:$0x2];
	p0 =	sne.s32 s19, $0x51  }
.Ltmp2:
0x462: {  	s4 =	simm.s32 $0x40;
	s1 =	simm.s32 $0x15100;
	(pc) =	sbr.rel @p0 .LBB2_2-.Ltmp2, $4  }
0x463: {  	[spmem:s0] =	stream.indirect.scatter.add.f32 [tilespmem:s21], [sflag:$0x9], $0x88, s1, s4, $0xb8;
	[tilespmem:$0x1E540] =	vst v63  }
0x464: {  	_ =	swait.ge [sflag:s20], $0x2200  }
0x465: {  	[sflag:s20] =	ssyncset.done $0x0  }
0x466: {  	[sflag:s20] =	ssyncadd.s32 $0xFFFFDE00  }
0x467: {  	[bflag:$0x0] =	sbarrier.arrive $0xFFFF  }
0x468: {  	s5 =	rddreg [dreg:$0x9]  }
0x469: {  	s0 =	rddreg [dreg:$0x10]  }
0x46a: {  	s1 =	rddreg [dreg:$0x12]  }
0x46b: {  	[hbm:s0], [sflag:s5] =	dma.local [spmem:s1], $0x29F8  }
0x46c: {  	_ =	swait.ge [sflag:s20], $0x29F8  }
0x46d: {  	s2 =	rddreg [dreg:$0x13]  }
0x46e: {  	s30 =	rddreg [dreg:$0x11];
	s2 =	sadd.s32 $0x1, s2  }
0x46f: {  	p0 =	sne.s32 s2, s30  }
.Ltmp3:
0x470: {  	_ = 	snop;
	(pc) =	sbr.rel @p0 .LBB2_1-.Ltmp3, $3  }
0x471: {  	_ =	sdelay $0x1  }
0x472: {  	[sflag:s20] =	ssyncset.done $0x0  }
0x473: {  	[sflag:s20] =	ssyncadd.s32 $0xFFFFD608  }
0x474: {  	_ =	sfence.sel $0x180000  }
0x475: {  	[bflag:$0x0] =	sbarrier.arrive $0xFFFF  }
0x476: {  	_ =	strace $0x90000047  }
0x477: {  	s0 =	stileid.u32;
	[bflag:$0x2] =	sbarrier.arrive $0xFFFF  }
0x478: {  	p0 =	sne.s32 s0, $0x0;
	s0 =	rddreg [dreg:$0x3]  }
0x479: {  	s0 =	sadd.s32 @!p0 $0x100000, s0  }
0x47a: {  	[sflag:s0] =	ssyncadd.tile.s32 @!p0 $0x1;
	_ =	shalt  }
.Lfunc_end2:
_tile_overlayer_lowered:
.L_overlay_start_2:
0x47b: {  	(tag) =	ssettag $0x2  }
0x47c: {  	s0 =	rddreg [dreg:$0x0];
	s2 =	stileid.u32  }
0x47d: {  	s1 =	rddreg [dreg:$0x1];
	p0 =	sne.s32 s2, $0x0  }
0x47e: {  	s3 =	rddreg [dreg:$0x2];
	[bflag:$0x3] =	sbarrier.arrive $0xFFFF;
	s2 =	simm.s32 @!p0 $0x1C09  }
0x47f: {  	[timem:s3], [sflag:s2] =	dma.local @!p0 [hbm:s0], s1  }
0x480: {  	s0 =	simm.s32 @!p0 $0x9  }
0x481: {  	_ =	swait.ge @!p0 [sflag:s0], s1  }
0x482: {  	s1 =	ssub.s32 @!p0 $0x0, s1;
	[sflag:s0] =	ssyncset.done @!p0 $0x0  }
0x483: {  	[sflag:s0] =	ssyncadd.s32 @!p0 s1  }
0x484: {  	[bflag:$0x3] =	sbarrier.arrive $0xFFFF  }
0x485: {  	_ =	shalt  }

</sc_bundles>
